<compile_context>
chip_gen: v7x
topology: tpu7x:2x2x1
jax: 0.10.2.dev20260603
libtpu: 0.0.44.dev20260713+nightly
codegen_flags: <defaults>
</compile_context>

<pallas_src>
import jax
import jax.numpy as jnp
from jax import lax
from jax.experimental import pallas as pl
from jax.experimental.pallas import tpu as pltpu
from jax.experimental.pallas import tpu_sc as plsc

VOCAB = 1000000
EMBED_DIM = 32
BATCH = 16384

_info = plsc.get_sparse_core_info()
_NC = _info.num_cores
_NS = _info.num_subcores
_NW = _NC * _NS
_CHUNK = 128
_NCHUNK = BATCH // _CHUNK
_WIN = 128
_NBUF = 4


def _gather_body(idx_hbm, table_t_hbm, out_t_hbm, idx_v, buf_v, outc_v, *sems):
    wid = lax.axis_index("s") * _NC + lax.axis_index("c")
    col_ref = table_t_hbm.at[wid]
    out_col = out_t_hbm.at[wid]
    pltpu.sync_copy(idx_hbm, idx_v)
    lane_win = lax.iota(jnp.int32, 16) * _WIN
    half = _CHUNK * _WIN

    def fire(k, b):
        kbase = k * _CHUNK

        def body(g, carry):
            vec = idx_v[pl.ds(kbase + g * 16, 16)]
            basev = vec & ~(_WIN - 1)
            for l in range(16):
                pltpu.make_async_copy(
                    col_ref.at[pl.ds(pl.multiple_of(basev[l], _WIN), _WIN)],
                    buf_v.at[
                        pl.ds(
                            pl.multiple_of(b * half + (g * 16 + l) * _WIN, _WIN),
                            _WIN,
                        )
                    ],
                    sems[b],
                ).start()
            return carry

        lax.fori_loop(0, _CHUNK // 16, body, 0)

    def drain(b):
        pltpu.make_async_copy(
            col_ref.at[pl.ds(0, half)],
            buf_v.at[pl.ds(b * half, half)],
            sems[b],
        ).wait()

    def select_out(k, b):
        kbase = k * _CHUNK

        def body(g, carry):
            vec = idx_v[pl.ds(kbase + g * 16, 16)]
            flat = b * half + g * (16 * _WIN) + lane_win + (vec & (_WIN - 1))
            outc_v[pl.ds(g * 16, 16)] = plsc.load_gather(buf_v, [flat])
            return carry

        lax.fori_loop(0, _CHUNK // 16, body, 0)
        pltpu.sync_copy(
            outc_v, out_col.at[pl.ds(pl.multiple_of(kbase, _CHUNK), _CHUNK)]
        )

    ngroup = _NCHUNK // _NBUF
    for b in range(_NBUF - 1):
        fire(b, b)

    def group(m, carry):
        for j in range(_NBUF):
            k = m * _NBUF + j

            @pl.when(k + _NBUF - 1 < _NCHUNK)
            def _():
                fire(k + _NBUF - 1, (j + _NBUF - 1) % _NBUF)

            drain(j)
            select_out(k, j)
        return carry

    lax.fori_loop(0, ngroup, group, 0)


@jax.jit
def _sc_gather(idx, table_t):
    mesh = plsc.VectorSubcoreMesh(core_axis_name="c", subcore_axis_name="s")
    run = pl.kernel(
        _gather_body,
        mesh=mesh,
        out_type=jax.ShapeDtypeStruct((EMBED_DIM, BATCH), jnp.float32),
        scratch_types=[
            pltpu.VMEM((BATCH,), jnp.int32),
            pltpu.VMEM((_NBUF * _CHUNK * _WIN,), jnp.float32),
            pltpu.VMEM((_CHUNK,), jnp.float32),
        ] + [pltpu.SemaphoreType.DMA] * _NBUF,
        compiler_params=pltpu.CompilerParams(
            use_tc_tiling_on_sc=True, needs_layout_passes=False
        ),
    )
    return run(idx, table_t)


def kernel(customer_id, emb_table):
    idx = customer_id.astype(jnp.int32)
    out_t = _sc_gather(idx, emb_table.T)
    return out_t.T

# --- scband reference (transcript-rebuilt; emitter-appended) ---
"""Pipeline reference for scband-customer-model-88751204205196 (READ-ONLY COPY).

The authoritative reference and input builder live on the scoring server;
editing this copy changes nothing except your own understanding.
"""

import jax, jax.numpy as jnp
import numpy as np

VOCAB = 1000000
EMBED_DIM = 32
BATCH = 16384

def setup_inputs(seed: int = 0) -> dict:
    key = jax.random.key(seed)
    k_idx, k_emb = jax.random.split(key)
    # StringLookup maps strings to integer ids in [1, VOCAB]; id 0 is OOV.
    # We model the pipeline post-lookup: integer ids directly.
    customer_id = jax.random.randint(k_idx, (BATCH,), 0, VOCAB, dtype=jnp.int64)
    # Embedding table has VOCAB + 1 rows (StringLookup adds one OOV bucket).
    emb_table = jax.random.normal(k_emb, (VOCAB + 1, EMBED_DIM), dtype=jnp.float32) * 0.05
    return {"customer_id": customer_id, "emb_table": emb_table}

def reference(customer_id, emb_table):
    # Embedding lookup: gather rows of the table by id.
    return jnp.take(emb_table, customer_id, axis=0)

if __name__ == "__main__":
    import jax
    _d = setup_inputs()
    print(jax.jit(kernel)(*tuple(_d.values())))

</pallas_src>

<mosaic_0001>
#map = affine_map<(d0, d1) -> (0)>
#map1 = affine_map<(d0, d1) -> (0, 0)>
module attributes {stable_mosaic.version = 14 : i64} {
  func.func @_gather_body(%arg0: i32, %arg1: i32, %arg2: memref<16384xi32, #tpu.memory_space<hbm>>, %arg3: memref<32x1000001xf32, #tpu.memory_space<hbm>>, %arg4: memref<32x16384xf32, #tpu.memory_space<hbm>>, %arg5: memref<16384xi32, #tpu.memory_space<vmem>>, %arg6: memref<65536xf32, #tpu.memory_space<vmem>>, %arg7: memref<128xf32, #tpu.memory_space<vmem>>, %arg8: memref<!tpu.dma_semaphore, #tpu.memory_space<semaphore_mem>>, %arg9: memref<!tpu.dma_semaphore, #tpu.memory_space<semaphore_mem>>, %arg10: memref<!tpu.dma_semaphore, #tpu.memory_space<semaphore_mem>>, %arg11: memref<!tpu.dma_semaphore, #tpu.memory_space<semaphore_mem>>) attributes {dimension_semantics = [#tpu.dimension_semantics<core_parallel>, #tpu.dimension_semantics<subcore_parallel>], iteration_bounds = array<i64: 2, 16>, scalar_prefetch = 0 : i64, scratch_operands = 7 : i64, tpu.core_type = #tpu.core_type<sc_vector_subcore>, window_params = [{transform_indices = #map}, {transform_indices = #map1}, {transform_indices = #map1}]} {
    %mul3A = arith.constant 2 : i32
    %mul3A_0 = arith.muli %arg1, %mul3A : i32
    %add3A = arith.addi %mul3A_0, %arg0 : i32
    "tpu.region"() ({
      %run_scoped3A = tpu.sem_alloc : memref<!tpu.dma_semaphore, #tpu.memory_space<semaphore_mem>>
      tpu.enqueue_dma source(%arg2 : memref<16384xi32, #tpu.memory_space<hbm>>) target(%arg5 : memref<16384xi32, #tpu.memory_space<vmem>>) target_semaphore(%run_scoped3A : memref<!tpu.dma_semaphore, #tpu.memory_space<semaphore_mem>>)
      tpu.wait_dma2 semaphore(%run_scoped3A : memref<!tpu.dma_semaphore, #tpu.memory_space<semaphore_mem>>) src(%arg2 : memref<16384xi32, #tpu.memory_space<hbm>>) dst(%arg5 : memref<16384xi32, #tpu.memory_space<vmem>>)
      tpu.yield
    }) : () -> ()
    %iota3A = tpu.iota {dimensions = array<i32: 0>} : vector<16xi32>
    %mul3A_1 = arith.constant 128 : i32
    %mul3A_2 = vector.broadcast %mul3A_1 : i32 to vector<16xi32>
    %mul3A_3 = arith.muli %iota3A, %mul3A_2 : vector<16xi32>
    %scan3A = arith.constant 0 : i32
    %scan3A_4 = arith.constant 0 : i32
    %scan3A_5 = arith.constant 8 : i32
    %scan3A_6 = arith.addi %scan3A_4, %scan3A_5 : i32
    %scan3A_7 = arith.constant 1 : i32
    scf.for %scan3A_27 = %scan3A_4 to %scan3A_6 step %scan3A_7  : i32 {
      %mul3A_28 = arith.constant 16 : i32
      %mul3A_29 = arith.muli %scan3A_27, %mul3A_28 : i32
      %add3A_30 = arith.constant 0 : i32
      %add3A_31 = arith.addi %add3A_30, %mul3A_29 : i32
      %get3A = arith.index_cast %add3A_31 : i32 to index
      %get3A_32 = tpu.vector_load %arg5[%get3A] {strides = array<i32>} : memref<16384xi32, #tpu.memory_space<vmem>>, vector<16xi32>,
      %and3A = arith.constant -128 : i32
      %and3A_33 = vector.broadcast %and3A : i32 to vector<16xi32>
      %and3A_34 = arith.andi %get3A_32, %and3A_33 : vector<16xi32>
      %slice3A = vector.extract_strided_slice %and3A_34 {offsets = [0], sizes = [1], strides = [1]} : vector<16xi32> to vector<1xi32>
      %squeeze3A = vector.extract %slice3A[0] : i32 from vector<1xi32>
      %multiple_of3A = tpu.assume_multiple %squeeze3A, 128 : i32
      %mul3A_35 = arith.constant 16 : i32
      %mul3A_36 = arith.muli %scan3A_27, %mul3A_35 : i32
      %add3A_37 = arith.constant 0 : i32
      %add3A_38 = arith.addi %mul3A_36, %add3A_37 : i32
      %mul3A_39 = arith.constant 128 : i32
      %mul3A_40 = arith.muli %add3A_38, %mul3A_39 : i32
      %add3A_41 = arith.constant 0 : i32
      %add3A_42 = arith.addi %add3A_41, %mul3A_40 : i32
      %multiple_of3A_43 = tpu.assume_multiple %add3A_42, 128 : i32
      %dma_start3A = tpu.memref_slice %arg6[%multiple_of3A_43] : memref<65536xf32, #tpu.memory_space<vmem>> -> memref<128xf32, #tpu.memory_space<vmem>>
      %dma_start3A_44 = arith.constant 0 : i32
      %dma_start3A_45 = tpu.memref_slice %arg3[%add3A, %dma_start3A_44] : memref<32x1000001xf32, #tpu.memory_space<hbm>> -> memref<1x1000001xf32, #tpu.memory_space<hbm>>
      %dma_start3A_46 = tpu.memref_squeeze %dma_start3A_45 : memref<1x1000001xf32, #tpu.memory_space<hbm>> -> memref<1000001xf32, #tpu.memory_space<hbm>>
      %dma_start3A_47 = tpu.memref_slice %dma_start3A_46[%multiple_of3A] : memref<1000001xf32, #tpu.memory_space<hbm>> -> memref<128xf32, #tpu.memory_space<hbm>>
      %dma_start3A_48 = tpu.memref_slice %arg6[%multiple_of3A_43] : memref<65536xf32, #tpu.memory_space<vmem>> -> memref<128xf32, #tpu.memory_space<vmem>>
      %dma_start3A_49 = arith.constant 0 : i32
      %dma_start3A_50 = tpu.memref_slice %arg3[%add3A, %dma_start3A_49] : memref<32x1000001xf32, #tpu.memory_space<hbm>> -> memref<1x1000001xf32, #tpu.memory_space<hbm>>
      %dma_start3A_51 = tpu.memref_squeeze %dma_start3A_50 : memref<1x1000001xf32, #tpu.memory_space<hbm>> -> memref<1000001xf32, #tpu.memory_space<hbm>>
      %dma_start3A_52 = tpu.memref_slice %dma_start3A_51[%multiple_of3A] : memref<1000001xf32, #tpu.memory_space<hbm>> -> memref<128xf32, #tpu.memory_space<hbm>>
      tpu.enqueue_dma source(%dma_start3A_52 : memref<128xf32, #tpu.memory_space<hbm>>) target(%dma_start3A_48 : memref<128xf32, #tpu.memory_space<vmem>>) target_semaphore(%arg8 : memref<!tpu.dma_semaphore, #tpu.memory_space<semaphore_mem>>)
      %slice3A_53 = vector.extract_strided_slice %and3A_34 {offsets = [1], sizes = [1], strides = [1]} : vector<16xi32> to vector<1xi32>
      %squeeze3A_54 = vector.extract %slice3A_53[0] : i32 from vector<1xi32>
      %multiple_of3A_55 = tpu.assume_multiple %squeeze3A_54, 128 : i32
      %mul3A_56 = arith.constant 16 : i32
      %mul3A_57 = arith.muli %scan3A_27, %mul3A_56 : i32
      %add3A_58 = arith.constant 1 : i32
      %add3A_59 = arith.addi %mul3A_57, %add3A_58 : i32
      %mul3A_60 = arith.constant 128 : i32
      %mul3A_61 = arith.muli %add3A_59, %mul3A_60 : i32
      %add3A_62 = arith.constant 0 : i32
      %add3A_63 = arith.addi %add3A_62, %mul3A_61 : i32
      %multiple_of3A_64 = tpu.assume_multiple %add3A_63, 128 : i32
      %dma_start3A_65 = tpu.memref_slice %arg6[%multiple_of3A_64] : memref<65536xf32, #tpu.memory_space<vmem>> -> memref<128xf32, #tpu.memory_space<vmem>>
      %dma_start3A_66 = arith.constant 0 : i32
      %dma_start3A_67 = tpu.memref_slice %arg3[%add3A, %dma_start3A_66] : memref<32x1000001xf32, #tpu.memory_space<hbm>> -> memref<1x1000001xf32, #tpu.memory_space<hbm>>
      %dma_start3A_68 = tpu.memref_squeeze %dma_start3A_67 : memref<1x1000001xf32, #tpu.memory_space<hbm>> -> memref<1000001xf32, #tpu.memory_space<hbm>>
      %dma_start3A_69 = tpu.memref_slice %dma_start3A_68[%multiple_of3A_55] : memref<1000001xf32, #tpu.memory_space<hbm>> -> memref<128xf32, #tpu.memory_space<hbm>>
      %dma_start3A_70 = tpu.memref_slice %arg6[%multiple_of3A_64] : memref<65536xf32, #tpu.memory_space<vmem>> -> memref<128xf32, #tpu.memory_space<vmem>>
      %dma_start3A_71 = arith.constant 0 : i32
      %dma_start3A_72 = tpu.memref_slice %arg3[%add3A, %dma_start3A_71] : memref<32x1000001xf32, #tpu.memory_space<hbm>> -> memref<1x1000001xf32, #tpu.memory_space<hbm>>
      %dma_start3A_73 = tpu.memref_squeeze %dma_start3A_72 : memref<1x1000001xf32, #tpu.memory_space<hbm>> -> memref<1000001xf32, #tpu.memory_space<hbm>>
      %dma_start3A_74 = tpu.memref_slice %dma_start3A_73[%multiple_of3A_55] : memref<1000001xf32, #tpu.memory_space<hbm>> -> memref<128xf32, #tpu.memory_space<hbm>>
      tpu.enqueue_dma source(%dma_start3A_74 : memref<128xf32, #tpu.memory_space<hbm>>) target(%dma_start3A_70 : memref<128xf32, #tpu.memory_space<vmem>>) target_semaphore(%arg8 : memref<!tpu.dma_semaphore, #tpu.memory_space<semaphore_mem>>)
      %slice3A_75 = vector.extract_strided_slice %and3A_34 {offsets = [2], sizes = [1], strides = [1]} : vector<16xi32> to vector<1xi32>
      %squeeze3A_76 = vector.extract %slice3A_75[0] : i32 from vector<1xi32>
      %multiple_of3A_77 = tpu.assume_multiple %squeeze3A_76, 128 : i32
      %mul3A_78 = arith.constant 16 : i32
      %mul3A_79 = arith.muli %scan3A_27, %mul3A_78 : i32
      %add3A_80 = arith.constant 2 : i32
      %add3A_81 = arith.addi %mul3A_79, %add3A_80 : i32
      %mul3A_82 = arith.constant 128 : i32
      %mul3A_83 = arith.muli %add3A_81, %mul3A_82 : i32
      %add3A_84 = arith.constant 0 : i32
      %add3A_85 = arith.addi %add3A_84, %mul3A_83 : i32
      %multiple_of3A_86 = tpu.assume_multiple %add3A_85, 128 : i32
      %dma_start3A_87 = tpu.memref_slice %arg6[%multiple_of3A_86] : memref<65536xf32, #tpu.memory_space<vmem>> -> memref<128xf32, #tpu.memory_space<vmem>>
      %dma_start3A_88 = arith.constant 0 : i32
      %dma_start3A_89 = tpu.memref_slice %arg3[%add3A, %dma_start3A_88] : memref<32x1000001xf32, #tpu.memory_space<hbm>> -> memref<1x1000001xf32, #tpu.memory_space<hbm>>
      %dma_start3A_90 = tpu.memref_squeeze %dma_start3A_89 : memref<1x1000001xf32, #tpu.memory_space<hbm>> -> memref<1000001xf32, #tpu.memory_space<hbm>>
      %dma_start3A_91 = tpu.memref_slice %dma_start3A_90[%multiple_of3A_77] : memref<1000001xf32, #tpu.memory_space<hbm>> -> memref<128xf32, #tpu.memory_space<hbm>>
      %dma_start3A_92 = tpu.memref_slice %arg6[%multiple_of3A_86] : memref<65536xf32, #tpu.memory_space<vmem>> -> memref<128xf32, #tpu.memory_space<vmem>>
      %dma_start3A_93 = arith.constant 0 : i32
      %dma_start3A_94 = tpu.memref_slice %arg3[%add3A, %dma_start3A_93] : memref<32x1000001xf32, #tpu.memory_space<hbm>> -> memref<1x1000001xf32, #tpu.memory_space<hbm>>
      %dma_start3A_95 = tpu.memref_squeeze %dma_start3A_94 : memref<1x1000001xf32, #tpu.memory_space<hbm>> -> memref<1000001xf32, #tpu.memory_space<hbm>>
      %dma_start3A_96 = tpu.memref_slice %dma_start3A_95[%multiple_of3A_77] : memref<1000001xf32, #tpu.memory_space<hbm>> -> memref<128xf32, #tpu.memory_space<hbm>>
      tpu.enqueue_dma source(%dma_start3A_96 : memref<128xf32, #tpu.memory_space<hbm>>) target(%dma_start3A_92 : memref<128xf32, #tpu.memory_space<vmem>>) target_semaphore(%arg8 : memref<!tpu.dma_semaphore, #tpu.memory_space<semaphore_mem>>)
      %slice3A_97 = vector.extract_strided_slice %and3A_34 {offsets = [3], sizes = [1], strides = [1]} : vector<16xi32> to vector<1xi32>
      %squeeze3A_98 = vector.extract %slice3A_97[0] : i32 from vector<1xi32>
      %multiple_of3A_99 = tpu.assume_multiple %squeeze3A_98, 128 : i32
      %mul3A_100 = arith.constant 16 : i32
      %mul3A_101 = arith.muli %scan3A_27, %mul3A_100 : i32
      %add3A_102 = arith.constant 3 : i32
      %add3A_103 = arith.addi %mul3A_101, %add3A_102 : i32
      %mul3A_104 = arith.constant 128 : i32
      %mul3A_105 = arith.muli %add3A_103, %mul3A_104 : i32
      %add3A_106 = arith.constant 0 : i32
      %add3A_107 = arith.addi %add3A_106, %mul3A_105 : i32
      %multiple_of3A_108 = tpu.assume_multiple %add3A_107, 128 : i32
      %dma_start3A_109 = tpu.memref_slice %arg6[%multiple_of3A_108] : memref<65536xf32, #tpu.memory_space<vmem>> -> memref<128xf32, #tpu.memory_space<vmem>>
      %dma_start3A_110 = arith.constant 0 : i32
      %dma_start3A_111 = tpu.memref_slice %arg3[%add3A, %dma_start3A_110] : memref<32x1000001xf32, #tpu.memory_space<hbm>> -> memref<1x1000001xf32, #tpu.memory_space<hbm>>
      %dma_start3A_112 = tpu.memref_squeeze %dma_start3A_111 : memref<1x1000001xf32, #tpu.memory_space<hbm>> -> memref<1000001xf32, #tpu.memory_space<hbm>>
      %dma_start3A_113 = tpu.memref_slice %dma_start3A_112[%multiple_of3A_99] : memref<1000001xf32, #tpu.memory_space<hbm>> -> memref<128xf32, #tpu.memory_space<hbm>>
      %dma_start3A_114 = tpu.memref_slice %arg6[%multiple_of3A_108] : memref<65536xf32, #tpu.memory_space<vmem>> -> memref<128xf32, #tpu.memory_space<vmem>>
      %dma_start3A_115 = arith.constant 0 : i32
      %dma_start3A_116 = tpu.memref_slice %arg3[%add3A, %dma_start3A_115] : memref<32x1000001xf32, #tpu.memory_space<hbm>> -> memref<1x1000001xf32, #tpu.memory_space<hbm>>
      %dma_start3A_117 = tpu.memref_squeeze %dma_start3A_116 : memref<1x1000001xf32, #tpu.memory_space<hbm>> -> memref<1000001xf32, #tpu.memory_space<hbm>>
      %dma_start3A_118 = tpu.memref_slice %dma_start3A_117[%multiple_of3A_99] : memref<1000001xf32, #tpu.memory_space<hbm>> -> memref<128xf32, #tpu.memory_space<hbm>>
      tpu.enqueue_dma source(%dma_start3A_118 : memref<128xf32, #tpu.memory_space<hbm>>) target(%dma_start3A_114 : memref<128xf32, #tpu.memory_space<vmem>>) target_semaphore(%arg8 : memref<!tpu.dma_semaphore, #tpu.memory_space<semaphore_mem>>)
      %slice3A_119 = vector.extract_strided_slice %and3A_34 {offsets = [4], sizes = [1], strides = [1]} : vector<16xi32> to vector<1xi32>
      %squeeze3A_120 = vector.extract %slice3A_119[0] : i32 from vector<1xi32>
      %multiple_of3A_121 = tpu.assume_multiple %squeeze3A_120, 128 : i32
      %mul3A_122 = arith.constant 16 : i32
      %mul3A_123 = arith.muli %scan3A_27, %mul3A_122 : i32
      %add3A_124 = arith.constant 4 : i32
      %add3A_125 = arith.addi %mul3A_123, %add3A_124 : i32
      %mul3A_126 = arith.constant 128 : i32
      %mul3A_127 = arith.muli %add3A_125, %mul3A_126 : i32
      %add3A_128 = arith.constant 0 : i32
      %add3A_129 = arith.addi %add3A_128, %mul3A_127 : i32
      %multiple_of3A_130 = tpu.assume_multiple %add3A_129, 128 : i32
      %dma_start3A_131 = tpu.memref_slice %arg6[%multiple_of3A_130] : memref<65536xf32, #tpu.memory_space<vmem>> -> memref<128xf32, #tpu.memory_space<vmem>>
      %dma_start3A_132 = arith.constant 0 : i32
      %dma_start3A_133 = tpu.memref_slice %arg3[%add3A, %dma_start3A_132] : memref<32x1000001xf32, #tpu.memory_space<hbm>> -> memref<1x1000001xf32, #tpu.memory_space<hbm>>
      %dma_start3A_134 = tpu.memref_squeeze %dma_start3A_133 : memref<1x1000001xf32, #tpu.memory_space<hbm>> -> memref<1000001xf32, #tpu.memory_space<hbm>>
      %dma_start3A_135 = tpu.memref_slice %dma_start3A_134[%multiple_of3A_121] : memref<1000001xf32, #tpu.memory_space<hbm>> -> memref<128xf32, #tpu.memory_space<hbm>>
      %dma_start3A_136 = tpu.memref_slice %arg6[%multiple_of3A_130] : memref<65536xf32, #tpu.memory_space<vmem>> -> memref<128xf32, #tpu.memory_space<vmem>>
      %dma_start3A_137 = arith.constant 0 : i32
      %dma_start3A_138 = tpu.memref_slice %arg3[%add3A, %dma_start3A_137] : memref<32x1000001xf32, #tpu.memory_space<hbm>> -> memref<1x1000001xf32, #tpu.memory_space<hbm>>
      %dma_start3A_139 = tpu.memref_squeeze %dma_start3A_138 : memref<1x1000001xf32, #tpu.memory_space<hbm>> -> memref<1000001xf32, #tpu.memory_space<hbm>>
      %dma_start3A_140 = tpu.memref_slice %dma_start3A_139[%multiple_of3A_121] : memref<1000001xf32, #tpu.memory_space<hbm>> -> memref<128xf32, #tpu.memory_space<hbm>>
      tpu.enqueue_dma source(%dma_start3A_140 : memref<128xf32, #tpu.memory_space<hbm>>) target(%dma_start3A_136 : memref<128xf32, #tpu.memory_space<vmem>>) target_semaphore(%arg8 : memref<!tpu.dma_semaphore, #tpu.memory_space<semaphore_mem>>)
      %slice3A_141 = vector.extract_strided_slice %and3A_34 {offsets = [5], sizes = [1], strides = [1]} : vector<16xi32> to vector<1xi32>
      %squeeze3A_142 = vector.extract %slice3A_141[0] : i32 from vector<1xi32>
      %multiple_of3A_143 = tpu.assume_multiple %squeeze3A_142, 128 : i32
      %mul3A_144 = arith.constant 16 : i32
      %mul3A_145 = arith.muli %scan3A_27, %mul3A_144 : i32
      %add3A_146 = arith.constant 5 : i32
      %add3A_147 = arith.addi %mul3A_145, %add3A_146 : i32
      %mul3A_148 = arith.constant 128 : i32
      %mul3A_149 = arith.muli %add3A_147, %mul3A_148 : i32
      %add3A_150 = arith.constant 0 : i32
      %add3A_151 = arith.addi %add3A_150, %mul3A_149 : i32
      %multiple_of3A_152 = tpu.assume_multiple %add3A_151, 128 : i32
      %dma_start3A_153 = tpu.memref_slice %arg6[%multiple_of3A_152] : memref<65536xf32, #tpu.memory_space<vmem>> -> memref<128xf32, #tpu.memory_space<vmem>>
      %dma_start3A_154 = arith.constant 0 : i32
      %dma_start3A_155 = tpu.memref_slice %arg3[%add3A, %dma_start3A_154] : memref<32x1000001xf32, #tpu.memory_space<hbm>> -> memref<1x1000001xf32, #tpu.memory_space<hbm>>
      %dma_start3A_156 = tpu.memref_squeeze %dma_start3A_155 : memref<1x1000001xf32, #tpu.memory_space<hbm>> -> memref<1000001xf32, #tpu.memory_space<hbm>>
      %dma_start3A_157 = tpu.memref_slice %dma_start3A_156[%multiple_of3A_143] : memref<1000001xf32, #tpu.memory_space<hbm>> -> memref<128xf32, #tpu.memory_space<hbm>>
      %dma_start3A_158 = tpu.memref_slice %arg6[%multiple_of3A_152] : memref<65536xf32, #tpu.memory_space<vmem>> -> memref<128xf32, #tpu.memory_space<vmem>>
      %dma_start3A_159 = arith.constant 0 : i32
      %dma_start3A_160 = tpu.memref_slice %arg3[%add3A, %dma_start3A_159] : memref<32x1000001xf32, #tpu.memory_space<hbm>> -> memref<1x1000001xf32, #tpu.memory_space<hbm>>
      %dma_start3A_161 = tpu.memref_squeeze %dma_start3A_160 : memref<1x1000001xf32, #tpu.memory_space<hbm>> -> memref<1000001xf32, #tpu.memory_space<hbm>>
      %dma_start3A_162 = tpu.memref_slice %dma_start3A_161[%multiple_of3A_143] : memref<1000001xf32, #tpu.memory_space<hbm>> -> memref<128xf32, #tpu.memory_space<hbm>>
      tpu.enqueue_dma source(%dma_start3A_162 : memref<128xf32, #tpu.memory_space<hbm>>) target(%dma_start3A_158 : memref<128xf32, #tpu.memory_space<vmem>>) target_semaphore(%arg8 : memref<!tpu.dma_semaphore, #tpu.memory_space<semaphore_mem>>)
      %slice3A_163 = vector.extract_strided_slice %and3A_34 {offsets = [6], sizes = [1], strides = [1]} : vector<16xi32> to vector<1xi32>
      %squeeze3A_164 = vector.extract %slice3A_163[0] : i32 from vector<1xi32>
      %multiple_of3A_165 = tpu.assume_multiple %squeeze3A_164, 128 : i32
      %mul3A_166 = arith.constant 16 : i32
      %mul3A_167 = arith.muli %scan3A_27, %mul3A_166 : i32
      %add3A_168 = arith.constant 6 : i32
      %add3A_169 = arith.addi %mul3A_167, %add3A_168 : i32
      %mul3A_170 = arith.constant 128 : i32
      %mul3A_171 = arith.muli %add3A_169, %mul3A_170 : i32
      %add3A_172 = arith.constant 0 : i32
      %add3A_173 = arith.addi %add3A_172, %mul3A_171 : i32
      %multiple_of3A_174 = tpu.assume_multiple %add3A_173, 128 : i32
      %dma_start3A_175 = tpu.memref_slice %arg6[%multiple_of3A_174] : memref<65536xf32, #tpu.memory_space<vmem>> -> memref<128xf32, #tpu.memory_space<vmem>>
      %dma_start3A_176 = arith.constant 0 : i32
      %dma_start3A_177 = tpu.memref_slice %arg3[%add3A, %dma_start3A_176] : memref<32x1000001xf32, #tpu.memory_space<hbm>> -> memref<1x1000001xf32, #tpu.memory_space<hbm>>
      %dma_start3A_178 = tpu.memref_squeeze %dma_start3A_177 : memref<1x1000001xf32, #tpu.memory_space<hbm>> -> memref<1000001xf32, #tpu.memory_space<hbm>>
      %dma_start3A_179 = tpu.memref_slice %dma_start3A_178[%multiple_of3A_165] : memref<1000001xf32, #tpu.memory_space<hbm>> -> memref<128xf32, #tpu.memory_space<hbm>>
      %dma_start3A_180 = tpu.memref_slice %arg6[%multiple_of3A_174] : memref<65536xf32, #tpu.memory_space<vmem>> -> memref<128xf32, #tpu.memory_space<vmem>>
      %dma_start3A_181 = arith.constant 0 : i32
      %dma_start3A_182 = tpu.memref_slice %arg3[%add3A, %dma_start3A_181] : memref<32x1000001xf32, #tpu.memory_space<hbm>> -> memref<1x1000001xf32, #tpu.memory_space<hbm>>
      %dma_start3A_183 = tpu.memref_squeeze %dma_start3A_182 : memref<1x1000001xf32, #tpu.memory_space<hbm>> -> memref<1000001xf32, #tpu.memory_space<hbm>>
      %dma_start3A_184 = tpu.memref_slice %dma_start3A_183[%multiple_of3A_165] : memref<1000001xf32, #tpu.memory_space<hbm>> -> memref<128xf32, #tpu.memory_space<hbm>>
      tpu.enqueue_dma source(%dma_start3A_184 : memref<128xf32, #tpu.memory_space<hbm>>) target(%dma_start3A_180 : memref<128xf32, #tpu.memory_space<vmem>>) target_semaphore(%arg8 : memref<!tpu.dma_semaphore, #tpu.memory_space<semaphore_mem>>)
      %slice3A_185 = vector.extract_strided_slice %and3A_34 {offsets = [7], sizes = [1], strides = [1]} : vector<16xi32> to vector<1xi32>
      %squeeze3A_186 = vector.extract %slice3A_185[0] : i32 from vector<1xi32>
      %multiple_of3A_187 = tpu.assume_multiple %squeeze3A_186, 128 : i32
      %mul3A_188 = arith.constant 16 : i32
      %mul3A_189 = arith.muli %scan3A_27, %mul3A_188 : i32
      %add3A_190 = arith.constant 7 : i32
      %add3A_191 = arith.addi %mul3A_189, %add3A_190 : i32
      %mul3A_192 = arith.constant 128 : i32
      %mul3A_193 = arith.muli %add3A_191, %mul3A_192 : i32
      %add3A_194 = arith.constant 0 : i32
      %add3A_195 = arith.addi %add3A_194, %mul3A_193 : i32
      %multiple_of3A_196 = tpu.assume_multiple %add3A_195, 128 : i32
      %dma_start3A_197 = tpu.memref_slice %arg6[%multiple_of3A_196] : memref<65536xf32, #tpu.memory_space<vmem>> -> memref<128xf32, #tpu.memory_space<vmem>>
      %dma_start3A_198 = arith.constant 0 : i32
      %dma_start3A_199 = tpu.memref_slice %arg3[%add3A, %dma_start3A_198] : memref<32x1000001xf32, #tpu.memory_space<hbm>> -> memref<1x1000001xf32, #tpu.memory_space<hbm>>
      %dma_start3A_200 = tpu.memref_squeeze %dma_start3A_199 : memref<1x1000001xf32, #tpu.memory_space<hbm>> -> memref<1000001xf32, #tpu.memory_space<hbm>>
      %dma_start3A_201 = tpu.memref_slice %dma_start3A_200[%multiple_of3A_187] : memref<1000001xf32, #tpu.memory_space<hbm>> -> memref<128xf32, #tpu.memory_space<hbm>>
      %dma_start3A_202 = tpu.memref_slice %arg6[%multiple_of3A_196] : memref<65536xf32, #tpu.memory_space<vmem>> -> memref<128xf32, #tpu.memory_space<vmem>>
      %dma_start3A_203 = arith.constant 0 : i32
      %dma_start3A_204 = tpu.memref_slice %arg3[%add3A, %dma_start3A_203] : memref<32x1000001xf32, #tpu.memory_space<hbm>> -> memref<1x1000001xf32, #tpu.memory_space<hbm>>
      %dma_start3A_205 = tpu.memref_squeeze %dma_start3A_204 : memref<1x1000001xf32, #tpu.memory_space<hbm>> -> memref<1000001xf32, #tpu.memory_space<hbm>>
      %dma_start3A_206 = tpu.memref_slice %dma_start3A_205[%multiple_of3A_187] : memref<1000001xf32, #tpu.memory_space<hbm>> -> memref<128xf32, #tpu.memory_space<hbm>>
      tpu.enqueue_dma source(%dma_start3A_206 : memref<128xf32, #tpu.memory_space<hbm>>) target(%dma_start3A_202 : memref<128xf32, #tpu.memory_space<vmem>>) target_semaphore(%arg8 : memref<!tpu.dma_semaphore, #tpu.memory_space<semaphore_mem>>)
      %slice3A_207 = vector.extract_strided_slice %and3A_34 {offsets = [8], sizes = [1], strides = [1]} : vector<16xi32> to vector<1xi32>
      %squeeze3A_208 = vector.extract %slice3A_207[0] : i32 from vector<1xi32>
      %multiple_of3A_209 = tpu.assume_multiple %squeeze3A_208, 128 : i32
      %mul3A_210 = arith.constant 16 : i32
      %mul3A_211 = arith.muli %scan3A_27, %mul3A_210 : i32
      %add3A_212 = arith.constant 8 : i32
      %add3A_213 = arith.addi %mul3A_211, %add3A_212 : i32
      %mul3A_214 = arith.constant 128 : i32
      %mul3A_215 = arith.muli %add3A_213, %mul3A_214 : i32
      %add3A_216 = arith.constant 0 : i32
      %add3A_217 = arith.addi %add3A_216, %mul3A_215 : i32
      %multiple_of3A_218 = tpu.assume_multiple %add3A_217, 128 : i32
      %dma_start3A_219 = tpu.memref_slice %arg6[%multiple_of3A_218] : memref<65536xf32, #tpu.memory_space<vmem>> -> memref<128xf32, #tpu.memory_space<vmem>>
      %dma_start3A_220 = arith.constant 0 : i32
      %dma_start3A_221 = tpu.memref_slice %arg3[%add3A, %dma_start3A_220] : memref<32x1000001xf32, #tpu.memory_space<hbm>> -> memref<1x1000001xf32, #tpu.memory_space<hbm>>
      %dma_start3A_222 = tpu.memref_squeeze %dma_start3A_221 : memref<1x1000001xf32, #tpu.memory_space<hbm>> -> memref<1000001xf32, #tpu.memory_space<hbm>>
      %dma_start3A_223 = tpu.memref_slice %dma_start3A_222[%multiple_of3A_209] : memref<1000001xf32, #tpu.memory_space<hbm>> -> memref<128xf32, #tpu.memory_space<hbm>>
      %dma_start3A_224 = tpu.memref_slice %arg6[%multiple_of3A_218] : memref<65536xf32, #tpu.memory_space<vmem>> -> memref<128xf32, #tpu.memory_space<vmem>>
      %dma_start3A_225 = arith.constant 0 : i32
      %dma_start3A_226 = tpu.memref_slice %arg3[%add3A, %dma_start3A_225] : memref<32x1000001xf32, #tpu.memory_space<hbm>> -> memref<1x1000001xf32, #tpu.memory_space<hbm>>
      %dma_start3A_227 = tpu.memref_squeeze %dma_start3A_226 : memref<1x1000001xf32, #tpu.memory_space<hbm>> -> memref<1000001xf32, #tpu.memory_space<hbm>>
      %dma_start3A_228 = tpu.memref_slice %dma_start3A_227[%multiple_of3A_209] : memref<1000001xf32, #tpu.memory_space<hbm>> -> memref<128xf32, #tpu.memory_space<hbm>>
      tpu.enqueue_dma source(%dma_start3A_228 : memref<128xf32, #tpu.memory_space<hbm>>) target(%dma_start3A_224 : memref<128xf32, #tpu.memory_space<vmem>>) target_semaphore(%arg8 : memref<!tpu.dma_semaphore, #tpu.memory_space<semaphore_mem>>)
      %slice3A_229 = vector.extract_strided_slice %and3A_34 {offsets = [9], sizes = [1], strides = [1]} : vector<16xi32> to vector<1xi32>
      %squeeze3A_230 = vector.extract %slice3A_229[0] : i32 from vector<1xi32>
      %multiple_of3A_231 = tpu.assume_multiple %squeeze3A_230, 128 : i32
      %mul3A_232 = arith.constant 16 : i32
      %mul3A_233 = arith.muli %scan3A_27, %mul3A_232 : i32
      %add3A_234 = arith.constant 9 : i32
      %add3A_235 = arith.addi %mul3A_233, %add3A_234 : i32
      %mul3A_236 = arith.constant 128 : i32
      %mul3A_237 = arith.muli %add3A_235, %mul3A_236 : i32
      %add3A_238 = arith.constant 0 : i32
      %add3A_239 = arith.addi %add3A_238, %mul3A_237 : i32
      %multiple_of3A_240 = tpu.assume_multiple %add3A_239, 128 : i32
      %dma_start3A_241 = tpu.memref_slice %arg6[%multiple_of3A_240] : memref<65536xf32, #tpu.memory_space<vmem>> -> memref<128xf32, #tpu.memory_space<vmem>>
      %dma_start3A_242 = arith.constant 0 : i32
      %dma_start3A_243 = tpu.memref_slice %arg3[%add3A, %dma_start3A_242] : memref<32x1000001xf32, #tpu.memory_space<hbm>> -> memref<1x1000001xf32, #tpu.memory_space<hbm>>
      %dma_start3A_244 = tpu.memref_squeeze %dma_start3A_243 : memref<1x1000001xf32, #tpu.memory_space<hbm>> -> memref<1000001xf32, #tpu.memory_space<hbm>>
      %dma_start3A_245 = tpu.memref_slice %dma_start3A_244[%multiple_of3A_231] : memref<1000001xf32, #tpu.memory_space<hbm>> -> memref<128xf32, #tpu.memory_space<hbm>>
      %dma_start3A_246 = tpu.memref_slice %arg6[%multiple_of3A_240] : memref<65536xf32, #tpu.memory_space<vmem>> -> memref<128xf32, #tpu.memory_space<vmem>>
      %dma_start3A_247 = arith.constant 0 : i32
      %dma_start3A_248 = tpu.memref_slice %arg3[%add3A, %dma_start3A_247] : memref<32x1000001xf32, #tpu.memory_space<hbm>> -> memref<1x1000001xf32, #tpu.memory_space<hbm>>
      %dma_start3A_249 = tpu.memref_squeeze %dma_start3A_248 : memref<1x1000001xf32, #tpu.memory_space<hbm>> -> memref<1000001xf32, #tpu.memory_space<hbm>>
      %dma_start3A_250 = tpu.memref_slice %dma_start3A_249[%multiple_of3A_231] : memref<1000001xf32, #tpu.memory_space<hbm>> -> memref<128xf32, #tpu.memory_space<hbm>>
      tpu.enqueue_dma source(%dma_start3A_250 : memref<128xf32, #tpu.memory_space<hbm>>) target(%dma_start3A_246 : memref<128xf32, #tpu.memory_space<vmem>>) target_semaphore(%arg8 : memref<!tpu.dma_semaphore, #tpu.memory_space<semaphore_mem>>)
      %slice3A_251 = vector.extract_strided_slice %and3A_34 {offsets = [10], sizes = [1], strides = [1]} : vector<16xi32> to vector<1xi32>
      %squeeze3A_252 = vector.extract %slice3A_251[0] : i32 from vector<1xi32>
      %multiple_of3A_253 = tpu.assume_multiple %squeeze3A_252, 128 : i32
      %mul3A_254 = arith.constant 16 : i32
      %mul3A_255 = arith.muli %scan3A_27, %mul3A_254 : i32
      %add3A_256 = arith.constant 10 : i32
      %add3A_257 = arith.addi %mul3A_255, %add3A_256 : i32
      %mul3A_258 = arith.constant 128 : i32
      %mul3A_259 = arith.muli %add3A_257, %mul3A_258 : i32
      %add3A_260 = arith.constant 0 : i32
      %add3A_261 = arith.addi %add3A_260, %mul3A_259 : i32
      %multiple_of3A_262 = tpu.assume_multiple %add3A_261, 128 : i32
      %dma_start3A_263 = tpu.memref_slice %arg6[%multiple_of3A_262] : memref<65536xf32, #tpu.memory_space<vmem>> -> memref<128xf32, #tpu.memory_space<vmem>>
      %dma_start3A_264 = arith.constant 0 : i32
      %dma_start3A_265 = tpu.memref_slice %arg3[%add3A, %dma_start3A_264] : memref<32x1000001xf32, #tpu.memory_space<hbm>> -> memref<1x1000001xf32, #tpu.memory_space<hbm>>
      %dma_start3A_266 = tpu.memref_squeeze %dma_start3A_265 : memref<1x1000001xf32, #tpu.memory_space<hbm>> -> memref<1000001xf32, #tpu.memory_space<hbm>>
      %dma_start3A_267 = tpu.memref_slice %dma_start3A_266[%multiple_of3A_253] : memref<1000001xf32, #tpu.memory_space<hbm>> -> memref<128xf32, #tpu.memory_space<hbm>>
      %dma_start3A_268 = tpu.memref_slice %arg6[%multiple_of3A_262] : memref<65536xf32, #tpu.memory_space<vmem>> -> memref<128xf32, #tpu.memory_space<vmem>>
      %dma_start3A_269 = arith.constant 0 : i32
      %dma_start3A_270 = tpu.memref_slice %arg3[%add3A, %dma_start3A_269] : memref<32x1000001xf32, #tpu.memory_space<hbm>> -> memref<1x1000001xf32, #tpu.memory_space<hbm>>
      %dma_start3A_271 = tpu.memref_squeeze %dma_start3A_270 : memref<1x1000001xf32, #tpu.memory_space<hbm>> -> memref<1000001xf32, #tpu.memory_space<hbm>>
      %dma_start3A_272 = tpu.memref_slice %dma_start3A_271[%multiple_of3A_253] : memref<1000001xf32, #tpu.memory_space<hbm>> -> memref<128xf32, #tpu.memory_space<hbm>>
      tpu.enqueue_dma source(%dma_start3A_272 : memref<128xf32, #tpu.memory_space<hbm>>) target(%dma_start3A_268 : memref<128xf32, #tpu.memory_space<vmem>>) target_semaphore(%arg8 : memref<!tpu.dma_semaphore, #tpu.memory_space<semaphore_mem>>)
      %slice3A_273 = vector.extract_strided_slice %and3A_34 {offsets = [11], sizes = [1], strides = [1]} : vector<16xi32> to vector<1xi32>
      %squeeze3A_274 = vector.extract %slice3A_273[0] : i32 from vector<1xi32>
      %multiple_of3A_275 = tpu.assume_multiple %squeeze3A_274, 128 : i32
      %mul3A_276 = arith.constant 16 : i32
      %mul3A_277 = arith.muli %scan3A_27, %mul3A_276 : i32
      %add3A_278 = arith.constant 11 : i32
      %add3A_279 = arith.addi %mul3A_277, %add3A_278 : i32
      %mul3A_280 = arith.constant 128 : i32
      %mul3A_281 = arith.muli %add3A_279, %mul3A_280 : i32
      %add3A_282 = arith.constant 0 : i32
      %add3A_283 = arith.addi %add3A_282, %mul3A_281 : i32
      %multiple_of3A_284 = tpu.assume_multiple %add3A_283, 128 : i32
      %dma_start3A_285 = tpu.memref_slice %arg6[%multiple_of3A_284] : memref<65536xf32, #tpu.memory_space<vmem>> -> memref<128xf32, #tpu.memory_space<vmem>>
      %dma_start3A_286 = arith.constant 0 : i32
      %dma_start3A_287 = tpu.memref_slice %arg3[%add3A, %dma_start3A_286] : memref<32x1000001xf32, #tpu.memory_space<hbm>> -> memref<1x1000001xf32, #tpu.memory_space<hbm>>
      %dma_start3A_288 = tpu.memref_squeeze %dma_start3A_287 : memref<1x1000001xf32, #tpu.memory_space<hbm>> -> memref<1000001xf32, #tpu.memory_space<hbm>>
      %dma_start3A_289 = tpu.memref_slice %dma_start3A_288[%multiple_of3A_275] : memref<1000001xf32, #tpu.memory_space<hbm>> -> memref<128xf32, #tpu.memory_space<hbm>>
      %dma_start3A_290 = tpu.memref_slice %arg6[%multiple_of3A_284] : memref<65536xf32, #tpu.memory_space<vmem>> -> memref<128xf32, #tpu.memory_space<vmem>>
      %dma_start3A_291 = arith.constant 0 : i32
      %dma_start3A_292 = tpu.memref_slice %arg3[%add3A, %dma_start3A_291] : memref<32x1000001xf32, #tpu.memory_space<hbm>> -> memref<1x1000001xf32, #tpu.memory_space<hbm>>
      %dma_start3A_293 = tpu.memref_squeeze %dma_start3A_292 : memref<1x1000001xf32, #tpu.memory_space<hbm>> -> memref<1000001xf32, #tpu.memory_space<hbm>>
      %dma_start3A_294 = tpu.memref_slice %dma_start3A_293[%multiple_of3A_275] : memref<1000001xf32, #tpu.memory_space<hbm>> -> memref<128xf32, #tpu.memory_space<hbm>>
      tpu.enqueue_dma source(%dma_start3A_294 : memref<128xf32, #tpu.memory_space<hbm>>) target(%dma_start3A_290 : memref<128xf32, #tpu.memory_space<vmem>>) target_semaphore(%arg8 : memref<!tpu.dma_semaphore, #tpu.memory_space<semaphore_mem>>)
      %slice3A_295 = vector.extract_strided_slice %and3A_34 {offsets = [12], sizes = [1], strides = [1]} : vector<16xi32> to vector<1xi32>
      %squeeze3A_296 = vector.extract %slice3A_295[0] : i32 from vector<1xi32>
      %multiple_of3A_297 = tpu.assume_multiple %squeeze3A_296, 128 : i32
      %mul3A_298 = arith.constant 16 : i32
      %mul3A_299 = arith.muli %scan3A_27, %mul3A_298 : i32
      %add3A_300 = arith.constant 12 : i32
      %add3A_301 = arith.addi %mul3A_299, %add3A_300 : i32
      %mul3A_302 = arith.constant 128 : i32
      %mul3A_303 = arith.muli %add3A_301, %mul3A_302 : i32
      %add3A_304 = arith.constant 0 : i32
      %add3A_305 = arith.addi %add3A_304, %mul3A_303 : i32
      %multiple_of3A_306 = tpu.assume_multiple %add3A_305, 128 : i32
      %dma_start3A_307 = tpu.memref_slice %arg6[%multiple_of3A_306] : memref<65536xf32, #tpu.memory_space<vmem>> -> memref<128xf32, #tpu.memory_space<vmem>>
      %dma_start3A_308 = arith.constant 0 : i32
      %dma_start3A_309 = tpu.memref_slice %arg3[%add3A, %dma_start3A_308] : memref<32x1000001xf32, #tpu.memory_space<hbm>> -> memref<1x1000001xf32, #tpu.memory_space<hbm>>
      %dma_start3A_310 = tpu.memref_squeeze %dma_start3A_309 : memref<1x1000001xf32, #tpu.memory_space<hbm>> -> memref<1000001xf32, #tpu.memory_space<hbm>>
      %dma_start3A_311 = tpu.memref_slice %dma_start3A_310[%multiple_of3A_297] : memref<1000001xf32, #tpu.memory_space<hbm>> -> memref<128xf32, #tpu.memory_space<hbm>>
      %dma_start3A_312 = tpu.memref_slice %arg6[%multiple_of3A_306] : memref<65536xf32, #tpu.memory_space<vmem>> -> memref<128xf32, #tpu.memory_space<vmem>>
      %dma_start3A_313 = arith.constant 0 : i32
      %dma_start3A_314 = tpu.memref_slice %arg3[%add3A, %dma_start3A_313] : memref<32x1000001xf32, #tpu.memory_space<hbm>> -> memref<1x1000001xf32, #tpu.memory_space<hbm>>
      %dma_start3A_315 = tpu.memref_squeeze %dma_start3A_314 : memref<1x1000001xf32, #tpu.memory_space<hbm>> -> memref<1000001xf32, #tpu.memory_space<hbm>>
      %dma_start3A_316 = tpu.memref_slice %dma_start3A_315[%multiple_of3A_297] : memref<1000001xf32, #tpu.memory_space<hbm>> -> memref<128xf32, #tpu.memory_space<hbm>>
      tpu.enqueue_dma source(%dma_start3A_316 : memref<128xf32, #tpu.memory_space<hbm>>) target(%dma_start3A_312 : memref<128xf32, #tpu.memory_space<vmem>>) target_semaphore(%arg8 : memref<!tpu.dma_semaphore, #tpu.memory_space<semaphore_mem>>)
      %slice3A_317 = vector.extract_strided_slice %and3A_34 {offsets = [13], sizes = [1], strides = [1]} : vector<16xi32> to vector<1xi32>
      %squeeze3A_318 = vector.extract %slice3A_317[0] : i32 from vector<1xi32>
      %multiple_of3A_319 = tpu.assume_multiple %squeeze3A_318, 128 : i32
      %mul3A_320 = arith.constant 16 : i32
      %mul3A_321 = arith.muli %scan3A_27, %mul3A_320 : i32
      %add3A_322 = arith.constant 13 : i32
      %add3A_323 = arith.addi %mul3A_321, %add3A_322 : i32
      %mul3A_324 = arith.constant 128 : i32
      %mul3A_325 = arith.muli %add3A_323, %mul3A_324 : i32
      %add3A_326 = arith.constant 0 : i32
      %add3A_327 = arith.addi %add3A_326, %mul3A_325 : i32
      %multiple_of3A_328 = tpu.assume_multiple %add3A_327, 128 : i32
      %dma_start3A_329 = tpu.memref_slice %arg6[%multiple_of3A_328] : memref<65536xf32, #tpu.memory_space<vmem>> -> memref<128xf32, #tpu.memory_space<vmem>>
      %dma_start3A_330 = arith.constant 0 : i32
      %dma_start3A_331 = tpu.memref_slice %arg3[%add3A, %dma_start3A_330] : memref<32x1000001xf32, #tpu.memory_space<hbm>> -> memref<1x1000001xf32, #tpu.memory_space<hbm>>
      %dma_start3A_332 = tpu.memref_squeeze %dma_start3A_331 : memref<1x1000001xf32, #tpu.memory_space<hbm>> -> memref<1000001xf32, #tpu.memory_space<hbm>>
      %dma_start3A_333 = tpu.memref_slice %dma_start3A_332[%multiple_of3A_319] : memref<1000001xf32, #tpu.memory_space<hbm>> -> memref<128xf32, #tpu.memory_space<hbm>>
      %dma_start3A_334 = tpu.memref_slice %arg6[%multiple_of3A_328] : memref<65536xf32, #tpu.memory_space<vmem>> -> memref<128xf32, #tpu.memory_space<vmem>>
      %dma_start3A_335 = arith.constant 0 : i32
      %dma_start3A_336 = tpu.memref_slice %arg3[%add3A, %dma_start3A_335] : memref<32x1000001xf32, #tpu.memory_space<hbm>> -> memref<1x1000001xf32, #tpu.memory_space<hbm>>
      %dma_start3A_337 = tpu.memref_squeeze %dma_start3A_336 : memref<1x1000001xf32, #tpu.memory_space<hbm>> -> memref<1000001xf32, #tpu.memory_space<hbm>>
      %dma_start3A_338 = tpu.memref_slice %dma_start3A_337[%multiple_of3A_319] : memref<1000001xf32, #tpu.memory_space<hbm>> -> memref<128xf32, #tpu.memory_space<hbm>>
      tpu.enqueue_dma source(%dma_start3A_338 : memref<128xf32, #tpu.memory_space<hbm>>) target(%dma_start3A_334 : memref<128xf32, #tpu.memory_space<vmem>>) target_semaphore(%arg8 : memref<!tpu.dma_semaphore, #tpu.memory_space<semaphore_mem>>)
      %slice3A_339 = vector.extract_strided_slice %and3A_34 {offsets = [14], sizes = [1], strides = [1]} : vector<16xi32> to vector<1xi32>
      %squeeze3A_340 = vector.extract %slice3A_339[0] : i32 from vector<1xi32>
      %multiple_of3A_341 = tpu.assume_multiple %squeeze3A_340, 128 : i32
      %mul3A_342 = arith.constant 16 : i32
      %mul3A_343 = arith.muli %scan3A_27, %mul3A_342 : i32
      %add3A_344 = arith.constant 14 : i32
      %add3A_345 = arith.addi %mul3A_343, %add3A_344 : i32
      %mul3A_346 = arith.constant 128 : i32
      %mul3A_347 = arith.muli %add3A_345, %mul3A_346 : i32
      %add3A_348 = arith.constant 0 : i32
      %add3A_349 = arith.addi %add3A_348, %mul3A_347 : i32
      %multiple_of3A_350 = tpu.assume_multiple %add3A_349, 128 : i32
      %dma_start3A_351 = tpu.memref_slice %arg6[%multiple_of3A_350] : memref<65536xf32, #tpu.memory_space<vmem>> -> memref<128xf32, #tpu.memory_space<vmem>>
      %dma_start3A_352 = arith.constant 0 : i32
      %dma_start3A_353 = tpu.memref_slice %arg3[%add3A, %dma_start3A_352] : memref<32x1000001xf32, #tpu.memory_space<hbm>> -> memref<1x1000001xf32, #tpu.memory_space<hbm>>
      %dma_start3A_354 = tpu.memref_squeeze %dma_start3A_353 : memref<1x1000001xf32, #tpu.memory_space<hbm>> -> memref<1000001xf32, #tpu.memory_space<hbm>>
      %dma_start3A_355 = tpu.memref_slice %dma_start3A_354[%multiple_of3A_341] : memref<1000001xf32, #tpu.memory_space<hbm>> -> memref<128xf32, #tpu.memory_space<hbm>>
      %dma_start3A_356 = tpu.memref_slice %arg6[%multiple_of3A_350] : memref<65536xf32, #tpu.memory_space<vmem>> -> memref<128xf32, #tpu.memory_space<vmem>>
      %dma_start3A_357 = arith.constant 0 : i32
      %dma_start3A_358 = tpu.memref_slice %arg3[%add3A, %dma_start3A_357] : memref<32x1000001xf32, #tpu.memory_space<hbm>> -> memref<1x1000001xf32, #tpu.memory_space<hbm>>
      %dma_start3A_359 = tpu.memref_squeeze %dma_start3A_358 : memref<1x1000001xf32, #tpu.memory_space<hbm>> -> memref<1000001xf32, #tpu.memory_space<hbm>>
      %dma_start3A_360 = tpu.memref_slice %dma_start3A_359[%multiple_of3A_341] : memref<1000001xf32, #tpu.memory_space<hbm>> -> memref<128xf32, #tpu.memory_space<hbm>>
      tpu.enqueue_dma source(%dma_start3A_360 : memref<128xf32, #tpu.memory_space<hbm>>) target(%dma_start3A_356 : memref<128xf32, #tpu.memory_space<vmem>>) target_semaphore(%arg8 : memref<!tpu.dma_semaphore, #tpu.memory_space<semaphore_mem>>)
      %slice3A_361 = vector.extract_strided_slice %and3A_34 {offsets = [15], sizes = [1], strides = [1]} : vector<16xi32> to vector<1xi32>
      %squeeze3A_362 = vector.extract %slice3A_361[0] : i32 from vector<1xi32>
      %multiple_of3A_363 = tpu.assume_multiple %squeeze3A_362, 128 : i32
      %mul3A_364 = arith.constant 16 : i32
      %mul3A_365 = arith.muli %scan3A_27, %mul3A_364 : i32
      %add3A_366 = arith.constant 15 : i32
      %add3A_367 = arith.addi %mul3A_365, %add3A_366 : i32
      %mul3A_368 = arith.constant 128 : i32
      %mul3A_369 = arith.muli %add3A_367, %mul3A_368 : i32
      %add3A_370 = arith.constant 0 : i32
      %add3A_371 = arith.addi %add3A_370, %mul3A_369 : i32
      %multiple_of3A_372 = tpu.assume_multiple %add3A_371, 128 : i32
      %dma_start3A_373 = tpu.memref_slice %arg6[%multiple_of3A_372] : memref<65536xf32, #tpu.memory_space<vmem>> -> memref<128xf32, #tpu.memory_space<vmem>>
      %dma_start3A_374 = arith.constant 0 : i32
      %dma_start3A_375 = tpu.memref_slice %arg3[%add3A, %dma_start3A_374] : memref<32x1000001xf32, #tpu.memory_space<hbm>> -> memref<1x1000001xf32, #tpu.memory_space<hbm>>
      %dma_start3A_376 = tpu.memref_squeeze %dma_start3A_375 : memref<1x1000001xf32, #tpu.memory_space<hbm>> -> memref<1000001xf32, #tpu.memory_space<hbm>>
      %dma_start3A_377 = tpu.memref_slice %dma_start3A_376[%multiple_of3A_363] : memref<1000001xf32, #tpu.memory_space<hbm>> -> memref<128xf32, #tpu.memory_space<hbm>>
      %dma_start3A_378 = tpu.memref_slice %arg6[%multiple_of3A_372] : memref<65536xf32, #tpu.memory_space<vmem>> -> memref<128xf32, #tpu.memory_space<vmem>>
      %dma_start3A_379 = arith.constant 0 : i32
      %dma_start3A_380 = tpu.memref_slice %arg3[%add3A, %dma_start3A_379] : memref<32x1000001xf32, #tpu.memory_space<hbm>> -> memref<1x1000001xf32, #tpu.memory_space<hbm>>
      %dma_start3A_381 = tpu.memref_squeeze %dma_start3A_380 : memref<1x1000001xf32, #tpu.memory_space<hbm>> -> memref<1000001xf32, #tpu.memory_space<hbm>>
      %dma_start3A_382 = tpu.memref_slice %dma_start3A_381[%multiple_of3A_363] : memref<1000001xf32, #tpu.memory_space<hbm>> -> memref<128xf32, #tpu.memory_space<hbm>>
      tpu.enqueue_dma source(%dma_start3A_382 : memref<128xf32, #tpu.memory_space<hbm>>) target(%dma_start3A_378 : memref<128xf32, #tpu.memory_space<vmem>>) target_semaphore(%arg8 : memref<!tpu.dma_semaphore, #tpu.memory_space<semaphore_mem>>)
    }
    %scan3A_8 = arith.constant 8 : i32
    %scan3A_9 = arith.constant 0 : i32
    %scan3A_10 = arith.constant 0 : i32
    %scan3A_11 = arith.constant 8 : i32
    %scan3A_12 = arith.addi %scan3A_10, %scan3A_11 : i32
    %scan3A_13 = arith.constant 1 : i32
    scf.for %scan3A_27 = %scan3A_10 to %scan3A_12 step %scan3A_13  : i32 {
      %mul3A_28 = arith.constant 16 : i32
      %mul3A_29 = arith.muli %scan3A_27, %mul3A_28 : i32
      %add3A_30 = arith.constant 128 : i32
      %add3A_31 = arith.addi %add3A_30, %mul3A_29 : i32
      %get3A = arith.index_cast %add3A_31 : i32 to index
      %get3A_32 = tpu.vector_load %arg5[%get3A] {strides = array<i32>} : memref<16384xi32, #tpu.memory_space<vmem>>, vector<16xi32>,
      %and3A = arith.constant -128 : i32
      %and3A_33 = vector.broadcast %and3A : i32 to vector<16xi32>
      %and3A_34 = arith.andi %get3A_32, %and3A_33 : vector<16xi32>
      %slice3A = vector.extract_strided_slice %and3A_34 {offsets = [0], sizes = [1], strides = [1]} : vector<16xi32> to vector<1xi32>
      %squeeze3A = vector.extract %slice3A[0] : i32 from vector<1xi32>
      %multiple_of3A = tpu.assume_multiple %squeeze3A, 128 : i32
      %mul3A_35 = arith.constant 16 : i32
      %mul3A_36 = arith.muli %scan3A_27, %mul3A_35 : i32
      %add3A_37 = arith.constant 0 : i32
      %add3A_38 = arith.addi %mul3A_36, %add3A_37 : i32
      %mul3A_39 = arith.constant 128 : i32
      %mul3A_40 = arith.muli %add3A_38, %mul3A_39 : i32
      %add3A_41 = arith.constant 16384 : i32
      %add3A_42 = arith.addi %add3A_41, %mul3A_40 : i32
      %multiple_of3A_43 = tpu.assume_multiple %add3A_42, 128 : i32
      %dma_start3A = tpu.memref_slice %arg6[%multiple_of3A_43] : memref<65536xf32, #tpu.memory_space<vmem>> -> memref<128xf32, #tpu.memory_space<vmem>>
      %dma_start3A_44 = arith.constant 0 : i32
      %dma_start3A_45 = tpu.memref_slice %arg3[%add3A, %dma_start3A_44] : memref<32x1000001xf32, #tpu.memory_space<hbm>> -> memref<1x1000001xf32, #tpu.memory_space<hbm>>
      %dma_start3A_46 = tpu.memref_squeeze %dma_start3A_45 : memref<1x1000001xf32, #tpu.memory_space<hbm>> -> memref<1000001xf32, #tpu.memory_space<hbm>>
      %dma_start3A_47 = tpu.memref_slice %dma_start3A_46[%multiple_of3A] : memref<1000001xf32, #tpu.memory_space<hbm>> -> memref<128xf32, #tpu.memory_space<hbm>>
      %dma_start3A_48 = tpu.memref_slice %arg6[%multiple_of3A_43] : memref<65536xf32, #tpu.memory_space<vmem>> -> memref<128xf32, #tpu.memory_space<vmem>>
      %dma_start3A_49 = arith.constant 0 : i32
      %dma_start3A_50 = tpu.memref_slice %arg3[%add3A, %dma_start3A_49] : memref<32x1000001xf32, #tpu.memory_space<hbm>> -> memref<1x1000001xf32, #tpu.memory_space<hbm>>
      %dma_start3A_51 = tpu.memref_squeeze %dma_start3A_50 : memref<1x1000001xf32, #tpu.memory_space<hbm>> -> memref<1000001xf32, #tpu.memory_space<hbm>>
      %dma_start3A_52 = tpu.memref_slice %dma_start3A_51[%multiple_of3A] : memref<1000001xf32, #tpu.memory_space<hbm>> -> memref<128xf32, #tpu.memory_space<hbm>>
      tpu.enqueue_dma source(%dma_start3A_52 : memref<128xf32, #tpu.memory_space<hbm>>) target(%dma_start3A_48 : memref<128xf32, #tpu.memory_space<vmem>>) target_semaphore(%arg9 : memref<!tpu.dma_semaphore, #tpu.memory_space<semaphore_mem>>)
      %slice3A_53 = vector.extract_strided_slice %and3A_34 {offsets = [1], sizes = [1], strides = [1]} : vector<16xi32> to vector<1xi32>
      %squeeze3A_54 = vector.extract %slice3A_53[0] : i32 from vector<1xi32>
      %multiple_of3A_55 = tpu.assume_multiple %squeeze3A_54, 128 : i32
      %mul3A_56 = arith.constant 16 : i32
      %mul3A_57 = arith.muli %scan3A_27, %mul3A_56 : i32
      %add3A_58 = arith.constant 1 : i32
      %add3A_59 = arith.addi %mul3A_57, %add3A_58 : i32
      %mul3A_60 = arith.constant 128 : i32
      %mul3A_61 = arith.muli %add3A_59, %mul3A_60 : i32
      %add3A_62 = arith.constant 16384 : i32
      %add3A_63 = arith.addi %add3A_62, %mul3A_61 : i32
      %multiple_of3A_64 = tpu.assume_multiple %add3A_63, 128 : i32
      %dma_start3A_65 = tpu.memref_slice %arg6[%multiple_of3A_64] : memref<65536xf32, #tpu.memory_space<vmem>> -> memref<128xf32, #tpu.memory_space<vmem>>
      %dma_start3A_66 = arith.constant 0 : i32
      %dma_start3A_67 = tpu.memref_slice %arg3[%add3A, %dma_start3A_66] : memref<32x1000001xf32, #tpu.memory_space<hbm>> -> memref<1x1000001xf32, #tpu.memory_space<hbm>>
      %dma_start3A_68 = tpu.memref_squeeze %dma_start3A_67 : memref<1x1000001xf32, #tpu.memory_space<hbm>> -> memref<1000001xf32, #tpu.memory_space<hbm>>
      %dma_start3A_69 = tpu.memref_slice %dma_start3A_68[%multiple_of3A_55] : memref<1000001xf32, #tpu.memory_space<hbm>> -> memref<128xf32, #tpu.memory_space<hbm>>
      %dma_start3A_70 = tpu.memref_slice %arg6[%multiple_of3A_64] : memref<65536xf32, #tpu.memory_space<vmem>> -> memref<128xf32, #tpu.memory_space<vmem>>
      %dma_start3A_71 = arith.constant 0 : i32
      %dma_start3A_72 = tpu.memref_slice %arg3[%add3A, %dma_start3A_71] : memref<32x1000001xf32, #tpu.memory_space<hbm>> -> memref<1x1000001xf32, #tpu.memory_space<hbm>>
      %dma_start3A_73 = tpu.memref_squeeze %dma_start3A_72 : memref<1x1000001xf32, #tpu.memory_space<hbm>> -> memref<1000001xf32, #tpu.memory_space<hbm>>
      %dma_start3A_74 = tpu.memref_slice %dma_start3A_73[%multiple_of3A_55] : memref<1000001xf32, #tpu.memory_space<hbm>> -> memref<128xf32, #tpu.memory_space<hbm>>
      tpu.enqueue_dma source(%dma_start3A_74 : memref<128xf32, #tpu.memory_space<hbm>>) target(%dma_start3A_70 : memref<128xf32, #tpu.memory_space<vmem>>) target_semaphore(%arg9 : memref<!tpu.dma_semaphore, #tpu.memory_space<semaphore_mem>>)
      %slice3A_75 = vector.extract_strided_slice %and3A_34 {offsets = [2], sizes = [1], strides = [1]} : vector<16xi32> to vector<1xi32>
      %squeeze3A_76 = vector.extract %slice3A_75[0] : i32 from vector<1xi32>
      %multiple_of3A_77 = tpu.assume_multiple %squeeze3A_76, 128 : i32
      %mul3A_78 = arith.constant 16 : i32
      %mul3A_79 = arith.muli %scan3A_27, %mul3A_78 : i32
      %add3A_80 = arith.constant 2 : i32
      %add3A_81 = arith.addi %mul3A_79, %add3A_80 : i32
      %mul3A_82 = arith.constant 128 : i32
      %mul3A_83 = arith.muli %add3A_81, %mul3A_82 : i32
      %add3A_84 = arith.constant 16384 : i32
      %add3A_85 = arith.addi %add3A_84, %mul3A_83 : i32
      %multiple_of3A_86 = tpu.assume_multiple %add3A_85, 128 : i32
      %dma_start3A_87 = tpu.memref_slice %arg6[%multiple_of3A_86] : memref<65536xf32, #tpu.memory_space<vmem>> -> memref<128xf32, #tpu.memory_space<vmem>>
      %dma_start3A_88 = arith.constant 0 : i32
      %dma_start3A_89 = tpu.memref_slice %arg3[%add3A, %dma_start3A_88] : memref<32x1000001xf32, #tpu.memory_space<hbm>> -> memref<1x1000001xf32, #tpu.memory_space<hbm>>
      %dma_start3A_90 = tpu.memref_squeeze %dma_start3A_89 : memref<1x1000001xf32, #tpu.memory_space<hbm>> -> memref<1000001xf32, #tpu.memory_space<hbm>>
      %dma_start3A_91 = tpu.memref_slice %dma_start3A_90[%multiple_of3A_77] : memref<1000001xf32, #tpu.memory_space<hbm>> -> memref<128xf32, #tpu.memory_space<hbm>>
      %dma_start3A_92 = tpu.memref_slice %arg6[%multiple_of3A_86] : memref<65536xf32, #tpu.memory_space<vmem>> -> memref<128xf32, #tpu.memory_space<vmem>>
      %dma_start3A_93 = arith.constant 0 : i32
      %dma_start3A_94 = tpu.memref_slice %arg3[%add3A, %dma_start3A_93] : memref<32x1000001xf32, #tpu.memory_space<hbm>> -> memref<1x1000001xf32, #tpu.memory_space<hbm>>
      %dma_start3A_95 = tpu.memref_squeeze %dma_start3A_94 : memref<1x1000001xf32, #tpu.memory_space<hbm>> -> memref<1000001xf32, #tpu.memory_space<hbm>>
      %dma_start3A_96 = tpu.memref_slice %dma_start3A_95[%multiple_of3A_77] : memref<1000001xf32, #tpu.memory_space<hbm>> -> memref<128xf32, #tpu.memory_space<hbm>>
      tpu.enqueue_dma source(%dma_start3A_96 : memref<128xf32, #tpu.memory_space<hbm>>) target(%dma_start3A_92 : memref<128xf32, #tpu.memory_space<vmem>>) target_semaphore(%arg9 : memref<!tpu.dma_semaphore, #tpu.memory_space<semaphore_mem>>)
      %slice3A_97 = vector.extract_strided_slice %and3A_34 {offsets = [3], sizes = [1], strides = [1]} : vector<16xi32> to vector<1xi32>
      %squeeze3A_98 = vector.extract %slice3A_97[0] : i32 from vector<1xi32>
      %multiple_of3A_99 = tpu.assume_multiple %squeeze3A_98, 128 : i32
      %mul3A_100 = arith.constant 16 : i32
      %mul3A_101 = arith.muli %scan3A_27, %mul3A_100 : i32
      %add3A_102 = arith.constant 3 : i32
      %add3A_103 = arith.addi %mul3A_101, %add3A_102 : i32
      %mul3A_104 = arith.constant 128 : i32
      %mul3A_105 = arith.muli %add3A_103, %mul3A_104 : i32
      %add3A_106 = arith.constant 16384 : i32
      %add3A_107 = arith.addi %add3A_106, %mul3A_105 : i32
      %multiple_of3A_108 = tpu.assume_multiple %add3A_107, 128 : i32
      %dma_start3A_109 = tpu.memref_slice %arg6[%multiple_of3A_108] : memref<65536xf32, #tpu.memory_space<vmem>> -> memref<128xf32, #tpu.memory_space<vmem>>
      %dma_start3A_110 = arith.constant 0 : i32
      %dma_start3A_111 = tpu.memref_slice %arg3[%add3A, %dma_start3A_110] : memref<32x1000001xf32, #tpu.memory_space<hbm>> -> memref<1x1000001xf32, #tpu.memory_space<hbm>>
      %dma_start3A_112 = tpu.memref_squeeze %dma_start3A_111 : memref<1x1000001xf32, #tpu.memory_space<hbm>> -> memref<1000001xf32, #tpu.memory_space<hbm>>
      %dma_start3A_113 = tpu.memref_slice %dma_start3A_112[%multiple_of3A_99] : memref<1000001xf32, #tpu.memory_space<hbm>> -> memref<128xf32, #tpu.memory_space<hbm>>
      %dma_start3A_114 = tpu.memref_slice %arg6[%multiple_of3A_108] : memref<65536xf32, #tpu.memory_space<vmem>> -> memref<128xf32, #tpu.memory_space<vmem>>
      %dma_start3A_115 = arith.constant 0 : i32
      %dma_start3A_116 = tpu.memref_slice %arg3[%add3A, %dma_start3A_115] : memref<32x1000001xf32, #tpu.memory_space<hbm>> -> memref<1x1000001xf32, #tpu.memory_space<hbm>>
      %dma_start3A_117 = tpu.memref_squeeze %dma_start3A_116 : memref<1x1000001xf32, #tpu.memory_space<hbm>> -> memref<1000001xf32, #tpu.memory_space<hbm>>
      %dma_start3A_118 = tpu.memref_slice %dma_start3A_117[%multiple_of3A_99] : memref<1000001xf32, #tpu.memory_space<hbm>> -> memref<128xf32, #tpu.memory_space<hbm>>
      tpu.enqueue_dma source(%dma_start3A_118 : memref<128xf32, #tpu.memory_space<hbm>>) target(%dma_start3A_114 : memref<128xf32, #tpu.memory_space<vmem>>) target_semaphore(%arg9 : memref<!tpu.dma_semaphore, #tpu.memory_space<semaphore_mem>>)
      %slice3A_119 = vector.extract_strided_slice %and3A_34 {offsets = [4], sizes = [1], strides = [1]} : vector<16xi32> to vector<1xi32>
      %squeeze3A_120 = vector.extract %slice3A_119[0] : i32 from vector<1xi32>
      %multiple_of3A_121 = tpu.assume_multiple %squeeze3A_120, 128 : i32
      %mul3A_122 = arith.constant 16 : i32
      %mul3A_123 = arith.muli %scan3A_27, %mul3A_122 : i32
      %add3A_124 = arith.constant 4 : i32
      %add3A_125 = arith.addi %mul3A_123, %add3A_124 : i32
      %mul3A_126 = arith.constant 128 : i32
      %mul3A_127 = arith.muli %add3A_125, %mul3A_126 : i32
      %add3A_128 = arith.constant 16384 : i32
      %add3A_129 = arith.addi %add3A_128, %mul3A_127 : i32
      %multiple_of3A_130 = tpu.assume_multiple %add3A_129, 128 : i32
      %dma_start3A_131 = tpu.memref_slice %arg6[%multiple_of3A_130] : memref<65536xf32, #tpu.memory_space<vmem>> -> memref<128xf32, #tpu.memory_space<vmem>>
      %dma_start3A_132 = arith.constant 0 : i32
      %dma_start3A_133 = tpu.memref_slice %arg3[%add3A, %dma_start3A_132] : memref<32x1000001xf32, #tpu.memory_space<hbm>> -> memref<1x1000001xf32, #tpu.memory_space<hbm>>
      %dma_start3A_134 = tpu.memref_squeeze %dma_start3A_133 : memref<1x1000001xf32, #tpu.memory_space<hbm>> -> memref<1000001xf32, #tpu.memory_space<hbm>>
      %dma_start3A_135 = tpu.memref_slice %dma_start3A_134[%multiple_of3A_121] : memref<1000001xf32, #tpu.memory_space<hbm>> -> memref<128xf32, #tpu.memory_space<hbm>>
      %dma_start3A_136 = tpu.memref_slice %arg6[%multiple_of3A_130] : memref<65536xf32, #tpu.memory_space<vmem>> -> memref<128xf32, #tpu.memory_space<vmem>>
      %dma_start3A_137 = arith.constant 0 : i32
      %dma_start3A_138 = tpu.memref_slice %arg3[%add3A, %dma_start3A_137] : memref<32x1000001xf32, #tpu.memory_space<hbm>> -> memref<1x1000001xf32, #tpu.memory_space<hbm>>
      %dma_start3A_139 = tpu.memref_squeeze %dma_start3A_138 : memref<1x1000001xf32, #tpu.memory_space<hbm>> -> memref<1000001xf32, #tpu.memory_space<hbm>>
      %dma_start3A_140 = tpu.memref_slice %dma_start3A_139[%multiple_of3A_121] : memref<1000001xf32, #tpu.memory_space<hbm>> -> memref<128xf32, #tpu.memory_space<hbm>>
      tpu.enqueue_dma source(%dma_start3A_140 : memref<128xf32, #tpu.memory_space<hbm>>) target(%dma_start3A_136 : memref<128xf32, #tpu.memory_space<vmem>>) target_semaphore(%arg9 : memref<!tpu.dma_semaphore, #tpu.memory_space<semaphore_mem>>)
      %slice3A_141 = vector.extract_strided_slice %and3A_34 {offsets = [5], sizes = [1], strides = [1]} : vector<16xi32> to vector<1xi32>
      %squeeze3A_142 = vector.extract %slice3A_141[0] : i32 from vector<1xi32>
      %multiple_of3A_143 = tpu.assume_multiple %squeeze3A_142, 128 : i32
      %mul3A_144 = arith.constant 16 : i32
      %mul3A_145 = arith.muli %scan3A_27, %mul3A_144 : i32
      %add3A_146 = arith.constant 5 : i32
      %add3A_147 = arith.addi %mul3A_145, %add3A_146 : i32
      %mul3A_148 = arith.constant 128 : i32
      %mul3A_149 = arith.muli %add3A_147, %mul3A_148 : i32
      %add3A_150 = arith.constant 16384 : i32
      %add3A_151 = arith.addi %add3A_150, %mul3A_149 : i32
      %multiple_of3A_152 = tpu.assume_multiple %add3A_151, 128 : i32
      %dma_start3A_153 = tpu.memref_slice %arg6[%multiple_of3A_152] : memref<65536xf32, #tpu.memory_space<vmem>> -> memref<128xf32, #tpu.memory_space<vmem>>
      %dma_start3A_154 = arith.constant 0 : i32
      %dma_start3A_155 = tpu.memref_slice %arg3[%add3A, %dma_start3A_154] : memref<32x1000001xf32, #tpu.memory_space<hbm>> -> memref<1x1000001xf32, #tpu.memory_space<hbm>>
      %dma_start3A_156 = tpu.memref_squeeze %dma_start3A_155 : memref<1x1000001xf32, #tpu.memory_space<hbm>> -> memref<1000001xf32, #tpu.memory_space<hbm>>
      %dma_start3A_157 = tpu.memref_slice %dma_start3A_156[%multiple_of3A_143] : memref<1000001xf32, #tpu.memory_space<hbm>> -> memref<128xf32, #tpu.memory_space<hbm>>
      %dma_start3A_158 = tpu.memref_slice %arg6[%multiple_of3A_152] : memref<65536xf32, #tpu.memory_space<vmem>> -> memref<128xf32, #tpu.memory_space<vmem>>
      %dma_start3A_159 = arith.constant 0 : i32
      %dma_start3A_160 = tpu.memref_slice %arg3[%add3A, %dma_start3A_159] : memref<32x1000001xf32, #tpu.memory_space<hbm>> -> memref<1x1000001xf32, #tpu.memory_space<hbm>>
      %dma_start3A_161 = tpu.memref_squeeze %dma_start3A_160 : memref<1x1000001xf32, #tpu.memory_space<hbm>> -> memref<1000001xf32, #tpu.memory_space<hbm>>
      %dma_start3A_162 = tpu.memref_slice %dma_start3A_161[%multiple_of3A_143] : memref<1000001xf32, #tpu.memory_space<hbm>> -> memref<128xf32, #tpu.memory_space<hbm>>
      tpu.enqueue_dma source(%dma_start3A_162 : memref<128xf32, #tpu.memory_space<hbm>>) target(%dma_start3A_158 : memref<128xf32, #tpu.memory_space<vmem>>) target_semaphore(%arg9 : memref<!tpu.dma_semaphore, #tpu.memory_space<semaphore_mem>>)
      %slice3A_163 = vector.extract_strided_slice %and3A_34 {offsets = [6], sizes = [1], strides = [1]} : vector<16xi32> to vector<1xi32>
      %squeeze3A_164 = vector.extract %slice3A_163[0] : i32 from vector<1xi32>
      %multiple_of3A_165 = tpu.assume_multiple %squeeze3A_164, 128 : i32
      %mul3A_166 = arith.constant 16 : i32
      %mul3A_167 = arith.muli %scan3A_27, %mul3A_166 : i32
      %add3A_168 = arith.constant 6 : i32
      %add3A_169 = arith.addi %mul3A_167, %add3A_168 : i32
      %mul3A_170 = arith.constant 128 : i32
      %mul3A_171 = arith.muli %add3A_169, %mul3A_170 : i32
      %add3A_172 = arith.constant 16384 : i32
      %add3A_173 = arith.addi %add3A_172, %mul3A_171 : i32
      %multiple_of3A_174 = tpu.assume_multiple %add3A_173, 128 : i32
      %dma_start3A_175 = tpu.memref_slice %arg6[%multiple_of3A_174] : memref<65536xf32, #tpu.memory_space<vmem>> -> memref<128xf32, #tpu.memory_space<vmem>>
      %dma_start3A_176 = arith.constant 0 : i32
      %dma_start3A_177 = tpu.memref_slice %arg3[%add3A, %dma_start3A_176] : memref<32x1000001xf32, #tpu.memory_space<hbm>> -> memref<1x1000001xf32, #tpu.memory_space<hbm>>
      %dma_start3A_178 = tpu.memref_squeeze %dma_start3A_177 : memref<1x1000001xf32, #tpu.memory_space<hbm>> -> memref<1000001xf32, #tpu.memory_space<hbm>>
      %dma_start3A_179 = tpu.memref_slice %dma_start3A_178[%multiple_of3A_165] : memref<1000001xf32, #tpu.memory_space<hbm>> -> memref<128xf32, #tpu.memory_space<hbm>>
      %dma_start3A_180 = tpu.memref_slice %arg6[%multiple_of3A_174] : memref<65536xf32, #tpu.memory_space<vmem>> -> memref<128xf32, #tpu.memory_space<vmem>>
      %dma_start3A_181 = arith.constant 0 : i32
      %dma_start3A_182 = tpu.memref_slice %arg3[%add3A, %dma_start3A_181] : memref<32x1000001xf32, #tpu.memory_space<hbm>> -> memref<1x1000001xf32, #tpu.memory_space<hbm>>
      %dma_start3A_183 = tpu.memref_squeeze %dma_start3A_182 : memref<1x1000001xf32, #tpu.memory_space<hbm>> -> memref<1000001xf32, #tpu.memory_space<hbm>>
      %dma_start3A_184 = tpu.memref_slice %dma_start3A_183[%multiple_of3A_165] : memref<1000001xf32, #tpu.memory_space<hbm>> -> memref<128xf32, #tpu.memory_space<hbm>>
      tpu.enqueue_dma source(%dma_start3A_184 : memref<128xf32, #tpu.memory_space<hbm>>) target(%dma_start3A_180 : memref<128xf32, #tpu.memory_space<vmem>>) target_semaphore(%arg9 : memref<!tpu.dma_semaphore, #tpu.memory_space<semaphore_mem>>)
      %slice3A_185 = vector.extract_strided_slice %and3A_34 {offsets = [7], sizes = [1], strides = [1]} : vector<16xi32> to vector<1xi32>
      %squeeze3A_186 = vector.extract %slice3A_185[0] : i32 from vector<1xi32>
      %multiple_of3A_187 = tpu.assume_multiple %squeeze3A_186, 128 : i32
      %mul3A_188 = arith.constant 16 : i32
      %mul3A_189 = arith.muli %scan3A_27, %mul3A_188 : i32
      %add3A_190 = arith.constant 7 : i32
      %add3A_191 = arith.addi %mul3A_189, %add3A_190 : i32
      %mul3A_192 = arith.constant 128 : i32
      %mul3A_193 = arith.muli %add3A_191, %mul3A_192 : i32
      %add3A_194 = arith.constant 16384 : i32
      %add3A_195 = arith.addi %add3A_194, %mul3A_193 : i32
      %multiple_of3A_196 = tpu.assume_multiple %add3A_195, 128 : i32
      %dma_start3A_197 = tpu.memref_slice %arg6[%multiple_of3A_196] : memref<65536xf32, #tpu.memory_space<vmem>> -> memref<128xf32, #tpu.memory_space<vmem>>
      %dma_start3A_198 = arith.constant 0 : i32
      %dma_start3A_199 = tpu.memref_slice %arg3[%add3A, %dma_start3A_198] : memref<32x1000001xf32, #tpu.memory_space<hbm>> -> memref<1x1000001xf32, #tpu.memory_space<hbm>>
      %dma_start3A_200 = tpu.memref_squeeze %dma_start3A_199 : memref<1x1000001xf32, #tpu.memory_space<hbm>> -> memref<1000001xf32, #tpu.memory_space<hbm>>
      %dma_start3A_201 = tpu.memref_slice %dma_start3A_200[%multiple_of3A_187] : memref<1000001xf32, #tpu.memory_space<hbm>> -> memref<128xf32, #tpu.memory_space<hbm>>
      %dma_start3A_202 = tpu.memref_slice %arg6[%multiple_of3A_196] : memref<65536xf32, #tpu.memory_space<vmem>> -> memref<128xf32, #tpu.memory_space<vmem>>
      %dma_start3A_203 = arith.constant 0 : i32
      %dma_start3A_204 = tpu.memref_slice %arg3[%add3A, %dma_start3A_203] : memref<32x1000001xf32, #tpu.memory_space<hbm>> -> memref<1x1000001xf32, #tpu.memory_space<hbm>>
      %dma_start3A_205 = tpu.memref_squeeze %dma_start3A_204 : memref<1x1000001xf32, #tpu.memory_space<hbm>> -> memref<1000001xf32, #tpu.memory_space<hbm>>
      %dma_start3A_206 = tpu.memref_slice %dma_start3A_205[%multiple_of3A_187] : memref<1000001xf32, #tpu.memory_space<hbm>> -> memref<128xf32, #tpu.memory_space<hbm>>
      tpu.enqueue_dma source(%dma_start3A_206 : memref<128xf32, #tpu.memory_space<hbm>>) target(%dma_start3A_202 : memref<128xf32, #tpu.memory_space<vmem>>) target_semaphore(%arg9 : memref<!tpu.dma_semaphore, #tpu.memory_space<semaphore_mem>>)
      %slice3A_207 = vector.extract_strided_slice %and3A_34 {offsets = [8], sizes = [1], strides = [1]} : vector<16xi32> to vector<1xi32>
      %squeeze3A_208 = vector.extract %slice3A_207[0] : i32 from vector<1xi32>
      %multiple_of3A_209 = tpu.assume_multiple %squeeze3A_208, 128 : i32
      %mul3A_210 = arith.constant 16 : i32
      %mul3A_211 = arith.muli %scan3A_27, %mul3A_210 : i32
      %add3A_212 = arith.constant 8 : i32
      %add3A_213 = arith.addi %mul3A_211, %add3A_212 : i32
      %mul3A_214 = arith.constant 128 : i32
      %mul3A_215 = arith.muli %add3A_213, %mul3A_214 : i32
      %add3A_216 = arith.constant 16384 : i32
      %add3A_217 = arith.addi %add3A_216, %mul3A_215 : i32
      %multiple_of3A_218 = tpu.assume_multiple %add3A_217, 128 : i32
      %dma_start3A_219 = tpu.memref_slice %arg6[%multiple_of3A_218] : memref<65536xf32, #tpu.memory_space<vmem>> -> memref<128xf32, #tpu.memory_space<vmem>>
      %dma_start3A_220 = arith.constant 0 : i32
      %dma_start3A_221 = tpu.memref_slice %arg3[%add3A, %dma_start3A_220] : memref<32x1000001xf32, #tpu.memory_space<hbm>> -> memref<1x1000001xf32, #tpu.memory_space<hbm>>
      %dma_start3A_222 = tpu.memref_squeeze %dma_start3A_221 : memref<1x1000001xf32, #tpu.memory_space<hbm>> -> memref<1000001xf32, #tpu.memory_space<hbm>>
      %dma_start3A_223 = tpu.memref_slice %dma_start3A_222[%multiple_of3A_209] : memref<1000001xf32, #tpu.memory_space<hbm>> -> memref<128xf32, #tpu.memory_space<hbm>>
      %dma_start3A_224 = tpu.memref_slice %arg6[%multiple_of3A_218] : memref<65536xf32, #tpu.memory_space<vmem>> -> memref<128xf32, #tpu.memory_space<vmem>>
      %dma_start3A_225 = arith.constant 0 : i32
      %dma_start3A_226 = tpu.memref_slice %arg3[%add3A, %dma_start3A_225] : memref<32x1000001xf32, #tpu.memory_space<hbm>> -> memref<1x1000001xf32, #tpu.memory_space<hbm>>
      %dma_start3A_227 = tpu.memref_squeeze %dma_start3A_226 : memref<1x1000001xf32, #tpu.memory_space<hbm>> -> memref<1000001xf32, #tpu.memory_space<hbm>>
      %dma_start3A_228 = tpu.memref_slice %dma_start3A_227[%multiple_of3A_209] : memref<1000001xf32, #tpu.memory_space<hbm>> -> memref<128xf32, #tpu.memory_space<hbm>>
      tpu.enqueue_dma source(%dma_start3A_228 : memref<128xf32, #tpu.memory_space<hbm>>) target(%dma_start3A_224 : memref<128xf32, #tpu.memory_space<vmem>>) target_semaphore(%arg9 : memref<!tpu.dma_semaphore, #tpu.memory_space<semaphore_mem>>)
      %slice3A_229 = vector.extract_strided_slice %and3A_34 {offsets = [9], sizes = [1], strides = [1]} : vector<16xi32> to vector<1xi32>
      %squeeze3A_230 = vector.extract %slice3A_229[0] : i32 from vector<1xi32>
      %multiple_of3A_231 = tpu.assume_multiple %squeeze3A_230, 128 : i32
      %mul3A_232 = arith.constant 16 : i32
      %mul3A_233 = arith.muli %scan3A_27, %mul3A_232 : i32
      %add3A_234 = arith.constant 9 : i32
      %add3A_235 = arith.addi %mul3A_233, %add3A_234 : i32
      %mul3A_236 = arith.constant 128 : i32
      %mul3A_237 = arith.muli %add3A_235, %mul3A_236 : i32
      %add3A_238 = arith.constant 16384 : i32
      %add3A_239 = arith.addi %add3A_238, %mul3A_237 : i32
      %multiple_of3A_240 = tpu.assume_multiple %add3A_239, 128 : i32
      %dma_start3A_241 = tpu.memref_slice %arg6[%multiple_of3A_240] : memref<65536xf32, #tpu.memory_space<vmem>> -> memref<128xf32, #tpu.memory_space<vmem>>
      %dma_start3A_242 = arith.constant 0 : i32
      %dma_start3A_243 = tpu.memref_slice %arg3[%add3A, %dma_start3A_242] : memref<32x1000001xf32, #tpu.memory_space<hbm>> -> memref<1x1000001xf32, #tpu.memory_space<hbm>>
      %dma_start3A_244 = tpu.memref_squeeze %dma_start3A_243 : memref<1x1000001xf32, #tpu.memory_space<hbm>> -> memref<1000001xf32, #tpu.memory_space<hbm>>
      %dma_start3A_245 = tpu.memref_slice %dma_start3A_244[%multiple_of3A_231] : memref<1000001xf32, #tpu.memory_space<hbm>> -> memref<128xf32, #tpu.memory_space<hbm>>
      %dma_start3A_246 = tpu.memref_slice %arg6[%multiple_of3A_240] : memref<65536xf32, #tpu.memory_space<vmem>> -> memref<128xf32, #tpu.memory_space<vmem>>
      %dma_start3A_247 = arith.constant 0 : i32
      %dma_start3A_248 = tpu.memref_slice %arg3[%add3A, %dma_start3A_247] : memref<32x1000001xf32, #tpu.memory_space<hbm>> -> memref<1x1000001xf32, #tpu.memory_space<hbm>>
      %dma_start3A_249 = tpu.memref_squeeze %dma_start3A_248 : memref<1x1000001xf32, #tpu.memory_space<hbm>> -> memref<1000001xf32, #tpu.memory_space<hbm>>
      %dma_start3A_250 = tpu.memref_slice %dma_start3A_249[%multiple_of3A_231] : memref<1000001xf32, #tpu.memory_space<hbm>> -> memref<128xf32, #tpu.memory_space<hbm>>
      tpu.enqueue_dma source(%dma_start3A_250 : memref<128xf32, #tpu.memory_space<hbm>>) target(%dma_start3A_246 : memref<128xf32, #tpu.memory_space<vmem>>) target_semaphore(%arg9 : memref<!tpu.dma_semaphore, #tpu.memory_space<semaphore_mem>>)
      %slice3A_251 = vector.extract_strided_slice %and3A_34 {offsets = [10], sizes = [1], strides = [1]} : vector<16xi32> to vector<1xi32>
      %squeeze3A_252 = vector.extract %slice3A_251[0] : i32 from vector<1xi32>
      %multiple_of3A_253 = tpu.assume_multiple %squeeze3A_252, 128 : i32
      %mul3A_254 = arith.constant 16 : i32
      %mul3A_255 = arith.muli %scan3A_27, %mul3A_254 : i32
      %add3A_256 = arith.constant 10 : i32
      %add3A_257 = arith.addi %mul3A_255, %add3A_256 : i32
      %mul3A_258 = arith.constant 128 : i32
      %mul3A_259 = arith.muli %add3A_257, %mul3A_258 : i32
      %add3A_260 = arith.constant 16384 : i32
      %add3A_261 = arith.addi %add3A_260, %mul3A_259 : i32
      %multiple_of3A_262 = tpu.assume_multiple %add3A_261, 128 : i32
      %dma_start3A_263 = tpu.memref_slice %arg6[%multiple_of3A_262] : memref<65536xf32, #tpu.memory_space<vmem>> -> memref<128xf32, #tpu.memory_space<vmem>>
      %dma_start3A_264 = arith.constant 0 : i32
      %dma_start3A_265 = tpu.memref_slice %arg3[%add3A, %dma_start3A_264] : memref<32x1000001xf32, #tpu.memory_space<hbm>> -> memref<1x1000001xf32, #tpu.memory_space<hbm>>
      %dma_start3A_266 = tpu.memref_squeeze %dma_start3A_265 : memref<1x1000001xf32, #tpu.memory_space<hbm>> -> memref<1000001xf32, #tpu.memory_space<hbm>>
      %dma_start3A_267 = tpu.memref_slice %dma_start3A_266[%multiple_of3A_253] : memref<1000001xf32, #tpu.memory_space<hbm>> -> memref<128xf32, #tpu.memory_space<hbm>>
      %dma_start3A_268 = tpu.memref_slice %arg6[%multiple_of3A_262] : memref<65536xf32, #tpu.memory_space<vmem>> -> memref<128xf32, #tpu.memory_space<vmem>>
      %dma_start3A_269 = arith.constant 0 : i32
      %dma_start3A_270 = tpu.memref_slice %arg3[%add3A, %dma_start3A_269] : memref<32x1000001xf32, #tpu.memory_space<hbm>> -> memref<1x1000001xf32, #tpu.memory_space<hbm>>
      %dma_start3A_271 = tpu.memref_squeeze %dma_start3A_270 : memref<1x1000001xf32, #tpu.memory_space<hbm>> -> memref<1000001xf32, #tpu.memory_space<hbm>>
      %dma_start3A_272 = tpu.memref_slice %dma_start3A_271[%multiple_of3A_253] : memref<1000001xf32, #tpu.memory_space<hbm>> -> memref<128xf32, #tpu.memory_space<hbm>>
      tpu.enqueue_dma source(%dma_start3A_272 : memref<128xf32, #tpu.memory_space<hbm>>) target(%dma_start3A_268 : memref<128xf32, #tpu.memory_space<vmem>>) target_semaphore(%arg9 : memref<!tpu.dma_semaphore, #tpu.memory_space<semaphore_mem>>)
      %slice3A_273 = vector.extract_strided_slice %and3A_34 {offsets = [11], sizes = [1], strides = [1]} : vector<16xi32> to vector<1xi32>
      %squeeze3A_274 = vector.extract %slice3A_273[0] : i32 from vector<1xi32>
      %multiple_of3A_275 = tpu.assume_multiple %squeeze3A_274, 128 : i32
      %mul3A_276 = arith.constant 16 : i32
      %mul3A_277 = arith.muli %scan3A_27, %mul3A_276 : i32
      %add3A_278 = arith.constant 11 : i32
      %add3A_279 = arith.addi %mul3A_277, %add3A_278 : i32
      %mul3A_280 = arith.constant 128 : i32
      %mul3A_281 = arith.muli %add3A_279, %mul3A_280 : i32
      %add3A_282 = arith.constant 16384 : i32
      %add3A_283 = arith.addi %add3A_282, %mul3A_281 : i32
      %multiple_of3A_284 = tpu.assume_multiple %add3A_283, 128 : i32
      %dma_start3A_285 = tpu.memref_slice %arg6[%multiple_of3A_284] : memref<65536xf32, #tpu.memory_space<vmem>> -> memref<128xf32, #tpu.memory_space<vmem>>
      %dma_start3A_286 = arith.constant 0 : i32
      %dma_start3A_287 = tpu.memref_slice %arg3[%add3A, %dma_start3A_286] : memref<32x1000001xf32, #tpu.memory_space<hbm>> -> memref<1x1000001xf32, #tpu.memory_space<hbm>>
      %dma_start3A_288 = tpu.memref_squeeze %dma_start3A_287 : memref<1x1000001xf32, #tpu.memory_space<hbm>> -> memref<1000001xf32, #tpu.memory_space<hbm>>
      %dma_start3A_289 = tpu.memref_slice %dma_start3A_288[%multiple_of3A_275] : memref<1000001xf32, #tpu.memory_space<hbm>> -> memref<128xf32, #tpu.memory_space<hbm>>
      %dma_start3A_290 = tpu.memref_slice %arg6[%multiple_of3A_284] : memref<65536xf32, #tpu.memory_space<vmem>> -> memref<128xf32, #tpu.memory_space<vmem>>
      %dma_start3A_291 = arith.constant 0 : i32
      %dma_start3A_292 = tpu.memref_slice %arg3[%add3A, %dma_start3A_291] : memref<32x1000001xf32, #tpu.memory_space<hbm>> -> memref<1x1000001xf32, #tpu.memory_space<hbm>>
      %dma_start3A_293 = tpu.memref_squeeze %dma_start3A_292 : memref<1x1000001xf32, #tpu.memory_space<hbm>> -> memref<1000001xf32, #tpu.memory_space<hbm>>
      %dma_start3A_294 = tpu.memref_slice %dma_start3A_293[%multiple_of3A_275] : memref<1000001xf32, #tpu.memory_space<hbm>> -> memref<128xf32, #tpu.memory_space<hbm>>
      tpu.enqueue_dma source(%dma_start3A_294 : memref<128xf32, #tpu.memory_space<hbm>>) target(%dma_start3A_290 : memref<128xf32, #tpu.memory_space<vmem>>) target_semaphore(%arg9 : memref<!tpu.dma_semaphore, #tpu.memory_space<semaphore_mem>>)
      %slice3A_295 = vector.extract_strided_slice %and3A_34 {offsets = [12], sizes = [1], strides = [1]} : vector<16xi32> to vector<1xi32>
      %squeeze3A_296 = vector.extract %slice3A_295[0] : i32 from vector<1xi32>
      %multiple_of3A_297 = tpu.assume_multiple %squeeze3A_296, 128 : i32
      %mul3A_298 = arith.constant 16 : i32
      %mul3A_299 = arith.muli %scan3A_27, %mul3A_298 : i32
      %add3A_300 = arith.constant 12 : i32
      %add3A_301 = arith.addi %mul3A_299, %add3A_300 : i32
      %mul3A_302 = arith.constant 128 : i32
      %mul3A_303 = arith.muli %add3A_301, %mul3A_302 : i32
      %add3A_304 = arith.constant 16384 : i32
      %add3A_305 = arith.addi %add3A_304, %mul3A_303 : i32
      %multiple_of3A_306 = tpu.assume_multiple %add3A_305, 128 : i32
      %dma_start3A_307 = tpu.memref_slice %arg6[%multiple_of3A_306] : memref<65536xf32, #tpu.memory_space<vmem>> -> memref<128xf32, #tpu.memory_space<vmem>>
      %dma_start3A_308 = arith.constant 0 : i32
      %dma_start3A_309 = tpu.memref_slice %arg3[%add3A, %dma_start3A_308] : memref<32x1000001xf32, #tpu.memory_space<hbm>> -> memref<1x1000001xf32, #tpu.memory_space<hbm>>
      %dma_start3A_310 = tpu.memref_squeeze %dma_start3A_309 : memref<1x1000001xf32, #tpu.memory_space<hbm>> -> memref<1000001xf32, #tpu.memory_space<hbm>>
      %dma_start3A_311 = tpu.memref_slice %dma_start3A_310[%multiple_of3A_297] : memref<1000001xf32, #tpu.memory_space<hbm>> -> memref<128xf32, #tpu.memory_space<hbm>>
      %dma_start3A_312 = tpu.memref_slice %arg6[%multiple_of3A_306] : memref<65536xf32, #tpu.memory_space<vmem>> -> memref<128xf32, #tpu.memory_space<vmem>>
      %dma_start3A_313 = arith.constant 0 : i32
      %dma_start3A_314 = tpu.memref_slice %arg3[%add3A, %dma_start3A_313] : memref<32x1000001xf32, #tpu.memory_space<hbm>> -> memref<1x1000001xf32, #tpu.memory_space<hbm>>
      %dma_start3A_315 = tpu.memref_squeeze %dma_start3A_314 : memref<1x1000001xf32, #tpu.memory_space<hbm>> -> memref<1000001xf32, #tpu.memory_space<hbm>>
      %dma_start3A_316 = tpu.memref_slice %dma_start3A_315[%multiple_of3A_297] : memref<1000001xf32, #tpu.memory_space<hbm>> -> memref<128xf32, #tpu.memory_space<hbm>>
      tpu.enqueue_dma source(%dma_start3A_316 : memref<128xf32, #tpu.memory_space<hbm>>) target(%dma_start3A_312 : memref<128xf32, #tpu.memory_space<vmem>>) target_semaphore(%arg9 : memref<!tpu.dma_semaphore, #tpu.memory_space<semaphore_mem>>)
      %slice3A_317 = vector.extract_strided_slice %and3A_34 {offsets = [13], sizes = [1], strides = [1]} : vector<16xi32> to vector<1xi32>
      %squeeze3A_318 = vector.extract %slice3A_317[0] : i32 from vector<1xi32>
      %multiple_of3A_319 = tpu.assume_multiple %squeeze3A_318, 128 : i32
      %mul3A_320 = arith.constant 16 : i32
      %mul3A_321 = arith.muli %scan3A_27, %mul3A_320 : i32
      %add3A_322 = arith.constant 13 : i32
      %add3A_323 = arith.addi %mul3A_321, %add3A_322 : i32
      %mul3A_324 = arith.constant 128 : i32
      %mul3A_325 = arith.muli %add3A_323, %mul3A_324 : i32
      %add3A_326 = arith.constant 16384 : i32
      %add3A_327 = arith.addi %add3A_326, %mul3A_325 : i32
      %multiple_of3A_328 = tpu.assume_multiple %add3A_327, 128 : i32
      %dma_start3A_329 = tpu.memref_slice %arg6[%multiple_of3A_328] : memref<65536xf32, #tpu.memory_space<vmem>> -> memref<128xf32, #tpu.memory_space<vmem>>
      %dma_start3A_330 = arith.constant 0 : i32
      %dma_start3A_331 = tpu.memref_slice %arg3[%add3A, %dma_start3A_330] : memref<32x1000001xf32, #tpu.memory_space<hbm>> -> memref<1x1000001xf32, #tpu.memory_space<hbm>>
      %dma_start3A_332 = tpu.memref_squeeze %dma_start3A_331 : memref<1x1000001xf32, #tpu.memory_space<hbm>> -> memref<1000001xf32, #tpu.memory_space<hbm>>
      %dma_start3A_333 = tpu.memref_slice %dma_start3A_332[%multiple_of3A_319] : memref<1000001xf32, #tpu.memory_space<hbm>> -> memref<128xf32, #tpu.memory_space<hbm>>
      %dma_start3A_334 = tpu.memref_slice %arg6[%multiple_of3A_328] : memref<65536xf32, #tpu.memory_space<vmem>> -> memref<128xf32, #tpu.memory_space<vmem>>
      %dma_start3A_335 = arith.constant 0 : i32
      %dma_start3A_336 = tpu.memref_slice %arg3[%add3A, %dma_start3A_335] : memref<32x1000001xf32, #tpu.memory_space<hbm>> -> memref<1x1000001xf32, #tpu.memory_space<hbm>>
      %dma_start3A_337 = tpu.memref_squeeze %dma_start3A_336 : memref<1x1000001xf32, #tpu.memory_space<hbm>> -> memref<1000001xf32, #tpu.memory_space<hbm>>
      %dma_start3A_338 = tpu.memref_slice %dma_start3A_337[%multiple_of3A_319] : memref<1000001xf32, #tpu.memory_space<hbm>> -> memref<128xf32, #tpu.memory_space<hbm>>
      tpu.enqueue_dma source(%dma_start3A_338 : memref<128xf32, #tpu.memory_space<hbm>>) target(%dma_start3A_334 : memref<128xf32, #tpu.memory_space<vmem>>) target_semaphore(%arg9 : memref<!tpu.dma_semaphore, #tpu.memory_space<semaphore_mem>>)
      %slice3A_339 = vector.extract_strided_slice %and3A_34 {offsets = [14], sizes = [1], strides = [1]} : vector<16xi32> to vector<1xi32>
      %squeeze3A_340 = vector.extract %slice3A_339[0] : i32 from vector<1xi32>
      %multiple_of3A_341 = tpu.assume_multiple %squeeze3A_340, 128 : i32
      %mul3A_342 = arith.constant 16 : i32
      %mul3A_343 = arith.muli %scan3A_27, %mul3A_342 : i32
      %add3A_344 = arith.constant 14 : i32
      %add3A_345 = arith.addi %mul3A_343, %add3A_344 : i32
      %mul3A_346 = arith.constant 128 : i32
      %mul3A_347 = arith.muli %add3A_345, %mul3A_346 : i32
      %add3A_348 = arith.constant 16384 : i32
      %add3A_349 = arith.addi %add3A_348, %mul3A_347 : i32
      %multiple_of3A_350 = tpu.assume_multiple %add3A_349, 128 : i32
      %dma_start3A_351 = tpu.memref_slice %arg6[%multiple_of3A_350] : memref<65536xf32, #tpu.memory_space<vmem>> -> memref<128xf32, #tpu.memory_space<vmem>>
      %dma_start3A_352 = arith.constant 0 : i32
      %dma_start3A_353 = tpu.memref_slice %arg3[%add3A, %dma_start3A_352] : memref<32x1000001xf32, #tpu.memory_space<hbm>> -> memref<1x1000001xf32, #tpu.memory_space<hbm>>
      %dma_start3A_354 = tpu.memref_squeeze %dma_start3A_353 : memref<1x1000001xf32, #tpu.memory_space<hbm>> -> memref<1000001xf32, #tpu.memory_space<hbm>>
      %dma_start3A_355 = tpu.memref_slice %dma_start3A_354[%multiple_of3A_341] : memref<1000001xf32, #tpu.memory_space<hbm>> -> memref<128xf32, #tpu.memory_space<hbm>>
      %dma_start3A_356 = tpu.memref_slice %arg6[%multiple_of3A_350] : memref<65536xf32, #tpu.memory_space<vmem>> -> memref<128xf32, #tpu.memory_space<vmem>>
      %dma_start3A_357 = arith.constant 0 : i32
      %dma_start3A_358 = tpu.memref_slice %arg3[%add3A, %dma_start3A_357] : memref<32x1000001xf32, #tpu.memory_space<hbm>> -> memref<1x1000001xf32, #tpu.memory_space<hbm>>
      %dma_start3A_359 = tpu.memref_squeeze %dma_start3A_358 : memref<1x1000001xf32, #tpu.memory_space<hbm>> -> memref<1000001xf32, #tpu.memory_space<hbm>>
      %dma_start3A_360 = tpu.memref_slice %dma_start3A_359[%multiple_of3A_341] : memref<1000001xf32, #tpu.memory_space<hbm>> -> memref<128xf32, #tpu.memory_space<hbm>>
      tpu.enqueue_dma source(%dma_start3A_360 : memref<128xf32, #tpu.memory_space<hbm>>) target(%dma_start3A_356 : memref<128xf32, #tpu.memory_space<vmem>>) target_semaphore(%arg9 : memref<!tpu.dma_semaphore, #tpu.memory_space<semaphore_mem>>)
      %slice3A_361 = vector.extract_strided_slice %and3A_34 {offsets = [15], sizes = [1], strides = [1]} : vector<16xi32> to vector<1xi32>
      %squeeze3A_362 = vector.extract %slice3A_361[0] : i32 from vector<1xi32>
      %multiple_of3A_363 = tpu.assume_multiple %squeeze3A_362, 128 : i32
      %mul3A_364 = arith.constant 16 : i32
      %mul3A_365 = arith.muli %scan3A_27, %mul3A_364 : i32
      %add3A_366 = arith.constant 15 : i32
      %add3A_367 = arith.addi %mul3A_365, %add3A_366 : i32
      %mul3A_368 = arith.constant 128 : i32
      %mul3A_369 = arith.muli %add3A_367, %mul3A_368 : i32
      %add3A_370 = arith.constant 16384 : i32
      %add3A_371 = arith.addi %add3A_370, %mul3A_369 : i32
      %multiple_of3A_372 = tpu.assume_multiple %add3A_371, 128 : i32
      %dma_start3A_373 = tpu.memref_slice %arg6[%multiple_of3A_372] : memref<65536xf32, #tpu.memory_space<vmem>> -> memref<128xf32, #tpu.memory_space<vmem>>
      %dma_start3A_374 = arith.constant 0 : i32
      %dma_start3A_375 = tpu.memref_slice %arg3[%add3A, %dma_start3A_374] : memref<32x1000001xf32, #tpu.memory_space<hbm>> -> memref<1x1000001xf32, #tpu.memory_space<hbm>>
      %dma_start3A_376 = tpu.memref_squeeze %dma_start3A_375 : memref<1x1000001xf32, #tpu.memory_space<hbm>> -> memref<1000001xf32, #tpu.memory_space<hbm>>
      %dma_start3A_377 = tpu.memref_slice %dma_start3A_376[%multiple_of3A_363] : memref<1000001xf32, #tpu.memory_space<hbm>> -> memref<128xf32, #tpu.memory_space<hbm>>
      %dma_start3A_378 = tpu.memref_slice %arg6[%multiple_of3A_372] : memref<65536xf32, #tpu.memory_space<vmem>> -> memref<128xf32, #tpu.memory_space<vmem>>
      %dma_start3A_379 = arith.constant 0 : i32
      %dma_start3A_380 = tpu.memref_slice %arg3[%add3A, %dma_start3A_379] : memref<32x1000001xf32, #tpu.memory_space<hbm>> -> memref<1x1000001xf32, #tpu.memory_space<hbm>>
      %dma_start3A_381 = tpu.memref_squeeze %dma_start3A_380 : memref<1x1000001xf32, #tpu.memory_space<hbm>> -> memref<1000001xf32, #tpu.memory_space<hbm>>
      %dma_start3A_382 = tpu.memref_slice %dma_start3A_381[%multiple_of3A_363] : memref<1000001xf32, #tpu.memory_space<hbm>> -> memref<128xf32, #tpu.memory_space<hbm>>
      tpu.enqueue_dma source(%dma_start3A_382 : memref<128xf32, #tpu.memory_space<hbm>>) target(%dma_start3A_378 : memref<128xf32, #tpu.memory_space<vmem>>) target_semaphore(%arg9 : memref<!tpu.dma_semaphore, #tpu.memory_space<semaphore_mem>>)
    }
    %scan3A_14 = arith.constant 8 : i32
    %scan3A_15 = arith.constant 0 : i32
    %scan3A_16 = arith.constant 0 : i32
    %scan3A_17 = arith.constant 8 : i32
    %scan3A_18 = arith.addi %scan3A_16, %scan3A_17 : i32
    %scan3A_19 = arith.constant 1 : i32
    scf.for %scan3A_27 = %scan3A_16 to %scan3A_18 step %scan3A_19  : i32 {
      %mul3A_28 = arith.constant 16 : i32
      %mul3A_29 = arith.muli %scan3A_27, %mul3A_28 : i32
      %add3A_30 = arith.constant 256 : i32
      %add3A_31 = arith.addi %add3A_30, %mul3A_29 : i32
      %get3A = arith.index_cast %add3A_31 : i32 to index
      %get3A_32 = tpu.vector_load %arg5[%get3A] {strides = array<i32>} : memref<16384xi32, #tpu.memory_space<vmem>>, vector<16xi32>,
      %and3A = arith.constant -128 : i32
      %and3A_33 = vector.broadcast %and3A : i32 to vector<16xi32>
      %and3A_34 = arith.andi %get3A_32, %and3A_33 : vector<16xi32>
      %slice3A = vector.extract_strided_slice %and3A_34 {offsets = [0], sizes = [1], strides = [1]} : vector<16xi32> to vector<1xi32>
      %squeeze3A = vector.extract %slice3A[0] : i32 from vector<1xi32>
      %multiple_of3A = tpu.assume_multiple %squeeze3A, 128 : i32
      %mul3A_35 = arith.constant 16 : i32
      %mul3A_36 = arith.muli %scan3A_27, %mul3A_35 : i32
      %add3A_37 = arith.constant 0 : i32
      %add3A_38 = arith.addi %mul3A_36, %add3A_37 : i32
      %mul3A_39 = arith.constant 128 : i32
      %mul3A_40 = arith.muli %add3A_38, %mul3A_39 : i32
      %add3A_41 = arith.constant 32768 : i32
      %add3A_42 = arith.addi %add3A_41, %mul3A_40 : i32
      %multiple_of3A_43 = tpu.assume_multiple %add3A_42, 128 : i32
      %dma_start3A = tpu.memref_slice %arg6[%multiple_of3A_43] : memref<65536xf32, #tpu.memory_space<vmem>> -> memref<128xf32, #tpu.memory_space<vmem>>
      %dma_start3A_44 = arith.constant 0 : i32
      %dma_start3A_45 = tpu.memref_slice %arg3[%add3A, %dma_start3A_44] : memref<32x1000001xf32, #tpu.memory_space<hbm>> -> memref<1x1000001xf32, #tpu.memory_space<hbm>>
      %dma_start3A_46 = tpu.memref_squeeze %dma_start3A_45 : memref<1x1000001xf32, #tpu.memory_space<hbm>> -> memref<1000001xf32, #tpu.memory_space<hbm>>
      %dma_start3A_47 = tpu.memref_slice %dma_start3A_46[%multiple_of3A] : memref<1000001xf32, #tpu.memory_space<hbm>> -> memref<128xf32, #tpu.memory_space<hbm>>
      %dma_start3A_48 = tpu.memref_slice %arg6[%multiple_of3A_43] : memref<65536xf32, #tpu.memory_space<vmem>> -> memref<128xf32, #tpu.memory_space<vmem>>
      %dma_start3A_49 = arith.constant 0 : i32
      %dma_start3A_50 = tpu.memref_slice %arg3[%add3A, %dma_start3A_49] : memref<32x1000001xf32, #tpu.memory_space<hbm>> -> memref<1x1000001xf32, #tpu.memory_space<hbm>>
      %dma_start3A_51 = tpu.memref_squeeze %dma_start3A_50 : memref<1x1000001xf32, #tpu.memory_space<hbm>> -> memref<1000001xf32, #tpu.memory_space<hbm>>
      %dma_start3A_52 = tpu.memref_slice %dma_start3A_51[%multiple_of3A] : memref<1000001xf32, #tpu.memory_space<hbm>> -> memref<128xf32, #tpu.memory_space<hbm>>
      tpu.enqueue_dma source(%dma_start3A_52 : memref<128xf32, #tpu.memory_space<hbm>>) target(%dma_start3A_48 : memref<128xf32, #tpu.memory_space<vmem>>) target_semaphore(%arg10 : memref<!tpu.dma_semaphore, #tpu.memory_space<semaphore_mem>>)
      %slice3A_53 = vector.extract_strided_slice %and3A_34 {offsets = [1], sizes = [1], strides = [1]} : vector<16xi32> to vector<1xi32>
      %squeeze3A_54 = vector.extract %slice3A_53[0] : i32 from vector<1xi32>
      %multiple_of3A_55 = tpu.assume_multiple %squeeze3A_54, 128 : i32
      %mul3A_56 = arith.constant 16 : i32
      %mul3A_57 = arith.muli %scan3A_27, %mul3A_56 : i32
      %add3A_58 = arith.constant 1 : i32
      %add3A_59 = arith.addi %mul3A_57, %add3A_58 : i32
      %mul3A_60 = arith.constant 128 : i32
      %mul3A_61 = arith.muli %add3A_59, %mul3A_60 : i32
      %add3A_62 = arith.constant 32768 : i32
      %add3A_63 = arith.addi %add3A_62, %mul3A_61 : i32
      %multiple_of3A_64 = tpu.assume_multiple %add3A_63, 128 : i32
      %dma_start3A_65 = tpu.memref_slice %arg6[%multiple_of3A_64] : memref<65536xf32, #tpu.memory_space<vmem>> -> memref<128xf32, #tpu.memory_space<vmem>>
      %dma_start3A_66 = arith.constant 0 : i32
      %dma_start3A_67 = tpu.memref_slice %arg3[%add3A, %dma_start3A_66] : memref<32x1000001xf32, #tpu.memory_space<hbm>> -> memref<1x1000001xf32, #tpu.memory_space<hbm>>
      %dma_start3A_68 = tpu.memref_squeeze %dma_start3A_67 : memref<1x1000001xf32, #tpu.memory_space<hbm>> -> memref<1000001xf32, #tpu.memory_space<hbm>>
      %dma_start3A_69 = tpu.memref_slice %dma_start3A_68[%multiple_of3A_55] : memref<1000001xf32, #tpu.memory_space<hbm>> -> memref<128xf32, #tpu.memory_space<hbm>>
      %dma_start3A_70 = tpu.memref_slice %arg6[%multiple_of3A_64] : memref<65536xf32, #tpu.memory_space<vmem>> -> memref<128xf32, #tpu.memory_space<vmem>>
      %dma_start3A_71 = arith.constant 0 : i32
      %dma_start3A_72 = tpu.memref_slice %arg3[%add3A, %dma_start3A_71] : memref<32x1000001xf32, #tpu.memory_space<hbm>> -> memref<1x1000001xf32, #tpu.memory_space<hbm>>
      %dma_start3A_73 = tpu.memref_squeeze %dma_start3A_72 : memref<1x1000001xf32, #tpu.memory_space<hbm>> -> memref<1000001xf32, #tpu.memory_space<hbm>>
      %dma_start3A_74 = tpu.memref_slice %dma_start3A_73[%multiple_of3A_55] : memref<1000001xf32, #tpu.memory_space<hbm>> -> memref<128xf32, #tpu.memory_space<hbm>>
      tpu.enqueue_dma source(%dma_start3A_74 : memref<128xf32, #tpu.memory_space<hbm>>) target(%dma_start3A_70 : memref<128xf32, #tpu.memory_space<vmem>>) target_semaphore(%arg10 : memref<!tpu.dma_semaphore, #tpu.memory_space<semaphore_mem>>)
      %slice3A_75 = vector.extract_strided_slice %and3A_34 {offsets = [2], sizes = [1], strides = [1]} : vector<16xi32> to vector<1xi32>
      %squeeze3A_76 = vector.extract %slice3A_75[0] : i32 from vector<1xi32>
      %multiple_of3A_77 = tpu.assume_multiple %squeeze3A_76, 128 : i32
      %mul3A_78 = arith.constant 16 : i32
      %mul3A_79 = arith.muli %scan3A_27, %mul3A_78 : i32
      %add3A_80 = arith.constant 2 : i32
      %add3A_81 = arith.addi %mul3A_79, %add3A_80 : i32
      %mul3A_82 = arith.constant 128 : i32
      %mul3A_83 = arith.muli %add3A_81, %mul3A_82 : i32
      %add3A_84 = arith.constant 32768 : i32
      %add3A_85 = arith.addi %add3A_84, %mul3A_83 : i32
      %multiple_of3A_86 = tpu.assume_multiple %add3A_85, 128 : i32
      %dma_start3A_87 = tpu.memref_slice %arg6[%multiple_of3A_86] : memref<65536xf32, #tpu.memory_space<vmem>> -> memref<128xf32, #tpu.memory_space<vmem>>
      %dma_start3A_88 = arith.constant 0 : i32
      %dma_start3A_89 = tpu.memref_slice %arg3[%add3A, %dma_start3A_88] : memref<32x1000001xf32, #tpu.memory_space<hbm>> -> memref<1x1000001xf32, #tpu.memory_space<hbm>>
      %dma_start3A_90 = tpu.memref_squeeze %dma_start3A_89 : memref<1x1000001xf32, #tpu.memory_space<hbm>> -> memref<1000001xf32, #tpu.memory_space<hbm>>
      %dma_start3A_91 = tpu.memref_slice %dma_start3A_90[%multiple_of3A_77] : memref<1000001xf32, #tpu.memory_space<hbm>> -> memref<128xf32, #tpu.memory_space<hbm>>
      %dma_start3A_92 = tpu.memref_slice %arg6[%multiple_of3A_86] : memref<65536xf32, #tpu.memory_space<vmem>> -> memref<128xf32, #tpu.memory_space<vmem>>
      %dma_start3A_93 = arith.constant 0 : i32
      %dma_start3A_94 = tpu.memref_slice %arg3[%add3A, %dma_start3A_93] : memref<32x1000001xf32, #tpu.memory_space<hbm>> -> memref<1x1000001xf32, #tpu.memory_space<hbm>>
      %dma_start3A_95 = tpu.memref_squeeze %dma_start3A_94 : memref<1x1000001xf32, #tpu.memory_space<hbm>> -> memref<1000001xf32, #tpu.memory_space<hbm>>
      %dma_start3A_96 = tpu.memref_slice %dma_start3A_95[%multiple_of3A_77] : memref<1000001xf32, #tpu.memory_space<hbm>> -> memref<128xf32, #tpu.memory_space<hbm>>
      tpu.enqueue_dma source(%dma_start3A_96 : memref<128xf32, #tpu.memory_space<hbm>>) target(%dma_start3A_92 : memref<128xf32, #tpu.memory_space<vmem>>) target_semaphore(%arg10 : memref<!tpu.dma_semaphore, #tpu.memory_space<semaphore_mem>>)
      %slice3A_97 = vector.extract_strided_slice %and3A_34 {offsets = [3], sizes = [1], strides = [1]} : vector<16xi32> to vector<1xi32>
      %squeeze3A_98 = vector.extract %slice3A_97[0] : i32 from vector<1xi32>
      %multiple_of3A_99 = tpu.assume_multiple %squeeze3A_98, 128 : i32
      %mul3A_100 = arith.constant 16 : i32
      %mul3A_101 = arith.muli %scan3A_27, %mul3A_100 : i32
      %add3A_102 = arith.constant 3 : i32
      %add3A_103 = arith.addi %mul3A_101, %add3A_102 : i32
      %mul3A_104 = arith.constant 128 : i32
      %mul3A_105 = arith.muli %add3A_103, %mul3A_104 : i32
      %add3A_106 = arith.constant 32768 : i32
      %add3A_107 = arith.addi %add3A_106, %mul3A_105 : i32
      %multiple_of3A_108 = tpu.assume_multiple %add3A_107, 128 : i32
      %dma_start3A_109 = tpu.memref_slice %arg6[%multiple_of3A_108] : memref<65536xf32, #tpu.memory_space<vmem>> -> memref<128xf32, #tpu.memory_space<vmem>>
      %dma_start3A_110 = arith.constant 0 : i32
      %dma_start3A_111 = tpu.memref_slice %arg3[%add3A, %dma_start3A_110] : memref<32x1000001xf32, #tpu.memory_space<hbm>> -> memref<1x1000001xf32, #tpu.memory_space<hbm>>
      %dma_start3A_112 = tpu.memref_squeeze %dma_start3A_111 : memref<1x1000001xf32, #tpu.memory_space<hbm>> -> memref<1000001xf32, #tpu.memory_space<hbm>>
      %dma_start3A_113 = tpu.memref_slice %dma_start3A_112[%multiple_of3A_99] : memref<1000001xf32, #tpu.memory_space<hbm>> -> memref<128xf32, #tpu.memory_space<hbm>>
      %dma_start3A_114 = tpu.memref_slice %arg6[%multiple_of3A_108] : memref<65536xf32, #tpu.memory_space<vmem>> -> memref<128xf32, #tpu.memory_space<vmem>>
      %dma_start3A_115 = arith.constant 0 : i32
      %dma_start3A_116 = tpu.memref_slice %arg3[%add3A, %dma_start3A_115] : memref<32x1000001xf32, #tpu.memory_space<hbm>> -> memref<1x1000001xf32, #tpu.memory_space<hbm>>
      %dma_start3A_117 = tpu.memref_squeeze %dma_start3A_116 : memref<1x1000001xf32, #tpu.memory_space<hbm>> -> memref<1000001xf32, #tpu.memory_space<hbm>>
      %dma_start3A_118 = tpu.memref_slice %dma_start3A_117[%multiple_of3A_99] : memref<1000001xf32, #tpu.memory_space<hbm>> -> memref<128xf32, #tpu.memory_space<hbm>>
      tpu.enqueue_dma source(%dma_start3A_118 : memref<128xf32, #tpu.memory_space<hbm>>) target(%dma_start3A_114 : memref<128xf32, #tpu.memory_space<vmem>>) target_semaphore(%arg10 : memref<!tpu.dma_semaphore, #tpu.memory_space<semaphore_mem>>)
      %slice3A_119 = vector.extract_strided_slice %and3A_34 {offsets = [4], sizes = [1], strides = [1]} : vector<16xi32> to vector<1xi32>
      %squeeze3A_120 = vector.extract %slice3A_119[0] : i32 from vector<1xi32>
      %multiple_of3A_121 = tpu.assume_multiple %squeeze3A_120, 128 : i32
      %mul3A_122 = arith.constant 16 : i32
      %mul3A_123 = arith.muli %scan3A_27, %mul3A_122 : i32
      %add3A_124 = arith.constant 4 : i32
      %add3A_125 = arith.addi %mul3A_123, %add3A_124 : i32
      %mul3A_126 = arith.constant 128 : i32
      %mul3A_127 = arith.muli %add3A_125, %mul3A_126 : i32
      %add3A_128 = arith.constant 32768 : i32
      %add3A_129 = arith.addi %add3A_128, %mul3A_127 : i32
      %multiple_of3A_130 = tpu.assume_multiple %add3A_129, 128 : i32
      %dma_start3A_131 = tpu.memref_slice %arg6[%multiple_of3A_130] : memref<65536xf32, #tpu.memory_space<vmem>> -> memref<128xf32, #tpu.memory_space<vmem>>
      %dma_start3A_132 = arith.constant 0 : i32
      %dma_start3A_133 = tpu.memref_slice %arg3[%add3A, %dma_start3A_132] : memref<32x1000001xf32, #tpu.memory_space<hbm>> -> memref<1x1000001xf32, #tpu.memory_space<hbm>>
      %dma_start3A_134 = tpu.memref_squeeze %dma_start3A_133 : memref<1x1000001xf32, #tpu.memory_space<hbm>> -> memref<1000001xf32, #tpu.memory_space<hbm>>
      %dma_start3A_135 = tpu.memref_slice %dma_start3A_134[%multiple_of3A_121] : memref<1000001xf32, #tpu.memory_space<hbm>> -> memref<128xf32, #tpu.memory_space<hbm>>
      %dma_start3A_136 = tpu.memref_slice %arg6[%multiple_of3A_130] : memref<65536xf32, #tpu.memory_space<vmem>> -> memref<128xf32, #tpu.memory_space<vmem>>
      %dma_start3A_137 = arith.constant 0 : i32
      %dma_start3A_138 = tpu.memref_slice %arg3[%add3A, %dma_start3A_137] : memref<32x1000001xf32, #tpu.memory_space<hbm>> -> memref<1x1000001xf32, #tpu.memory_space<hbm>>
      %dma_start3A_139 = tpu.memref_squeeze %dma_start3A_138 : memref<1x1000001xf32, #tpu.memory_space<hbm>> -> memref<1000001xf32, #tpu.memory_space<hbm>>
      %dma_start3A_140 = tpu.memref_slice %dma_start3A_139[%multiple_of3A_121] : memref<1000001xf32, #tpu.memory_space<hbm>> -> memref<128xf32, #tpu.memory_space<hbm>>
      tpu.enqueue_dma source(%dma_start3A_140 : memref<128xf32, #tpu.memory_space<hbm>>) target(%dma_start3A_136 : memref<128xf32, #tpu.memory_space<vmem>>) target_semaphore(%arg10 : memref<!tpu.dma_semaphore, #tpu.memory_space<semaphore_mem>>)
      %slice3A_141 = vector.extract_strided_slice %and3A_34 {offsets = [5], sizes = [1], strides = [1]} : vector<16xi32> to vector<1xi32>
      %squeeze3A_142 = vector.extract %slice3A_141[0] : i32 from vector<1xi32>
      %multiple_of3A_143 = tpu.assume_multiple %squeeze3A_142, 128 : i32
      %mul3A_144 = arith.constant 16 : i32
      %mul3A_145 = arith.muli %scan3A_27, %mul3A_144 : i32
      %add3A_146 = arith.constant 5 : i32
      %add3A_147 = arith.addi %mul3A_145, %add3A_146 : i32
      %mul3A_148 = arith.constant 128 : i32
      %mul3A_149 = arith.muli %add3A_147, %mul3A_148 : i32
      %add3A_150 = arith.constant 32768 : i32
      %add3A_151 = arith.addi %add3A_150, %mul3A_149 : i32
      %multiple_of3A_152 = tpu.assume_multiple %add3A_151, 128 : i32
      %dma_start3A_153 = tpu.memref_slice %arg6[%multiple_of3A_152] : memref<65536xf32, #tpu.memory_space<vmem>> -> memref<128xf32, #tpu.memory_space<vmem>>
      %dma_start3A_154 = arith.constant 0 : i32
      %dma_start3A_155 = tpu.memref_slice %arg3[%add3A, %dma_start3A_154] : memref<32x1000001xf32, #tpu.memory_space<hbm>> -> memref<1x1000001xf32, #tpu.memory_space<hbm>>
      %dma_start3A_156 = tpu.memref_squeeze %dma_start3A_155 : memref<1x1000001xf32, #tpu.memory_space<hbm>> -> memref<1000001xf32, #tpu.memory_space<hbm>>
      %dma_start3A_157 = tpu.memref_slice %dma_start3A_156[%multiple_of3A_143] : memref<1000001xf32, #tpu.memory_space<hbm>> -> memref<128xf32, #tpu.memory_space<hbm>>
      %dma_start3A_158 = tpu.memref_slice %arg6[%multiple_of3A_152] : memref<65536xf32, #tpu.memory_space<vmem>> -> memref<128xf32, #tpu.memory_space<vmem>>
      %dma_start3A_159 = arith.constant 0 : i32
      %dma_start3A_160 = tpu.memref_slice %arg3[%add3A, %dma_start3A_159] : memref<32x1000001xf32, #tpu.memory_space<hbm>> -> memref<1x1000001xf32, #tpu.memory_space<hbm>>
      %dma_start3A_161 = tpu.memref_squeeze %dma_start3A_160 : memref<1x1000001xf32, #tpu.memory_space<hbm>> -> memref<1000001xf32, #tpu.memory_space<hbm>>
      %dma_start3A_162 = tpu.memref_slice %dma_start3A_161[%multiple_of3A_143] : memref<1000001xf32, #tpu.memory_space<hbm>> -> memref<128xf32, #tpu.memory_space<hbm>>
      tpu.enqueue_dma source(%dma_start3A_162 : memref<128xf32, #tpu.memory_space<hbm>>) target(%dma_start3A_158 : memref<128xf32, #tpu.memory_space<vmem>>) target_semaphore(%arg10 : memref<!tpu.dma_semaphore, #tpu.memory_space<semaphore_mem>>)
      %slice3A_163 = vector.extract_strided_slice %and3A_34 {offsets = [6], sizes = [1], strides = [1]} : vector<16xi32> to vector<1xi32>
      %squeeze3A_164 = vector.extract %slice3A_163[0] : i32 from vector<1xi32>
      %multiple_of3A_165 = tpu.assume_multiple %squeeze3A_164, 128 : i32
      %mul3A_166 = arith.constant 16 : i32
      %mul3A_167 = arith.muli %scan3A_27, %mul3A_166 : i32
      %add3A_168 = arith.constant 6 : i32
      %add3A_169 = arith.addi %mul3A_167, %add3A_168 : i32
      %mul3A_170 = arith.constant 128 : i32
      %mul3A_171 = arith.muli %add3A_169, %mul3A_170 : i32
      %add3A_172 = arith.constant 32768 : i32
      %add3A_173 = arith.addi %add3A_172, %mul3A_171 : i32
      %multiple_of3A_174 = tpu.assume_multiple %add3A_173, 128 : i32
      %dma_start3A_175 = tpu.memref_slice %arg6[%multiple_of3A_174] : memref<65536xf32, #tpu.memory_space<vmem>> -> memref<128xf32, #tpu.memory_space<vmem>>
      %dma_start3A_176 = arith.constant 0 : i32
      %dma_start3A_177 = tpu.memref_slice %arg3[%add3A, %dma_start3A_176] : memref<32x1000001xf32, #tpu.memory_space<hbm>> -> memref<1x1000001xf32, #tpu.memory_space<hbm>>
      %dma_start3A_178 = tpu.memref_squeeze %dma_start3A_177 : memref<1x1000001xf32, #tpu.memory_space<hbm>> -> memref<1000001xf32, #tpu.memory_space<hbm>>
      %dma_start3A_179 = tpu.memref_slice %dma_start3A_178[%multiple_of3A_165] : memref<1000001xf32, #tpu.memory_space<hbm>> -> memref<128xf32, #tpu.memory_space<hbm>>
      %dma_start3A_180 = tpu.memref_slice %arg6[%multiple_of3A_174] : memref<65536xf32, #tpu.memory_space<vmem>> -> memref<128xf32, #tpu.memory_space<vmem>>
      %dma_start3A_181 = arith.constant 0 : i32
      %dma_start3A_182 = tpu.memref_slice %arg3[%add3A, %dma_start3A_181] : memref<32x1000001xf32, #tpu.memory_space<hbm>> -> memref<1x1000001xf32, #tpu.memory_space<hbm>>
      %dma_start3A_183 = tpu.memref_squeeze %dma_start3A_182 : memref<1x1000001xf32, #tpu.memory_space<hbm>> -> memref<1000001xf32, #tpu.memory_space<hbm>>
      %dma_start3A_184 = tpu.memref_slice %dma_start3A_183[%multiple_of3A_165] : memref<1000001xf32, #tpu.memory_space<hbm>> -> memref<128xf32, #tpu.memory_space<hbm>>
      tpu.enqueue_dma source(%dma_start3A_184 : memref<128xf32, #tpu.memory_space<hbm>>) target(%dma_start3A_180 : memref<128xf32, #tpu.memory_space<vmem>>) target_semaphore(%arg10 : memref<!tpu.dma_semaphore, #tpu.memory_space<semaphore_mem>>)
      %slice3A_185 = vector.extract_strided_slice %and3A_34 {offsets = [7], sizes = [1], strides = [1]} : vector<16xi32> to vector<1xi32>
      %squeeze3A_186 = vector.extract %slice3A_185[0] : i32 from vector<1xi32>
      %multiple_of3A_187 = tpu.assume_multiple %squeeze3A_186, 128 : i32
      %mul3A_188 = arith.constant 16 : i32
      %mul3A_189 = arith.muli %scan3A_27, %mul3A_188 : i32
      %add3A_190 = arith.constant 7 : i32
      %add3A_191 = arith.addi %mul3A_189, %add3A_190 : i32
      %mul3A_192 = arith.constant 128 : i32
      %mul3A_193 = arith.muli %add3A_191, %mul3A_192 : i32
      %add3A_194 = arith.constant 32768 : i32
      %add3A_195 = arith.addi %add3A_194, %mul3A_193 : i32
      %multiple_of3A_196 = tpu.assume_multiple %add3A_195, 128 : i32
      %dma_start3A_197 = tpu.memref_slice %arg6[%multiple_of3A_196] : memref<65536xf32, #tpu.memory_space<vmem>> -> memref<128xf32, #tpu.memory_space<vmem>>
      %dma_start3A_198 = arith.constant 0 : i32
      %dma_start3A_199 = tpu.memref_slice %arg3[%add3A, %dma_start3A_198] : memref<32x1000001xf32, #tpu.memory_space<hbm>> -> memref<1x1000001xf32, #tpu.memory_space<hbm>>
      %dma_start3A_200 = tpu.memref_squeeze %dma_start3A_199 : memref<1x1000001xf32, #tpu.memory_space<hbm>> -> memref<1000001xf32, #tpu.memory_space<hbm>>
      %dma_start3A_201 = tpu.memref_slice %dma_start3A_200[%multiple_of3A_187] : memref<1000001xf32, #tpu.memory_space<hbm>> -> memref<128xf32, #tpu.memory_space<hbm>>
      %dma_start3A_202 = tpu.memref_slice %arg6[%multiple_of3A_196] : memref<65536xf32, #tpu.memory_space<vmem>> -> memref<128xf32, #tpu.memory_space<vmem>>
      %dma_start3A_203 = arith.constant 0 : i32
      %dma_start3A_204 = tpu.memref_slice %arg3[%add3A, %dma_start3A_203] : memref<32x1000001xf32, #tpu.memory_space<hbm>> -> memref<1x1000001xf32, #tpu.memory_space<hbm>>
      %dma_start3A_205 = tpu.memref_squeeze %dma_start3A_204 : memref<1x1000001xf32, #tpu.memory_space<hbm>> -> memref<1000001xf32, #tpu.memory_space<hbm>>
      %dma_start3A_206 = tpu.memref_slice %dma_start3A_205[%multiple_of3A_187] : memref<1000001xf32, #tpu.memory_space<hbm>> -> memref<128xf32, #tpu.memory_space<hbm>>
      tpu.enqueue_dma source(%dma_start3A_206 : memref<128xf32, #tpu.memory_space<hbm>>) target(%dma_start3A_202 : memref<128xf32, #tpu.memory_space<vmem>>) target_semaphore(%arg10 : memref<!tpu.dma_semaphore, #tpu.memory_space<semaphore_mem>>)
      %slice3A_207 = vector.extract_strided_slice %and3A_34 {offsets = [8], sizes = [1], strides = [1]} : vector<16xi32> to vector<1xi32>
      %squeeze3A_208 = vector.extract %slice3A_207[0] : i32 from vector<1xi32>
      %multiple_of3A_209 = tpu.assume_multiple %squeeze3A_208, 128 : i32
      %mul3A_210 = arith.constant 16 : i32
      %mul3A_211 = arith.muli %scan3A_27, %mul3A_210 : i32
      %add3A_212 = arith.constant 8 : i32
      %add3A_213 = arith.addi %mul3A_211, %add3A_212 : i32
      %mul3A_214 = arith.constant 128 : i32
      %mul3A_215 = arith.muli %add3A_213, %mul3A_214 : i32
      %add3A_216 = arith.constant 32768 : i32
      %add3A_217 = arith.addi %add3A_216, %mul3A_215 : i32
      %multiple_of3A_218 = tpu.assume_multiple %add3A_217, 128 : i32
      %dma_start3A_219 = tpu.memref_slice %arg6[%multiple_of3A_218] : memref<65536xf32, #tpu.memory_space<vmem>> -> memref<128xf32, #tpu.memory_space<vmem>>
      %dma_start3A_220 = arith.constant 0 : i32
      %dma_start3A_221 = tpu.memref_slice %arg3[%add3A, %dma_start3A_220] : memref<32x1000001xf32, #tpu.memory_space<hbm>> -> memref<1x1000001xf32, #tpu.memory_space<hbm>>
      %dma_start3A_222 = tpu.memref_squeeze %dma_start3A_221 : memref<1x1000001xf32, #tpu.memory_space<hbm>> -> memref<1000001xf32, #tpu.memory_space<hbm>>
      %dma_start3A_223 = tpu.memref_slice %dma_start3A_222[%multiple_of3A_209] : memref<1000001xf32, #tpu.memory_space<hbm>> -> memref<128xf32, #tpu.memory_space<hbm>>
      %dma_start3A_224 = tpu.memref_slice %arg6[%multiple_of3A_218] : memref<65536xf32, #tpu.memory_space<vmem>> -> memref<128xf32, #tpu.memory_space<vmem>>
      %dma_start3A_225 = arith.constant 0 : i32
      %dma_start3A_226 = tpu.memref_slice %arg3[%add3A, %dma_start3A_225] : memref<32x1000001xf32, #tpu.memory_space<hbm>> -> memref<1x1000001xf32, #tpu.memory_space<hbm>>
      %dma_start3A_227 = tpu.memref_squeeze %dma_start3A_226 : memref<1x1000001xf32, #tpu.memory_space<hbm>> -> memref<1000001xf32, #tpu.memory_space<hbm>>
      %dma_start3A_228 = tpu.memref_slice %dma_start3A_227[%multiple_of3A_209] : memref<1000001xf32, #tpu.memory_space<hbm>> -> memref<128xf32, #tpu.memory_space<hbm>>
      tpu.enqueue_dma source(%dma_start3A_228 : memref<128xf32, #tpu.memory_space<hbm>>) target(%dma_start3A_224 : memref<128xf32, #tpu.memory_space<vmem>>) target_semaphore(%arg10 : memref<!tpu.dma_semaphore, #tpu.memory_space<semaphore_mem>>)
      %slice3A_229 = vector.extract_strided_slice %and3A_34 {offsets = [9], sizes = [1], strides = [1]} : vector<16xi32> to vector<1xi32>
      %squeeze3A_230 = vector.extract %slice3A_229[0] : i32 from vector<1xi32>
      %multiple_of3A_231 = tpu.assume_multiple %squeeze3A_230, 128 : i32
      %mul3A_232 = arith.constant 16 : i32
      %mul3A_233 = arith.muli %scan3A_27, %mul3A_232 : i32
      %add3A_234 = arith.constant 9 : i32
      %add3A_235 = arith.addi %mul3A_233, %add3A_234 : i32
      %mul3A_236 = arith.constant 128 : i32
      %mul3A_237 = arith.muli %add3A_235, %mul3A_236 : i32
      %add3A_238 = arith.constant 32768 : i32
      %add3A_239 = arith.addi %add3A_238, %mul3A_237 : i32
      %multiple_of3A_240 = tpu.assume_multiple %add3A_239, 128 : i32
      %dma_start3A_241 = tpu.memref_slice %arg6[%multiple_of3A_240] : memref<65536xf32, #tpu.memory_space<vmem>> -> memref<128xf32, #tpu.memory_space<vmem>>
      %dma_start3A_242 = arith.constant 0 : i32
      %dma_start3A_243 = tpu.memref_slice %arg3[%add3A, %dma_start3A_242] : memref<32x1000001xf32, #tpu.memory_space<hbm>> -> memref<1x1000001xf32, #tpu.memory_space<hbm>>
      %dma_start3A_244 = tpu.memref_squeeze %dma_start3A_243 : memref<1x1000001xf32, #tpu.memory_space<hbm>> -> memref<1000001xf32, #tpu.memory_space<hbm>>
      %dma_start3A_245 = tpu.memref_slice %dma_start3A_244[%multiple_of3A_231] : memref<1000001xf32, #tpu.memory_space<hbm>> -> memref<128xf32, #tpu.memory_space<hbm>>
      %dma_start3A_246 = tpu.memref_slice %arg6[%multiple_of3A_240] : memref<65536xf32, #tpu.memory_space<vmem>> -> memref<128xf32, #tpu.memory_space<vmem>>
      %dma_start3A_247 = arith.constant 0 : i32
      %dma_start3A_248 = tpu.memref_slice %arg3[%add3A, %dma_start3A_247] : memref<32x1000001xf32, #tpu.memory_space<hbm>> -> memref<1x1000001xf32, #tpu.memory_space<hbm>>
      %dma_start3A_249 = tpu.memref_squeeze %dma_start3A_248 : memref<1x1000001xf32, #tpu.memory_space<hbm>> -> memref<1000001xf32, #tpu.memory_space<hbm>>
      %dma_start3A_250 = tpu.memref_slice %dma_start3A_249[%multiple_of3A_231] : memref<1000001xf32, #tpu.memory_space<hbm>> -> memref<128xf32, #tpu.memory_space<hbm>>
      tpu.enqueue_dma source(%dma_start3A_250 : memref<128xf32, #tpu.memory_space<hbm>>) target(%dma_start3A_246 : memref<128xf32, #tpu.memory_space<vmem>>) target_semaphore(%arg10 : memref<!tpu.dma_semaphore, #tpu.memory_space<semaphore_mem>>)
      %slice3A_251 = vector.extract_strided_slice %and3A_34 {offsets = [10], sizes = [1], strides = [1]} : vector<16xi32> to vector<1xi32>
      %squeeze3A_252 = vector.extract %slice3A_251[0] : i32 from vector<1xi32>
      %multiple_of3A_253 = tpu.assume_multiple %squeeze3A_252, 128 : i32
      %mul3A_254 = arith.constant 16 : i32
      %mul3A_255 = arith.muli %scan3A_27, %mul3A_254 : i32
      %add3A_256 = arith.constant 10 : i32
      %add3A_257 = arith.addi %mul3A_255, %add3A_256 : i32
      %mul3A_258 = arith.constant 128 : i32
      %mul3A_259 = arith.muli %add3A_257, %mul3A_258 : i32
      %add3A_260 = arith.constant 32768 : i32
      %add3A_261 = arith.addi %add3A_260, %mul3A_259 : i32
      %multiple_of3A_262 = tpu.assume_multiple %add3A_261, 128 : i32
      %dma_start3A_263 = tpu.memref_slice %arg6[%multiple_of3A_262] : memref<65536xf32, #tpu.memory_space<vmem>> -> memref<128xf32, #tpu.memory_space<vmem>>
      %dma_start3A_264 = arith.constant 0 : i32
      %dma_start3A_265 = tpu.memref_slice %arg3[%add3A, %dma_start3A_264] : memref<32x1000001xf32, #tpu.memory_space<hbm>> -> memref<1x1000001xf32, #tpu.memory_space<hbm>>
      %dma_start3A_266 = tpu.memref_squeeze %dma_start3A_265 : memref<1x1000001xf32, #tpu.memory_space<hbm>> -> memref<1000001xf32, #tpu.memory_space<hbm>>
      %dma_start3A_267 = tpu.memref_slice %dma_start3A_266[%multiple_of3A_253] : memref<1000001xf32, #tpu.memory_space<hbm>> -> memref<128xf32, #tpu.memory_space<hbm>>
      %dma_start3A_268 = tpu.memref_slice %arg6[%multiple_of3A_262] : memref<65536xf32, #tpu.memory_space<vmem>> -> memref<128xf32, #tpu.memory_space<vmem>>
      %dma_start3A_269 = arith.constant 0 : i32
      %dma_start3A_270 = tpu.memref_slice %arg3[%add3A, %dma_start3A_269] : memref<32x1000001xf32, #tpu.memory_space<hbm>> -> memref<1x1000001xf32, #tpu.memory_space<hbm>>
      %dma_start3A_271 = tpu.memref_squeeze %dma_start3A_270 : memref<1x1000001xf32, #tpu.memory_space<hbm>> -> memref<1000001xf32, #tpu.memory_space<hbm>>
      %dma_start3A_272 = tpu.memref_slice %dma_start3A_271[%multiple_of3A_253] : memref<1000001xf32, #tpu.memory_space<hbm>> -> memref<128xf32, #tpu.memory_space<hbm>>
      tpu.enqueue_dma source(%dma_start3A_272 : memref<128xf32, #tpu.memory_space<hbm>>) target(%dma_start3A_268 : memref<128xf32, #tpu.memory_space<vmem>>) target_semaphore(%arg10 : memref<!tpu.dma_semaphore, #tpu.memory_space<semaphore_mem>>)
      %slice3A_273 = vector.extract_strided_slice %and3A_34 {offsets = [11], sizes = [1], strides = [1]} : vector<16xi32> to vector<1xi32>
      %squeeze3A_274 = vector.extract %slice3A_273[0] : i32 from vector<1xi32>
      %multiple_of3A_275 = tpu.assume_multiple %squeeze3A_274, 128 : i32
      %mul3A_276 = arith.constant 16 : i32
      %mul3A_277 = arith.muli %scan3A_27, %mul3A_276 : i32
      %add3A_278 = arith.constant 11 : i32
      %add3A_279 = arith.addi %mul3A_277, %add3A_278 : i32
      %mul3A_280 = arith.constant 128 : i32
      %mul3A_281 = arith.muli %add3A_279, %mul3A_280 : i32
      %add3A_282 = arith.constant 32768 : i32
      %add3A_283 = arith.addi %add3A_282, %mul3A_281 : i32
      %multiple_of3A_284 = tpu.assume_multiple %add3A_283, 128 : i32
      %dma_start3A_285 = tpu.memref_slice %arg6[%multiple_of3A_284] : memref<65536xf32, #tpu.memory_space<vmem>> -> memref<128xf32, #tpu.memory_space<vmem>>
      %dma_start3A_286 = arith.constant 0 : i32
      %dma_start3A_287 = tpu.memref_slice %arg3[%add3A, %dma_start3A_286] : memref<32x1000001xf32, #tpu.memory_space<hbm>> -> memref<1x1000001xf32, #tpu.memory_space<hbm>>
      %dma_start3A_288 = tpu.memref_squeeze %dma_start3A_287 : memref<1x1000001xf32, #tpu.memory_space<hbm>> -> memref<1000001xf32, #tpu.memory_space<hbm>>
      %dma_start3A_289 = tpu.memref_slice %dma_start3A_288[%multiple_of3A_275] : memref<1000001xf32, #tpu.memory_space<hbm>> -> memref<128xf32, #tpu.memory_space<hbm>>
      %dma_start3A_290 = tpu.memref_slice %arg6[%multiple_of3A_284] : memref<65536xf32, #tpu.memory_space<vmem>> -> memref<128xf32, #tpu.memory_space<vmem>>
      %dma_start3A_291 = arith.constant 0 : i32
      %dma_start3A_292 = tpu.memref_slice %arg3[%add3A, %dma_start3A_291] : memref<32x1000001xf32, #tpu.memory_space<hbm>> -> memref<1x1000001xf32, #tpu.memory_space<hbm>>
      %dma_start3A_293 = tpu.memref_squeeze %dma_start3A_292 : memref<1x1000001xf32, #tpu.memory_space<hbm>> -> memref<1000001xf32, #tpu.memory_space<hbm>>
      %dma_start3A_294 = tpu.memref_slice %dma_start3A_293[%multiple_of3A_275] : memref<1000001xf32, #tpu.memory_space<hbm>> -> memref<128xf32, #tpu.memory_space<hbm>>
      tpu.enqueue_dma source(%dma_start3A_294 : memref<128xf32, #tpu.memory_space<hbm>>) target(%dma_start3A_290 : memref<128xf32, #tpu.memory_space<vmem>>) target_semaphore(%arg10 : memref<!tpu.dma_semaphore, #tpu.memory_space<semaphore_mem>>)
      %slice3A_295 = vector.extract_strided_slice %and3A_34 {offsets = [12], sizes = [1], strides = [1]} : vector<16xi32> to vector<1xi32>
      %squeeze3A_296 = vector.extract %slice3A_295[0] : i32 from vector<1xi32>
      %multiple_of3A_297 = tpu.assume_multiple %squeeze3A_296, 128 : i32
      %mul3A_298 = arith.constant 16 : i32
      %mul3A_299 = arith.muli %scan3A_27, %mul3A_298 : i32
      %add3A_300 = arith.constant 12 : i32
      %add3A_301 = arith.addi %mul3A_299, %add3A_300 : i32
      %mul3A_302 = arith.constant 128 : i32
      %mul3A_303 = arith.muli %add3A_301, %mul3A_302 : i32
      %add3A_304 = arith.constant 32768 : i32
      %add3A_305 = arith.addi %add3A_304, %mul3A_303 : i32
      %multiple_of3A_306 = tpu.assume_multiple %add3A_305, 128 : i32
      %dma_start3A_307 = tpu.memref_slice %arg6[%multiple_of3A_306] : memref<65536xf32, #tpu.memory_space<vmem>> -> memref<128xf32, #tpu.memory_space<vmem>>
      %dma_start3A_308 = arith.constant 0 : i32
      %dma_start3A_309 = tpu.memref_slice %arg3[%add3A, %dma_start3A_308] : memref<32x1000001xf32, #tpu.memory_space<hbm>> -> memref<1x1000001xf32, #tpu.memory_space<hbm>>
      %dma_start3A_310 = tpu.memref_squeeze %dma_start3A_309 : memref<1x1000001xf32, #tpu.memory_space<hbm>> -> memref<1000001xf32, #tpu.memory_space<hbm>>
      %dma_start3A_311 = tpu.memref_slice %dma_start3A_310[%multiple_of3A_297] : memref<1000001xf32, #tpu.memory_space<hbm>> -> memref<128xf32, #tpu.memory_space<hbm>>
      %dma_start3A_312 = tpu.memref_slice %arg6[%multiple_of3A_306] : memref<65536xf32, #tpu.memory_space<vmem>> -> memref<128xf32, #tpu.memory_space<vmem>>
      %dma_start3A_313 = arith.constant 0 : i32
      %dma_start3A_314 = tpu.memref_slice %arg3[%add3A, %dma_start3A_313] : memref<32x1000001xf32, #tpu.memory_space<hbm>> -> memref<1x1000001xf32, #tpu.memory_space<hbm>>
      %dma_start3A_315 = tpu.memref_squeeze %dma_start3A_314 : memref<1x1000001xf32, #tpu.memory_space<hbm>> -> memref<1000001xf32, #tpu.memory_space<hbm>>
      %dma_start3A_316 = tpu.memref_slice %dma_start3A_315[%multiple_of3A_297] : memref<1000001xf32, #tpu.memory_space<hbm>> -> memref<128xf32, #tpu.memory_space<hbm>>
      tpu.enqueue_dma source(%dma_start3A_316 : memref<128xf32, #tpu.memory_space<hbm>>) target(%dma_start3A_312 : memref<128xf32, #tpu.memory_space<vmem>>) target_semaphore(%arg10 : memref<!tpu.dma_semaphore, #tpu.memory_space<semaphore_mem>>)
      %slice3A_317 = vector.extract_strided_slice %and3A_34 {offsets = [13], sizes = [1], strides = [1]} : vector<16xi32> to vector<1xi32>
      %squeeze3A_318 = vector.extract %slice3A_317[0] : i32 from vector<1xi32>
      %multiple_of3A_319 = tpu.assume_multiple %squeeze3A_318, 128 : i32
      %mul3A_320 = arith.constant 16 : i32
      %mul3A_321 = arith.muli %scan3A_27, %mul3A_320 : i32
      %add3A_322 = arith.constant 13 : i32
      %add3A_323 = arith.addi %mul3A_321, %add3A_322 : i32
      %mul3A_324 = arith.constant 128 : i32
      %mul3A_325 = arith.muli %add3A_323, %mul3A_324 : i32
      %add3A_326 = arith.constant 32768 : i32
      %add3A_327 = arith.addi %add3A_326, %mul3A_325 : i32
      %multiple_of3A_328 = tpu.assume_multiple %add3A_327, 128 : i32
      %dma_start3A_329 = tpu.memref_slice %arg6[%multiple_of3A_328] : memref<65536xf32, #tpu.memory_space<vmem>> -> memref<128xf32, #tpu.memory_space<vmem>>
      %dma_start3A_330 = arith.constant 0 : i32
      %dma_start3A_331 = tpu.memref_slice %arg3[%add3A, %dma_start3A_330] : memref<32x1000001xf32, #tpu.memory_space<hbm>> -> memref<1x1000001xf32, #tpu.memory_space<hbm>>
      %dma_start3A_332 = tpu.memref_squeeze %dma_start3A_331 : memref<1x1000001xf32, #tpu.memory_space<hbm>> -> memref<1000001xf32, #tpu.memory_space<hbm>>
      %dma_start3A_333 = tpu.memref_slice %dma_start3A_332[%multiple_of3A_319] : memref<1000001xf32, #tpu.memory_space<hbm>> -> memref<128xf32, #tpu.memory_space<hbm>>
      %dma_start3A_334 = tpu.memref_slice %arg6[%multiple_of3A_328] : memref<65536xf32, #tpu.memory_space<vmem>> -> memref<128xf32, #tpu.memory_space<vmem>>
      %dma_start3A_335 = arith.constant 0 : i32
      %dma_start3A_336 = tpu.memref_slice %arg3[%add3A, %dma_start3A_335] : memref<32x1000001xf32, #tpu.memory_space<hbm>> -> memref<1x1000001xf32, #tpu.memory_space<hbm>>
      %dma_start3A_337 = tpu.memref_squeeze %dma_start3A_336 : memref<1x1000001xf32, #tpu.memory_space<hbm>> -> memref<1000001xf32, #tpu.memory_space<hbm>>
      %dma_start3A_338 = tpu.memref_slice %dma_start3A_337[%multiple_of3A_319] : memref<1000001xf32, #tpu.memory_space<hbm>> -> memref<128xf32, #tpu.memory_space<hbm>>
      tpu.enqueue_dma source(%dma_start3A_338 : memref<128xf32, #tpu.memory_space<hbm>>) target(%dma_start3A_334 : memref<128xf32, #tpu.memory_space<vmem>>) target_semaphore(%arg10 : memref<!tpu.dma_semaphore, #tpu.memory_space<semaphore_mem>>)
      %slice3A_339 = vector.extract_strided_slice %and3A_34 {offsets = [14], sizes = [1], strides = [1]} : vector<16xi32> to vector<1xi32>
      %squeeze3A_340 = vector.extract %slice3A_339[0] : i32 from vector<1xi32>
      %multiple_of3A_341 = tpu.assume_multiple %squeeze3A_340, 128 : i32
      %mul3A_342 = arith.constant 16 : i32
      %mul3A_343 = arith.muli %scan3A_27, %mul3A_342 : i32
      %add3A_344 = arith.constant 14 : i32
      %add3A_345 = arith.addi %mul3A_343, %add3A_344 : i32
      %mul3A_346 = arith.constant 128 : i32
      %mul3A_347 = arith.muli %add3A_345, %mul3A_346 : i32
      %add3A_348 = arith.constant 32768 : i32
      %add3A_349 = arith.addi %add3A_348, %mul3A_347 : i32
      %multiple_of3A_350 = tpu.assume_multiple %add3A_349, 128 : i32
      %dma_start3A_351 = tpu.memref_slice %arg6[%multiple_of3A_350] : memref<65536xf32, #tpu.memory_space<vmem>> -> memref<128xf32, #tpu.memory_space<vmem>>
      %dma_start3A_352 = arith.constant 0 : i32
      %dma_start3A_353 = tpu.memref_slice %arg3[%add3A, %dma_start3A_352] : memref<32x1000001xf32, #tpu.memory_space<hbm>> -> memref<1x1000001xf32, #tpu.memory_space<hbm>>
      %dma_start3A_354 = tpu.memref_squeeze %dma_start3A_353 : memref<1x1000001xf32, #tpu.memory_space<hbm>> -> memref<1000001xf32, #tpu.memory_space<hbm>>
      %dma_start3A_355 = tpu.memref_slice %dma_start3A_354[%multiple_of3A_341] : memref<1000001xf32, #tpu.memory_space<hbm>> -> memref<128xf32, #tpu.memory_space<hbm>>
      %dma_start3A_356 = tpu.memref_slice %arg6[%multiple_of3A_350] : memref<65536xf32, #tpu.memory_space<vmem>> -> memref<128xf32, #tpu.memory_space<vmem>>
      %dma_start3A_357 = arith.constant 0 : i32
      %dma_start3A_358 = tpu.memref_slice %arg3[%add3A, %dma_start3A_357] : memref<32x1000001xf32, #tpu.memory_space<hbm>> -> memref<1x1000001xf32, #tpu.memory_space<hbm>>
      %dma_start3A_359 = tpu.memref_squeeze %dma_start3A_358 : memref<1x1000001xf32, #tpu.memory_space<hbm>> -> memref<1000001xf32, #tpu.memory_space<hbm>>
      %dma_start3A_360 = tpu.memref_slice %dma_start3A_359[%multiple_of3A_341] : memref<1000001xf32, #tpu.memory_space<hbm>> -> memref<128xf32, #tpu.memory_space<hbm>>
      tpu.enqueue_dma source(%dma_start3A_360 : memref<128xf32, #tpu.memory_space<hbm>>) target(%dma_start3A_356 : memref<128xf32, #tpu.memory_space<vmem>>) target_semaphore(%arg10 : memref<!tpu.dma_semaphore, #tpu.memory_space<semaphore_mem>>)
      %slice3A_361 = vector.extract_strided_slice %and3A_34 {offsets = [15], sizes = [1], strides = [1]} : vector<16xi32> to vector<1xi32>
      %squeeze3A_362 = vector.extract %slice3A_361[0] : i32 from vector<1xi32>
      %multiple_of3A_363 = tpu.assume_multiple %squeeze3A_362, 128 : i32
      %mul3A_364 = arith.constant 16 : i32
      %mul3A_365 = arith.muli %scan3A_27, %mul3A_364 : i32
      %add3A_366 = arith.constant 15 : i32
      %add3A_367 = arith.addi %mul3A_365, %add3A_366 : i32
      %mul3A_368 = arith.constant 128 : i32
      %mul3A_369 = arith.muli %add3A_367, %mul3A_368 : i32
      %add3A_370 = arith.constant 32768 : i32
      %add3A_371 = arith.addi %add3A_370, %mul3A_369 : i32
      %multiple_of3A_372 = tpu.assume_multiple %add3A_371, 128 : i32
      %dma_start3A_373 = tpu.memref_slice %arg6[%multiple_of3A_372] : memref<65536xf32, #tpu.memory_space<vmem>> -> memref<128xf32, #tpu.memory_space<vmem>>
      %dma_start3A_374 = arith.constant 0 : i32
      %dma_start3A_375 = tpu.memref_slice %arg3[%add3A, %dma_start3A_374] : memref<32x1000001xf32, #tpu.memory_space<hbm>> -> memref<1x1000001xf32, #tpu.memory_space<hbm>>
      %dma_start3A_376 = tpu.memref_squeeze %dma_start3A_375 : memref<1x1000001xf32, #tpu.memory_space<hbm>> -> memref<1000001xf32, #tpu.memory_space<hbm>>
      %dma_start3A_377 = tpu.memref_slice %dma_start3A_376[%multiple_of3A_363] : memref<1000001xf32, #tpu.memory_space<hbm>> -> memref<128xf32, #tpu.memory_space<hbm>>
      %dma_start3A_378 = tpu.memref_slice %arg6[%multiple_of3A_372] : memref<65536xf32, #tpu.memory_space<vmem>> -> memref<128xf32, #tpu.memory_space<vmem>>
      %dma_start3A_379 = arith.constant 0 : i32
      %dma_start3A_380 = tpu.memref_slice %arg3[%add3A, %dma_start3A_379] : memref<32x1000001xf32, #tpu.memory_space<hbm>> -> memref<1x1000001xf32, #tpu.memory_space<hbm>>
      %dma_start3A_381 = tpu.memref_squeeze %dma_start3A_380 : memref<1x1000001xf32, #tpu.memory_space<hbm>> -> memref<1000001xf32, #tpu.memory_space<hbm>>
      %dma_start3A_382 = tpu.memref_slice %dma_start3A_381[%multiple_of3A_363] : memref<1000001xf32, #tpu.memory_space<hbm>> -> memref<128xf32, #tpu.memory_space<hbm>>
      tpu.enqueue_dma source(%dma_start3A_382 : memref<128xf32, #tpu.memory_space<hbm>>) target(%dma_start3A_378 : memref<128xf32, #tpu.memory_space<vmem>>) target_semaphore(%arg10 : memref<!tpu.dma_semaphore, #tpu.memory_space<semaphore_mem>>)
    }
    %scan3A_20 = arith.constant 8 : i32
    %scan3A_21 = arith.constant 0 : i32
    %scan3A_22 = arith.constant 0 : i32
    %scan3A_23 = arith.constant 32 : i32
    %scan3A_24 = arith.addi %scan3A_22, %scan3A_23 : i32
    %scan3A_25 = arith.constant 1 : i32
    scf.for %scan3A_27 = %scan3A_22 to %scan3A_24 step %scan3A_25  : i32 {
      %mul3A_28 = arith.constant 4 : i32
      %mul3A_29 = arith.muli %scan3A_27, %mul3A_28 : i32
      %add3A_30 = arith.constant 0 : i32
      %add3A_31 = arith.addi %mul3A_29, %add3A_30 : i32
      %add3A_32 = arith.constant 4 : i32
      %add3A_33 = arith.addi %add3A_31, %add3A_32 : i32
      %sub3A = arith.constant 1 : i32
      %sub3A_34 = arith.subi %add3A_33, %sub3A : i32
      %lt3A = arith.constant 128 : i32
      %lt3A_35 = arith.cmpi slt, %sub3A_34, %lt3A : i32
      %convert_element_type3A = arith.extui %lt3A_35 : i1 to i32
      %cond3A = arith.constant 0 : i32
      %cond3A_36 = arith.cmpi ne, %convert_element_type3A, %cond3A : i32
      scf.if %cond3A_36 {
        %add3A_166 = arith.constant 4 : i32
        %add3A_167 = arith.addi %add3A_31, %add3A_166 : i32
        %sub3A_168 = arith.constant 1 : i32
        %sub3A_169 = arith.subi %add3A_167, %sub3A_168 : i32
        %mul3A_170 = arith.constant 128 : i32
        %mul3A_171 = arith.muli %sub3A_169, %mul3A_170 : i32
        %scan3A_172 = arith.constant 0 : i32
        %scan3A_173 = arith.constant 0 : i32
        %scan3A_174 = arith.constant 8 : i32
        %scan3A_175 = arith.addi %scan3A_173, %scan3A_174 : i32
        %scan3A_176 = arith.constant 1 : i32
        scf.for %scan3A_178 = %scan3A_173 to %scan3A_175 step %scan3A_176  : i32 {
          %mul3A_179 = arith.constant 16 : i32
          %mul3A_180 = arith.muli %scan3A_178, %mul3A_179 : i32
          %add3A_181 = arith.addi %mul3A_171, %mul3A_180 : i32
          %get3A = arith.index_cast %add3A_181 : i32 to index
          %get3A_182 = tpu.vector_load %arg5[%get3A] {strides = array<i32>} : memref<16384xi32, #tpu.memory_space<vmem>>, vector<16xi32>,
          %and3A = arith.constant -128 : i32
          %and3A_183 = vector.broadcast %and3A : i32 to vector<16xi32>
          %and3A_184 = arith.andi %get3A_182, %and3A_183 : vector<16xi32>
          %slice3A = vector.extract_strided_slice %and3A_184 {offsets = [0], sizes = [1], strides = [1]} : vector<16xi32> to vector<1xi32>
          %squeeze3A = vector.extract %slice3A[0] : i32 from vector<1xi32>
          %multiple_of3A_185 = tpu.assume_multiple %squeeze3A, 128 : i32
          %mul3A_186 = arith.constant 16 : i32
          %mul3A_187 = arith.muli %scan3A_178, %mul3A_186 : i32
          %add3A_188 = arith.constant 0 : i32
          %add3A_189 = arith.addi %mul3A_187, %add3A_188 : i32
          %mul3A_190 = arith.constant 128 : i32
          %mul3A_191 = arith.muli %add3A_189, %mul3A_190 : i32
          %add3A_192 = arith.constant 49152 : i32
          %add3A_193 = arith.addi %add3A_192, %mul3A_191 : i32
          %multiple_of3A_194 = tpu.assume_multiple %add3A_193, 128 : i32
          %dma_start3A = tpu.memref_slice %arg6[%multiple_of3A_194] : memref<65536xf32, #tpu.memory_space<vmem>> -> memref<128xf32, #tpu.memory_space<vmem>>
          %dma_start3A_195 = arith.constant 0 : i32
          %dma_start3A_196 = tpu.memref_slice %arg3[%add3A, %dma_start3A_195] : memref<32x1000001xf32, #tpu.memory_space<hbm>> -> memref<1x1000001xf32, #tpu.memory_space<hbm>>
          %dma_start3A_197 = tpu.memref_squeeze %dma_start3A_196 : memref<1x1000001xf32, #tpu.memory_space<hbm>> -> memref<1000001xf32, #tpu.memory_space<hbm>>
          %dma_start3A_198 = tpu.memref_slice %dma_start3A_197[%multiple_of3A_185] : memref<1000001xf32, #tpu.memory_space<hbm>> -> memref<128xf32, #tpu.memory_space<hbm>>
          %dma_start3A_199 = tpu.memref_slice %arg6[%multiple_of3A_194] : memref<65536xf32, #tpu.memory_space<vmem>> -> memref<128xf32, #tpu.memory_space<vmem>>
          %dma_start3A_200 = arith.constant 0 : i32
          %dma_start3A_201 = tpu.memref_slice %arg3[%add3A, %dma_start3A_200] : memref<32x1000001xf32, #tpu.memory_space<hbm>> -> memref<1x1000001xf32, #tpu.memory_space<hbm>>
          %dma_start3A_202 = tpu.memref_squeeze %dma_start3A_201 : memref<1x1000001xf32, #tpu.memory_space<hbm>> -> memref<1000001xf32, #tpu.memory_space<hbm>>
          %dma_start3A_203 = tpu.memref_slice %dma_start3A_202[%multiple_of3A_185] : memref<1000001xf32, #tpu.memory_space<hbm>> -> memref<128xf32, #tpu.memory_space<hbm>>
          tpu.enqueue_dma source(%dma_start3A_203 : memref<128xf32, #tpu.memory_space<hbm>>) target(%dma_start3A_199 : memref<128xf32, #tpu.memory_space<vmem>>) target_semaphore(%arg11 : memref<!tpu.dma_semaphore, #tpu.memory_space<semaphore_mem>>)
          %slice3A_204 = vector.extract_strided_slice %and3A_184 {offsets = [1], sizes = [1], strides = [1]} : vector<16xi32> to vector<1xi32>
          %squeeze3A_205 = vector.extract %slice3A_204[0] : i32 from vector<1xi32>
          %multiple_of3A_206 = tpu.assume_multiple %squeeze3A_205, 128 : i32
          %mul3A_207 = arith.constant 16 : i32
          %mul3A_208 = arith.muli %scan3A_178, %mul3A_207 : i32
          %add3A_209 = arith.constant 1 : i32
          %add3A_210 = arith.addi %mul3A_208, %add3A_209 : i32
          %mul3A_211 = arith.constant 128 : i32
          %mul3A_212 = arith.muli %add3A_210, %mul3A_211 : i32
          %add3A_213 = arith.constant 49152 : i32
          %add3A_214 = arith.addi %add3A_213, %mul3A_212 : i32
          %multiple_of3A_215 = tpu.assume_multiple %add3A_214, 128 : i32
          %dma_start3A_216 = tpu.memref_slice %arg6[%multiple_of3A_215] : memref<65536xf32, #tpu.memory_space<vmem>> -> memref<128xf32, #tpu.memory_space<vmem>>
          %dma_start3A_217 = arith.constant 0 : i32
          %dma_start3A_218 = tpu.memref_slice %arg3[%add3A, %dma_start3A_217] : memref<32x1000001xf32, #tpu.memory_space<hbm>> -> memref<1x1000001xf32, #tpu.memory_space<hbm>>
          %dma_start3A_219 = tpu.memref_squeeze %dma_start3A_218 : memref<1x1000001xf32, #tpu.memory_space<hbm>> -> memref<1000001xf32, #tpu.memory_space<hbm>>
          %dma_start3A_220 = tpu.memref_slice %dma_start3A_219[%multiple_of3A_206] : memref<1000001xf32, #tpu.memory_space<hbm>> -> memref<128xf32, #tpu.memory_space<hbm>>
          %dma_start3A_221 = tpu.memref_slice %arg6[%multiple_of3A_215] : memref<65536xf32, #tpu.memory_space<vmem>> -> memref<128xf32, #tpu.memory_space<vmem>>
          %dma_start3A_222 = arith.constant 0 : i32
          %dma_start3A_223 = tpu.memref_slice %arg3[%add3A, %dma_start3A_222] : memref<32x1000001xf32, #tpu.memory_space<hbm>> -> memref<1x1000001xf32, #tpu.memory_space<hbm>>
          %dma_start3A_224 = tpu.memref_squeeze %dma_start3A_223 : memref<1x1000001xf32, #tpu.memory_space<hbm>> -> memref<1000001xf32, #tpu.memory_space<hbm>>
          %dma_start3A_225 = tpu.memref_slice %dma_start3A_224[%multiple_of3A_206] : memref<1000001xf32, #tpu.memory_space<hbm>> -> memref<128xf32, #tpu.memory_space<hbm>>
          tpu.enqueue_dma source(%dma_start3A_225 : memref<128xf32, #tpu.memory_space<hbm>>) target(%dma_start3A_221 : memref<128xf32, #tpu.memory_space<vmem>>) target_semaphore(%arg11 : memref<!tpu.dma_semaphore, #tpu.memory_space<semaphore_mem>>)
          %slice3A_226 = vector.extract_strided_slice %and3A_184 {offsets = [2], sizes = [1], strides = [1]} : vector<16xi32> to vector<1xi32>
          %squeeze3A_227 = vector.extract %slice3A_226[0] : i32 from vector<1xi32>
          %multiple_of3A_228 = tpu.assume_multiple %squeeze3A_227, 128 : i32
          %mul3A_229 = arith.constant 16 : i32
          %mul3A_230 = arith.muli %scan3A_178, %mul3A_229 : i32
          %add3A_231 = arith.constant 2 : i32
          %add3A_232 = arith.addi %mul3A_230, %add3A_231 : i32
          %mul3A_233 = arith.constant 128 : i32
          %mul3A_234 = arith.muli %add3A_232, %mul3A_233 : i32
          %add3A_235 = arith.constant 49152 : i32
          %add3A_236 = arith.addi %add3A_235, %mul3A_234 : i32
          %multiple_of3A_237 = tpu.assume_multiple %add3A_236, 128 : i32
          %dma_start3A_238 = tpu.memref_slice %arg6[%multiple_of3A_237] : memref<65536xf32, #tpu.memory_space<vmem>> -> memref<128xf32, #tpu.memory_space<vmem>>
          %dma_start3A_239 = arith.constant 0 : i32
          %dma_start3A_240 = tpu.memref_slice %arg3[%add3A, %dma_start3A_239] : memref<32x1000001xf32, #tpu.memory_space<hbm>> -> memref<1x1000001xf32, #tpu.memory_space<hbm>>
          %dma_start3A_241 = tpu.memref_squeeze %dma_start3A_240 : memref<1x1000001xf32, #tpu.memory_space<hbm>> -> memref<1000001xf32, #tpu.memory_space<hbm>>
          %dma_start3A_242 = tpu.memref_slice %dma_start3A_241[%multiple_of3A_228] : memref<1000001xf32, #tpu.memory_space<hbm>> -> memref<128xf32, #tpu.memory_space<hbm>>
          %dma_start3A_243 = tpu.memref_slice %arg6[%multiple_of3A_237] : memref<65536xf32, #tpu.memory_space<vmem>> -> memref<128xf32, #tpu.memory_space<vmem>>
          %dma_start3A_244 = arith.constant 0 : i32
          %dma_start3A_245 = tpu.memref_slice %arg3[%add3A, %dma_start3A_244] : memref<32x1000001xf32, #tpu.memory_space<hbm>> -> memref<1x1000001xf32, #tpu.memory_space<hbm>>
          %dma_start3A_246 = tpu.memref_squeeze %dma_start3A_245 : memref<1x1000001xf32, #tpu.memory_space<hbm>> -> memref<1000001xf32, #tpu.memory_space<hbm>>
          %dma_start3A_247 = tpu.memref_slice %dma_start3A_246[%multiple_of3A_228] : memref<1000001xf32, #tpu.memory_space<hbm>> -> memref<128xf32, #tpu.memory_space<hbm>>
          tpu.enqueue_dma source(%dma_start3A_247 : memref<128xf32, #tpu.memory_space<hbm>>) target(%dma_start3A_243 : memref<128xf32, #tpu.memory_space<vmem>>) target_semaphore(%arg11 : memref<!tpu.dma_semaphore, #tpu.memory_space<semaphore_mem>>)
          %slice3A_248 = vector.extract_strided_slice %and3A_184 {offsets = [3], sizes = [1], strides = [1]} : vector<16xi32> to vector<1xi32>
          %squeeze3A_249 = vector.extract %slice3A_248[0] : i32 from vector<1xi32>
          %multiple_of3A_250 = tpu.assume_multiple %squeeze3A_249, 128 : i32
          %mul3A_251 = arith.constant 16 : i32
          %mul3A_252 = arith.muli %scan3A_178, %mul3A_251 : i32
          %add3A_253 = arith.constant 3 : i32
          %add3A_254 = arith.addi %mul3A_252, %add3A_253 : i32
          %mul3A_255 = arith.constant 128 : i32
          %mul3A_256 = arith.muli %add3A_254, %mul3A_255 : i32
          %add3A_257 = arith.constant 49152 : i32
          %add3A_258 = arith.addi %add3A_257, %mul3A_256 : i32
          %multiple_of3A_259 = tpu.assume_multiple %add3A_258, 128 : i32
          %dma_start3A_260 = tpu.memref_slice %arg6[%multiple_of3A_259] : memref<65536xf32, #tpu.memory_space<vmem>> -> memref<128xf32, #tpu.memory_space<vmem>>
          %dma_start3A_261 = arith.constant 0 : i32
          %dma_start3A_262 = tpu.memref_slice %arg3[%add3A, %dma_start3A_261] : memref<32x1000001xf32, #tpu.memory_space<hbm>> -> memref<1x1000001xf32, #tpu.memory_space<hbm>>
          %dma_start3A_263 = tpu.memref_squeeze %dma_start3A_262 : memref<1x1000001xf32, #tpu.memory_space<hbm>> -> memref<1000001xf32, #tpu.memory_space<hbm>>
          %dma_start3A_264 = tpu.memref_slice %dma_start3A_263[%multiple_of3A_250] : memref<1000001xf32, #tpu.memory_space<hbm>> -> memref<128xf32, #tpu.memory_space<hbm>>
          %dma_start3A_265 = tpu.memref_slice %arg6[%multiple_of3A_259] : memref<65536xf32, #tpu.memory_space<vmem>> -> memref<128xf32, #tpu.memory_space<vmem>>
          %dma_start3A_266 = arith.constant 0 : i32
          %dma_start3A_267 = tpu.memref_slice %arg3[%add3A, %dma_start3A_266] : memref<32x1000001xf32, #tpu.memory_space<hbm>> -> memref<1x1000001xf32, #tpu.memory_space<hbm>>
          %dma_start3A_268 = tpu.memref_squeeze %dma_start3A_267 : memref<1x1000001xf32, #tpu.memory_space<hbm>> -> memref<1000001xf32, #tpu.memory_space<hbm>>
          %dma_start3A_269 = tpu.memref_slice %dma_start3A_268[%multiple_of3A_250] : memref<1000001xf32, #tpu.memory_space<hbm>> -> memref<128xf32, #tpu.memory_space<hbm>>
          tpu.enqueue_dma source(%dma_start3A_269 : memref<128xf32, #tpu.memory_space<hbm>>) target(%dma_start3A_265 : memref<128xf32, #tpu.memory_space<vmem>>) target_semaphore(%arg11 : memref<!tpu.dma_semaphore, #tpu.memory_space<semaphore_mem>>)
          %slice3A_270 = vector.extract_strided_slice %and3A_184 {offsets = [4], sizes = [1], strides = [1]} : vector<16xi32> to vector<1xi32>
          %squeeze3A_271 = vector.extract %slice3A_270[0] : i32 from vector<1xi32>
          %multiple_of3A_272 = tpu.assume_multiple %squeeze3A_271, 128 : i32
          %mul3A_273 = arith.constant 16 : i32
          %mul3A_274 = arith.muli %scan3A_178, %mul3A_273 : i32
          %add3A_275 = arith.constant 4 : i32
          %add3A_276 = arith.addi %mul3A_274, %add3A_275 : i32
          %mul3A_277 = arith.constant 128 : i32
          %mul3A_278 = arith.muli %add3A_276, %mul3A_277 : i32
          %add3A_279 = arith.constant 49152 : i32
          %add3A_280 = arith.addi %add3A_279, %mul3A_278 : i32
          %multiple_of3A_281 = tpu.assume_multiple %add3A_280, 128 : i32
          %dma_start3A_282 = tpu.memref_slice %arg6[%multiple_of3A_281] : memref<65536xf32, #tpu.memory_space<vmem>> -> memref<128xf32, #tpu.memory_space<vmem>>
          %dma_start3A_283 = arith.constant 0 : i32
          %dma_start3A_284 = tpu.memref_slice %arg3[%add3A, %dma_start3A_283] : memref<32x1000001xf32, #tpu.memory_space<hbm>> -> memref<1x1000001xf32, #tpu.memory_space<hbm>>
          %dma_start3A_285 = tpu.memref_squeeze %dma_start3A_284 : memref<1x1000001xf32, #tpu.memory_space<hbm>> -> memref<1000001xf32, #tpu.memory_space<hbm>>
          %dma_start3A_286 = tpu.memref_slice %dma_start3A_285[%multiple_of3A_272] : memref<1000001xf32, #tpu.memory_space<hbm>> -> memref<128xf32, #tpu.memory_space<hbm>>
          %dma_start3A_287 = tpu.memref_slice %arg6[%multiple_of3A_281] : memref<65536xf32, #tpu.memory_space<vmem>> -> memref<128xf32, #tpu.memory_space<vmem>>
          %dma_start3A_288 = arith.constant 0 : i32
          %dma_start3A_289 = tpu.memref_slice %arg3[%add3A, %dma_start3A_288] : memref<32x1000001xf32, #tpu.memory_space<hbm>> -> memref<1x1000001xf32, #tpu.memory_space<hbm>>
          %dma_start3A_290 = tpu.memref_squeeze %dma_start3A_289 : memref<1x1000001xf32, #tpu.memory_space<hbm>> -> memref<1000001xf32, #tpu.memory_space<hbm>>
          %dma_start3A_291 = tpu.memref_slice %dma_start3A_290[%multiple_of3A_272] : memref<1000001xf32, #tpu.memory_space<hbm>> -> memref<128xf32, #tpu.memory_space<hbm>>
          tpu.enqueue_dma source(%dma_start3A_291 : memref<128xf32, #tpu.memory_space<hbm>>) target(%dma_start3A_287 : memref<128xf32, #tpu.memory_space<vmem>>) target_semaphore(%arg11 : memref<!tpu.dma_semaphore, #tpu.memory_space<semaphore_mem>>)
          %slice3A_292 = vector.extract_strided_slice %and3A_184 {offsets = [5], sizes = [1], strides = [1]} : vector<16xi32> to vector<1xi32>
          %squeeze3A_293 = vector.extract %slice3A_292[0] : i32 from vector<1xi32>
          %multiple_of3A_294 = tpu.assume_multiple %squeeze3A_293, 128 : i32
          %mul3A_295 = arith.constant 16 : i32
          %mul3A_296 = arith.muli %scan3A_178, %mul3A_295 : i32
          %add3A_297 = arith.constant 5 : i32
          %add3A_298 = arith.addi %mul3A_296, %add3A_297 : i32
          %mul3A_299 = arith.constant 128 : i32
          %mul3A_300 = arith.muli %add3A_298, %mul3A_299 : i32
          %add3A_301 = arith.constant 49152 : i32
          %add3A_302 = arith.addi %add3A_301, %mul3A_300 : i32
          %multiple_of3A_303 = tpu.assume_multiple %add3A_302, 128 : i32
          %dma_start3A_304 = tpu.memref_slice %arg6[%multiple_of3A_303] : memref<65536xf32, #tpu.memory_space<vmem>> -> memref<128xf32, #tpu.memory_space<vmem>>
          %dma_start3A_305 = arith.constant 0 : i32
          %dma_start3A_306 = tpu.memref_slice %arg3[%add3A, %dma_start3A_305] : memref<32x1000001xf32, #tpu.memory_space<hbm>> -> memref<1x1000001xf32, #tpu.memory_space<hbm>>
          %dma_start3A_307 = tpu.memref_squeeze %dma_start3A_306 : memref<1x1000001xf32, #tpu.memory_space<hbm>> -> memref<1000001xf32, #tpu.memory_space<hbm>>
          %dma_start3A_308 = tpu.memref_slice %dma_start3A_307[%multiple_of3A_294] : memref<1000001xf32, #tpu.memory_space<hbm>> -> memref<128xf32, #tpu.memory_space<hbm>>
          %dma_start3A_309 = tpu.memref_slice %arg6[%multiple_of3A_303] : memref<65536xf32, #tpu.memory_space<vmem>> -> memref<128xf32, #tpu.memory_space<vmem>>
          %dma_start3A_310 = arith.constant 0 : i32
          %dma_start3A_311 = tpu.memref_slice %arg3[%add3A, %dma_start3A_310] : memref<32x1000001xf32, #tpu.memory_space<hbm>> -> memref<1x1000001xf32, #tpu.memory_space<hbm>>
          %dma_start3A_312 = tpu.memref_squeeze %dma_start3A_311 : memref<1x1000001xf32, #tpu.memory_space<hbm>> -> memref<1000001xf32, #tpu.memory_space<hbm>>
          %dma_start3A_313 = tpu.memref_slice %dma_start3A_312[%multiple_of3A_294] : memref<1000001xf32, #tpu.memory_space<hbm>> -> memref<128xf32, #tpu.memory_space<hbm>>
          tpu.enqueue_dma source(%dma_start3A_313 : memref<128xf32, #tpu.memory_space<hbm>>) target(%dma_start3A_309 : memref<128xf32, #tpu.memory_space<vmem>>) target_semaphore(%arg11 : memref<!tpu.dma_semaphore, #tpu.memory_space<semaphore_mem>>)
          %slice3A_314 = vector.extract_strided_slice %and3A_184 {offsets = [6], sizes = [1], strides = [1]} : vector<16xi32> to vector<1xi32>
          %squeeze3A_315 = vector.extract %slice3A_314[0] : i32 from vector<1xi32>
          %multiple_of3A_316 = tpu.assume_multiple %squeeze3A_315, 128 : i32
          %mul3A_317 = arith.constant 16 : i32
          %mul3A_318 = arith.muli %scan3A_178, %mul3A_317 : i32
          %add3A_319 = arith.constant 6 : i32
          %add3A_320 = arith.addi %mul3A_318, %add3A_319 : i32
          %mul3A_321 = arith.constant 128 : i32
          %mul3A_322 = arith.muli %add3A_320, %mul3A_321 : i32
          %add3A_323 = arith.constant 49152 : i32
          %add3A_324 = arith.addi %add3A_323, %mul3A_322 : i32
          %multiple_of3A_325 = tpu.assume_multiple %add3A_324, 128 : i32
          %dma_start3A_326 = tpu.memref_slice %arg6[%multiple_of3A_325] : memref<65536xf32, #tpu.memory_space<vmem>> -> memref<128xf32, #tpu.memory_space<vmem>>
          %dma_start3A_327 = arith.constant 0 : i32
          %dma_start3A_328 = tpu.memref_slice %arg3[%add3A, %dma_start3A_327] : memref<32x1000001xf32, #tpu.memory_space<hbm>> -> memref<1x1000001xf32, #tpu.memory_space<hbm>>
          %dma_start3A_329 = tpu.memref_squeeze %dma_start3A_328 : memref<1x1000001xf32, #tpu.memory_space<hbm>> -> memref<1000001xf32, #tpu.memory_space<hbm>>
          %dma_start3A_330 = tpu.memref_slice %dma_start3A_329[%multiple_of3A_316] : memref<1000001xf32, #tpu.memory_space<hbm>> -> memref<128xf32, #tpu.memory_space<hbm>>
          %dma_start3A_331 = tpu.memref_slice %arg6[%multiple_of3A_325] : memref<65536xf32, #tpu.memory_space<vmem>> -> memref<128xf32, #tpu.memory_space<vmem>>
          %dma_start3A_332 = arith.constant 0 : i32
          %dma_start3A_333 = tpu.memref_slice %arg3[%add3A, %dma_start3A_332] : memref<32x1000001xf32, #tpu.memory_space<hbm>> -> memref<1x1000001xf32, #tpu.memory_space<hbm>>
          %dma_start3A_334 = tpu.memref_squeeze %dma_start3A_333 : memref<1x1000001xf32, #tpu.memory_space<hbm>> -> memref<1000001xf32, #tpu.memory_space<hbm>>
          %dma_start3A_335 = tpu.memref_slice %dma_start3A_334[%multiple_of3A_316] : memref<1000001xf32, #tpu.memory_space<hbm>> -> memref<128xf32, #tpu.memory_space<hbm>>
          tpu.enqueue_dma source(%dma_start3A_335 : memref<128xf32, #tpu.memory_space<hbm>>) target(%dma_start3A_331 : memref<128xf32, #tpu.memory_space<vmem>>) target_semaphore(%arg11 : memref<!tpu.dma_semaphore, #tpu.memory_space<semaphore_mem>>)
          %slice3A_336 = vector.extract_strided_slice %and3A_184 {offsets = [7], sizes = [1], strides = [1]} : vector<16xi32> to vector<1xi32>
          %squeeze3A_337 = vector.extract %slice3A_336[0] : i32 from vector<1xi32>
          %multiple_of3A_338 = tpu.assume_multiple %squeeze3A_337, 128 : i32
          %mul3A_339 = arith.constant 16 : i32
          %mul3A_340 = arith.muli %scan3A_178, %mul3A_339 : i32
          %add3A_341 = arith.constant 7 : i32
          %add3A_342 = arith.addi %mul3A_340, %add3A_341 : i32
          %mul3A_343 = arith.constant 128 : i32
          %mul3A_344 = arith.muli %add3A_342, %mul3A_343 : i32
          %add3A_345 = arith.constant 49152 : i32
          %add3A_346 = arith.addi %add3A_345, %mul3A_344 : i32
          %multiple_of3A_347 = tpu.assume_multiple %add3A_346, 128 : i32
          %dma_start3A_348 = tpu.memref_slice %arg6[%multiple_of3A_347] : memref<65536xf32, #tpu.memory_space<vmem>> -> memref<128xf32, #tpu.memory_space<vmem>>
          %dma_start3A_349 = arith.constant 0 : i32
          %dma_start3A_350 = tpu.memref_slice %arg3[%add3A, %dma_start3A_349] : memref<32x1000001xf32, #tpu.memory_space<hbm>> -> memref<1x1000001xf32, #tpu.memory_space<hbm>>
          %dma_start3A_351 = tpu.memref_squeeze %dma_start3A_350 : memref<1x1000001xf32, #tpu.memory_space<hbm>> -> memref<1000001xf32, #tpu.memory_space<hbm>>
          %dma_start3A_352 = tpu.memref_slice %dma_start3A_351[%multiple_of3A_338] : memref<1000001xf32, #tpu.memory_space<hbm>> -> memref<128xf32, #tpu.memory_space<hbm>>
          %dma_start3A_353 = tpu.memref_slice %arg6[%multiple_of3A_347] : memref<65536xf32, #tpu.memory_space<vmem>> -> memref<128xf32, #tpu.memory_space<vmem>>
          %dma_start3A_354 = arith.constant 0 : i32
          %dma_start3A_355 = tpu.memref_slice %arg3[%add3A, %dma_start3A_354] : memref<32x1000001xf32, #tpu.memory_space<hbm>> -> memref<1x1000001xf32, #tpu.memory_space<hbm>>
          %dma_start3A_356 = tpu.memref_squeeze %dma_start3A_355 : memref<1x1000001xf32, #tpu.memory_space<hbm>> -> memref<1000001xf32, #tpu.memory_space<hbm>>
          %dma_start3A_357 = tpu.memref_slice %dma_start3A_356[%multiple_of3A_338] : memref<1000001xf32, #tpu.memory_space<hbm>> -> memref<128xf32, #tpu.memory_space<hbm>>
          tpu.enqueue_dma source(%dma_start3A_357 : memref<128xf32, #tpu.memory_space<hbm>>) target(%dma_start3A_353 : memref<128xf32, #tpu.memory_space<vmem>>) target_semaphore(%arg11 : memref<!tpu.dma_semaphore, #tpu.memory_space<semaphore_mem>>)
          %slice3A_358 = vector.extract_strided_slice %and3A_184 {offsets = [8], sizes = [1], strides = [1]} : vector<16xi32> to vector<1xi32>
          %squeeze3A_359 = vector.extract %slice3A_358[0] : i32 from vector<1xi32>
          %multiple_of3A_360 = tpu.assume_multiple %squeeze3A_359, 128 : i32
          %mul3A_361 = arith.constant 16 : i32
          %mul3A_362 = arith.muli %scan3A_178, %mul3A_361 : i32
          %add3A_363 = arith.constant 8 : i32
          %add3A_364 = arith.addi %mul3A_362, %add3A_363 : i32
          %mul3A_365 = arith.constant 128 : i32
          %mul3A_366 = arith.muli %add3A_364, %mul3A_365 : i32
          %add3A_367 = arith.constant 49152 : i32
          %add3A_368 = arith.addi %add3A_367, %mul3A_366 : i32
          %multiple_of3A_369 = tpu.assume_multiple %add3A_368, 128 : i32
          %dma_start3A_370 = tpu.memref_slice %arg6[%multiple_of3A_369] : memref<65536xf32, #tpu.memory_space<vmem>> -> memref<128xf32, #tpu.memory_space<vmem>>
          %dma_start3A_371 = arith.constant 0 : i32
          %dma_start3A_372 = tpu.memref_slice %arg3[%add3A, %dma_start3A_371] : memref<32x1000001xf32, #tpu.memory_space<hbm>> -> memref<1x1000001xf32, #tpu.memory_space<hbm>>
          %dma_start3A_373 = tpu.memref_squeeze %dma_start3A_372 : memref<1x1000001xf32, #tpu.memory_space<hbm>> -> memref<1000001xf32, #tpu.memory_space<hbm>>
          %dma_start3A_374 = tpu.memref_slice %dma_start3A_373[%multiple_of3A_360] : memref<1000001xf32, #tpu.memory_space<hbm>> -> memref<128xf32, #tpu.memory_space<hbm>>
          %dma_start3A_375 = tpu.memref_slice %arg6[%multiple_of3A_369] : memref<65536xf32, #tpu.memory_space<vmem>> -> memref<128xf32, #tpu.memory_space<vmem>>
          %dma_start3A_376 = arith.constant 0 : i32
          %dma_start3A_377 = tpu.memref_slice %arg3[%add3A, %dma_start3A_376] : memref<32x1000001xf32, #tpu.memory_space<hbm>> -> memref<1x1000001xf32, #tpu.memory_space<hbm>>
          %dma_start3A_378 = tpu.memref_squeeze %dma_start3A_377 : memref<1x1000001xf32, #tpu.memory_space<hbm>> -> memref<1000001xf32, #tpu.memory_space<hbm>>
          %dma_start3A_379 = tpu.memref_slice %dma_start3A_378[%multiple_of3A_360] : memref<1000001xf32, #tpu.memory_space<hbm>> -> memref<128xf32, #tpu.memory_space<hbm>>
          tpu.enqueue_dma source(%dma_start3A_379 : memref<128xf32, #tpu.memory_space<hbm>>) target(%dma_start3A_375 : memref<128xf32, #tpu.memory_space<vmem>>) target_semaphore(%arg11 : memref<!tpu.dma_semaphore, #tpu.memory_space<semaphore_mem>>)
          %slice3A_380 = vector.extract_strided_slice %and3A_184 {offsets = [9], sizes = [1], strides = [1]} : vector<16xi32> to vector<1xi32>
          %squeeze3A_381 = vector.extract %slice3A_380[0] : i32 from vector<1xi32>
          %multiple_of3A_382 = tpu.assume_multiple %squeeze3A_381, 128 : i32
          %mul3A_383 = arith.constant 16 : i32
          %mul3A_384 = arith.muli %scan3A_178, %mul3A_383 : i32
          %add3A_385 = arith.constant 9 : i32
          %add3A_386 = arith.addi %mul3A_384, %add3A_385 : i32
          %mul3A_387 = arith.constant 128 : i32
          %mul3A_388 = arith.muli %add3A_386, %mul3A_387 : i32
          %add3A_389 = arith.constant 49152 : i32
          %add3A_390 = arith.addi %add3A_389, %mul3A_388 : i32
          %multiple_of3A_391 = tpu.assume_multiple %add3A_390, 128 : i32
          %dma_start3A_392 = tpu.memref_slice %arg6[%multiple_of3A_391] : memref<65536xf32, #tpu.memory_space<vmem>> -> memref<128xf32, #tpu.memory_space<vmem>>
          %dma_start3A_393 = arith.constant 0 : i32
          %dma_start3A_394 = tpu.memref_slice %arg3[%add3A, %dma_start3A_393] : memref<32x1000001xf32, #tpu.memory_space<hbm>> -> memref<1x1000001xf32, #tpu.memory_space<hbm>>
          %dma_start3A_395 = tpu.memref_squeeze %dma_start3A_394 : memref<1x1000001xf32, #tpu.memory_space<hbm>> -> memref<1000001xf32, #tpu.memory_space<hbm>>
          %dma_start3A_396 = tpu.memref_slice %dma_start3A_395[%multiple_of3A_382] : memref<1000001xf32, #tpu.memory_space<hbm>> -> memref<128xf32, #tpu.memory_space<hbm>>
          %dma_start3A_397 = tpu.memref_slice %arg6[%multiple_of3A_391] : memref<65536xf32, #tpu.memory_space<vmem>> -> memref<128xf32, #tpu.memory_space<vmem>>
          %dma_start3A_398 = arith.constant 0 : i32
          %dma_start3A_399 = tpu.memref_slice %arg3[%add3A, %dma_start3A_398] : memref<32x1000001xf32, #tpu.memory_space<hbm>> -> memref<1x1000001xf32, #tpu.memory_space<hbm>>
          %dma_start3A_400 = tpu.memref_squeeze %dma_start3A_399 : memref<1x1000001xf32, #tpu.memory_space<hbm>> -> memref<1000001xf32, #tpu.memory_space<hbm>>
          %dma_start3A_401 = tpu.memref_slice %dma_start3A_400[%multiple_of3A_382] : memref<1000001xf32, #tpu.memory_space<hbm>> -> memref<128xf32, #tpu.memory_space<hbm>>
          tpu.enqueue_dma source(%dma_start3A_401 : memref<128xf32, #tpu.memory_space<hbm>>) target(%dma_start3A_397 : memref<128xf32, #tpu.memory_space<vmem>>) target_semaphore(%arg11 : memref<!tpu.dma_semaphore, #tpu.memory_space<semaphore_mem>>)
          %slice3A_402 = vector.extract_strided_slice %and3A_184 {offsets = [10], sizes = [1], strides = [1]} : vector<16xi32> to vector<1xi32>
          %squeeze3A_403 = vector.extract %slice3A_402[0] : i32 from vector<1xi32>
          %multiple_of3A_404 = tpu.assume_multiple %squeeze3A_403, 128 : i32
          %mul3A_405 = arith.constant 16 : i32
          %mul3A_406 = arith.muli %scan3A_178, %mul3A_405 : i32
          %add3A_407 = arith.constant 10 : i32
          %add3A_408 = arith.addi %mul3A_406, %add3A_407 : i32
          %mul3A_409 = arith.constant 128 : i32
          %mul3A_410 = arith.muli %add3A_408, %mul3A_409 : i32
          %add3A_411 = arith.constant 49152 : i32
          %add3A_412 = arith.addi %add3A_411, %mul3A_410 : i32
          %multiple_of3A_413 = tpu.assume_multiple %add3A_412, 128 : i32
          %dma_start3A_414 = tpu.memref_slice %arg6[%multiple_of3A_413] : memref<65536xf32, #tpu.memory_space<vmem>> -> memref<128xf32, #tpu.memory_space<vmem>>
          %dma_start3A_415 = arith.constant 0 : i32
          %dma_start3A_416 = tpu.memref_slice %arg3[%add3A, %dma_start3A_415] : memref<32x1000001xf32, #tpu.memory_space<hbm>> -> memref<1x1000001xf32, #tpu.memory_space<hbm>>
          %dma_start3A_417 = tpu.memref_squeeze %dma_start3A_416 : memref<1x1000001xf32, #tpu.memory_space<hbm>> -> memref<1000001xf32, #tpu.memory_space<hbm>>
          %dma_start3A_418 = tpu.memref_slice %dma_start3A_417[%multiple_of3A_404] : memref<1000001xf32, #tpu.memory_space<hbm>> -> memref<128xf32, #tpu.memory_space<hbm>>
          %dma_start3A_419 = tpu.memref_slice %arg6[%multiple_of3A_413] : memref<65536xf32, #tpu.memory_space<vmem>> -> memref<128xf32, #tpu.memory_space<vmem>>
          %dma_start3A_420 = arith.constant 0 : i32
          %dma_start3A_421 = tpu.memref_slice %arg3[%add3A, %dma_start3A_420] : memref<32x1000001xf32, #tpu.memory_space<hbm>> -> memref<1x1000001xf32, #tpu.memory_space<hbm>>
          %dma_start3A_422 = tpu.memref_squeeze %dma_start3A_421 : memref<1x1000001xf32, #tpu.memory_space<hbm>> -> memref<1000001xf32, #tpu.memory_space<hbm>>
          %dma_start3A_423 = tpu.memref_slice %dma_start3A_422[%multiple_of3A_404] : memref<1000001xf32, #tpu.memory_space<hbm>> -> memref<128xf32, #tpu.memory_space<hbm>>
          tpu.enqueue_dma source(%dma_start3A_423 : memref<128xf32, #tpu.memory_space<hbm>>) target(%dma_start3A_419 : memref<128xf32, #tpu.memory_space<vmem>>) target_semaphore(%arg11 : memref<!tpu.dma_semaphore, #tpu.memory_space<semaphore_mem>>)
          %slice3A_424 = vector.extract_strided_slice %and3A_184 {offsets = [11], sizes = [1], strides = [1]} : vector<16xi32> to vector<1xi32>
          %squeeze3A_425 = vector.extract %slice3A_424[0] : i32 from vector<1xi32>
          %multiple_of3A_426 = tpu.assume_multiple %squeeze3A_425, 128 : i32
          %mul3A_427 = arith.constant 16 : i32
          %mul3A_428 = arith.muli %scan3A_178, %mul3A_427 : i32
          %add3A_429 = arith.constant 11 : i32
          %add3A_430 = arith.addi %mul3A_428, %add3A_429 : i32
          %mul3A_431 = arith.constant 128 : i32
          %mul3A_432 = arith.muli %add3A_430, %mul3A_431 : i32
          %add3A_433 = arith.constant 49152 : i32
          %add3A_434 = arith.addi %add3A_433, %mul3A_432 : i32
          %multiple_of3A_435 = tpu.assume_multiple %add3A_434, 128 : i32
          %dma_start3A_436 = tpu.memref_slice %arg6[%multiple_of3A_435] : memref<65536xf32, #tpu.memory_space<vmem>> -> memref<128xf32, #tpu.memory_space<vmem>>
          %dma_start3A_437 = arith.constant 0 : i32
          %dma_start3A_438 = tpu.memref_slice %arg3[%add3A, %dma_start3A_437] : memref<32x1000001xf32, #tpu.memory_space<hbm>> -> memref<1x1000001xf32, #tpu.memory_space<hbm>>
          %dma_start3A_439 = tpu.memref_squeeze %dma_start3A_438 : memref<1x1000001xf32, #tpu.memory_space<hbm>> -> memref<1000001xf32, #tpu.memory_space<hbm>>
          %dma_start3A_440 = tpu.memref_slice %dma_start3A_439[%multiple_of3A_426] : memref<1000001xf32, #tpu.memory_space<hbm>> -> memref<128xf32, #tpu.memory_space<hbm>>
          %dma_start3A_441 = tpu.memref_slice %arg6[%multiple_of3A_435] : memref<65536xf32, #tpu.memory_space<vmem>> -> memref<128xf32, #tpu.memory_space<vmem>>
          %dma_start3A_442 = arith.constant 0 : i32
          %dma_start3A_443 = tpu.memref_slice %arg3[%add3A, %dma_start3A_442] : memref<32x1000001xf32, #tpu.memory_space<hbm>> -> memref<1x1000001xf32, #tpu.memory_space<hbm>>
          %dma_start3A_444 = tpu.memref_squeeze %dma_start3A_443 : memref<1x1000001xf32, #tpu.memory_space<hbm>> -> memref<1000001xf32, #tpu.memory_space<hbm>>
          %dma_start3A_445 = tpu.memref_slice %dma_start3A_444[%multiple_of3A_426] : memref<1000001xf32, #tpu.memory_space<hbm>> -> memref<128xf32, #tpu.memory_space<hbm>>
          tpu.enqueue_dma source(%dma_start3A_445 : memref<128xf32, #tpu.memory_space<hbm>>) target(%dma_start3A_441 : memref<128xf32, #tpu.memory_space<vmem>>) target_semaphore(%arg11 : memref<!tpu.dma_semaphore, #tpu.memory_space<semaphore_mem>>)
          %slice3A_446 = vector.extract_strided_slice %and3A_184 {offsets = [12], sizes = [1], strides = [1]} : vector<16xi32> to vector<1xi32>
          %squeeze3A_447 = vector.extract %slice3A_446[0] : i32 from vector<1xi32>
          %multiple_of3A_448 = tpu.assume_multiple %squeeze3A_447, 128 : i32
          %mul3A_449 = arith.constant 16 : i32
          %mul3A_450 = arith.muli %scan3A_178, %mul3A_449 : i32
          %add3A_451 = arith.constant 12 : i32
          %add3A_452 = arith.addi %mul3A_450, %add3A_451 : i32
          %mul3A_453 = arith.constant 128 : i32
          %mul3A_454 = arith.muli %add3A_452, %mul3A_453 : i32
          %add3A_455 = arith.constant 49152 : i32
          %add3A_456 = arith.addi %add3A_455, %mul3A_454 : i32
          %multiple_of3A_457 = tpu.assume_multiple %add3A_456, 128 : i32
          %dma_start3A_458 = tpu.memref_slice %arg6[%multiple_of3A_457] : memref<65536xf32, #tpu.memory_space<vmem>> -> memref<128xf32, #tpu.memory_space<vmem>>
          %dma_start3A_459 = arith.constant 0 : i32
          %dma_start3A_460 = tpu.memref_slice %arg3[%add3A, %dma_start3A_459] : memref<32x1000001xf32, #tpu.memory_space<hbm>> -> memref<1x1000001xf32, #tpu.memory_space<hbm>>
          %dma_start3A_461 = tpu.memref_squeeze %dma_start3A_460 : memref<1x1000001xf32, #tpu.memory_space<hbm>> -> memref<1000001xf32, #tpu.memory_space<hbm>>
          %dma_start3A_462 = tpu.memref_slice %dma_start3A_461[%multiple_of3A_448] : memref<1000001xf32, #tpu.memory_space<hbm>> -> memref<128xf32, #tpu.memory_space<hbm>>
          %dma_start3A_463 = tpu.memref_slice %arg6[%multiple_of3A_457] : memref<65536xf32, #tpu.memory_space<vmem>> -> memref<128xf32, #tpu.memory_space<vmem>>
          %dma_start3A_464 = arith.constant 0 : i32
          %dma_start3A_465 = tpu.memref_slice %arg3[%add3A, %dma_start3A_464] : memref<32x1000001xf32, #tpu.memory_space<hbm>> -> memref<1x1000001xf32, #tpu.memory_space<hbm>>
          %dma_start3A_466 = tpu.memref_squeeze %dma_start3A_465 : memref<1x1000001xf32, #tpu.memory_space<hbm>> -> memref<1000001xf32, #tpu.memory_space<hbm>>
          %dma_start3A_467 = tpu.memref_slice %dma_start3A_466[%multiple_of3A_448] : memref<1000001xf32, #tpu.memory_space<hbm>> -> memref<128xf32, #tpu.memory_space<hbm>>
          tpu.enqueue_dma source(%dma_start3A_467 : memref<128xf32, #tpu.memory_space<hbm>>) target(%dma_start3A_463 : memref<128xf32, #tpu.memory_space<vmem>>) target_semaphore(%arg11 : memref<!tpu.dma_semaphore, #tpu.memory_space<semaphore_mem>>)
          %slice3A_468 = vector.extract_strided_slice %and3A_184 {offsets = [13], sizes = [1], strides = [1]} : vector<16xi32> to vector<1xi32>
          %squeeze3A_469 = vector.extract %slice3A_468[0] : i32 from vector<1xi32>
          %multiple_of3A_470 = tpu.assume_multiple %squeeze3A_469, 128 : i32
          %mul3A_471 = arith.constant 16 : i32
          %mul3A_472 = arith.muli %scan3A_178, %mul3A_471 : i32
          %add3A_473 = arith.constant 13 : i32
          %add3A_474 = arith.addi %mul3A_472, %add3A_473 : i32
          %mul3A_475 = arith.constant 128 : i32
          %mul3A_476 = arith.muli %add3A_474, %mul3A_475 : i32
          %add3A_477 = arith.constant 49152 : i32
          %add3A_478 = arith.addi %add3A_477, %mul3A_476 : i32
          %multiple_of3A_479 = tpu.assume_multiple %add3A_478, 128 : i32
          %dma_start3A_480 = tpu.memref_slice %arg6[%multiple_of3A_479] : memref<65536xf32, #tpu.memory_space<vmem>> -> memref<128xf32, #tpu.memory_space<vmem>>
          %dma_start3A_481 = arith.constant 0 : i32
          %dma_start3A_482 = tpu.memref_slice %arg3[%add3A, %dma_start3A_481] : memref<32x1000001xf32, #tpu.memory_space<hbm>> -> memref<1x1000001xf32, #tpu.memory_space<hbm>>
          %dma_start3A_483 = tpu.memref_squeeze %dma_start3A_482 : memref<1x1000001xf32, #tpu.memory_space<hbm>> -> memref<1000001xf32, #tpu.memory_space<hbm>>
          %dma_start3A_484 = tpu.memref_slice %dma_start3A_483[%multiple_of3A_470] : memref<1000001xf32, #tpu.memory_space<hbm>> -> memref<128xf32, #tpu.memory_space<hbm>>
          %dma_start3A_485 = tpu.memref_slice %arg6[%multiple_of3A_479] : memref<65536xf32, #tpu.memory_space<vmem>> -> memref<128xf32, #tpu.memory_space<vmem>>
          %dma_start3A_486 = arith.constant 0 : i32
          %dma_start3A_487 = tpu.memref_slice %arg3[%add3A, %dma_start3A_486] : memref<32x1000001xf32, #tpu.memory_space<hbm>> -> memref<1x1000001xf32, #tpu.memory_space<hbm>>
          %dma_start3A_488 = tpu.memref_squeeze %dma_start3A_487 : memref<1x1000001xf32, #tpu.memory_space<hbm>> -> memref<1000001xf32, #tpu.memory_space<hbm>>
          %dma_start3A_489 = tpu.memref_slice %dma_start3A_488[%multiple_of3A_470] : memref<1000001xf32, #tpu.memory_space<hbm>> -> memref<128xf32, #tpu.memory_space<hbm>>
          tpu.enqueue_dma source(%dma_start3A_489 : memref<128xf32, #tpu.memory_space<hbm>>) target(%dma_start3A_485 : memref<128xf32, #tpu.memory_space<vmem>>) target_semaphore(%arg11 : memref<!tpu.dma_semaphore, #tpu.memory_space<semaphore_mem>>)
          %slice3A_490 = vector.extract_strided_slice %and3A_184 {offsets = [14], sizes = [1], strides = [1]} : vector<16xi32> to vector<1xi32>
          %squeeze3A_491 = vector.extract %slice3A_490[0] : i32 from vector<1xi32>
          %multiple_of3A_492 = tpu.assume_multiple %squeeze3A_491, 128 : i32
          %mul3A_493 = arith.constant 16 : i32
          %mul3A_494 = arith.muli %scan3A_178, %mul3A_493 : i32
          %add3A_495 = arith.constant 14 : i32
          %add3A_496 = arith.addi %mul3A_494, %add3A_495 : i32
          %mul3A_497 = arith.constant 128 : i32
          %mul3A_498 = arith.muli %add3A_496, %mul3A_497 : i32
          %add3A_499 = arith.constant 49152 : i32
          %add3A_500 = arith.addi %add3A_499, %mul3A_498 : i32
          %multiple_of3A_501 = tpu.assume_multiple %add3A_500, 128 : i32
          %dma_start3A_502 = tpu.memref_slice %arg6[%multiple_of3A_501] : memref<65536xf32, #tpu.memory_space<vmem>> -> memref<128xf32, #tpu.memory_space<vmem>>
          %dma_start3A_503 = arith.constant 0 : i32
          %dma_start3A_504 = tpu.memref_slice %arg3[%add3A, %dma_start3A_503] : memref<32x1000001xf32, #tpu.memory_space<hbm>> -> memref<1x1000001xf32, #tpu.memory_space<hbm>>
          %dma_start3A_505 = tpu.memref_squeeze %dma_start3A_504 : memref<1x1000001xf32, #tpu.memory_space<hbm>> -> memref<1000001xf32, #tpu.memory_space<hbm>>
          %dma_start3A_506 = tpu.memref_slice %dma_start3A_505[%multiple_of3A_492] : memref<1000001xf32, #tpu.memory_space<hbm>> -> memref<128xf32, #tpu.memory_space<hbm>>
          %dma_start3A_507 = tpu.memref_slice %arg6[%multiple_of3A_501] : memref<65536xf32, #tpu.memory_space<vmem>> -> memref<128xf32, #tpu.memory_space<vmem>>
          %dma_start3A_508 = arith.constant 0 : i32
          %dma_start3A_509 = tpu.memref_slice %arg3[%add3A, %dma_start3A_508] : memref<32x1000001xf32, #tpu.memory_space<hbm>> -> memref<1x1000001xf32, #tpu.memory_space<hbm>>
          %dma_start3A_510 = tpu.memref_squeeze %dma_start3A_509 : memref<1x1000001xf32, #tpu.memory_space<hbm>> -> memref<1000001xf32, #tpu.memory_space<hbm>>
          %dma_start3A_511 = tpu.memref_slice %dma_start3A_510[%multiple_of3A_492] : memref<1000001xf32, #tpu.memory_space<hbm>> -> memref<128xf32, #tpu.memory_space<hbm>>
          tpu.enqueue_dma source(%dma_start3A_511 : memref<128xf32, #tpu.memory_space<hbm>>) target(%dma_start3A_507 : memref<128xf32, #tpu.memory_space<vmem>>) target_semaphore(%arg11 : memref<!tpu.dma_semaphore, #tpu.memory_space<semaphore_mem>>)
          %slice3A_512 = vector.extract_strided_slice %and3A_184 {offsets = [15], sizes = [1], strides = [1]} : vector<16xi32> to vector<1xi32>
          %squeeze3A_513 = vector.extract %slice3A_512[0] : i32 from vector<1xi32>
          %multiple_of3A_514 = tpu.assume_multiple %squeeze3A_513, 128 : i32
          %mul3A_515 = arith.constant 16 : i32
          %mul3A_516 = arith.muli %scan3A_178, %mul3A_515 : i32
          %add3A_517 = arith.constant 15 : i32
          %add3A_518 = arith.addi %mul3A_516, %add3A_517 : i32
          %mul3A_519 = arith.constant 128 : i32
          %mul3A_520 = arith.muli %add3A_518, %mul3A_519 : i32
          %add3A_521 = arith.constant 49152 : i32
          %add3A_522 = arith.addi %add3A_521, %mul3A_520 : i32
          %multiple_of3A_523 = tpu.assume_multiple %add3A_522, 128 : i32
          %dma_start3A_524 = tpu.memref_slice %arg6[%multiple_of3A_523] : memref<65536xf32, #tpu.memory_space<vmem>> -> memref<128xf32, #tpu.memory_space<vmem>>
          %dma_start3A_525 = arith.constant 0 : i32
          %dma_start3A_526 = tpu.memref_slice %arg3[%add3A, %dma_start3A_525] : memref<32x1000001xf32, #tpu.memory_space<hbm>> -> memref<1x1000001xf32, #tpu.memory_space<hbm>>
          %dma_start3A_527 = tpu.memref_squeeze %dma_start3A_526 : memref<1x1000001xf32, #tpu.memory_space<hbm>> -> memref<1000001xf32, #tpu.memory_space<hbm>>
          %dma_start3A_528 = tpu.memref_slice %dma_start3A_527[%multiple_of3A_514] : memref<1000001xf32, #tpu.memory_space<hbm>> -> memref<128xf32, #tpu.memory_space<hbm>>
          %dma_start3A_529 = tpu.memref_slice %arg6[%multiple_of3A_523] : memref<65536xf32, #tpu.memory_space<vmem>> -> memref<128xf32, #tpu.memory_space<vmem>>
          %dma_start3A_530 = arith.constant 0 : i32
          %dma_start3A_531 = tpu.memref_slice %arg3[%add3A, %dma_start3A_530] : memref<32x1000001xf32, #tpu.memory_space<hbm>> -> memref<1x1000001xf32, #tpu.memory_space<hbm>>
          %dma_start3A_532 = tpu.memref_squeeze %dma_start3A_531 : memref<1x1000001xf32, #tpu.memory_space<hbm>> -> memref<1000001xf32, #tpu.memory_space<hbm>>
          %dma_start3A_533 = tpu.memref_slice %dma_start3A_532[%multiple_of3A_514] : memref<1000001xf32, #tpu.memory_space<hbm>> -> memref<128xf32, #tpu.memory_space<hbm>>
          tpu.enqueue_dma source(%dma_start3A_533 : memref<128xf32, #tpu.memory_space<hbm>>) target(%dma_start3A_529 : memref<128xf32, #tpu.memory_space<vmem>>) target_semaphore(%arg11 : memref<!tpu.dma_semaphore, #tpu.memory_space<semaphore_mem>>)
        }
        %scan3A_177 = arith.constant 8 : i32
      } else {
      }
      %dma_wait3A = arith.constant 0 : i32
      %dma_wait3A_37 = tpu.memref_slice %arg6[%dma_wait3A] : memref<65536xf32, #tpu.memory_space<vmem>> -> memref<16384xf32, #tpu.memory_space<vmem>>
      %dma_wait3A_38 = arith.constant 0 : i32
      %dma_wait3A_39 = tpu.memref_slice %arg3[%add3A, %dma_wait3A_38] : memref<32x1000001xf32, #tpu.memory_space<hbm>> -> memref<1x1000001xf32, #tpu.memory_space<hbm>>
      %dma_wait3A_40 = tpu.memref_squeeze %dma_wait3A_39 : memref<1x1000001xf32, #tpu.memory_space<hbm>> -> memref<1000001xf32, #tpu.memory_space<hbm>>
      %dma_wait3A_41 = arith.constant 0 : i32
      %dma_wait3A_42 = tpu.memref_slice %dma_wait3A_40[%dma_wait3A_41] : memref<1000001xf32, #tpu.memory_space<hbm>> -> memref<16384xf32, #tpu.memory_space<hbm>>
      %dma_wait3A_43 = arith.constant 0 : i32
      %dma_wait3A_44 = tpu.memref_slice %arg6[%dma_wait3A_43] : memref<65536xf32, #tpu.memory_space<vmem>> -> memref<16384xf32, #tpu.memory_space<vmem>>
      %dma_wait3A_45 = arith.constant 0 : i32
      %dma_wait3A_46 = tpu.memref_slice %arg3[%add3A, %dma_wait3A_45] : memref<32x1000001xf32, #tpu.memory_space<hbm>> -> memref<1x1000001xf32, #tpu.memory_space<hbm>>
      %dma_wait3A_47 = tpu.memref_squeeze %dma_wait3A_46 : memref<1x1000001xf32, #tpu.memory_space<hbm>> -> memref<1000001xf32, #tpu.memory_space<hbm>>
      %dma_wait3A_48 = arith.constant 0 : i32
      %dma_wait3A_49 = tpu.memref_slice %dma_wait3A_47[%dma_wait3A_48] : memref<1000001xf32, #tpu.memory_space<hbm>> -> memref<16384xf32, #tpu.memory_space<hbm>>
      tpu.wait_dma2 semaphore(%arg8 : memref<!tpu.dma_semaphore, #tpu.memory_space<semaphore_mem>>) src(%dma_wait3A_49 : memref<16384xf32, #tpu.memory_space<hbm>>) dst(%dma_wait3A_44 : memref<16384xf32, #tpu.memory_space<vmem>>)
      %mul3A_50 = arith.constant 128 : i32
      %mul3A_51 = arith.muli %add3A_31, %mul3A_50 : i32
      %scan3A_52 = arith.constant 0 : i32
      %scan3A_53 = arith.constant 0 : i32
      %scan3A_54 = arith.constant 8 : i32
      %scan3A_55 = arith.addi %scan3A_53, %scan3A_54 : i32
      %scan3A_56 = arith.constant 1 : i32
      scf.for %scan3A_166 = %scan3A_53 to %scan3A_55 step %scan3A_56  : i32 {
        %mul3A_167 = arith.constant 16 : i32
        %mul3A_168 = arith.muli %scan3A_166, %mul3A_167 : i32
        %add3A_169 = arith.addi %mul3A_51, %mul3A_168 : i32
        %get3A = arith.index_cast %add3A_169 : i32 to index
        %get3A_170 = tpu.vector_load %arg5[%get3A] {strides = array<i32>} : memref<16384xi32, #tpu.memory_space<vmem>>, vector<16xi32>,
        %mul3A_171 = arith.constant 2048 : i32
        %mul3A_172 = arith.muli %scan3A_166, %mul3A_171 : i32
        %add3A_173 = arith.constant 0 : i32
        %add3A_174 = arith.addi %add3A_173, %mul3A_172 : i32
        %add3A_175 = vector.broadcast %add3A_174 : i32 to vector<16xi32>
        %add3A_176 = arith.addi %add3A_175, %mul3A_3 : vector<16xi32>
        %and3A = arith.constant 127 : i32
        %and3A_177 = vector.broadcast %and3A : i32 to vector<16xi32>
        %and3A_178 = arith.andi %get3A_170, %and3A_177 : vector<16xi32>
        %add3A_179 = arith.addi %add3A_176, %and3A_178 : vector<16xi32>
        %gather3A = tpu.vector_load_idx %arg6[%add3A_179] : memref<65536xf32, #tpu.memory_space<vmem>>[vector<16xi32>], vector<16xf32>,
        %mul3A_180 = arith.constant 16 : i32
        %mul3A_181 = arith.muli %scan3A_166, %mul3A_180 : i32
        %swap3A = arith.index_cast %mul3A_181 : i32 to index
        %swap3A_182 = tpu.vector_load %arg7[%swap3A] {strides = array<i32>} : memref<128xf32, #tpu.memory_space<vmem>>, vector<16xf32>,
        tpu.vector_store %arg7[%swap3A], %gather3A {strides = array<i32>} : memref<128xf32, #tpu.memory_space<vmem>>, vector<16xf32>,
      }
      %scan3A_57 = arith.constant 8 : i32
      %multiple_of3A = tpu.assume_multiple %mul3A_51, 128 : i32
      "tpu.region"() ({
        %run_scoped3A = tpu.sem_alloc : memref<!tpu.dma_semaphore, #tpu.memory_space<semaphore_mem>>
        %dma_start3A = arith.constant 0 : i32
        %dma_start3A_166 = tpu.memref_slice %arg4[%add3A, %dma_start3A] : memref<32x16384xf32, #tpu.memory_space<hbm>> -> memref<1x16384xf32, #tpu.memory_space<hbm>>
        %dma_start3A_167 = tpu.memref_squeeze %dma_start3A_166 : memref<1x16384xf32, #tpu.memory_space<hbm>> -> memref<16384xf32, #tpu.memory_space<hbm>>
        %dma_start3A_168 = tpu.memref_slice %dma_start3A_167[%multiple_of3A] : memref<16384xf32, #tpu.memory_space<hbm>> -> memref<128xf32, #tpu.memory_space<hbm>>
        %dma_start3A_169 = arith.constant 0 : i32
        %dma_start3A_170 = tpu.memref_slice %arg4[%add3A, %dma_start3A_169] : memref<32x16384xf32, #tpu.memory_space<hbm>> -> memref<1x16384xf32, #tpu.memory_space<hbm>>
        %dma_start3A_171 = tpu.memref_squeeze %dma_start3A_170 : memref<1x16384xf32, #tpu.memory_space<hbm>> -> memref<16384xf32, #tpu.memory_space<hbm>>
        %dma_start3A_172 = tpu.memref_slice %dma_start3A_171[%multiple_of3A] : memref<16384xf32, #tpu.memory_space<hbm>> -> memref<128xf32, #tpu.memory_space<hbm>>
        tpu.enqueue_dma source(%arg7 : memref<128xf32, #tpu.memory_space<vmem>>) target(%dma_start3A_172 : memref<128xf32, #tpu.memory_space<hbm>>) target_semaphore(%run_scoped3A : memref<!tpu.dma_semaphore, #tpu.memory_space<semaphore_mem>>)
        %dma_wait3A_173 = arith.constant 0 : i32
        %dma_wait3A_174 = tpu.memref_slice %arg4[%add3A, %dma_wait3A_173] : memref<32x16384xf32, #tpu.memory_space<hbm>> -> memref<1x16384xf32, #tpu.memory_space<hbm>>
        %dma_wait3A_175 = tpu.memref_squeeze %dma_wait3A_174 : memref<1x16384xf32, #tpu.memory_space<hbm>> -> memref<16384xf32, #tpu.memory_space<hbm>>
        %dma_wait3A_176 = tpu.memref_slice %dma_wait3A_175[%multiple_of3A] : memref<16384xf32, #tpu.memory_space<hbm>> -> memref<128xf32, #tpu.memory_space<hbm>>
        %dma_wait3A_177 = arith.constant 0 : i32
        %dma_wait3A_178 = tpu.memref_slice %arg4[%add3A, %dma_wait3A_177] : memref<32x16384xf32, #tpu.memory_space<hbm>> -> memref<1x16384xf32, #tpu.memory_space<hbm>>
        %dma_wait3A_179 = tpu.memref_squeeze %dma_wait3A_178 : memref<1x16384xf32, #tpu.memory_space<hbm>> -> memref<16384xf32, #tpu.memory_space<hbm>>
        %dma_wait3A_180 = tpu.memref_slice %dma_wait3A_179[%multiple_of3A] : memref<16384xf32, #tpu.memory_space<hbm>> -> memref<128xf32, #tpu.memory_space<hbm>>
        tpu.wait_dma2 semaphore(%run_scoped3A : memref<!tpu.dma_semaphore, #tpu.memory_space<semaphore_mem>>) src(%arg7 : memref<128xf32, #tpu.memory_space<vmem>>) dst(%dma_wait3A_180 : memref<128xf32, #tpu.memory_space<hbm>>)
        tpu.yield
      }) : () -> ()
      %mul3A_58 = arith.constant 4 : i32
      %mul3A_59 = arith.muli %scan3A_27, %mul3A_58 : i32
      %add3A_60 = arith.constant 1 : i32
      %add3A_61 = arith.addi %mul3A_59, %add3A_60 : i32
      %add3A_62 = arith.constant 4 : i32
      %add3A_63 = arith.addi %add3A_61, %add3A_62 : i32
      %sub3A_64 = arith.constant 1 : i32
      %sub3A_65 = arith.subi %add3A_63, %sub3A_64 : i32
      %lt3A_66 = arith.constant 128 : i32
      %lt3A_67 = arith.cmpi slt, %sub3A_65, %lt3A_66 : i32
      %convert_element_type3A_68 = arith.extui %lt3A_67 : i1 to i32
      %cond3A_69 = arith.constant 0 : i32
      %cond3A_70 = arith.cmpi ne, %convert_element_type3A_68, %cond3A_69 : i32
      scf.if %cond3A_70 {
        %add3A_166 = arith.constant 4 : i32
        %add3A_167 = arith.addi %add3A_61, %add3A_166 : i32
        %sub3A_168 = arith.constant 1 : i32
        %sub3A_169 = arith.subi %add3A_167, %sub3A_168 : i32
        %mul3A_170 = arith.constant 128 : i32
        %mul3A_171 = arith.muli %sub3A_169, %mul3A_170 : i32
        %scan3A_172 = arith.constant 0 : i32
        %scan3A_173 = arith.constant 0 : i32
        %scan3A_174 = arith.constant 8 : i32
        %scan3A_175 = arith.addi %scan3A_173, %scan3A_174 : i32
        %scan3A_176 = arith.constant 1 : i32
        scf.for %scan3A_178 = %scan3A_173 to %scan3A_175 step %scan3A_176  : i32 {
          %mul3A_179 = arith.constant 16 : i32
          %mul3A_180 = arith.muli %scan3A_178, %mul3A_179 : i32
          %add3A_181 = arith.addi %mul3A_171, %mul3A_180 : i32
          %get3A = arith.index_cast %add3A_181 : i32 to index
          %get3A_182 = tpu.vector_load %arg5[%get3A] {strides = array<i32>} : memref<16384xi32, #tpu.memory_space<vmem>>, vector<16xi32>,
          %and3A = arith.constant -128 : i32
          %and3A_183 = vector.broadcast %and3A : i32 to vector<16xi32>
          %and3A_184 = arith.andi %get3A_182, %and3A_183 : vector<16xi32>
          %slice3A = vector.extract_strided_slice %and3A_184 {offsets = [0], sizes = [1], strides = [1]} : vector<16xi32> to vector<1xi32>
          %squeeze3A = vector.extract %slice3A[0] : i32 from vector<1xi32>
          %multiple_of3A_185 = tpu.assume_multiple %squeeze3A, 128 : i32
          %mul3A_186 = arith.constant 16 : i32
          %mul3A_187 = arith.muli %scan3A_178, %mul3A_186 : i32
          %add3A_188 = arith.constant 0 : i32
          %add3A_189 = arith.addi %mul3A_187, %add3A_188 : i32
          %mul3A_190 = arith.constant 128 : i32
          %mul3A_191 = arith.muli %add3A_189, %mul3A_190 : i32
          %add3A_192 = arith.constant 0 : i32
          %add3A_193 = arith.addi %add3A_192, %mul3A_191 : i32
          %multiple_of3A_194 = tpu.assume_multiple %add3A_193, 128 : i32
          %dma_start3A = tpu.memref_slice %arg6[%multiple_of3A_194] : memref<65536xf32, #tpu.memory_space<vmem>> -> memref<128xf32, #tpu.memory_space<vmem>>
          %dma_start3A_195 = arith.constant 0 : i32
          %dma_start3A_196 = tpu.memref_slice %arg3[%add3A, %dma_start3A_195] : memref<32x1000001xf32, #tpu.memory_space<hbm>> -> memref<1x1000001xf32, #tpu.memory_space<hbm>>
          %dma_start3A_197 = tpu.memref_squeeze %dma_start3A_196 : memref<1x1000001xf32, #tpu.memory_space<hbm>> -> memref<1000001xf32, #tpu.memory_space<hbm>>
          %dma_start3A_198 = tpu.memref_slice %dma_start3A_197[%multiple_of3A_185] : memref<1000001xf32, #tpu.memory_space<hbm>> -> memref<128xf32, #tpu.memory_space<hbm>>
          %dma_start3A_199 = tpu.memref_slice %arg6[%multiple_of3A_194] : memref<65536xf32, #tpu.memory_space<vmem>> -> memref<128xf32, #tpu.memory_space<vmem>>
          %dma_start3A_200 = arith.constant 0 : i32
          %dma_start3A_201 = tpu.memref_slice %arg3[%add3A, %dma_start3A_200] : memref<32x1000001xf32, #tpu.memory_space<hbm>> -> memref<1x1000001xf32, #tpu.memory_space<hbm>>
          %dma_start3A_202 = tpu.memref_squeeze %dma_start3A_201 : memref<1x1000001xf32, #tpu.memory_space<hbm>> -> memref<1000001xf32, #tpu.memory_space<hbm>>
          %dma_start3A_203 = tpu.memref_slice %dma_start3A_202[%multiple_of3A_185] : memref<1000001xf32, #tpu.memory_space<hbm>> -> memref<128xf32, #tpu.memory_space<hbm>>
          tpu.enqueue_dma source(%dma_start3A_203 : memref<128xf32, #tpu.memory_space<hbm>>) target(%dma_start3A_199 : memref<128xf32, #tpu.memory_space<vmem>>) target_semaphore(%arg8 : memref<!tpu.dma_semaphore, #tpu.memory_space<semaphore_mem>>)
          %slice3A_204 = vector.extract_strided_slice %and3A_184 {offsets = [1], sizes = [1], strides = [1]} : vector<16xi32> to vector<1xi32>
          %squeeze3A_205 = vector.extract %slice3A_204[0] : i32 from vector<1xi32>
          %multiple_of3A_206 = tpu.assume_multiple %squeeze3A_205, 128 : i32
          %mul3A_207 = arith.constant 16 : i32
          %mul3A_208 = arith.muli %scan3A_178, %mul3A_207 : i32
          %add3A_209 = arith.constant 1 : i32
          %add3A_210 = arith.addi %mul3A_208, %add3A_209 : i32
          %mul3A_211 = arith.constant 128 : i32
          %mul3A_212 = arith.muli %add3A_210, %mul3A_211 : i32
          %add3A_213 = arith.constant 0 : i32
          %add3A_214 = arith.addi %add3A_213, %mul3A_212 : i32
          %multiple_of3A_215 = tpu.assume_multiple %add3A_214, 128 : i32
          %dma_start3A_216 = tpu.memref_slice %arg6[%multiple_of3A_215] : memref<65536xf32, #tpu.memory_space<vmem>> -> memref<128xf32, #tpu.memory_space<vmem>>
          %dma_start3A_217 = arith.constant 0 : i32
          %dma_start3A_218 = tpu.memref_slice %arg3[%add3A, %dma_start3A_217] : memref<32x1000001xf32, #tpu.memory_space<hbm>> -> memref<1x1000001xf32, #tpu.memory_space<hbm>>
          %dma_start3A_219 = tpu.memref_squeeze %dma_start3A_218 : memref<1x1000001xf32, #tpu.memory_space<hbm>> -> memref<1000001xf32, #tpu.memory_space<hbm>>
          %dma_start3A_220 = tpu.memref_slice %dma_start3A_219[%multiple_of3A_206] : memref<1000001xf32, #tpu.memory_space<hbm>> -> memref<128xf32, #tpu.memory_space<hbm>>
          %dma_start3A_221 = tpu.memref_slice %arg6[%multiple_of3A_215] : memref<65536xf32, #tpu.memory_space<vmem>> -> memref<128xf32, #tpu.memory_space<vmem>>
          %dma_start3A_222 = arith.constant 0 : i32
          %dma_start3A_223 = tpu.memref_slice %arg3[%add3A, %dma_start3A_222] : memref<32x1000001xf32, #tpu.memory_space<hbm>> -> memref<1x1000001xf32, #tpu.memory_space<hbm>>
          %dma_start3A_224 = tpu.memref_squeeze %dma_start3A_223 : memref<1x1000001xf32, #tpu.memory_space<hbm>> -> memref<1000001xf32, #tpu.memory_space<hbm>>
          %dma_start3A_225 = tpu.memref_slice %dma_start3A_224[%multiple_of3A_206] : memref<1000001xf32, #tpu.memory_space<hbm>> -> memref<128xf32, #tpu.memory_space<hbm>>
          tpu.enqueue_dma source(%dma_start3A_225 : memref<128xf32, #tpu.memory_space<hbm>>) target(%dma_start3A_221 : memref<128xf32, #tpu.memory_space<vmem>>) target_semaphore(%arg8 : memref<!tpu.dma_semaphore, #tpu.memory_space<semaphore_mem>>)
          %slice3A_226 = vector.extract_strided_slice %and3A_184 {offsets = [2], sizes = [1], strides = [1]} : vector<16xi32> to vector<1xi32>
          %squeeze3A_227 = vector.extract %slice3A_226[0] : i32 from vector<1xi32>
          %multiple_of3A_228 = tpu.assume_multiple %squeeze3A_227, 128 : i32
          %mul3A_229 = arith.constant 16 : i32
          %mul3A_230 = arith.muli %scan3A_178, %mul3A_229 : i32
          %add3A_231 = arith.constant 2 : i32
          %add3A_232 = arith.addi %mul3A_230, %add3A_231 : i32
          %mul3A_233 = arith.constant 128 : i32
          %mul3A_234 = arith.muli %add3A_232, %mul3A_233 : i32
          %add3A_235 = arith.constant 0 : i32
          %add3A_236 = arith.addi %add3A_235, %mul3A_234 : i32
          %multiple_of3A_237 = tpu.assume_multiple %add3A_236, 128 : i32
          %dma_start3A_238 = tpu.memref_slice %arg6[%multiple_of3A_237] : memref<65536xf32, #tpu.memory_space<vmem>> -> memref<128xf32, #tpu.memory_space<vmem>>
          %dma_start3A_239 = arith.constant 0 : i32
          %dma_start3A_240 = tpu.memref_slice %arg3[%add3A, %dma_start3A_239] : memref<32x1000001xf32, #tpu.memory_space<hbm>> -> memref<1x1000001xf32, #tpu.memory_space<hbm>>
          %dma_start3A_241 = tpu.memref_squeeze %dma_start3A_240 : memref<1x1000001xf32, #tpu.memory_space<hbm>> -> memref<1000001xf32, #tpu.memory_space<hbm>>
          %dma_start3A_242 = tpu.memref_slice %dma_start3A_241[%multiple_of3A_228] : memref<1000001xf32, #tpu.memory_space<hbm>> -> memref<128xf32, #tpu.memory_space<hbm>>
          %dma_start3A_243 = tpu.memref_slice %arg6[%multiple_of3A_237] : memref<65536xf32, #tpu.memory_space<vmem>> -> memref<128xf32, #tpu.memory_space<vmem>>
          %dma_start3A_244 = arith.constant 0 : i32
          %dma_start3A_245 = tpu.memref_slice %arg3[%add3A, %dma_start3A_244] : memref<32x1000001xf32, #tpu.memory_space<hbm>> -> memref<1x1000001xf32, #tpu.memory_space<hbm>>
          %dma_start3A_246 = tpu.memref_squeeze %dma_start3A_245 : memref<1x1000001xf32, #tpu.memory_space<hbm>> -> memref<1000001xf32, #tpu.memory_space<hbm>>
          %dma_start3A_247 = tpu.memref_slice %dma_start3A_246[%multiple_of3A_228] : memref<1000001xf32, #tpu.memory_space<hbm>> -> memref<128xf32, #tpu.memory_space<hbm>>
          tpu.enqueue_dma source(%dma_start3A_247 : memref<128xf32, #tpu.memory_space<hbm>>) target(%dma_start3A_243 : memref<128xf32, #tpu.memory_space<vmem>>) target_semaphore(%arg8 : memref<!tpu.dma_semaphore, #tpu.memory_space<semaphore_mem>>)
          %slice3A_248 = vector.extract_strided_slice %and3A_184 {offsets = [3], sizes = [1], strides = [1]} : vector<16xi32> to vector<1xi32>
          %squeeze3A_249 = vector.extract %slice3A_248[0] : i32 from vector<1xi32>
          %multiple_of3A_250 = tpu.assume_multiple %squeeze3A_249, 128 : i32
          %mul3A_251 = arith.constant 16 : i32
          %mul3A_252 = arith.muli %scan3A_178, %mul3A_251 : i32
          %add3A_253 = arith.constant 3 : i32
          %add3A_254 = arith.addi %mul3A_252, %add3A_253 : i32
          %mul3A_255 = arith.constant 128 : i32
          %mul3A_256 = arith.muli %add3A_254, %mul3A_255 : i32
          %add3A_257 = arith.constant 0 : i32
          %add3A_258 = arith.addi %add3A_257, %mul3A_256 : i32
          %multiple_of3A_259 = tpu.assume_multiple %add3A_258, 128 : i32
          %dma_start3A_260 = tpu.memref_slice %arg6[%multiple_of3A_259] : memref<65536xf32, #tpu.memory_space<vmem>> -> memref<128xf32, #tpu.memory_space<vmem>>
          %dma_start3A_261 = arith.constant 0 : i32
          %dma_start3A_262 = tpu.memref_slice %arg3[%add3A, %dma_start3A_261] : memref<32x1000001xf32, #tpu.memory_space<hbm>> -> memref<1x1000001xf32, #tpu.memory_space<hbm>>
          %dma_start3A_263 = tpu.memref_squeeze %dma_start3A_262 : memref<1x1000001xf32, #tpu.memory_space<hbm>> -> memref<1000001xf32, #tpu.memory_space<hbm>>
          %dma_start3A_264 = tpu.memref_slice %dma_start3A_263[%multiple_of3A_250] : memref<1000001xf32, #tpu.memory_space<hbm>> -> memref<128xf32, #tpu.memory_space<hbm>>
          %dma_start3A_265 = tpu.memref_slice %arg6[%multiple_of3A_259] : memref<65536xf32, #tpu.memory_space<vmem>> -> memref<128xf32, #tpu.memory_space<vmem>>
          %dma_start3A_266 = arith.constant 0 : i32
          %dma_start3A_267 = tpu.memref_slice %arg3[%add3A, %dma_start3A_266] : memref<32x1000001xf32, #tpu.memory_space<hbm>> -> memref<1x1000001xf32, #tpu.memory_space<hbm>>
          %dma_start3A_268 = tpu.memref_squeeze %dma_start3A_267 : memref<1x1000001xf32, #tpu.memory_space<hbm>> -> memref<1000001xf32, #tpu.memory_space<hbm>>
          %dma_start3A_269 = tpu.memref_slice %dma_start3A_268[%multiple_of3A_250] : memref<1000001xf32, #tpu.memory_space<hbm>> -> memref<128xf32, #tpu.memory_space<hbm>>
          tpu.enqueue_dma source(%dma_start3A_269 : memref<128xf32, #tpu.memory_space<hbm>>) target(%dma_start3A_265 : memref<128xf32, #tpu.memory_space<vmem>>) target_semaphore(%arg8 : memref<!tpu.dma_semaphore, #tpu.memory_space<semaphore_mem>>)
          %slice3A_270 = vector.extract_strided_slice %and3A_184 {offsets = [4], sizes = [1], strides = [1]} : vector<16xi32> to vector<1xi32>
          %squeeze3A_271 = vector.extract %slice3A_270[0] : i32 from vector<1xi32>
          %multiple_of3A_272 = tpu.assume_multiple %squeeze3A_271, 128 : i32
          %mul3A_273 = arith.constant 16 : i32
          %mul3A_274 = arith.muli %scan3A_178, %mul3A_273 : i32
          %add3A_275 = arith.constant 4 : i32
          %add3A_276 = arith.addi %mul3A_274, %add3A_275 : i32
          %mul3A_277 = arith.constant 128 : i32
          %mul3A_278 = arith.muli %add3A_276, %mul3A_277 : i32
          %add3A_279 = arith.constant 0 : i32
          %add3A_280 = arith.addi %add3A_279, %mul3A_278 : i32
          %multiple_of3A_281 = tpu.assume_multiple %add3A_280, 128 : i32
          %dma_start3A_282 = tpu.memref_slice %arg6[%multiple_of3A_281] : memref<65536xf32, #tpu.memory_space<vmem>> -> memref<128xf32, #tpu.memory_space<vmem>>
          %dma_start3A_283 = arith.constant 0 : i32
          %dma_start3A_284 = tpu.memref_slice %arg3[%add3A, %dma_start3A_283] : memref<32x1000001xf32, #tpu.memory_space<hbm>> -> memref<1x1000001xf32, #tpu.memory_space<hbm>>
          %dma_start3A_285 = tpu.memref_squeeze %dma_start3A_284 : memref<1x1000001xf32, #tpu.memory_space<hbm>> -> memref<1000001xf32, #tpu.memory_space<hbm>>
          %dma_start3A_286 = tpu.memref_slice %dma_start3A_285[%multiple_of3A_272] : memref<1000001xf32, #tpu.memory_space<hbm>> -> memref<128xf32, #tpu.memory_space<hbm>>
          %dma_start3A_287 = tpu.memref_slice %arg6[%multiple_of3A_281] : memref<65536xf32, #tpu.memory_space<vmem>> -> memref<128xf32, #tpu.memory_space<vmem>>
          %dma_start3A_288 = arith.constant 0 : i32
          %dma_start3A_289 = tpu.memref_slice %arg3[%add3A, %dma_start3A_288] : memref<32x1000001xf32, #tpu.memory_space<hbm>> -> memref<1x1000001xf32, #tpu.memory_space<hbm>>
          %dma_start3A_290 = tpu.memref_squeeze %dma_start3A_289 : memref<1x1000001xf32, #tpu.memory_space<hbm>> -> memref<1000001xf32, #tpu.memory_space<hbm>>
          %dma_start3A_291 = tpu.memref_slice %dma_start3A_290[%multiple_of3A_272] : memref<1000001xf32, #tpu.memory_space<hbm>> -> memref<128xf32, #tpu.memory_space<hbm>>
          tpu.enqueue_dma source(%dma_start3A_291 : memref<128xf32, #tpu.memory_space<hbm>>) target(%dma_start3A_287 : memref<128xf32, #tpu.memory_space<vmem>>) target_semaphore(%arg8 : memref<!tpu.dma_semaphore, #tpu.memory_space<semaphore_mem>>)
          %slice3A_292 = vector.extract_strided_slice %and3A_184 {offsets = [5], sizes = [1], strides = [1]} : vector<16xi32> to vector<1xi32>
          %squeeze3A_293 = vector.extract %slice3A_292[0] : i32 from vector<1xi32>
          %multiple_of3A_294 = tpu.assume_multiple %squeeze3A_293, 128 : i32
          %mul3A_295 = arith.constant 16 : i32
          %mul3A_296 = arith.muli %scan3A_178, %mul3A_295 : i32
          %add3A_297 = arith.constant 5 : i32
          %add3A_298 = arith.addi %mul3A_296, %add3A_297 : i32
          %mul3A_299 = arith.constant 128 : i32
          %mul3A_300 = arith.muli %add3A_298, %mul3A_299 : i32
          %add3A_301 = arith.constant 0 : i32
          %add3A_302 = arith.addi %add3A_301, %mul3A_300 : i32
          %multiple_of3A_303 = tpu.assume_multiple %add3A_302, 128 : i32
          %dma_start3A_304 = tpu.memref_slice %arg6[%multiple_of3A_303] : memref<65536xf32, #tpu.memory_space<vmem>> -> memref<128xf32, #tpu.memory_space<vmem>>
          %dma_start3A_305 = arith.constant 0 : i32
          %dma_start3A_306 = tpu.memref_slice %arg3[%add3A, %dma_start3A_305] : memref<32x1000001xf32, #tpu.memory_space<hbm>> -> memref<1x1000001xf32, #tpu.memory_space<hbm>>
          %dma_start3A_307 = tpu.memref_squeeze %dma_start3A_306 : memref<1x1000001xf32, #tpu.memory_space<hbm>> -> memref<1000001xf32, #tpu.memory_space<hbm>>
          %dma_start3A_308 = tpu.memref_slice %dma_start3A_307[%multiple_of3A_294] : memref<1000001xf32, #tpu.memory_space<hbm>> -> memref<128xf32, #tpu.memory_space<hbm>>
          %dma_start3A_309 = tpu.memref_slice %arg6[%multiple_of3A_303] : memref<65536xf32, #tpu.memory_space<vmem>> -> memref<128xf32, #tpu.memory_space<vmem>>
          %dma_start3A_310 = arith.constant 0 : i32
          %dma_start3A_311 = tpu.memref_slice %arg3[%add3A, %dma_start3A_310] : memref<32x1000001xf32, #tpu.memory_space<hbm>> -> memref<1x1000001xf32, #tpu.memory_space<hbm>>
          %dma_start3A_312 = tpu.memref_squeeze %dma_start3A_311 : memref<1x1000001xf32, #tpu.memory_space<hbm>> -> memref<1000001xf32, #tpu.memory_space<hbm>>
          %dma_start3A_313 = tpu.memref_slice %dma_start3A_312[%multiple_of3A_294] : memref<1000001xf32, #tpu.memory_space<hbm>> -> memref<128xf32, #tpu.memory_space<hbm>>
          tpu.enqueue_dma source(%dma_start3A_313 : memref<128xf32, #tpu.memory_space<hbm>>) target(%dma_start3A_309 : memref<128xf32, #tpu.memory_space<vmem>>) target_semaphore(%arg8 : memref<!tpu.dma_semaphore, #tpu.memory_space<semaphore_mem>>)
          %slice3A_314 = vector.extract_strided_slice %and3A_184 {offsets = [6], sizes = [1], strides = [1]} : vector<16xi32> to vector<1xi32>
          %squeeze3A_315 = vector.extract %slice3A_314[0] : i32 from vector<1xi32>
          %multiple_of3A_316 = tpu.assume_multiple %squeeze3A_315, 128 : i32
          %mul3A_317 = arith.constant 16 : i32
          %mul3A_318 = arith.muli %scan3A_178, %mul3A_317 : i32
          %add3A_319 = arith.constant 6 : i32
          %add3A_320 = arith.addi %mul3A_318, %add3A_319 : i32
          %mul3A_321 = arith.constant 128 : i32
          %mul3A_322 = arith.muli %add3A_320, %mul3A_321 : i32
          %add3A_323 = arith.constant 0 : i32
          %add3A_324 = arith.addi %add3A_323, %mul3A_322 : i32
          %multiple_of3A_325 = tpu.assume_multiple %add3A_324, 128 : i32
          %dma_start3A_326 = tpu.memref_slice %arg6[%multiple_of3A_325] : memref<65536xf32, #tpu.memory_space<vmem>> -> memref<128xf32, #tpu.memory_space<vmem>>
          %dma_start3A_327 = arith.constant 0 : i32
          %dma_start3A_328 = tpu.memref_slice %arg3[%add3A, %dma_start3A_327] : memref<32x1000001xf32, #tpu.memory_space<hbm>> -> memref<1x1000001xf32, #tpu.memory_space<hbm>>
          %dma_start3A_329 = tpu.memref_squeeze %dma_start3A_328 : memref<1x1000001xf32, #tpu.memory_space<hbm>> -> memref<1000001xf32, #tpu.memory_space<hbm>>
          %dma_start3A_330 = tpu.memref_slice %dma_start3A_329[%multiple_of3A_316] : memref<1000001xf32, #tpu.memory_space<hbm>> -> memref<128xf32, #tpu.memory_space<hbm>>
          %dma_start3A_331 = tpu.memref_slice %arg6[%multiple_of3A_325] : memref<65536xf32, #tpu.memory_space<vmem>> -> memref<128xf32, #tpu.memory_space<vmem>>
          %dma_start3A_332 = arith.constant 0 : i32
          %dma_start3A_333 = tpu.memref_slice %arg3[%add3A, %dma_start3A_332] : memref<32x1000001xf32, #tpu.memory_space<hbm>> -> memref<1x1000001xf32, #tpu.memory_space<hbm>>
          %dma_start3A_334 = tpu.memref_squeeze %dma_start3A_333 : memref<1x1000001xf32, #tpu.memory_space<hbm>> -> memref<1000001xf32, #tpu.memory_space<hbm>>
          %dma_start3A_335 = tpu.memref_slice %dma_start3A_334[%multiple_of3A_316] : memref<1000001xf32, #tpu.memory_space<hbm>> -> memref<128xf32, #tpu.memory_space<hbm>>
          tpu.enqueue_dma source(%dma_start3A_335 : memref<128xf32, #tpu.memory_space<hbm>>) target(%dma_start3A_331 : memref<128xf32, #tpu.memory_space<vmem>>) target_semaphore(%arg8 : memref<!tpu.dma_semaphore, #tpu.memory_space<semaphore_mem>>)
          %slice3A_336 = vector.extract_strided_slice %and3A_184 {offsets = [7], sizes = [1], strides = [1]} : vector<16xi32> to vector<1xi32>
          %squeeze3A_337 = vector.extract %slice3A_336[0] : i32 from vector<1xi32>
          %multiple_of3A_338 = tpu.assume_multiple %squeeze3A_337, 128 : i32
          %mul3A_339 = arith.constant 16 : i32
          %mul3A_340 = arith.muli %scan3A_178, %mul3A_339 : i32
          %add3A_341 = arith.constant 7 : i32
          %add3A_342 = arith.addi %mul3A_340, %add3A_341 : i32
          %mul3A_343 = arith.constant 128 : i32
          %mul3A_344 = arith.muli %add3A_342, %mul3A_343 : i32
          %add3A_345 = arith.constant 0 : i32
          %add3A_346 = arith.addi %add3A_345, %mul3A_344 : i32
          %multiple_of3A_347 = tpu.assume_multiple %add3A_346, 128 : i32
          %dma_start3A_348 = tpu.memref_slice %arg6[%multiple_of3A_347] : memref<65536xf32, #tpu.memory_space<vmem>> -> memref<128xf32, #tpu.memory_space<vmem>>
          %dma_start3A_349 = arith.constant 0 : i32
          %dma_start3A_350 = tpu.memref_slice %arg3[%add3A, %dma_start3A_349] : memref<32x1000001xf32, #tpu.memory_space<hbm>> -> memref<1x1000001xf32, #tpu.memory_space<hbm>>
          %dma_start3A_351 = tpu.memref_squeeze %dma_start3A_350 : memref<1x1000001xf32, #tpu.memory_space<hbm>> -> memref<1000001xf32, #tpu.memory_space<hbm>>
          %dma_start3A_352 = tpu.memref_slice %dma_start3A_351[%multiple_of3A_338] : memref<1000001xf32, #tpu.memory_space<hbm>> -> memref<128xf32, #tpu.memory_space<hbm>>
          %dma_start3A_353 = tpu.memref_slice %arg6[%multiple_of3A_347] : memref<65536xf32, #tpu.memory_space<vmem>> -> memref<128xf32, #tpu.memory_space<vmem>>
          %dma_start3A_354 = arith.constant 0 : i32
          %dma_start3A_355 = tpu.memref_slice %arg3[%add3A, %dma_start3A_354] : memref<32x1000001xf32, #tpu.memory_space<hbm>> -> memref<1x1000001xf32, #tpu.memory_space<hbm>>
          %dma_start3A_356 = tpu.memref_squeeze %dma_start3A_355 : memref<1x1000001xf32, #tpu.memory_space<hbm>> -> memref<1000001xf32, #tpu.memory_space<hbm>>
          %dma_start3A_357 = tpu.memref_slice %dma_start3A_356[%multiple_of3A_338] : memref<1000001xf32, #tpu.memory_space<hbm>> -> memref<128xf32, #tpu.memory_space<hbm>>
          tpu.enqueue_dma source(%dma_start3A_357 : memref<128xf32, #tpu.memory_space<hbm>>) target(%dma_start3A_353 : memref<128xf32, #tpu.memory_space<vmem>>) target_semaphore(%arg8 : memref<!tpu.dma_semaphore, #tpu.memory_space<semaphore_mem>>)
          %slice3A_358 = vector.extract_strided_slice %and3A_184 {offsets = [8], sizes = [1], strides = [1]} : vector<16xi32> to vector<1xi32>
          %squeeze3A_359 = vector.extract %slice3A_358[0] : i32 from vector<1xi32>
          %multiple_of3A_360 = tpu.assume_multiple %squeeze3A_359, 128 : i32
          %mul3A_361 = arith.constant 16 : i32
          %mul3A_362 = arith.muli %scan3A_178, %mul3A_361 : i32
          %add3A_363 = arith.constant 8 : i32
          %add3A_364 = arith.addi %mul3A_362, %add3A_363 : i32
          %mul3A_365 = arith.constant 128 : i32
          %mul3A_366 = arith.muli %add3A_364, %mul3A_365 : i32
          %add3A_367 = arith.constant 0 : i32
          %add3A_368 = arith.addi %add3A_367, %mul3A_366 : i32
          %multiple_of3A_369 = tpu.assume_multiple %add3A_368, 128 : i32
          %dma_start3A_370 = tpu.memref_slice %arg6[%multiple_of3A_369] : memref<65536xf32, #tpu.memory_space<vmem>> -> memref<128xf32, #tpu.memory_space<vmem>>
          %dma_start3A_371 = arith.constant 0 : i32
          %dma_start3A_372 = tpu.memref_slice %arg3[%add3A, %dma_start3A_371] : memref<32x1000001xf32, #tpu.memory_space<hbm>> -> memref<1x1000001xf32, #tpu.memory_space<hbm>>
          %dma_start3A_373 = tpu.memref_squeeze %dma_start3A_372 : memref<1x1000001xf32, #tpu.memory_space<hbm>> -> memref<1000001xf32, #tpu.memory_space<hbm>>
          %dma_start3A_374 = tpu.memref_slice %dma_start3A_373[%multiple_of3A_360] : memref<1000001xf32, #tpu.memory_space<hbm>> -> memref<128xf32, #tpu.memory_space<hbm>>
          %dma_start3A_375 = tpu.memref_slice %arg6[%multiple_of3A_369] : memref<65536xf32, #tpu.memory_space<vmem>> -> memref<128xf32, #tpu.memory_space<vmem>>
          %dma_start3A_376 = arith.constant 0 : i32
          %dma_start3A_377 = tpu.memref_slice %arg3[%add3A, %dma_start3A_376] : memref<32x1000001xf32, #tpu.memory_space<hbm>> -> memref<1x1000001xf32, #tpu.memory_space<hbm>>
          %dma_start3A_378 = tpu.memref_squeeze %dma_start3A_377 : memref<1x1000001xf32, #tpu.memory_space<hbm>> -> memref<1000001xf32, #tpu.memory_space<hbm>>
          %dma_start3A_379 = tpu.memref_slice %dma_start3A_378[%multiple_of3A_360] : memref<1000001xf32, #tpu.memory_space<hbm>> -> memref<128xf32, #tpu.memory_space<hbm>>
          tpu.enqueue_dma source(%dma_start3A_379 : memref<128xf32, #tpu.memory_space<hbm>>) target(%dma_start3A_375 : memref<128xf32, #tpu.memory_space<vmem>>) target_semaphore(%arg8 : memref<!tpu.dma_semaphore, #tpu.memory_space<semaphore_mem>>)
          %slice3A_380 = vector.extract_strided_slice %and3A_184 {offsets = [9], sizes = [1], strides = [1]} : vector<16xi32> to vector<1xi32>
          %squeeze3A_381 = vector.extract %slice3A_380[0] : i32 from vector<1xi32>
          %multiple_of3A_382 = tpu.assume_multiple %squeeze3A_381, 128 : i32
          %mul3A_383 = arith.constant 16 : i32
          %mul3A_384 = arith.muli %scan3A_178, %mul3A_383 : i32
          %add3A_385 = arith.constant 9 : i32
          %add3A_386 = arith.addi %mul3A_384, %add3A_385 : i32
          %mul3A_387 = arith.constant 128 : i32
          %mul3A_388 = arith.muli %add3A_386, %mul3A_387 : i32
          %add3A_389 = arith.constant 0 : i32
          %add3A_390 = arith.addi %add3A_389, %mul3A_388 : i32
          %multiple_of3A_391 = tpu.assume_multiple %add3A_390, 128 : i32
          %dma_start3A_392 = tpu.memref_slice %arg6[%multiple_of3A_391] : memref<65536xf32, #tpu.memory_space<vmem>> -> memref<128xf32, #tpu.memory_space<vmem>>
          %dma_start3A_393 = arith.constant 0 : i32
          %dma_start3A_394 = tpu.memref_slice %arg3[%add3A, %dma_start3A_393] : memref<32x1000001xf32, #tpu.memory_space<hbm>> -> memref<1x1000001xf32, #tpu.memory_space<hbm>>
          %dma_start3A_395 = tpu.memref_squeeze %dma_start3A_394 : memref<1x1000001xf32, #tpu.memory_space<hbm>> -> memref<1000001xf32, #tpu.memory_space<hbm>>
          %dma_start3A_396 = tpu.memref_slice %dma_start3A_395[%multiple_of3A_382] : memref<1000001xf32, #tpu.memory_space<hbm>> -> memref<128xf32, #tpu.memory_space<hbm>>
          %dma_start3A_397 = tpu.memref_slice %arg6[%multiple_of3A_391] : memref<65536xf32, #tpu.memory_space<vmem>> -> memref<128xf32, #tpu.memory_space<vmem>>
          %dma_start3A_398 = arith.constant 0 : i32
          %dma_start3A_399 = tpu.memref_slice %arg3[%add3A, %dma_start3A_398] : memref<32x1000001xf32, #tpu.memory_space<hbm>> -> memref<1x1000001xf32, #tpu.memory_space<hbm>>
          %dma_start3A_400 = tpu.memref_squeeze %dma_start3A_399 : memref<1x1000001xf32, #tpu.memory_space<hbm>> -> memref<1000001xf32, #tpu.memory_space<hbm>>
          %dma_start3A_401 = tpu.memref_slice %dma_start3A_400[%multiple_of3A_382] : memref<1000001xf32, #tpu.memory_space<hbm>> -> memref<128xf32, #tpu.memory_space<hbm>>
          tpu.enqueue_dma source(%dma_start3A_401 : memref<128xf32, #tpu.memory_space<hbm>>) target(%dma_start3A_397 : memref<128xf32, #tpu.memory_space<vmem>>) target_semaphore(%arg8 : memref<!tpu.dma_semaphore, #tpu.memory_space<semaphore_mem>>)
          %slice3A_402 = vector.extract_strided_slice %and3A_184 {offsets = [10], sizes = [1], strides = [1]} : vector<16xi32> to vector<1xi32>
          %squeeze3A_403 = vector.extract %slice3A_402[0] : i32 from vector<1xi32>
          %multiple_of3A_404 = tpu.assume_multiple %squeeze3A_403, 128 : i32
          %mul3A_405 = arith.constant 16 : i32
          %mul3A_406 = arith.muli %scan3A_178, %mul3A_405 : i32
          %add3A_407 = arith.constant 10 : i32
          %add3A_408 = arith.addi %mul3A_406, %add3A_407 : i32
          %mul3A_409 = arith.constant 128 : i32
          %mul3A_410 = arith.muli %add3A_408, %mul3A_409 : i32
          %add3A_411 = arith.constant 0 : i32
          %add3A_412 = arith.addi %add3A_411, %mul3A_410 : i32
          %multiple_of3A_413 = tpu.assume_multiple %add3A_412, 128 : i32
          %dma_start3A_414 = tpu.memref_slice %arg6[%multiple_of3A_413] : memref<65536xf32, #tpu.memory_space<vmem>> -> memref<128xf32, #tpu.memory_space<vmem>>
          %dma_start3A_415 = arith.constant 0 : i32
          %dma_start3A_416 = tpu.memref_slice %arg3[%add3A, %dma_start3A_415] : memref<32x1000001xf32, #tpu.memory_space<hbm>> -> memref<1x1000001xf32, #tpu.memory_space<hbm>>
          %dma_start3A_417 = tpu.memref_squeeze %dma_start3A_416 : memref<1x1000001xf32, #tpu.memory_space<hbm>> -> memref<1000001xf32, #tpu.memory_space<hbm>>
          %dma_start3A_418 = tpu.memref_slice %dma_start3A_417[%multiple_of3A_404] : memref<1000001xf32, #tpu.memory_space<hbm>> -> memref<128xf32, #tpu.memory_space<hbm>>
          %dma_start3A_419 = tpu.memref_slice %arg6[%multiple_of3A_413] : memref<65536xf32, #tpu.memory_space<vmem>> -> memref<128xf32, #tpu.memory_space<vmem>>
          %dma_start3A_420 = arith.constant 0 : i32
          %dma_start3A_421 = tpu.memref_slice %arg3[%add3A, %dma_start3A_420] : memref<32x1000001xf32, #tpu.memory_space<hbm>> -> memref<1x1000001xf32, #tpu.memory_space<hbm>>
          %dma_start3A_422 = tpu.memref_squeeze %dma_start3A_421 : memref<1x1000001xf32, #tpu.memory_space<hbm>> -> memref<1000001xf32, #tpu.memory_space<hbm>>
          %dma_start3A_423 = tpu.memref_slice %dma_start3A_422[%multiple_of3A_404] : memref<1000001xf32, #tpu.memory_space<hbm>> -> memref<128xf32, #tpu.memory_space<hbm>>
          tpu.enqueue_dma source(%dma_start3A_423 : memref<128xf32, #tpu.memory_space<hbm>>) target(%dma_start3A_419 : memref<128xf32, #tpu.memory_space<vmem>>) target_semaphore(%arg8 : memref<!tpu.dma_semaphore, #tpu.memory_space<semaphore_mem>>)
          %slice3A_424 = vector.extract_strided_slice %and3A_184 {offsets = [11], sizes = [1], strides = [1]} : vector<16xi32> to vector<1xi32>
          %squeeze3A_425 = vector.extract %slice3A_424[0] : i32 from vector<1xi32>
          %multiple_of3A_426 = tpu.assume_multiple %squeeze3A_425, 128 : i32
          %mul3A_427 = arith.constant 16 : i32
          %mul3A_428 = arith.muli %scan3A_178, %mul3A_427 : i32
          %add3A_429 = arith.constant 11 : i32
          %add3A_430 = arith.addi %mul3A_428, %add3A_429 : i32
          %mul3A_431 = arith.constant 128 : i32
          %mul3A_432 = arith.muli %add3A_430, %mul3A_431 : i32
          %add3A_433 = arith.constant 0 : i32
          %add3A_434 = arith.addi %add3A_433, %mul3A_432 : i32
          %multiple_of3A_435 = tpu.assume_multiple %add3A_434, 128 : i32
          %dma_start3A_436 = tpu.memref_slice %arg6[%multiple_of3A_435] : memref<65536xf32, #tpu.memory_space<vmem>> -> memref<128xf32, #tpu.memory_space<vmem>>
          %dma_start3A_437 = arith.constant 0 : i32
          %dma_start3A_438 = tpu.memref_slice %arg3[%add3A, %dma_start3A_437] : memref<32x1000001xf32, #tpu.memory_space<hbm>> -> memref<1x1000001xf32, #tpu.memory_space<hbm>>
          %dma_start3A_439 = tpu.memref_squeeze %dma_start3A_438 : memref<1x1000001xf32, #tpu.memory_space<hbm>> -> memref<1000001xf32, #tpu.memory_space<hbm>>
          %dma_start3A_440 = tpu.memref_slice %dma_start3A_439[%multiple_of3A_426] : memref<1000001xf32, #tpu.memory_space<hbm>> -> memref<128xf32, #tpu.memory_space<hbm>>
          %dma_start3A_441 = tpu.memref_slice %arg6[%multiple_of3A_435] : memref<65536xf32, #tpu.memory_space<vmem>> -> memref<128xf32, #tpu.memory_space<vmem>>
          %dma_start3A_442 = arith.constant 0 : i32
          %dma_start3A_443 = tpu.memref_slice %arg3[%add3A, %dma_start3A_442] : memref<32x1000001xf32, #tpu.memory_space<hbm>> -> memref<1x1000001xf32, #tpu.memory_space<hbm>>
          %dma_start3A_444 = tpu.memref_squeeze %dma_start3A_443 : memref<1x1000001xf32, #tpu.memory_space<hbm>> -> memref<1000001xf32, #tpu.memory_space<hbm>>
          %dma_start3A_445 = tpu.memref_slice %dma_start3A_444[%multiple_of3A_426] : memref<1000001xf32, #tpu.memory_space<hbm>> -> memref<128xf32, #tpu.memory_space<hbm>>
          tpu.enqueue_dma source(%dma_start3A_445 : memref<128xf32, #tpu.memory_space<hbm>>) target(%dma_start3A_441 : memref<128xf32, #tpu.memory_space<vmem>>) target_semaphore(%arg8 : memref<!tpu.dma_semaphore, #tpu.memory_space<semaphore_mem>>)
          %slice3A_446 = vector.extract_strided_slice %and3A_184 {offsets = [12], sizes = [1], strides = [1]} : vector<16xi32> to vector<1xi32>
          %squeeze3A_447 = vector.extract %slice3A_446[0] : i32 from vector<1xi32>
          %multiple_of3A_448 = tpu.assume_multiple %squeeze3A_447, 128 : i32
          %mul3A_449 = arith.constant 16 : i32
          %mul3A_450 = arith.muli %scan3A_178, %mul3A_449 : i32
          %add3A_451 = arith.constant 12 : i32
          %add3A_452 = arith.addi %mul3A_450, %add3A_451 : i32
          %mul3A_453 = arith.constant 128 : i32
          %mul3A_454 = arith.muli %add3A_452, %mul3A_453 : i32
          %add3A_455 = arith.constant 0 : i32
          %add3A_456 = arith.addi %add3A_455, %mul3A_454 : i32
          %multiple_of3A_457 = tpu.assume_multiple %add3A_456, 128 : i32
          %dma_start3A_458 = tpu.memref_slice %arg6[%multiple_of3A_457] : memref<65536xf32, #tpu.memory_space<vmem>> -> memref<128xf32, #tpu.memory_space<vmem>>
          %dma_start3A_459 = arith.constant 0 : i32
          %dma_start3A_460 = tpu.memref_slice %arg3[%add3A, %dma_start3A_459] : memref<32x1000001xf32, #tpu.memory_space<hbm>> -> memref<1x1000001xf32, #tpu.memory_space<hbm>>
          %dma_start3A_461 = tpu.memref_squeeze %dma_start3A_460 : memref<1x1000001xf32, #tpu.memory_space<hbm>> -> memref<1000001xf32, #tpu.memory_space<hbm>>
          %dma_start3A_462 = tpu.memref_slice %dma_start3A_461[%multiple_of3A_448] : memref<1000001xf32, #tpu.memory_space<hbm>> -> memref<128xf32, #tpu.memory_space<hbm>>
          %dma_start3A_463 = tpu.memref_slice %arg6[%multiple_of3A_457] : memref<65536xf32, #tpu.memory_space<vmem>> -> memref<128xf32, #tpu.memory_space<vmem>>
          %dma_start3A_464 = arith.constant 0 : i32
          %dma_start3A_465 = tpu.memref_slice %arg3[%add3A, %dma_start3A_464] : memref<32x1000001xf32, #tpu.memory_space<hbm>> -> memref<1x1000001xf32, #tpu.memory_space<hbm>>
          %dma_start3A_466 = tpu.memref_squeeze %dma_start3A_465 : memref<1x1000001xf32, #tpu.memory_space<hbm>> -> memref<1000001xf32, #tpu.memory_space<hbm>>
          %dma_start3A_467 = tpu.memref_slice %dma_start3A_466[%multiple_of3A_448] : memref<1000001xf32, #tpu.memory_space<hbm>> -> memref<128xf32, #tpu.memory_space<hbm>>
          tpu.enqueue_dma source(%dma_start3A_467 : memref<128xf32, #tpu.memory_space<hbm>>) target(%dma_start3A_463 : memref<128xf32, #tpu.memory_space<vmem>>) target_semaphore(%arg8 : memref<!tpu.dma_semaphore, #tpu.memory_space<semaphore_mem>>)
          %slice3A_468 = vector.extract_strided_slice %and3A_184 {offsets = [13], sizes = [1], strides = [1]} : vector<16xi32> to vector<1xi32>
          %squeeze3A_469 = vector.extract %slice3A_468[0] : i32 from vector<1xi32>
          %multiple_of3A_470 = tpu.assume_multiple %squeeze3A_469, 128 : i32
          %mul3A_471 = arith.constant 16 : i32
          %mul3A_472 = arith.muli %scan3A_178, %mul3A_471 : i32
          %add3A_473 = arith.constant 13 : i32
          %add3A_474 = arith.addi %mul3A_472, %add3A_473 : i32
          %mul3A_475 = arith.constant 128 : i32
          %mul3A_476 = arith.muli %add3A_474, %mul3A_475 : i32
          %add3A_477 = arith.constant 0 : i32
          %add3A_478 = arith.addi %add3A_477, %mul3A_476 : i32
          %multiple_of3A_479 = tpu.assume_multiple %add3A_478, 128 : i32
          %dma_start3A_480 = tpu.memref_slice %arg6[%multiple_of3A_479] : memref<65536xf32, #tpu.memory_space<vmem>> -> memref<128xf32, #tpu.memory_space<vmem>>
          %dma_start3A_481 = arith.constant 0 : i32
          %dma_start3A_482 = tpu.memref_slice %arg3[%add3A, %dma_start3A_481] : memref<32x1000001xf32, #tpu.memory_space<hbm>> -> memref<1x1000001xf32, #tpu.memory_space<hbm>>
          %dma_start3A_483 = tpu.memref_squeeze %dma_start3A_482 : memref<1x1000001xf32, #tpu.memory_space<hbm>> -> memref<1000001xf32, #tpu.memory_space<hbm>>
          %dma_start3A_484 = tpu.memref_slice %dma_start3A_483[%multiple_of3A_470] : memref<1000001xf32, #tpu.memory_space<hbm>> -> memref<128xf32, #tpu.memory_space<hbm>>
          %dma_start3A_485 = tpu.memref_slice %arg6[%multiple_of3A_479] : memref<65536xf32, #tpu.memory_space<vmem>> -> memref<128xf32, #tpu.memory_space<vmem>>
          %dma_start3A_486 = arith.constant 0 : i32
          %dma_start3A_487 = tpu.memref_slice %arg3[%add3A, %dma_start3A_486] : memref<32x1000001xf32, #tpu.memory_space<hbm>> -> memref<1x1000001xf32, #tpu.memory_space<hbm>>
          %dma_start3A_488 = tpu.memref_squeeze %dma_start3A_487 : memref<1x1000001xf32, #tpu.memory_space<hbm>> -> memref<1000001xf32, #tpu.memory_space<hbm>>
          %dma_start3A_489 = tpu.memref_slice %dma_start3A_488[%multiple_of3A_470] : memref<1000001xf32, #tpu.memory_space<hbm>> -> memref<128xf32, #tpu.memory_space<hbm>>
          tpu.enqueue_dma source(%dma_start3A_489 : memref<128xf32, #tpu.memory_space<hbm>>) target(%dma_start3A_485 : memref<128xf32, #tpu.memory_space<vmem>>) target_semaphore(%arg8 : memref<!tpu.dma_semaphore, #tpu.memory_space<semaphore_mem>>)
          %slice3A_490 = vector.extract_strided_slice %and3A_184 {offsets = [14], sizes = [1], strides = [1]} : vector<16xi32> to vector<1xi32>
          %squeeze3A_491 = vector.extract %slice3A_490[0] : i32 from vector<1xi32>
          %multiple_of3A_492 = tpu.assume_multiple %squeeze3A_491, 128 : i32
          %mul3A_493 = arith.constant 16 : i32
          %mul3A_494 = arith.muli %scan3A_178, %mul3A_493 : i32
          %add3A_495 = arith.constant 14 : i32
          %add3A_496 = arith.addi %mul3A_494, %add3A_495 : i32
          %mul3A_497 = arith.constant 128 : i32
          %mul3A_498 = arith.muli %add3A_496, %mul3A_497 : i32
          %add3A_499 = arith.constant 0 : i32
          %add3A_500 = arith.addi %add3A_499, %mul3A_498 : i32
          %multiple_of3A_501 = tpu.assume_multiple %add3A_500, 128 : i32
          %dma_start3A_502 = tpu.memref_slice %arg6[%multiple_of3A_501] : memref<65536xf32, #tpu.memory_space<vmem>> -> memref<128xf32, #tpu.memory_space<vmem>>
          %dma_start3A_503 = arith.constant 0 : i32
          %dma_start3A_504 = tpu.memref_slice %arg3[%add3A, %dma_start3A_503] : memref<32x1000001xf32, #tpu.memory_space<hbm>> -> memref<1x1000001xf32, #tpu.memory_space<hbm>>
          %dma_start3A_505 = tpu.memref_squeeze %dma_start3A_504 : memref<1x1000001xf32, #tpu.memory_space<hbm>> -> memref<1000001xf32, #tpu.memory_space<hbm>>
          %dma_start3A_506 = tpu.memref_slice %dma_start3A_505[%multiple_of3A_492] : memref<1000001xf32, #tpu.memory_space<hbm>> -> memref<128xf32, #tpu.memory_space<hbm>>
          %dma_start3A_507 = tpu.memref_slice %arg6[%multiple_of3A_501] : memref<65536xf32, #tpu.memory_space<vmem>> -> memref<128xf32, #tpu.memory_space<vmem>>
          %dma_start3A_508 = arith.constant 0 : i32
          %dma_start3A_509 = tpu.memref_slice %arg3[%add3A, %dma_start3A_508] : memref<32x1000001xf32, #tpu.memory_space<hbm>> -> memref<1x1000001xf32, #tpu.memory_space<hbm>>
          %dma_start3A_510 = tpu.memref_squeeze %dma_start3A_509 : memref<1x1000001xf32, #tpu.memory_space<hbm>> -> memref<1000001xf32, #tpu.memory_space<hbm>>
          %dma_start3A_511 = tpu.memref_slice %dma_start3A_510[%multiple_of3A_492] : memref<1000001xf32, #tpu.memory_space<hbm>> -> memref<128xf32, #tpu.memory_space<hbm>>
          tpu.enqueue_dma source(%dma_start3A_511 : memref<128xf32, #tpu.memory_space<hbm>>) target(%dma_start3A_507 : memref<128xf32, #tpu.memory_space<vmem>>) target_semaphore(%arg8 : memref<!tpu.dma_semaphore, #tpu.memory_space<semaphore_mem>>)
          %slice3A_512 = vector.extract_strided_slice %and3A_184 {offsets = [15], sizes = [1], strides = [1]} : vector<16xi32> to vector<1xi32>
          %squeeze3A_513 = vector.extract %slice3A_512[0] : i32 from vector<1xi32>
          %multiple_of3A_514 = tpu.assume_multiple %squeeze3A_513, 128 : i32
          %mul3A_515 = arith.constant 16 : i32
          %mul3A_516 = arith.muli %scan3A_178, %mul3A_515 : i32
          %add3A_517 = arith.constant 15 : i32
          %add3A_518 = arith.addi %mul3A_516, %add3A_517 : i32
          %mul3A_519 = arith.constant 128 : i32
          %mul3A_520 = arith.muli %add3A_518, %mul3A_519 : i32
          %add3A_521 = arith.constant 0 : i32
          %add3A_522 = arith.addi %add3A_521, %mul3A_520 : i32
          %multiple_of3A_523 = tpu.assume_multiple %add3A_522, 128 : i32
          %dma_start3A_524 = tpu.memref_slice %arg6[%multiple_of3A_523] : memref<65536xf32, #tpu.memory_space<vmem>> -> memref<128xf32, #tpu.memory_space<vmem>>
          %dma_start3A_525 = arith.constant 0 : i32
          %dma_start3A_526 = tpu.memref_slice %arg3[%add3A, %dma_start3A_525] : memref<32x1000001xf32, #tpu.memory_space<hbm>> -> memref<1x1000001xf32, #tpu.memory_space<hbm>>
          %dma_start3A_527 = tpu.memref_squeeze %dma_start3A_526 : memref<1x1000001xf32, #tpu.memory_space<hbm>> -> memref<1000001xf32, #tpu.memory_space<hbm>>
          %dma_start3A_528 = tpu.memref_slice %dma_start3A_527[%multiple_of3A_514] : memref<1000001xf32, #tpu.memory_space<hbm>> -> memref<128xf32, #tpu.memory_space<hbm>>
          %dma_start3A_529 = tpu.memref_slice %arg6[%multiple_of3A_523] : memref<65536xf32, #tpu.memory_space<vmem>> -> memref<128xf32, #tpu.memory_space<vmem>>
          %dma_start3A_530 = arith.constant 0 : i32
          %dma_start3A_531 = tpu.memref_slice %arg3[%add3A, %dma_start3A_530] : memref<32x1000001xf32, #tpu.memory_space<hbm>> -> memref<1x1000001xf32, #tpu.memory_space<hbm>>
          %dma_start3A_532 = tpu.memref_squeeze %dma_start3A_531 : memref<1x1000001xf32, #tpu.memory_space<hbm>> -> memref<1000001xf32, #tpu.memory_space<hbm>>
          %dma_start3A_533 = tpu.memref_slice %dma_start3A_532[%multiple_of3A_514] : memref<1000001xf32, #tpu.memory_space<hbm>> -> memref<128xf32, #tpu.memory_space<hbm>>
          tpu.enqueue_dma source(%dma_start3A_533 : memref<128xf32, #tpu.memory_space<hbm>>) target(%dma_start3A_529 : memref<128xf32, #tpu.memory_space<vmem>>) target_semaphore(%arg8 : memref<!tpu.dma_semaphore, #tpu.memory_space<semaphore_mem>>)
        }
        %scan3A_177 = arith.constant 8 : i32
      } else {
      }
      %dma_wait3A_71 = arith.constant 16384 : i32
      %dma_wait3A_72 = tpu.memref_slice %arg6[%dma_wait3A_71] : memref<65536xf32, #tpu.memory_space<vmem>> -> memref<16384xf32, #tpu.memory_space<vmem>>
      %dma_wait3A_73 = arith.constant 0 : i32
      %dma_wait3A_74 = tpu.memref_slice %arg3[%add3A, %dma_wait3A_73] : memref<32x1000001xf32, #tpu.memory_space<hbm>> -> memref<1x1000001xf32, #tpu.memory_space<hbm>>
      %dma_wait3A_75 = tpu.memref_squeeze %dma_wait3A_74 : memref<1x1000001xf32, #tpu.memory_space<hbm>> -> memref<1000001xf32, #tpu.memory_space<hbm>>
      %dma_wait3A_76 = arith.constant 0 : i32
      %dma_wait3A_77 = tpu.memref_slice %dma_wait3A_75[%dma_wait3A_76] : memref<1000001xf32, #tpu.memory_space<hbm>> -> memref<16384xf32, #tpu.memory_space<hbm>>
      %dma_wait3A_78 = arith.constant 16384 : i32
      %dma_wait3A_79 = tpu.memref_slice %arg6[%dma_wait3A_78] : memref<65536xf32, #tpu.memory_space<vmem>> -> memref<16384xf32, #tpu.memory_space<vmem>>
      %dma_wait3A_80 = arith.constant 0 : i32
      %dma_wait3A_81 = tpu.memref_slice %arg3[%add3A, %dma_wait3A_80] : memref<32x1000001xf32, #tpu.memory_space<hbm>> -> memref<1x1000001xf32, #tpu.memory_space<hbm>>
      %dma_wait3A_82 = tpu.memref_squeeze %dma_wait3A_81 : memref<1x1000001xf32, #tpu.memory_space<hbm>> -> memref<1000001xf32, #tpu.memory_space<hbm>>
      %dma_wait3A_83 = arith.constant 0 : i32
      %dma_wait3A_84 = tpu.memref_slice %dma_wait3A_82[%dma_wait3A_83] : memref<1000001xf32, #tpu.memory_space<hbm>> -> memref<16384xf32, #tpu.memory_space<hbm>>
      tpu.wait_dma2 semaphore(%arg9 : memref<!tpu.dma_semaphore, #tpu.memory_space<semaphore_mem>>) src(%dma_wait3A_84 : memref<16384xf32, #tpu.memory_space<hbm>>) dst(%dma_wait3A_79 : memref<16384xf32, #tpu.memory_space<vmem>>)
      %mul3A_85 = arith.constant 128 : i32
      %mul3A_86 = arith.muli %add3A_61, %mul3A_85 : i32
      %scan3A_87 = arith.constant 0 : i32
      %scan3A_88 = arith.constant 0 : i32
      %scan3A_89 = arith.constant 8 : i32
      %scan3A_90 = arith.addi %scan3A_88, %scan3A_89 : i32
      %scan3A_91 = arith.constant 1 : i32
      scf.for %scan3A_166 = %scan3A_88 to %scan3A_90 step %scan3A_91  : i32 {
        %mul3A_167 = arith.constant 16 : i32
        %mul3A_168 = arith.muli %scan3A_166, %mul3A_167 : i32
        %add3A_169 = arith.addi %mul3A_86, %mul3A_168 : i32
        %get3A = arith.index_cast %add3A_169 : i32 to index
        %get3A_170 = tpu.vector_load %arg5[%get3A] {strides = array<i32>} : memref<16384xi32, #tpu.memory_space<vmem>>, vector<16xi32>,
        %mul3A_171 = arith.constant 2048 : i32
        %mul3A_172 = arith.muli %scan3A_166, %mul3A_171 : i32
        %add3A_173 = arith.constant 16384 : i32
        %add3A_174 = arith.addi %add3A_173, %mul3A_172 : i32
        %add3A_175 = vector.broadcast %add3A_174 : i32 to vector<16xi32>
        %add3A_176 = arith.addi %add3A_175, %mul3A_3 : vector<16xi32>
        %and3A = arith.constant 127 : i32
        %and3A_177 = vector.broadcast %and3A : i32 to vector<16xi32>
        %and3A_178 = arith.andi %get3A_170, %and3A_177 : vector<16xi32>
        %add3A_179 = arith.addi %add3A_176, %and3A_178 : vector<16xi32>
        %gather3A = tpu.vector_load_idx %arg6[%add3A_179] : memref<65536xf32, #tpu.memory_space<vmem>>[vector<16xi32>], vector<16xf32>,
        %mul3A_180 = arith.constant 16 : i32
        %mul3A_181 = arith.muli %scan3A_166, %mul3A_180 : i32
        %swap3A = arith.index_cast %mul3A_181 : i32 to index
        %swap3A_182 = tpu.vector_load %arg7[%swap3A] {strides = array<i32>} : memref<128xf32, #tpu.memory_space<vmem>>, vector<16xf32>,
        tpu.vector_store %arg7[%swap3A], %gather3A {strides = array<i32>} : memref<128xf32, #tpu.memory_space<vmem>>, vector<16xf32>,
      }
      %scan3A_92 = arith.constant 8 : i32
      %multiple_of3A_93 = tpu.assume_multiple %mul3A_86, 128 : i32
      "tpu.region"() ({
        %run_scoped3A = tpu.sem_alloc : memref<!tpu.dma_semaphore, #tpu.memory_space<semaphore_mem>>
        %dma_start3A = arith.constant 0 : i32
        %dma_start3A_166 = tpu.memref_slice %arg4[%add3A, %dma_start3A] : memref<32x16384xf32, #tpu.memory_space<hbm>> -> memref<1x16384xf32, #tpu.memory_space<hbm>>
        %dma_start3A_167 = tpu.memref_squeeze %dma_start3A_166 : memref<1x16384xf32, #tpu.memory_space<hbm>> -> memref<16384xf32, #tpu.memory_space<hbm>>
        %dma_start3A_168 = tpu.memref_slice %dma_start3A_167[%multiple_of3A_93] : memref<16384xf32, #tpu.memory_space<hbm>> -> memref<128xf32, #tpu.memory_space<hbm>>
        %dma_start3A_169 = arith.constant 0 : i32
        %dma_start3A_170 = tpu.memref_slice %arg4[%add3A, %dma_start3A_169] : memref<32x16384xf32, #tpu.memory_space<hbm>> -> memref<1x16384xf32, #tpu.memory_space<hbm>>
        %dma_start3A_171 = tpu.memref_squeeze %dma_start3A_170 : memref<1x16384xf32, #tpu.memory_space<hbm>> -> memref<16384xf32, #tpu.memory_space<hbm>>
        %dma_start3A_172 = tpu.memref_slice %dma_start3A_171[%multiple_of3A_93] : memref<16384xf32, #tpu.memory_space<hbm>> -> memref<128xf32, #tpu.memory_space<hbm>>
        tpu.enqueue_dma source(%arg7 : memref<128xf32, #tpu.memory_space<vmem>>) target(%dma_start3A_172 : memref<128xf32, #tpu.memory_space<hbm>>) target_semaphore(%run_scoped3A : memref<!tpu.dma_semaphore, #tpu.memory_space<semaphore_mem>>)
        %dma_wait3A_173 = arith.constant 0 : i32
        %dma_wait3A_174 = tpu.memref_slice %arg4[%add3A, %dma_wait3A_173] : memref<32x16384xf32, #tpu.memory_space<hbm>> -> memref<1x16384xf32, #tpu.memory_space<hbm>>
        %dma_wait3A_175 = tpu.memref_squeeze %dma_wait3A_174 : memref<1x16384xf32, #tpu.memory_space<hbm>> -> memref<16384xf32, #tpu.memory_space<hbm>>
        %dma_wait3A_176 = tpu.memref_slice %dma_wait3A_175[%multiple_of3A_93] : memref<16384xf32, #tpu.memory_space<hbm>> -> memref<128xf32, #tpu.memory_space<hbm>>
        %dma_wait3A_177 = arith.constant 0 : i32
        %dma_wait3A_178 = tpu.memref_slice %arg4[%add3A, %dma_wait3A_177] : memref<32x16384xf32, #tpu.memory_space<hbm>> -> memref<1x16384xf32, #tpu.memory_space<hbm>>
        %dma_wait3A_179 = tpu.memref_squeeze %dma_wait3A_178 : memref<1x16384xf32, #tpu.memory_space<hbm>> -> memref<16384xf32, #tpu.memory_space<hbm>>
        %dma_wait3A_180 = tpu.memref_slice %dma_wait3A_179[%multiple_of3A_93] : memref<16384xf32, #tpu.memory_space<hbm>> -> memref<128xf32, #tpu.memory_space<hbm>>
        tpu.wait_dma2 semaphore(%run_scoped3A : memref<!tpu.dma_semaphore, #tpu.memory_space<semaphore_mem>>) src(%arg7 : memref<128xf32, #tpu.memory_space<vmem>>) dst(%dma_wait3A_180 : memref<128xf32, #tpu.memory_space<hbm>>)
        tpu.yield
      }) : () -> ()
      %mul3A_94 = arith.constant 4 : i32
      %mul3A_95 = arith.muli %scan3A_27, %mul3A_94 : i32
      %add3A_96 = arith.constant 2 : i32
      %add3A_97 = arith.addi %mul3A_95, %add3A_96 : i32
      %add3A_98 = arith.constant 4 : i32
      %add3A_99 = arith.addi %add3A_97, %add3A_98 : i32
      %sub3A_100 = arith.constant 1 : i32
      %sub3A_101 = arith.subi %add3A_99, %sub3A_100 : i32
      %lt3A_102 = arith.constant 128 : i32
      %lt3A_103 = arith.cmpi slt, %sub3A_101, %lt3A_102 : i32
      %convert_element_type3A_104 = arith.extui %lt3A_103 : i1 to i32
      %cond3A_105 = arith.constant 0 : i32
      %cond3A_106 = arith.cmpi ne, %convert_element_type3A_104, %cond3A_105 : i32
      scf.if %cond3A_106 {
        %add3A_166 = arith.constant 4 : i32
        %add3A_167 = arith.addi %add3A_97, %add3A_166 : i32
        %sub3A_168 = arith.constant 1 : i32
        %sub3A_169 = arith.subi %add3A_167, %sub3A_168 : i32
        %mul3A_170 = arith.constant 128 : i32
        %mul3A_171 = arith.muli %sub3A_169, %mul3A_170 : i32
        %scan3A_172 = arith.constant 0 : i32
        %scan3A_173 = arith.constant 0 : i32
        %scan3A_174 = arith.constant 8 : i32
        %scan3A_175 = arith.addi %scan3A_173, %scan3A_174 : i32
        %scan3A_176 = arith.constant 1 : i32
        scf.for %scan3A_178 = %scan3A_173 to %scan3A_175 step %scan3A_176  : i32 {
          %mul3A_179 = arith.constant 16 : i32
          %mul3A_180 = arith.muli %scan3A_178, %mul3A_179 : i32
          %add3A_181 = arith.addi %mul3A_171, %mul3A_180 : i32
          %get3A = arith.index_cast %add3A_181 : i32 to index
          %get3A_182 = tpu.vector_load %arg5[%get3A] {strides = array<i32>} : memref<16384xi32, #tpu.memory_space<vmem>>, vector<16xi32>,
          %and3A = arith.constant -128 : i32
          %and3A_183 = vector.broadcast %and3A : i32 to vector<16xi32>
          %and3A_184 = arith.andi %get3A_182, %and3A_183 : vector<16xi32>
          %slice3A = vector.extract_strided_slice %and3A_184 {offsets = [0], sizes = [1], strides = [1]} : vector<16xi32> to vector<1xi32>
          %squeeze3A = vector.extract %slice3A[0] : i32 from vector<1xi32>
          %multiple_of3A_185 = tpu.assume_multiple %squeeze3A, 128 : i32
          %mul3A_186 = arith.constant 16 : i32
          %mul3A_187 = arith.muli %scan3A_178, %mul3A_186 : i32
          %add3A_188 = arith.constant 0 : i32
          %add3A_189 = arith.addi %mul3A_187, %add3A_188 : i32
          %mul3A_190 = arith.constant 128 : i32
          %mul3A_191 = arith.muli %add3A_189, %mul3A_190 : i32
          %add3A_192 = arith.constant 16384 : i32
          %add3A_193 = arith.addi %add3A_192, %mul3A_191 : i32
          %multiple_of3A_194 = tpu.assume_multiple %add3A_193, 128 : i32
          %dma_start3A = tpu.memref_slice %arg6[%multiple_of3A_194] : memref<65536xf32, #tpu.memory_space<vmem>> -> memref<128xf32, #tpu.memory_space<vmem>>
          %dma_start3A_195 = arith.constant 0 : i32
          %dma_start3A_196 = tpu.memref_slice %arg3[%add3A, %dma_start3A_195] : memref<32x1000001xf32, #tpu.memory_space<hbm>> -> memref<1x1000001xf32, #tpu.memory_space<hbm>>
          %dma_start3A_197 = tpu.memref_squeeze %dma_start3A_196 : memref<1x1000001xf32, #tpu.memory_space<hbm>> -> memref<1000001xf32, #tpu.memory_space<hbm>>
          %dma_start3A_198 = tpu.memref_slice %dma_start3A_197[%multiple_of3A_185] : memref<1000001xf32, #tpu.memory_space<hbm>> -> memref<128xf32, #tpu.memory_space<hbm>>
          %dma_start3A_199 = tpu.memref_slice %arg6[%multiple_of3A_194] : memref<65536xf32, #tpu.memory_space<vmem>> -> memref<128xf32, #tpu.memory_space<vmem>>
          %dma_start3A_200 = arith.constant 0 : i32
          %dma_start3A_201 = tpu.memref_slice %arg3[%add3A, %dma_start3A_200] : memref<32x1000001xf32, #tpu.memory_space<hbm>> -> memref<1x1000001xf32, #tpu.memory_space<hbm>>
          %dma_start3A_202 = tpu.memref_squeeze %dma_start3A_201 : memref<1x1000001xf32, #tpu.memory_space<hbm>> -> memref<1000001xf32, #tpu.memory_space<hbm>>
          %dma_start3A_203 = tpu.memref_slice %dma_start3A_202[%multiple_of3A_185] : memref<1000001xf32, #tpu.memory_space<hbm>> -> memref<128xf32, #tpu.memory_space<hbm>>
          tpu.enqueue_dma source(%dma_start3A_203 : memref<128xf32, #tpu.memory_space<hbm>>) target(%dma_start3A_199 : memref<128xf32, #tpu.memory_space<vmem>>) target_semaphore(%arg9 : memref<!tpu.dma_semaphore, #tpu.memory_space<semaphore_mem>>)
          %slice3A_204 = vector.extract_strided_slice %and3A_184 {offsets = [1], sizes = [1], strides = [1]} : vector<16xi32> to vector<1xi32>
          %squeeze3A_205 = vector.extract %slice3A_204[0] : i32 from vector<1xi32>
          %multiple_of3A_206 = tpu.assume_multiple %squeeze3A_205, 128 : i32
          %mul3A_207 = arith.constant 16 : i32
          %mul3A_208 = arith.muli %scan3A_178, %mul3A_207 : i32
          %add3A_209 = arith.constant 1 : i32
          %add3A_210 = arith.addi %mul3A_208, %add3A_209 : i32
          %mul3A_211 = arith.constant 128 : i32
          %mul3A_212 = arith.muli %add3A_210, %mul3A_211 : i32
          %add3A_213 = arith.constant 16384 : i32
          %add3A_214 = arith.addi %add3A_213, %mul3A_212 : i32
          %multiple_of3A_215 = tpu.assume_multiple %add3A_214, 128 : i32
          %dma_start3A_216 = tpu.memref_slice %arg6[%multiple_of3A_215] : memref<65536xf32, #tpu.memory_space<vmem>> -> memref<128xf32, #tpu.memory_space<vmem>>
          %dma_start3A_217 = arith.constant 0 : i32
          %dma_start3A_218 = tpu.memref_slice %arg3[%add3A, %dma_start3A_217] : memref<32x1000001xf32, #tpu.memory_space<hbm>> -> memref<1x1000001xf32, #tpu.memory_space<hbm>>
          %dma_start3A_219 = tpu.memref_squeeze %dma_start3A_218 : memref<1x1000001xf32, #tpu.memory_space<hbm>> -> memref<1000001xf32, #tpu.memory_space<hbm>>
          %dma_start3A_220 = tpu.memref_slice %dma_start3A_219[%multiple_of3A_206] : memref<1000001xf32, #tpu.memory_space<hbm>> -> memref<128xf32, #tpu.memory_space<hbm>>
          %dma_start3A_221 = tpu.memref_slice %arg6[%multiple_of3A_215] : memref<65536xf32, #tpu.memory_space<vmem>> -> memref<128xf32, #tpu.memory_space<vmem>>
          %dma_start3A_222 = arith.constant 0 : i32
          %dma_start3A_223 = tpu.memref_slice %arg3[%add3A, %dma_start3A_222] : memref<32x1000001xf32, #tpu.memory_space<hbm>> -> memref<1x1000001xf32, #tpu.memory_space<hbm>>
          %dma_start3A_224 = tpu.memref_squeeze %dma_start3A_223 : memref<1x1000001xf32, #tpu.memory_space<hbm>> -> memref<1000001xf32, #tpu.memory_space<hbm>>
          %dma_start3A_225 = tpu.memref_slice %dma_start3A_224[%multiple_of3A_206] : memref<1000001xf32, #tpu.memory_space<hbm>> -> memref<128xf32, #tpu.memory_space<hbm>>
          tpu.enqueue_dma source(%dma_start3A_225 : memref<128xf32, #tpu.memory_space<hbm>>) target(%dma_start3A_221 : memref<128xf32, #tpu.memory_space<vmem>>) target_semaphore(%arg9 : memref<!tpu.dma_semaphore, #tpu.memory_space<semaphore_mem>>)
          %slice3A_226 = vector.extract_strided_slice %and3A_184 {offsets = [2], sizes = [1], strides = [1]} : vector<16xi32> to vector<1xi32>
          %squeeze3A_227 = vector.extract %slice3A_226[0] : i32 from vector<1xi32>
          %multiple_of3A_228 = tpu.assume_multiple %squeeze3A_227, 128 : i32
          %mul3A_229 = arith.constant 16 : i32
          %mul3A_230 = arith.muli %scan3A_178, %mul3A_229 : i32
          %add3A_231 = arith.constant 2 : i32
          %add3A_232 = arith.addi %mul3A_230, %add3A_231 : i32
          %mul3A_233 = arith.constant 128 : i32
          %mul3A_234 = arith.muli %add3A_232, %mul3A_233 : i32
          %add3A_235 = arith.constant 16384 : i32
          %add3A_236 = arith.addi %add3A_235, %mul3A_234 : i32
          %multiple_of3A_237 = tpu.assume_multiple %add3A_236, 128 : i32
          %dma_start3A_238 = tpu.memref_slice %arg6[%multiple_of3A_237] : memref<65536xf32, #tpu.memory_space<vmem>> -> memref<128xf32, #tpu.memory_space<vmem>>
          %dma_start3A_239 = arith.constant 0 : i32
          %dma_start3A_240 = tpu.memref_slice %arg3[%add3A, %dma_start3A_239] : memref<32x1000001xf32, #tpu.memory_space<hbm>> -> memref<1x1000001xf32, #tpu.memory_space<hbm>>
          %dma_start3A_241 = tpu.memref_squeeze %dma_start3A_240 : memref<1x1000001xf32, #tpu.memory_space<hbm>> -> memref<1000001xf32, #tpu.memory_space<hbm>>
          %dma_start3A_242 = tpu.memref_slice %dma_start3A_241[%multiple_of3A_228] : memref<1000001xf32, #tpu.memory_space<hbm>> -> memref<128xf32, #tpu.memory_space<hbm>>
          %dma_start3A_243 = tpu.memref_slice %arg6[%multiple_of3A_237] : memref<65536xf32, #tpu.memory_space<vmem>> -> memref<128xf32, #tpu.memory_space<vmem>>
          %dma_start3A_244 = arith.constant 0 : i32
          %dma_start3A_245 = tpu.memref_slice %arg3[%add3A, %dma_start3A_244] : memref<32x1000001xf32, #tpu.memory_space<hbm>> -> memref<1x1000001xf32, #tpu.memory_space<hbm>>
          %dma_start3A_246 = tpu.memref_squeeze %dma_start3A_245 : memref<1x1000001xf32, #tpu.memory_space<hbm>> -> memref<1000001xf32, #tpu.memory_space<hbm>>
          %dma_start3A_247 = tpu.memref_slice %dma_start3A_246[%multiple_of3A_228] : memref<1000001xf32, #tpu.memory_space<hbm>> -> memref<128xf32, #tpu.memory_space<hbm>>
          tpu.enqueue_dma source(%dma_start3A_247 : memref<128xf32, #tpu.memory_space<hbm>>) target(%dma_start3A_243 : memref<128xf32, #tpu.memory_space<vmem>>) target_semaphore(%arg9 : memref<!tpu.dma_semaphore, #tpu.memory_space<semaphore_mem>>)
          %slice3A_248 = vector.extract_strided_slice %and3A_184 {offsets = [3], sizes = [1], strides = [1]} : vector<16xi32> to vector<1xi32>
          %squeeze3A_249 = vector.extract %slice3A_248[0] : i32 from vector<1xi32>
          %multiple_of3A_250 = tpu.assume_multiple %squeeze3A_249, 128 : i32
          %mul3A_251 = arith.constant 16 : i32
          %mul3A_252 = arith.muli %scan3A_178, %mul3A_251 : i32
          %add3A_253 = arith.constant 3 : i32
          %add3A_254 = arith.addi %mul3A_252, %add3A_253 : i32
          %mul3A_255 = arith.constant 128 : i32
          %mul3A_256 = arith.muli %add3A_254, %mul3A_255 : i32
          %add3A_257 = arith.constant 16384 : i32
          %add3A_258 = arith.addi %add3A_257, %mul3A_256 : i32
          %multiple_of3A_259 = tpu.assume_multiple %add3A_258, 128 : i32
          %dma_start3A_260 = tpu.memref_slice %arg6[%multiple_of3A_259] : memref<65536xf32, #tpu.memory_space<vmem>> -> memref<128xf32, #tpu.memory_space<vmem>>
          %dma_start3A_261 = arith.constant 0 : i32
          %dma_start3A_262 = tpu.memref_slice %arg3[%add3A, %dma_start3A_261] : memref<32x1000001xf32, #tpu.memory_space<hbm>> -> memref<1x1000001xf32, #tpu.memory_space<hbm>>
          %dma_start3A_263 = tpu.memref_squeeze %dma_start3A_262 : memref<1x1000001xf32, #tpu.memory_space<hbm>> -> memref<1000001xf32, #tpu.memory_space<hbm>>
          %dma_start3A_264 = tpu.memref_slice %dma_start3A_263[%multiple_of3A_250] : memref<1000001xf32, #tpu.memory_space<hbm>> -> memref<128xf32, #tpu.memory_space<hbm>>
          %dma_start3A_265 = tpu.memref_slice %arg6[%multiple_of3A_259] : memref<65536xf32, #tpu.memory_space<vmem>> -> memref<128xf32, #tpu.memory_space<vmem>>
          %dma_start3A_266 = arith.constant 0 : i32
          %dma_start3A_267 = tpu.memref_slice %arg3[%add3A, %dma_start3A_266] : memref<32x1000001xf32, #tpu.memory_space<hbm>> -> memref<1x1000001xf32, #tpu.memory_space<hbm>>
          %dma_start3A_268 = tpu.memref_squeeze %dma_start3A_267 : memref<1x1000001xf32, #tpu.memory_space<hbm>> -> memref<1000001xf32, #tpu.memory_space<hbm>>
          %dma_start3A_269 = tpu.memref_slice %dma_start3A_268[%multiple_of3A_250] : memref<1000001xf32, #tpu.memory_space<hbm>> -> memref<128xf32, #tpu.memory_space<hbm>>
          tpu.enqueue_dma source(%dma_start3A_269 : memref<128xf32, #tpu.memory_space<hbm>>) target(%dma_start3A_265 : memref<128xf32, #tpu.memory_space<vmem>>) target_semaphore(%arg9 : memref<!tpu.dma_semaphore, #tpu.memory_space<semaphore_mem>>)
          %slice3A_270 = vector.extract_strided_slice %and3A_184 {offsets = [4], sizes = [1], strides = [1]} : vector<16xi32> to vector<1xi32>
          %squeeze3A_271 = vector.extract %slice3A_270[0] : i32 from vector<1xi32>
          %multiple_of3A_272 = tpu.assume_multiple %squeeze3A_271, 128 : i32
          %mul3A_273 = arith.constant 16 : i32
          %mul3A_274 = arith.muli %scan3A_178, %mul3A_273 : i32
          %add3A_275 = arith.constant 4 : i32
          %add3A_276 = arith.addi %mul3A_274, %add3A_275 : i32
          %mul3A_277 = arith.constant 128 : i32
          %mul3A_278 = arith.muli %add3A_276, %mul3A_277 : i32
          %add3A_279 = arith.constant 16384 : i32
          %add3A_280 = arith.addi %add3A_279, %mul3A_278 : i32
          %multiple_of3A_281 = tpu.assume_multiple %add3A_280, 128 : i32
          %dma_start3A_282 = tpu.memref_slice %arg6[%multiple_of3A_281] : memref<65536xf32, #tpu.memory_space<vmem>> -> memref<128xf32, #tpu.memory_space<vmem>>
          %dma_start3A_283 = arith.constant 0 : i32
          %dma_start3A_284 = tpu.memref_slice %arg3[%add3A, %dma_start3A_283] : memref<32x1000001xf32, #tpu.memory_space<hbm>> -> memref<1x1000001xf32, #tpu.memory_space<hbm>>
          %dma_start3A_285 = tpu.memref_squeeze %dma_start3A_284 : memref<1x1000001xf32, #tpu.memory_space<hbm>> -> memref<1000001xf32, #tpu.memory_space<hbm>>
          %dma_start3A_286 = tpu.memref_slice %dma_start3A_285[%multiple_of3A_272] : memref<1000001xf32, #tpu.memory_space<hbm>> -> memref<128xf32, #tpu.memory_space<hbm>>
          %dma_start3A_287 = tpu.memref_slice %arg6[%multiple_of3A_281] : memref<65536xf32, #tpu.memory_space<vmem>> -> memref<128xf32, #tpu.memory_space<vmem>>
          %dma_start3A_288 = arith.constant 0 : i32
          %dma_start3A_289 = tpu.memref_slice %arg3[%add3A, %dma_start3A_288] : memref<32x1000001xf32, #tpu.memory_space<hbm>> -> memref<1x1000001xf32, #tpu.memory_space<hbm>>
          %dma_start3A_290 = tpu.memref_squeeze %dma_start3A_289 : memref<1x1000001xf32, #tpu.memory_space<hbm>> -> memref<1000001xf32, #tpu.memory_space<hbm>>
          %dma_start3A_291 = tpu.memref_slice %dma_start3A_290[%multiple_of3A_272] : memref<1000001xf32, #tpu.memory_space<hbm>> -> memref<128xf32, #tpu.memory_space<hbm>>
          tpu.enqueue_dma source(%dma_start3A_291 : memref<128xf32, #tpu.memory_space<hbm>>) target(%dma_start3A_287 : memref<128xf32, #tpu.memory_space<vmem>>) target_semaphore(%arg9 : memref<!tpu.dma_semaphore, #tpu.memory_space<semaphore_mem>>)
          %slice3A_292 = vector.extract_strided_slice %and3A_184 {offsets = [5], sizes = [1], strides = [1]} : vector<16xi32> to vector<1xi32>
          %squeeze3A_293 = vector.extract %slice3A_292[0] : i32 from vector<1xi32>
          %multiple_of3A_294 = tpu.assume_multiple %squeeze3A_293, 128 : i32
          %mul3A_295 = arith.constant 16 : i32
          %mul3A_296 = arith.muli %scan3A_178, %mul3A_295 : i32
          %add3A_297 = arith.constant 5 : i32
          %add3A_298 = arith.addi %mul3A_296, %add3A_297 : i32
          %mul3A_299 = arith.constant 128 : i32
          %mul3A_300 = arith.muli %add3A_298, %mul3A_299 : i32
          %add3A_301 = arith.constant 16384 : i32
          %add3A_302 = arith.addi %add3A_301, %mul3A_300 : i32
          %multiple_of3A_303 = tpu.assume_multiple %add3A_302, 128 : i32
          %dma_start3A_304 = tpu.memref_slice %arg6[%multiple_of3A_303] : memref<65536xf32, #tpu.memory_space<vmem>> -> memref<128xf32, #tpu.memory_space<vmem>>
          %dma_start3A_305 = arith.constant 0 : i32
          %dma_start3A_306 = tpu.memref_slice %arg3[%add3A, %dma_start3A_305] : memref<32x1000001xf32, #tpu.memory_space<hbm>> -> memref<1x1000001xf32, #tpu.memory_space<hbm>>
          %dma_start3A_307 = tpu.memref_squeeze %dma_start3A_306 : memref<1x1000001xf32, #tpu.memory_space<hbm>> -> memref<1000001xf32, #tpu.memory_space<hbm>>
          %dma_start3A_308 = tpu.memref_slice %dma_start3A_307[%multiple_of3A_294] : memref<1000001xf32, #tpu.memory_space<hbm>> -> memref<128xf32, #tpu.memory_space<hbm>>
          %dma_start3A_309 = tpu.memref_slice %arg6[%multiple_of3A_303] : memref<65536xf32, #tpu.memory_space<vmem>> -> memref<128xf32, #tpu.memory_space<vmem>>
          %dma_start3A_310 = arith.constant 0 : i32
          %dma_start3A_311 = tpu.memref_slice %arg3[%add3A, %dma_start3A_310] : memref<32x1000001xf32, #tpu.memory_space<hbm>> -> memref<1x1000001xf32, #tpu.memory_space<hbm>>
          %dma_start3A_312 = tpu.memref_squeeze %dma_start3A_311 : memref<1x1000001xf32, #tpu.memory_space<hbm>> -> memref<1000001xf32, #tpu.memory_space<hbm>>
          %dma_start3A_313 = tpu.memref_slice %dma_start3A_312[%multiple_of3A_294] : memref<1000001xf32, #tpu.memory_space<hbm>> -> memref<128xf32, #tpu.memory_space<hbm>>
          tpu.enqueue_dma source(%dma_start3A_313 : memref<128xf32, #tpu.memory_space<hbm>>) target(%dma_start3A_309 : memref<128xf32, #tpu.memory_space<vmem>>) target_semaphore(%arg9 : memref<!tpu.dma_semaphore, #tpu.memory_space<semaphore_mem>>)
          %slice3A_314 = vector.extract_strided_slice %and3A_184 {offsets = [6], sizes = [1], strides = [1]} : vector<16xi32> to vector<1xi32>
          %squeeze3A_315 = vector.extract %slice3A_314[0] : i32 from vector<1xi32>
          %multiple_of3A_316 = tpu.assume_multiple %squeeze3A_315, 128 : i32
          %mul3A_317 = arith.constant 16 : i32
          %mul3A_318 = arith.muli %scan3A_178, %mul3A_317 : i32
          %add3A_319 = arith.constant 6 : i32
          %add3A_320 = arith.addi %mul3A_318, %add3A_319 : i32
          %mul3A_321 = arith.constant 128 : i32
          %mul3A_322 = arith.muli %add3A_320, %mul3A_321 : i32
          %add3A_323 = arith.constant 16384 : i32
          %add3A_324 = arith.addi %add3A_323, %mul3A_322 : i32
          %multiple_of3A_325 = tpu.assume_multiple %add3A_324, 128 : i32
          %dma_start3A_326 = tpu.memref_slice %arg6[%multiple_of3A_325] : memref<65536xf32, #tpu.memory_space<vmem>> -> memref<128xf32, #tpu.memory_space<vmem>>
          %dma_start3A_327 = arith.constant 0 : i32
          %dma_start3A_328 = tpu.memref_slice %arg3[%add3A, %dma_start3A_327] : memref<32x1000001xf32, #tpu.memory_space<hbm>> -> memref<1x1000001xf32, #tpu.memory_space<hbm>>
          %dma_start3A_329 = tpu.memref_squeeze %dma_start3A_328 : memref<1x1000001xf32, #tpu.memory_space<hbm>> -> memref<1000001xf32, #tpu.memory_space<hbm>>
          %dma_start3A_330 = tpu.memref_slice %dma_start3A_329[%multiple_of3A_316] : memref<1000001xf32, #tpu.memory_space<hbm>> -> memref<128xf32, #tpu.memory_space<hbm>>
          %dma_start3A_331 = tpu.memref_slice %arg6[%multiple_of3A_325] : memref<65536xf32, #tpu.memory_space<vmem>> -> memref<128xf32, #tpu.memory_space<vmem>>
          %dma_start3A_332 = arith.constant 0 : i32
          %dma_start3A_333 = tpu.memref_slice %arg3[%add3A, %dma_start3A_332] : memref<32x1000001xf32, #tpu.memory_space<hbm>> -> memref<1x1000001xf32, #tpu.memory_space<hbm>>
          %dma_start3A_334 = tpu.memref_squeeze %dma_start3A_333 : memref<1x1000001xf32, #tpu.memory_space<hbm>> -> memref<1000001xf32, #tpu.memory_space<hbm>>
          %dma_start3A_335 = tpu.memref_slice %dma_start3A_334[%multiple_of3A_316] : memref<1000001xf32, #tpu.memory_space<hbm>> -> memref<128xf32, #tpu.memory_space<hbm>>
          tpu.enqueue_dma source(%dma_start3A_335 : memref<128xf32, #tpu.memory_space<hbm>>) target(%dma_start3A_331 : memref<128xf32, #tpu.memory_space<vmem>>) target_semaphore(%arg9 : memref<!tpu.dma_semaphore, #tpu.memory_space<semaphore_mem>>)
          %slice3A_336 = vector.extract_strided_slice %and3A_184 {offsets = [7], sizes = [1], strides = [1]} : vector<16xi32> to vector<1xi32>
          %squeeze3A_337 = vector.extract %slice3A_336[0] : i32 from vector<1xi32>
          %multiple_of3A_338 = tpu.assume_multiple %squeeze3A_337, 128 : i32
          %mul3A_339 = arith.constant 16 : i32
          %mul3A_340 = arith.muli %scan3A_178, %mul3A_339 : i32
          %add3A_341 = arith.constant 7 : i32
          %add3A_342 = arith.addi %mul3A_340, %add3A_341 : i32
          %mul3A_343 = arith.constant 128 : i32
          %mul3A_344 = arith.muli %add3A_342, %mul3A_343 : i32
          %add3A_345 = arith.constant 16384 : i32
          %add3A_346 = arith.addi %add3A_345, %mul3A_344 : i32
          %multiple_of3A_347 = tpu.assume_multiple %add3A_346, 128 : i32
          %dma_start3A_348 = tpu.memref_slice %arg6[%multiple_of3A_347] : memref<65536xf32, #tpu.memory_space<vmem>> -> memref<128xf32, #tpu.memory_space<vmem>>
          %dma_start3A_349 = arith.constant 0 : i32
          %dma_start3A_350 = tpu.memref_slice %arg3[%add3A, %dma_start3A_349] : memref<32x1000001xf32, #tpu.memory_space<hbm>> -> memref<1x1000001xf32, #tpu.memory_space<hbm>>
          %dma_start3A_351 = tpu.memref_squeeze %dma_start3A_350 : memref<1x1000001xf32, #tpu.memory_space<hbm>> -> memref<1000001xf32, #tpu.memory_space<hbm>>
          %dma_start3A_352 = tpu.memref_slice %dma_start3A_351[%multiple_of3A_338] : memref<1000001xf32, #tpu.memory_space<hbm>> -> memref<128xf32, #tpu.memory_space<hbm>>
          %dma_start3A_353 = tpu.memref_slice %arg6[%multiple_of3A_347] : memref<65536xf32, #tpu.memory_space<vmem>> -> memref<128xf32, #tpu.memory_space<vmem>>
          %dma_start3A_354 = arith.constant 0 : i32
          %dma_start3A_355 = tpu.memref_slice %arg3[%add3A, %dma_start3A_354] : memref<32x1000001xf32, #tpu.memory_space<hbm>> -> memref<1x1000001xf32, #tpu.memory_space<hbm>>
          %dma_start3A_356 = tpu.memref_squeeze %dma_start3A_355 : memref<1x1000001xf32, #tpu.memory_space<hbm>> -> memref<1000001xf32, #tpu.memory_space<hbm>>
          %dma_start3A_357 = tpu.memref_slice %dma_start3A_356[%multiple_of3A_338] : memref<1000001xf32, #tpu.memory_space<hbm>> -> memref<128xf32, #tpu.memory_space<hbm>>
          tpu.enqueue_dma source(%dma_start3A_357 : memref<128xf32, #tpu.memory_space<hbm>>) target(%dma_start3A_353 : memref<128xf32, #tpu.memory_space<vmem>>) target_semaphore(%arg9 : memref<!tpu.dma_semaphore, #tpu.memory_space<semaphore_mem>>)
          %slice3A_358 = vector.extract_strided_slice %and3A_184 {offsets = [8], sizes = [1], strides = [1]} : vector<16xi32> to vector<1xi32>
          %squeeze3A_359 = vector.extract %slice3A_358[0] : i32 from vector<1xi32>
          %multiple_of3A_360 = tpu.assume_multiple %squeeze3A_359, 128 : i32
          %mul3A_361 = arith.constant 16 : i32
          %mul3A_362 = arith.muli %scan3A_178, %mul3A_361 : i32
          %add3A_363 = arith.constant 8 : i32
          %add3A_364 = arith.addi %mul3A_362, %add3A_363 : i32
          %mul3A_365 = arith.constant 128 : i32
          %mul3A_366 = arith.muli %add3A_364, %mul3A_365 : i32
          %add3A_367 = arith.constant 16384 : i32
          %add3A_368 = arith.addi %add3A_367, %mul3A_366 : i32
          %multiple_of3A_369 = tpu.assume_multiple %add3A_368, 128 : i32
          %dma_start3A_370 = tpu.memref_slice %arg6[%multiple_of3A_369] : memref<65536xf32, #tpu.memory_space<vmem>> -> memref<128xf32, #tpu.memory_space<vmem>>
          %dma_start3A_371 = arith.constant 0 : i32
          %dma_start3A_372 = tpu.memref_slice %arg3[%add3A, %dma_start3A_371] : memref<32x1000001xf32, #tpu.memory_space<hbm>> -> memref<1x1000001xf32, #tpu.memory_space<hbm>>
          %dma_start3A_373 = tpu.memref_squeeze %dma_start3A_372 : memref<1x1000001xf32, #tpu.memory_space<hbm>> -> memref<1000001xf32, #tpu.memory_space<hbm>>
          %dma_start3A_374 = tpu.memref_slice %dma_start3A_373[%multiple_of3A_360] : memref<1000001xf32, #tpu.memory_space<hbm>> -> memref<128xf32, #tpu.memory_space<hbm>>
          %dma_start3A_375 = tpu.memref_slice %arg6[%multiple_of3A_369] : memref<65536xf32, #tpu.memory_space<vmem>> -> memref<128xf32, #tpu.memory_space<vmem>>
          %dma_start3A_376 = arith.constant 0 : i32
          %dma_start3A_377 = tpu.memref_slice %arg3[%add3A, %dma_start3A_376] : memref<32x1000001xf32, #tpu.memory_space<hbm>> -> memref<1x1000001xf32, #tpu.memory_space<hbm>>
          %dma_start3A_378 = tpu.memref_squeeze %dma_start3A_377 : memref<1x1000001xf32, #tpu.memory_space<hbm>> -> memref<1000001xf32, #tpu.memory_space<hbm>>
          %dma_start3A_379 = tpu.memref_slice %dma_start3A_378[%multiple_of3A_360] : memref<1000001xf32, #tpu.memory_space<hbm>> -> memref<128xf32, #tpu.memory_space<hbm>>
          tpu.enqueue_dma source(%dma_start3A_379 : memref<128xf32, #tpu.memory_space<hbm>>) target(%dma_start3A_375 : memref<128xf32, #tpu.memory_space<vmem>>) target_semaphore(%arg9 : memref<!tpu.dma_semaphore, #tpu.memory_space<semaphore_mem>>)
          %slice3A_380 = vector.extract_strided_slice %and3A_184 {offsets = [9], sizes = [1], strides = [1]} : vector<16xi32> to vector<1xi32>
          %squeeze3A_381 = vector.extract %slice3A_380[0] : i32 from vector<1xi32>
          %multiple_of3A_382 = tpu.assume_multiple %squeeze3A_381, 128 : i32
          %mul3A_383 = arith.constant 16 : i32
          %mul3A_384 = arith.muli %scan3A_178, %mul3A_383 : i32
          %add3A_385 = arith.constant 9 : i32
          %add3A_386 = arith.addi %mul3A_384, %add3A_385 : i32
          %mul3A_387 = arith.constant 128 : i32
          %mul3A_388 = arith.muli %add3A_386, %mul3A_387 : i32
          %add3A_389 = arith.constant 16384 : i32
          %add3A_390 = arith.addi %add3A_389, %mul3A_388 : i32
          %multiple_of3A_391 = tpu.assume_multiple %add3A_390, 128 : i32
          %dma_start3A_392 = tpu.memref_slice %arg6[%multiple_of3A_391] : memref<65536xf32, #tpu.memory_space<vmem>> -> memref<128xf32, #tpu.memory_space<vmem>>
          %dma_start3A_393 = arith.constant 0 : i32
          %dma_start3A_394 = tpu.memref_slice %arg3[%add3A, %dma_start3A_393] : memref<32x1000001xf32, #tpu.memory_space<hbm>> -> memref<1x1000001xf32, #tpu.memory_space<hbm>>
          %dma_start3A_395 = tpu.memref_squeeze %dma_start3A_394 : memref<1x1000001xf32, #tpu.memory_space<hbm>> -> memref<1000001xf32, #tpu.memory_space<hbm>>
          %dma_start3A_396 = tpu.memref_slice %dma_start3A_395[%multiple_of3A_382] : memref<1000001xf32, #tpu.memory_space<hbm>> -> memref<128xf32, #tpu.memory_space<hbm>>
          %dma_start3A_397 = tpu.memref_slice %arg6[%multiple_of3A_391] : memref<65536xf32, #tpu.memory_space<vmem>> -> memref<128xf32, #tpu.memory_space<vmem>>
          %dma_start3A_398 = arith.constant 0 : i32
          %dma_start3A_399 = tpu.memref_slice %arg3[%add3A, %dma_start3A_398] : memref<32x1000001xf32, #tpu.memory_space<hbm>> -> memref<1x1000001xf32, #tpu.memory_space<hbm>>
          %dma_start3A_400 = tpu.memref_squeeze %dma_start3A_399 : memref<1x1000001xf32, #tpu.memory_space<hbm>> -> memref<1000001xf32, #tpu.memory_space<hbm>>
          %dma_start3A_401 = tpu.memref_slice %dma_start3A_400[%multiple_of3A_382] : memref<1000001xf32, #tpu.memory_space<hbm>> -> memref<128xf32, #tpu.memory_space<hbm>>
          tpu.enqueue_dma source(%dma_start3A_401 : memref<128xf32, #tpu.memory_space<hbm>>) target(%dma_start3A_397 : memref<128xf32, #tpu.memory_space<vmem>>) target_semaphore(%arg9 : memref<!tpu.dma_semaphore, #tpu.memory_space<semaphore_mem>>)
          %slice3A_402 = vector.extract_strided_slice %and3A_184 {offsets = [10], sizes = [1], strides = [1]} : vector<16xi32> to vector<1xi32>
          %squeeze3A_403 = vector.extract %slice3A_402[0] : i32 from vector<1xi32>
          %multiple_of3A_404 = tpu.assume_multiple %squeeze3A_403, 128 : i32
          %mul3A_405 = arith.constant 16 : i32
          %mul3A_406 = arith.muli %scan3A_178, %mul3A_405 : i32
          %add3A_407 = arith.constant 10 : i32
          %add3A_408 = arith.addi %mul3A_406, %add3A_407 : i32
          %mul3A_409 = arith.constant 128 : i32
          %mul3A_410 = arith.muli %add3A_408, %mul3A_409 : i32
          %add3A_411 = arith.constant 16384 : i32
          %add3A_412 = arith.addi %add3A_411, %mul3A_410 : i32
          %multiple_of3A_413 = tpu.assume_multiple %add3A_412, 128 : i32
          %dma_start3A_414 = tpu.memref_slice %arg6[%multiple_of3A_413] : memref<65536xf32, #tpu.memory_space<vmem>> -> memref<128xf32, #tpu.memory_space<vmem>>
          %dma_start3A_415 = arith.constant 0 : i32
          %dma_start3A_416 = tpu.memref_slice %arg3[%add3A, %dma_start3A_415] : memref<32x1000001xf32, #tpu.memory_space<hbm>> -> memref<1x1000001xf32, #tpu.memory_space<hbm>>
          %dma_start3A_417 = tpu.memref_squeeze %dma_start3A_416 : memref<1x1000001xf32, #tpu.memory_space<hbm>> -> memref<1000001xf32, #tpu.memory_space<hbm>>
          %dma_start3A_418 = tpu.memref_slice %dma_start3A_417[%multiple_of3A_404] : memref<1000001xf32, #tpu.memory_space<hbm>> -> memref<128xf32, #tpu.memory_space<hbm>>
          %dma_start3A_419 = tpu.memref_slice %arg6[%multiple_of3A_413] : memref<65536xf32, #tpu.memory_space<vmem>> -> memref<128xf32, #tpu.memory_space<vmem>>
          %dma_start3A_420 = arith.constant 0 : i32
          %dma_start3A_421 = tpu.memref_slice %arg3[%add3A, %dma_start3A_420] : memref<32x1000001xf32, #tpu.memory_space<hbm>> -> memref<1x1000001xf32, #tpu.memory_space<hbm>>
          %dma_start3A_422 = tpu.memref_squeeze %dma_start3A_421 : memref<1x1000001xf32, #tpu.memory_space<hbm>> -> memref<1000001xf32, #tpu.memory_space<hbm>>
          %dma_start3A_423 = tpu.memref_slice %dma_start3A_422[%multiple_of3A_404] : memref<1000001xf32, #tpu.memory_space<hbm>> -> memref<128xf32, #tpu.memory_space<hbm>>
          tpu.enqueue_dma source(%dma_start3A_423 : memref<128xf32, #tpu.memory_space<hbm>>) target(%dma_start3A_419 : memref<128xf32, #tpu.memory_space<vmem>>) target_semaphore(%arg9 : memref<!tpu.dma_semaphore, #tpu.memory_space<semaphore_mem>>)
          %slice3A_424 = vector.extract_strided_slice %and3A_184 {offsets = [11], sizes = [1], strides = [1]} : vector<16xi32> to vector<1xi32>
          %squeeze3A_425 = vector.extract %slice3A_424[0] : i32 from vector<1xi32>
          %multiple_of3A_426 = tpu.assume_multiple %squeeze3A_425, 128 : i32
          %mul3A_427 = arith.constant 16 : i32
          %mul3A_428 = arith.muli %scan3A_178, %mul3A_427 : i32
          %add3A_429 = arith.constant 11 : i32
          %add3A_430 = arith.addi %mul3A_428, %add3A_429 : i32
          %mul3A_431 = arith.constant 128 : i32
          %mul3A_432 = arith.muli %add3A_430, %mul3A_431 : i32
          %add3A_433 = arith.constant 16384 : i32
          %add3A_434 = arith.addi %add3A_433, %mul3A_432 : i32
          %multiple_of3A_435 = tpu.assume_multiple %add3A_434, 128 : i32
          %dma_start3A_436 = tpu.memref_slice %arg6[%multiple_of3A_435] : memref<65536xf32, #tpu.memory_space<vmem>> -> memref<128xf32, #tpu.memory_space<vmem>>
          %dma_start3A_437 = arith.constant 0 : i32
          %dma_start3A_438 = tpu.memref_slice %arg3[%add3A, %dma_start3A_437] : memref<32x1000001xf32, #tpu.memory_space<hbm>> -> memref<1x1000001xf32, #tpu.memory_space<hbm>>
          %dma_start3A_439 = tpu.memref_squeeze %dma_start3A_438 : memref<1x1000001xf32, #tpu.memory_space<hbm>> -> memref<1000001xf32, #tpu.memory_space<hbm>>
          %dma_start3A_440 = tpu.memref_slice %dma_start3A_439[%multiple_of3A_426] : memref<1000001xf32, #tpu.memory_space<hbm>> -> memref<128xf32, #tpu.memory_space<hbm>>
          %dma_start3A_441 = tpu.memref_slice %arg6[%multiple_of3A_435] : memref<65536xf32, #tpu.memory_space<vmem>> -> memref<128xf32, #tpu.memory_space<vmem>>
          %dma_start3A_442 = arith.constant 0 : i32
          %dma_start3A_443 = tpu.memref_slice %arg3[%add3A, %dma_start3A_442] : memref<32x1000001xf32, #tpu.memory_space<hbm>> -> memref<1x1000001xf32, #tpu.memory_space<hbm>>
          %dma_start3A_444 = tpu.memref_squeeze %dma_start3A_443 : memref<1x1000001xf32, #tpu.memory_space<hbm>> -> memref<1000001xf32, #tpu.memory_space<hbm>>
          %dma_start3A_445 = tpu.memref_slice %dma_start3A_444[%multiple_of3A_426] : memref<1000001xf32, #tpu.memory_space<hbm>> -> memref<128xf32, #tpu.memory_space<hbm>>
          tpu.enqueue_dma source(%dma_start3A_445 : memref<128xf32, #tpu.memory_space<hbm>>) target(%dma_start3A_441 : memref<128xf32, #tpu.memory_space<vmem>>) target_semaphore(%arg9 : memref<!tpu.dma_semaphore, #tpu.memory_space<semaphore_mem>>)
          %slice3A_446 = vector.extract_strided_slice %and3A_184 {offsets = [12], sizes = [1], strides = [1]} : vector<16xi32> to vector<1xi32>
          %squeeze3A_447 = vector.extract %slice3A_446[0] : i32 from vector<1xi32>
          %multiple_of3A_448 = tpu.assume_multiple %squeeze3A_447, 128 : i32
          %mul3A_449 = arith.constant 16 : i32
          %mul3A_450 = arith.muli %scan3A_178, %mul3A_449 : i32
          %add3A_451 = arith.constant 12 : i32
          %add3A_452 = arith.addi %mul3A_450, %add3A_451 : i32
          %mul3A_453 = arith.constant 128 : i32
          %mul3A_454 = arith.muli %add3A_452, %mul3A_453 : i32
          %add3A_455 = arith.constant 16384 : i32
          %add3A_456 = arith.addi %add3A_455, %mul3A_454 : i32
          %multiple_of3A_457 = tpu.assume_multiple %add3A_456, 128 : i32
          %dma_start3A_458 = tpu.memref_slice %arg6[%multiple_of3A_457] : memref<65536xf32, #tpu.memory_space<vmem>> -> memref<128xf32, #tpu.memory_space<vmem>>
          %dma_start3A_459 = arith.constant 0 : i32
          %dma_start3A_460 = tpu.memref_slice %arg3[%add3A, %dma_start3A_459] : memref<32x1000001xf32, #tpu.memory_space<hbm>> -> memref<1x1000001xf32, #tpu.memory_space<hbm>>
          %dma_start3A_461 = tpu.memref_squeeze %dma_start3A_460 : memref<1x1000001xf32, #tpu.memory_space<hbm>> -> memref<1000001xf32, #tpu.memory_space<hbm>>
          %dma_start3A_462 = tpu.memref_slice %dma_start3A_461[%multiple_of3A_448] : memref<1000001xf32, #tpu.memory_space<hbm>> -> memref<128xf32, #tpu.memory_space<hbm>>
          %dma_start3A_463 = tpu.memref_slice %arg6[%multiple_of3A_457] : memref<65536xf32, #tpu.memory_space<vmem>> -> memref<128xf32, #tpu.memory_space<vmem>>
          %dma_start3A_464 = arith.constant 0 : i32
          %dma_start3A_465 = tpu.memref_slice %arg3[%add3A, %dma_start3A_464] : memref<32x1000001xf32, #tpu.memory_space<hbm>> -> memref<1x1000001xf32, #tpu.memory_space<hbm>>
          %dma_start3A_466 = tpu.memref_squeeze %dma_start3A_465 : memref<1x1000001xf32, #tpu.memory_space<hbm>> -> memref<1000001xf32, #tpu.memory_space<hbm>>
          %dma_start3A_467 = tpu.memref_slice %dma_start3A_466[%multiple_of3A_448] : memref<1000001xf32, #tpu.memory_space<hbm>> -> memref<128xf32, #tpu.memory_space<hbm>>
          tpu.enqueue_dma source(%dma_start3A_467 : memref<128xf32, #tpu.memory_space<hbm>>) target(%dma_start3A_463 : memref<128xf32, #tpu.memory_space<vmem>>) target_semaphore(%arg9 : memref<!tpu.dma_semaphore, #tpu.memory_space<semaphore_mem>>)
          %slice3A_468 = vector.extract_strided_slice %and3A_184 {offsets = [13], sizes = [1], strides = [1]} : vector<16xi32> to vector<1xi32>
          %squeeze3A_469 = vector.extract %slice3A_468[0] : i32 from vector<1xi32>
          %multiple_of3A_470 = tpu.assume_multiple %squeeze3A_469, 128 : i32
          %mul3A_471 = arith.constant 16 : i32
          %mul3A_472 = arith.muli %scan3A_178, %mul3A_471 : i32
          %add3A_473 = arith.constant 13 : i32
          %add3A_474 = arith.addi %mul3A_472, %add3A_473 : i32
          %mul3A_475 = arith.constant 128 : i32
          %mul3A_476 = arith.muli %add3A_474, %mul3A_475 : i32
          %add3A_477 = arith.constant 16384 : i32
          %add3A_478 = arith.addi %add3A_477, %mul3A_476 : i32
          %multiple_of3A_479 = tpu.assume_multiple %add3A_478, 128 : i32
          %dma_start3A_480 = tpu.memref_slice %arg6[%multiple_of3A_479] : memref<65536xf32, #tpu.memory_space<vmem>> -> memref<128xf32, #tpu.memory_space<vmem>>
          %dma_start3A_481 = arith.constant 0 : i32
          %dma_start3A_482 = tpu.memref_slice %arg3[%add3A, %dma_start3A_481] : memref<32x1000001xf32, #tpu.memory_space<hbm>> -> memref<1x1000001xf32, #tpu.memory_space<hbm>>
          %dma_start3A_483 = tpu.memref_squeeze %dma_start3A_482 : memref<1x1000001xf32, #tpu.memory_space<hbm>> -> memref<1000001xf32, #tpu.memory_space<hbm>>
          %dma_start3A_484 = tpu.memref_slice %dma_start3A_483[%multiple_of3A_470] : memref<1000001xf32, #tpu.memory_space<hbm>> -> memref<128xf32, #tpu.memory_space<hbm>>
          %dma_start3A_485 = tpu.memref_slice %arg6[%multiple_of3A_479] : memref<65536xf32, #tpu.memory_space<vmem>> -> memref<128xf32, #tpu.memory_space<vmem>>
          %dma_start3A_486 = arith.constant 0 : i32
          %dma_start3A_487 = tpu.memref_slice %arg3[%add3A, %dma_start3A_486] : memref<32x1000001xf32, #tpu.memory_space<hbm>> -> memref<1x1000001xf32, #tpu.memory_space<hbm>>
          %dma_start3A_488 = tpu.memref_squeeze %dma_start3A_487 : memref<1x1000001xf32, #tpu.memory_space<hbm>> -> memref<1000001xf32, #tpu.memory_space<hbm>>
          %dma_start3A_489 = tpu.memref_slice %dma_start3A_488[%multiple_of3A_470] : memref<1000001xf32, #tpu.memory_space<hbm>> -> memref<128xf32, #tpu.memory_space<hbm>>
          tpu.enqueue_dma source(%dma_start3A_489 : memref<128xf32, #tpu.memory_space<hbm>>) target(%dma_start3A_485 : memref<128xf32, #tpu.memory_space<vmem>>) target_semaphore(%arg9 : memref<!tpu.dma_semaphore, #tpu.memory_space<semaphore_mem>>)
          %slice3A_490 = vector.extract_strided_slice %and3A_184 {offsets = [14], sizes = [1], strides = [1]} : vector<16xi32> to vector<1xi32>
          %squeeze3A_491 = vector.extract %slice3A_490[0] : i32 from vector<1xi32>
          %multiple_of3A_492 = tpu.assume_multiple %squeeze3A_491, 128 : i32
          %mul3A_493 = arith.constant 16 : i32
          %mul3A_494 = arith.muli %scan3A_178, %mul3A_493 : i32
          %add3A_495 = arith.constant 14 : i32
          %add3A_496 = arith.addi %mul3A_494, %add3A_495 : i32
          %mul3A_497 = arith.constant 128 : i32
          %mul3A_498 = arith.muli %add3A_496, %mul3A_497 : i32
          %add3A_499 = arith.constant 16384 : i32
          %add3A_500 = arith.addi %add3A_499, %mul3A_498 : i32
          %multiple_of3A_501 = tpu.assume_multiple %add3A_500, 128 : i32
          %dma_start3A_502 = tpu.memref_slice %arg6[%multiple_of3A_501] : memref<65536xf32, #tpu.memory_space<vmem>> -> memref<128xf32, #tpu.memory_space<vmem>>
          %dma_start3A_503 = arith.constant 0 : i32
          %dma_start3A_504 = tpu.memref_slice %arg3[%add3A, %dma_start3A_503] : memref<32x1000001xf32, #tpu.memory_space<hbm>> -> memref<1x1000001xf32, #tpu.memory_space<hbm>>
          %dma_start3A_505 = tpu.memref_squeeze %dma_start3A_504 : memref<1x1000001xf32, #tpu.memory_space<hbm>> -> memref<1000001xf32, #tpu.memory_space<hbm>>
          %dma_start3A_506 = tpu.memref_slice %dma_start3A_505[%multiple_of3A_492] : memref<1000001xf32, #tpu.memory_space<hbm>> -> memref<128xf32, #tpu.memory_space<hbm>>
          %dma_start3A_507 = tpu.memref_slice %arg6[%multiple_of3A_501] : memref<65536xf32, #tpu.memory_space<vmem>> -> memref<128xf32, #tpu.memory_space<vmem>>
          %dma_start3A_508 = arith.constant 0 : i32
          %dma_start3A_509 = tpu.memref_slice %arg3[%add3A, %dma_start3A_508] : memref<32x1000001xf32, #tpu.memory_space<hbm>> -> memref<1x1000001xf32, #tpu.memory_space<hbm>>
          %dma_start3A_510 = tpu.memref_squeeze %dma_start3A_509 : memref<1x1000001xf32, #tpu.memory_space<hbm>> -> memref<1000001xf32, #tpu.memory_space<hbm>>
          %dma_start3A_511 = tpu.memref_slice %dma_start3A_510[%multiple_of3A_492] : memref<1000001xf32, #tpu.memory_space<hbm>> -> memref<128xf32, #tpu.memory_space<hbm>>
          tpu.enqueue_dma source(%dma_start3A_511 : memref<128xf32, #tpu.memory_space<hbm>>) target(%dma_start3A_507 : memref<128xf32, #tpu.memory_space<vmem>>) target_semaphore(%arg9 : memref<!tpu.dma_semaphore, #tpu.memory_space<semaphore_mem>>)
          %slice3A_512 = vector.extract_strided_slice %and3A_184 {offsets = [15], sizes = [1], strides = [1]} : vector<16xi32> to vector<1xi32>
          %squeeze3A_513 = vector.extract %slice3A_512[0] : i32 from vector<1xi32>
          %multiple_of3A_514 = tpu.assume_multiple %squeeze3A_513, 128 : i32
          %mul3A_515 = arith.constant 16 : i32
          %mul3A_516 = arith.muli %scan3A_178, %mul3A_515 : i32
          %add3A_517 = arith.constant 15 : i32
          %add3A_518 = arith.addi %mul3A_516, %add3A_517 : i32
          %mul3A_519 = arith.constant 128 : i32
          %mul3A_520 = arith.muli %add3A_518, %mul3A_519 : i32
          %add3A_521 = arith.constant 16384 : i32
          %add3A_522 = arith.addi %add3A_521, %mul3A_520 : i32
          %multiple_of3A_523 = tpu.assume_multiple %add3A_522, 128 : i32
          %dma_start3A_524 = tpu.memref_slice %arg6[%multiple_of3A_523] : memref<65536xf32, #tpu.memory_space<vmem>> -> memref<128xf32, #tpu.memory_space<vmem>>
          %dma_start3A_525 = arith.constant 0 : i32
          %dma_start3A_526 = tpu.memref_slice %arg3[%add3A, %dma_start3A_525] : memref<32x1000001xf32, #tpu.memory_space<hbm>> -> memref<1x1000001xf32, #tpu.memory_space<hbm>>
          %dma_start3A_527 = tpu.memref_squeeze %dma_start3A_526 : memref<1x1000001xf32, #tpu.memory_space<hbm>> -> memref<1000001xf32, #tpu.memory_space<hbm>>
          %dma_start3A_528 = tpu.memref_slice %dma_start3A_527[%multiple_of3A_514] : memref<1000001xf32, #tpu.memory_space<hbm>> -> memref<128xf32, #tpu.memory_space<hbm>>
          %dma_start3A_529 = tpu.memref_slice %arg6[%multiple_of3A_523] : memref<65536xf32, #tpu.memory_space<vmem>> -> memref<128xf32, #tpu.memory_space<vmem>>
          %dma_start3A_530 = arith.constant 0 : i32
          %dma_start3A_531 = tpu.memref_slice %arg3[%add3A, %dma_start3A_530] : memref<32x1000001xf32, #tpu.memory_space<hbm>> -> memref<1x1000001xf32, #tpu.memory_space<hbm>>
          %dma_start3A_532 = tpu.memref_squeeze %dma_start3A_531 : memref<1x1000001xf32, #tpu.memory_space<hbm>> -> memref<1000001xf32, #tpu.memory_space<hbm>>
          %dma_start3A_533 = tpu.memref_slice %dma_start3A_532[%multiple_of3A_514] : memref<1000001xf32, #tpu.memory_space<hbm>> -> memref<128xf32, #tpu.memory_space<hbm>>
          tpu.enqueue_dma source(%dma_start3A_533 : memref<128xf32, #tpu.memory_space<hbm>>) target(%dma_start3A_529 : memref<128xf32, #tpu.memory_space<vmem>>) target_semaphore(%arg9 : memref<!tpu.dma_semaphore, #tpu.memory_space<semaphore_mem>>)
        }
        %scan3A_177 = arith.constant 8 : i32
      } else {
      }
      %dma_wait3A_107 = arith.constant 32768 : i32
      %dma_wait3A_108 = tpu.memref_slice %arg6[%dma_wait3A_107] : memref<65536xf32, #tpu.memory_space<vmem>> -> memref<16384xf32, #tpu.memory_space<vmem>>
      %dma_wait3A_109 = arith.constant 0 : i32
      %dma_wait3A_110 = tpu.memref_slice %arg3[%add3A, %dma_wait3A_109] : memref<32x1000001xf32, #tpu.memory_space<hbm>> -> memref<1x1000001xf32, #tpu.memory_space<hbm>>
      %dma_wait3A_111 = tpu.memref_squeeze %dma_wait3A_110 : memref<1x1000001xf32, #tpu.memory_space<hbm>> -> memref<1000001xf32, #tpu.memory_space<hbm>>
      %dma_wait3A_112 = arith.constant 0 : i32
      %dma_wait3A_113 = tpu.memref_slice %dma_wait3A_111[%dma_wait3A_112] : memref<1000001xf32, #tpu.memory_space<hbm>> -> memref<16384xf32, #tpu.memory_space<hbm>>
      %dma_wait3A_114 = arith.constant 32768 : i32
      %dma_wait3A_115 = tpu.memref_slice %arg6[%dma_wait3A_114] : memref<65536xf32, #tpu.memory_space<vmem>> -> memref<16384xf32, #tpu.memory_space<vmem>>
      %dma_wait3A_116 = arith.constant 0 : i32
      %dma_wait3A_117 = tpu.memref_slice %arg3[%add3A, %dma_wait3A_116] : memref<32x1000001xf32, #tpu.memory_space<hbm>> -> memref<1x1000001xf32, #tpu.memory_space<hbm>>
      %dma_wait3A_118 = tpu.memref_squeeze %dma_wait3A_117 : memref<1x1000001xf32, #tpu.memory_space<hbm>> -> memref<1000001xf32, #tpu.memory_space<hbm>>
      %dma_wait3A_119 = arith.constant 0 : i32
      %dma_wait3A_120 = tpu.memref_slice %dma_wait3A_118[%dma_wait3A_119] : memref<1000001xf32, #tpu.memory_space<hbm>> -> memref<16384xf32, #tpu.memory_space<hbm>>
      tpu.wait_dma2 semaphore(%arg10 : memref<!tpu.dma_semaphore, #tpu.memory_space<semaphore_mem>>) src(%dma_wait3A_120 : memref<16384xf32, #tpu.memory_space<hbm>>) dst(%dma_wait3A_115 : memref<16384xf32, #tpu.memory_space<vmem>>)
      %mul3A_121 = arith.constant 128 : i32
      %mul3A_122 = arith.muli %add3A_97, %mul3A_121 : i32
      %scan3A_123 = arith.constant 0 : i32
      %scan3A_124 = arith.constant 0 : i32
      %scan3A_125 = arith.constant 8 : i32
      %scan3A_126 = arith.addi %scan3A_124, %scan3A_125 : i32
      %scan3A_127 = arith.constant 1 : i32
      scf.for %scan3A_166 = %scan3A_124 to %scan3A_126 step %scan3A_127  : i32 {
        %mul3A_167 = arith.constant 16 : i32
        %mul3A_168 = arith.muli %scan3A_166, %mul3A_167 : i32
        %add3A_169 = arith.addi %mul3A_122, %mul3A_168 : i32
        %get3A = arith.index_cast %add3A_169 : i32 to index
        %get3A_170 = tpu.vector_load %arg5[%get3A] {strides = array<i32>} : memref<16384xi32, #tpu.memory_space<vmem>>, vector<16xi32>,
        %mul3A_171 = arith.constant 2048 : i32
        %mul3A_172 = arith.muli %scan3A_166, %mul3A_171 : i32
        %add3A_173 = arith.constant 32768 : i32
        %add3A_174 = arith.addi %add3A_173, %mul3A_172 : i32
        %add3A_175 = vector.broadcast %add3A_174 : i32 to vector<16xi32>
        %add3A_176 = arith.addi %add3A_175, %mul3A_3 : vector<16xi32>
        %and3A = arith.constant 127 : i32
        %and3A_177 = vector.broadcast %and3A : i32 to vector<16xi32>
        %and3A_178 = arith.andi %get3A_170, %and3A_177 : vector<16xi32>
        %add3A_179 = arith.addi %add3A_176, %and3A_178 : vector<16xi32>
        %gather3A = tpu.vector_load_idx %arg6[%add3A_179] : memref<65536xf32, #tpu.memory_space<vmem>>[vector<16xi32>], vector<16xf32>,
        %mul3A_180 = arith.constant 16 : i32
        %mul3A_181 = arith.muli %scan3A_166, %mul3A_180 : i32
        %swap3A = arith.index_cast %mul3A_181 : i32 to index
        %swap3A_182 = tpu.vector_load %arg7[%swap3A] {strides = array<i32>} : memref<128xf32, #tpu.memory_space<vmem>>, vector<16xf32>,
        tpu.vector_store %arg7[%swap3A], %gather3A {strides = array<i32>} : memref<128xf32, #tpu.memory_space<vmem>>, vector<16xf32>,
      }
      %scan3A_128 = arith.constant 8 : i32
      %multiple_of3A_129 = tpu.assume_multiple %mul3A_122, 128 : i32
      "tpu.region"() ({
        %run_scoped3A = tpu.sem_alloc : memref<!tpu.dma_semaphore, #tpu.memory_space<semaphore_mem>>
        %dma_start3A = arith.constant 0 : i32
        %dma_start3A_166 = tpu.memref_slice %arg4[%add3A, %dma_start3A] : memref<32x16384xf32, #tpu.memory_space<hbm>> -> memref<1x16384xf32, #tpu.memory_space<hbm>>
        %dma_start3A_167 = tpu.memref_squeeze %dma_start3A_166 : memref<1x16384xf32, #tpu.memory_space<hbm>> -> memref<16384xf32, #tpu.memory_space<hbm>>
        %dma_start3A_168 = tpu.memref_slice %dma_start3A_167[%multiple_of3A_129] : memref<16384xf32, #tpu.memory_space<hbm>> -> memref<128xf32, #tpu.memory_space<hbm>>
        %dma_start3A_169 = arith.constant 0 : i32
        %dma_start3A_170 = tpu.memref_slice %arg4[%add3A, %dma_start3A_169] : memref<32x16384xf32, #tpu.memory_space<hbm>> -> memref<1x16384xf32, #tpu.memory_space<hbm>>
        %dma_start3A_171 = tpu.memref_squeeze %dma_start3A_170 : memref<1x16384xf32, #tpu.memory_space<hbm>> -> memref<16384xf32, #tpu.memory_space<hbm>>
        %dma_start3A_172 = tpu.memref_slice %dma_start3A_171[%multiple_of3A_129] : memref<16384xf32, #tpu.memory_space<hbm>> -> memref<128xf32, #tpu.memory_space<hbm>>
        tpu.enqueue_dma source(%arg7 : memref<128xf32, #tpu.memory_space<vmem>>) target(%dma_start3A_172 : memref<128xf32, #tpu.memory_space<hbm>>) target_semaphore(%run_scoped3A : memref<!tpu.dma_semaphore, #tpu.memory_space<semaphore_mem>>)
        %dma_wait3A_173 = arith.constant 0 : i32
        %dma_wait3A_174 = tpu.memref_slice %arg4[%add3A, %dma_wait3A_173] : memref<32x16384xf32, #tpu.memory_space<hbm>> -> memref<1x16384xf32, #tpu.memory_space<hbm>>
        %dma_wait3A_175 = tpu.memref_squeeze %dma_wait3A_174 : memref<1x16384xf32, #tpu.memory_space<hbm>> -> memref<16384xf32, #tpu.memory_space<hbm>>
        %dma_wait3A_176 = tpu.memref_slice %dma_wait3A_175[%multiple_of3A_129] : memref<16384xf32, #tpu.memory_space<hbm>> -> memref<128xf32, #tpu.memory_space<hbm>>
        %dma_wait3A_177 = arith.constant 0 : i32
        %dma_wait3A_178 = tpu.memref_slice %arg4[%add3A, %dma_wait3A_177] : memref<32x16384xf32, #tpu.memory_space<hbm>> -> memref<1x16384xf32, #tpu.memory_space<hbm>>
        %dma_wait3A_179 = tpu.memref_squeeze %dma_wait3A_178 : memref<1x16384xf32, #tpu.memory_space<hbm>> -> memref<16384xf32, #tpu.memory_space<hbm>>
        %dma_wait3A_180 = tpu.memref_slice %dma_wait3A_179[%multiple_of3A_129] : memref<16384xf32, #tpu.memory_space<hbm>> -> memref<128xf32, #tpu.memory_space<hbm>>
        tpu.wait_dma2 semaphore(%run_scoped3A : memref<!tpu.dma_semaphore, #tpu.memory_space<semaphore_mem>>) src(%arg7 : memref<128xf32, #tpu.memory_space<vmem>>) dst(%dma_wait3A_180 : memref<128xf32, #tpu.memory_space<hbm>>)
        tpu.yield
      }) : () -> ()
      %mul3A_130 = arith.constant 4 : i32
      %mul3A_131 = arith.muli %scan3A_27, %mul3A_130 : i32
      %add3A_132 = arith.constant 3 : i32
      %add3A_133 = arith.addi %mul3A_131, %add3A_132 : i32
      %add3A_134 = arith.constant 4 : i32
      %add3A_135 = arith.addi %add3A_133, %add3A_134 : i32
      %sub3A_136 = arith.constant 1 : i32
      %sub3A_137 = arith.subi %add3A_135, %sub3A_136 : i32
      %lt3A_138 = arith.constant 128 : i32
      %lt3A_139 = arith.cmpi slt, %sub3A_137, %lt3A_138 : i32
      %convert_element_type3A_140 = arith.extui %lt3A_139 : i1 to i32
      %cond3A_141 = arith.constant 0 : i32
      %cond3A_142 = arith.cmpi ne, %convert_element_type3A_140, %cond3A_141 : i32
      scf.if %cond3A_142 {
        %add3A_166 = arith.constant 4 : i32
        %add3A_167 = arith.addi %add3A_133, %add3A_166 : i32
        %sub3A_168 = arith.constant 1 : i32
        %sub3A_169 = arith.subi %add3A_167, %sub3A_168 : i32
        %mul3A_170 = arith.constant 128 : i32
        %mul3A_171 = arith.muli %sub3A_169, %mul3A_170 : i32
        %scan3A_172 = arith.constant 0 : i32
        %scan3A_173 = arith.constant 0 : i32
        %scan3A_174 = arith.constant 8 : i32
        %scan3A_175 = arith.addi %scan3A_173, %scan3A_174 : i32
        %scan3A_176 = arith.constant 1 : i32
        scf.for %scan3A_178 = %scan3A_173 to %scan3A_175 step %scan3A_176  : i32 {
          %mul3A_179 = arith.constant 16 : i32
          %mul3A_180 = arith.muli %scan3A_178, %mul3A_179 : i32
          %add3A_181 = arith.addi %mul3A_171, %mul3A_180 : i32
          %get3A = arith.index_cast %add3A_181 : i32 to index
          %get3A_182 = tpu.vector_load %arg5[%get3A] {strides = array<i32>} : memref<16384xi32, #tpu.memory_space<vmem>>, vector<16xi32>,
          %and3A = arith.constant -128 : i32
          %and3A_183 = vector.broadcast %and3A : i32 to vector<16xi32>
          %and3A_184 = arith.andi %get3A_182, %and3A_183 : vector<16xi32>
          %slice3A = vector.extract_strided_slice %and3A_184 {offsets = [0], sizes = [1], strides = [1]} : vector<16xi32> to vector<1xi32>
          %squeeze3A = vector.extract %slice3A[0] : i32 from vector<1xi32>
          %multiple_of3A_185 = tpu.assume_multiple %squeeze3A, 128 : i32
          %mul3A_186 = arith.constant 16 : i32
          %mul3A_187 = arith.muli %scan3A_178, %mul3A_186 : i32
          %add3A_188 = arith.constant 0 : i32
          %add3A_189 = arith.addi %mul3A_187, %add3A_188 : i32
          %mul3A_190 = arith.constant 128 : i32
          %mul3A_191 = arith.muli %add3A_189, %mul3A_190 : i32
          %add3A_192 = arith.constant 32768 : i32
          %add3A_193 = arith.addi %add3A_192, %mul3A_191 : i32
          %multiple_of3A_194 = tpu.assume_multiple %add3A_193, 128 : i32
          %dma_start3A = tpu.memref_slice %arg6[%multiple_of3A_194] : memref<65536xf32, #tpu.memory_space<vmem>> -> memref<128xf32, #tpu.memory_space<vmem>>
          %dma_start3A_195 = arith.constant 0 : i32
          %dma_start3A_196 = tpu.memref_slice %arg3[%add3A, %dma_start3A_195] : memref<32x1000001xf32, #tpu.memory_space<hbm>> -> memref<1x1000001xf32, #tpu.memory_space<hbm>>
          %dma_start3A_197 = tpu.memref_squeeze %dma_start3A_196 : memref<1x1000001xf32, #tpu.memory_space<hbm>> -> memref<1000001xf32, #tpu.memory_space<hbm>>
          %dma_start3A_198 = tpu.memref_slice %dma_start3A_197[%multiple_of3A_185] : memref<1000001xf32, #tpu.memory_space<hbm>> -> memref<128xf32, #tpu.memory_space<hbm>>
          %dma_start3A_199 = tpu.memref_slice %arg6[%multiple_of3A_194] : memref<65536xf32, #tpu.memory_space<vmem>> -> memref<128xf32, #tpu.memory_space<vmem>>
          %dma_start3A_200 = arith.constant 0 : i32
          %dma_start3A_201 = tpu.memref_slice %arg3[%add3A, %dma_start3A_200] : memref<32x1000001xf32, #tpu.memory_space<hbm>> -> memref<1x1000001xf32, #tpu.memory_space<hbm>>
          %dma_start3A_202 = tpu.memref_squeeze %dma_start3A_201 : memref<1x1000001xf32, #tpu.memory_space<hbm>> -> memref<1000001xf32, #tpu.memory_space<hbm>>
          %dma_start3A_203 = tpu.memref_slice %dma_start3A_202[%multiple_of3A_185] : memref<1000001xf32, #tpu.memory_space<hbm>> -> memref<128xf32, #tpu.memory_space<hbm>>
          tpu.enqueue_dma source(%dma_start3A_203 : memref<128xf32, #tpu.memory_space<hbm>>) target(%dma_start3A_199 : memref<128xf32, #tpu.memory_space<vmem>>) target_semaphore(%arg10 : memref<!tpu.dma_semaphore, #tpu.memory_space<semaphore_mem>>)
          %slice3A_204 = vector.extract_strided_slice %and3A_184 {offsets = [1], sizes = [1], strides = [1]} : vector<16xi32> to vector<1xi32>
          %squeeze3A_205 = vector.extract %slice3A_204[0] : i32 from vector<1xi32>
          %multiple_of3A_206 = tpu.assume_multiple %squeeze3A_205, 128 : i32
          %mul3A_207 = arith.constant 16 : i32
          %mul3A_208 = arith.muli %scan3A_178, %mul3A_207 : i32
          %add3A_209 = arith.constant 1 : i32
          %add3A_210 = arith.addi %mul3A_208, %add3A_209 : i32
          %mul3A_211 = arith.constant 128 : i32
          %mul3A_212 = arith.muli %add3A_210, %mul3A_211 : i32
          %add3A_213 = arith.constant 32768 : i32
          %add3A_214 = arith.addi %add3A_213, %mul3A_212 : i32
          %multiple_of3A_215 = tpu.assume_multiple %add3A_214, 128 : i32
          %dma_start3A_216 = tpu.memref_slice %arg6[%multiple_of3A_215] : memref<65536xf32, #tpu.memory_space<vmem>> -> memref<128xf32, #tpu.memory_space<vmem>>
          %dma_start3A_217 = arith.constant 0 : i32
          %dma_start3A_218 = tpu.memref_slice %arg3[%add3A, %dma_start3A_217] : memref<32x1000001xf32, #tpu.memory_space<hbm>> -> memref<1x1000001xf32, #tpu.memory_space<hbm>>
          %dma_start3A_219 = tpu.memref_squeeze %dma_start3A_218 : memref<1x1000001xf32, #tpu.memory_space<hbm>> -> memref<1000001xf32, #tpu.memory_space<hbm>>
          %dma_start3A_220 = tpu.memref_slice %dma_start3A_219[%multiple_of3A_206] : memref<1000001xf32, #tpu.memory_space<hbm>> -> memref<128xf32, #tpu.memory_space<hbm>>
          %dma_start3A_221 = tpu.memref_slice %arg6[%multiple_of3A_215] : memref<65536xf32, #tpu.memory_space<vmem>> -> memref<128xf32, #tpu.memory_space<vmem>>
          %dma_start3A_222 = arith.constant 0 : i32
          %dma_start3A_223 = tpu.memref_slice %arg3[%add3A, %dma_start3A_222] : memref<32x1000001xf32, #tpu.memory_space<hbm>> -> memref<1x1000001xf32, #tpu.memory_space<hbm>>
          %dma_start3A_224 = tpu.memref_squeeze %dma_start3A_223 : memref<1x1000001xf32, #tpu.memory_space<hbm>> -> memref<1000001xf32, #tpu.memory_space<hbm>>
          %dma_start3A_225 = tpu.memref_slice %dma_start3A_224[%multiple_of3A_206] : memref<1000001xf32, #tpu.memory_space<hbm>> -> memref<128xf32, #tpu.memory_space<hbm>>
          tpu.enqueue_dma source(%dma_start3A_225 : memref<128xf32, #tpu.memory_space<hbm>>) target(%dma_start3A_221 : memref<128xf32, #tpu.memory_space<vmem>>) target_semaphore(%arg10 : memref<!tpu.dma_semaphore, #tpu.memory_space<semaphore_mem>>)
          %slice3A_226 = vector.extract_strided_slice %and3A_184 {offsets = [2], sizes = [1], strides = [1]} : vector<16xi32> to vector<1xi32>
          %squeeze3A_227 = vector.extract %slice3A_226[0] : i32 from vector<1xi32>
          %multiple_of3A_228 = tpu.assume_multiple %squeeze3A_227, 128 : i32
          %mul3A_229 = arith.constant 16 : i32
          %mul3A_230 = arith.muli %scan3A_178, %mul3A_229 : i32
          %add3A_231 = arith.constant 2 : i32
          %add3A_232 = arith.addi %mul3A_230, %add3A_231 : i32
          %mul3A_233 = arith.constant 128 : i32
          %mul3A_234 = arith.muli %add3A_232, %mul3A_233 : i32
          %add3A_235 = arith.constant 32768 : i32
          %add3A_236 = arith.addi %add3A_235, %mul3A_234 : i32
          %multiple_of3A_237 = tpu.assume_multiple %add3A_236, 128 : i32
          %dma_start3A_238 = tpu.memref_slice %arg6[%multiple_of3A_237] : memref<65536xf32, #tpu.memory_space<vmem>> -> memref<128xf32, #tpu.memory_space<vmem>>
          %dma_start3A_239 = arith.constant 0 : i32
          %dma_start3A_240 = tpu.memref_slice %arg3[%add3A, %dma_start3A_239] : memref<32x1000001xf32, #tpu.memory_space<hbm>> -> memref<1x1000001xf32, #tpu.memory_space<hbm>>
          %dma_start3A_241 = tpu.memref_squeeze %dma_start3A_240 : memref<1x1000001xf32, #tpu.memory_space<hbm>> -> memref<1000001xf32, #tpu.memory_space<hbm>>
          %dma_start3A_242 = tpu.memref_slice %dma_start3A_241[%multiple_of3A_228] : memref<1000001xf32, #tpu.memory_space<hbm>> -> memref<128xf32, #tpu.memory_space<hbm>>
          %dma_start3A_243 = tpu.memref_slice %arg6[%multiple_of3A_237] : memref<65536xf32, #tpu.memory_space<vmem>> -> memref<128xf32, #tpu.memory_space<vmem>>
          %dma_start3A_244 = arith.constant 0 : i32
          %dma_start3A_245 = tpu.memref_slice %arg3[%add3A, %dma_start3A_244] : memref<32x1000001xf32, #tpu.memory_space<hbm>> -> memref<1x1000001xf32, #tpu.memory_space<hbm>>
          %dma_start3A_246 = tpu.memref_squeeze %dma_start3A_245 : memref<1x1000001xf32, #tpu.memory_space<hbm>> -> memref<1000001xf32, #tpu.memory_space<hbm>>
          %dma_start3A_247 = tpu.memref_slice %dma_start3A_246[%multiple_of3A_228] : memref<1000001xf32, #tpu.memory_space<hbm>> -> memref<128xf32, #tpu.memory_space<hbm>>
          tpu.enqueue_dma source(%dma_start3A_247 : memref<128xf32, #tpu.memory_space<hbm>>) target(%dma_start3A_243 : memref<128xf32, #tpu.memory_space<vmem>>) target_semaphore(%arg10 : memref<!tpu.dma_semaphore, #tpu.memory_space<semaphore_mem>>)
          %slice3A_248 = vector.extract_strided_slice %and3A_184 {offsets = [3], sizes = [1], strides = [1]} : vector<16xi32> to vector<1xi32>
          %squeeze3A_249 = vector.extract %slice3A_248[0] : i32 from vector<1xi32>
          %multiple_of3A_250 = tpu.assume_multiple %squeeze3A_249, 128 : i32
          %mul3A_251 = arith.constant 16 : i32
          %mul3A_252 = arith.muli %scan3A_178, %mul3A_251 : i32
          %add3A_253 = arith.constant 3 : i32
          %add3A_254 = arith.addi %mul3A_252, %add3A_253 : i32
          %mul3A_255 = arith.constant 128 : i32
          %mul3A_256 = arith.muli %add3A_254, %mul3A_255 : i32
          %add3A_257 = arith.constant 32768 : i32
          %add3A_258 = arith.addi %add3A_257, %mul3A_256 : i32
          %multiple_of3A_259 = tpu.assume_multiple %add3A_258, 128 : i32
          %dma_start3A_260 = tpu.memref_slice %arg6[%multiple_of3A_259] : memref<65536xf32, #tpu.memory_space<vmem>> -> memref<128xf32, #tpu.memory_space<vmem>>
          %dma_start3A_261 = arith.constant 0 : i32
          %dma_start3A_262 = tpu.memref_slice %arg3[%add3A, %dma_start3A_261] : memref<32x1000001xf32, #tpu.memory_space<hbm>> -> memref<1x1000001xf32, #tpu.memory_space<hbm>>
          %dma_start3A_263 = tpu.memref_squeeze %dma_start3A_262 : memref<1x1000001xf32, #tpu.memory_space<hbm>> -> memref<1000001xf32, #tpu.memory_space<hbm>>
          %dma_start3A_264 = tpu.memref_slice %dma_start3A_263[%multiple_of3A_250] : memref<1000001xf32, #tpu.memory_space<hbm>> -> memref<128xf32, #tpu.memory_space<hbm>>
          %dma_start3A_265 = tpu.memref_slice %arg6[%multiple_of3A_259] : memref<65536xf32, #tpu.memory_space<vmem>> -> memref<128xf32, #tpu.memory_space<vmem>>
          %dma_start3A_266 = arith.constant 0 : i32
          %dma_start3A_267 = tpu.memref_slice %arg3[%add3A, %dma_start3A_266] : memref<32x1000001xf32, #tpu.memory_space<hbm>> -> memref<1x1000001xf32, #tpu.memory_space<hbm>>
          %dma_start3A_268 = tpu.memref_squeeze %dma_start3A_267 : memref<1x1000001xf32, #tpu.memory_space<hbm>> -> memref<1000001xf32, #tpu.memory_space<hbm>>
          %dma_start3A_269 = tpu.memref_slice %dma_start3A_268[%multiple_of3A_250] : memref<1000001xf32, #tpu.memory_space<hbm>> -> memref<128xf32, #tpu.memory_space<hbm>>
          tpu.enqueue_dma source(%dma_start3A_269 : memref<128xf32, #tpu.memory_space<hbm>>) target(%dma_start3A_265 : memref<128xf32, #tpu.memory_space<vmem>>) target_semaphore(%arg10 : memref<!tpu.dma_semaphore, #tpu.memory_space<semaphore_mem>>)
          %slice3A_270 = vector.extract_strided_slice %and3A_184 {offsets = [4], sizes = [1], strides = [1]} : vector<16xi32> to vector<1xi32>
          %squeeze3A_271 = vector.extract %slice3A_270[0] : i32 from vector<1xi32>
          %multiple_of3A_272 = tpu.assume_multiple %squeeze3A_271, 128 : i32
          %mul3A_273 = arith.constant 16 : i32
          %mul3A_274 = arith.muli %scan3A_178, %mul3A_273 : i32
          %add3A_275 = arith.constant 4 : i32
          %add3A_276 = arith.addi %mul3A_274, %add3A_275 : i32
          %mul3A_277 = arith.constant 128 : i32
          %mul3A_278 = arith.muli %add3A_276, %mul3A_277 : i32
          %add3A_279 = arith.constant 32768 : i32
          %add3A_280 = arith.addi %add3A_279, %mul3A_278 : i32
          %multiple_of3A_281 = tpu.assume_multiple %add3A_280, 128 : i32
          %dma_start3A_282 = tpu.memref_slice %arg6[%multiple_of3A_281] : memref<65536xf32, #tpu.memory_space<vmem>> -> memref<128xf32, #tpu.memory_space<vmem>>
          %dma_start3A_283 = arith.constant 0 : i32
          %dma_start3A_284 = tpu.memref_slice %arg3[%add3A, %dma_start3A_283] : memref<32x1000001xf32, #tpu.memory_space<hbm>> -> memref<1x1000001xf32, #tpu.memory_space<hbm>>
          %dma_start3A_285 = tpu.memref_squeeze %dma_start3A_284 : memref<1x1000001xf32, #tpu.memory_space<hbm>> -> memref<1000001xf32, #tpu.memory_space<hbm>>
          %dma_start3A_286 = tpu.memref_slice %dma_start3A_285[%multiple_of3A_272] : memref<1000001xf32, #tpu.memory_space<hbm>> -> memref<128xf32, #tpu.memory_space<hbm>>
          %dma_start3A_287 = tpu.memref_slice %arg6[%multiple_of3A_281] : memref<65536xf32, #tpu.memory_space<vmem>> -> memref<128xf32, #tpu.memory_space<vmem>>
          %dma_start3A_288 = arith.constant 0 : i32
          %dma_start3A_289 = tpu.memref_slice %arg3[%add3A, %dma_start3A_288] : memref<32x1000001xf32, #tpu.memory_space<hbm>> -> memref<1x1000001xf32, #tpu.memory_space<hbm>>
          %dma_start3A_290 = tpu.memref_squeeze %dma_start3A_289 : memref<1x1000001xf32, #tpu.memory_space<hbm>> -> memref<1000001xf32, #tpu.memory_space<hbm>>
          %dma_start3A_291 = tpu.memref_slice %dma_start3A_290[%multiple_of3A_272] : memref<1000001xf32, #tpu.memory_space<hbm>> -> memref<128xf32, #tpu.memory_space<hbm>>
          tpu.enqueue_dma source(%dma_start3A_291 : memref<128xf32, #tpu.memory_space<hbm>>) target(%dma_start3A_287 : memref<128xf32, #tpu.memory_space<vmem>>) target_semaphore(%arg10 : memref<!tpu.dma_semaphore, #tpu.memory_space<semaphore_mem>>)
          %slice3A_292 = vector.extract_strided_slice %and3A_184 {offsets = [5], sizes = [1], strides = [1]} : vector<16xi32> to vector<1xi32>
          %squeeze3A_293 = vector.extract %slice3A_292[0] : i32 from vector<1xi32>
          %multiple_of3A_294 = tpu.assume_multiple %squeeze3A_293, 128 : i32
          %mul3A_295 = arith.constant 16 : i32
          %mul3A_296 = arith.muli %scan3A_178, %mul3A_295 : i32
          %add3A_297 = arith.constant 5 : i32
          %add3A_298 = arith.addi %mul3A_296, %add3A_297 : i32
          %mul3A_299 = arith.constant 128 : i32
          %mul3A_300 = arith.muli %add3A_298, %mul3A_299 : i32
          %add3A_301 = arith.constant 32768 : i32
          %add3A_302 = arith.addi %add3A_301, %mul3A_300 : i32
          %multiple_of3A_303 = tpu.assume_multiple %add3A_302, 128 : i32
          %dma_start3A_304 = tpu.memref_slice %arg6[%multiple_of3A_303] : memref<65536xf32, #tpu.memory_space<vmem>> -> memref<128xf32, #tpu.memory_space<vmem>>
          %dma_start3A_305 = arith.constant 0 : i32
          %dma_start3A_306 = tpu.memref_slice %arg3[%add3A, %dma_start3A_305] : memref<32x1000001xf32, #tpu.memory_space<hbm>> -> memref<1x1000001xf32, #tpu.memory_space<hbm>>
          %dma_start3A_307 = tpu.memref_squeeze %dma_start3A_306 : memref<1x1000001xf32, #tpu.memory_space<hbm>> -> memref<1000001xf32, #tpu.memory_space<hbm>>
          %dma_start3A_308 = tpu.memref_slice %dma_start3A_307[%multiple_of3A_294] : memref<1000001xf32, #tpu.memory_space<hbm>> -> memref<128xf32, #tpu.memory_space<hbm>>
          %dma_start3A_309 = tpu.memref_slice %arg6[%multiple_of3A_303] : memref<65536xf32, #tpu.memory_space<vmem>> -> memref<128xf32, #tpu.memory_space<vmem>>
          %dma_start3A_310 = arith.constant 0 : i32
          %dma_start3A_311 = tpu.memref_slice %arg3[%add3A, %dma_start3A_310] : memref<32x1000001xf32, #tpu.memory_space<hbm>> -> memref<1x1000001xf32, #tpu.memory_space<hbm>>
          %dma_start3A_312 = tpu.memref_squeeze %dma_start3A_311 : memref<1x1000001xf32, #tpu.memory_space<hbm>> -> memref<1000001xf32, #tpu.memory_space<hbm>>
          %dma_start3A_313 = tpu.memref_slice %dma_start3A_312[%multiple_of3A_294] : memref<1000001xf32, #tpu.memory_space<hbm>> -> memref<128xf32, #tpu.memory_space<hbm>>
          tpu.enqueue_dma source(%dma_start3A_313 : memref<128xf32, #tpu.memory_space<hbm>>) target(%dma_start3A_309 : memref<128xf32, #tpu.memory_space<vmem>>) target_semaphore(%arg10 : memref<!tpu.dma_semaphore, #tpu.memory_space<semaphore_mem>>)
          %slice3A_314 = vector.extract_strided_slice %and3A_184 {offsets = [6], sizes = [1], strides = [1]} : vector<16xi32> to vector<1xi32>
          %squeeze3A_315 = vector.extract %slice3A_314[0] : i32 from vector<1xi32>
          %multiple_of3A_316 = tpu.assume_multiple %squeeze3A_315, 128 : i32
          %mul3A_317 = arith.constant 16 : i32
          %mul3A_318 = arith.muli %scan3A_178, %mul3A_317 : i32
          %add3A_319 = arith.constant 6 : i32
          %add3A_320 = arith.addi %mul3A_318, %add3A_319 : i32
          %mul3A_321 = arith.constant 128 : i32
          %mul3A_322 = arith.muli %add3A_320, %mul3A_321 : i32
          %add3A_323 = arith.constant 32768 : i32
          %add3A_324 = arith.addi %add3A_323, %mul3A_322 : i32
          %multiple_of3A_325 = tpu.assume_multiple %add3A_324, 128 : i32
          %dma_start3A_326 = tpu.memref_slice %arg6[%multiple_of3A_325] : memref<65536xf32, #tpu.memory_space<vmem>> -> memref<128xf32, #tpu.memory_space<vmem>>
          %dma_start3A_327 = arith.constant 0 : i32
          %dma_start3A_328 = tpu.memref_slice %arg3[%add3A, %dma_start3A_327] : memref<32x1000001xf32, #tpu.memory_space<hbm>> -> memref<1x1000001xf32, #tpu.memory_space<hbm>>
          %dma_start3A_329 = tpu.memref_squeeze %dma_start3A_328 : memref<1x1000001xf32, #tpu.memory_space<hbm>> -> memref<1000001xf32, #tpu.memory_space<hbm>>
          %dma_start3A_330 = tpu.memref_slice %dma_start3A_329[%multiple_of3A_316] : memref<1000001xf32, #tpu.memory_space<hbm>> -> memref<128xf32, #tpu.memory_space<hbm>>
          %dma_start3A_331 = tpu.memref_slice %arg6[%multiple_of3A_325] : memref<65536xf32, #tpu.memory_space<vmem>> -> memref<128xf32, #tpu.memory_space<vmem>>
          %dma_start3A_332 = arith.constant 0 : i32
          %dma_start3A_333 = tpu.memref_slice %arg3[%add3A, %dma_start3A_332] : memref<32x1000001xf32, #tpu.memory_space<hbm>> -> memref<1x1000001xf32, #tpu.memory_space<hbm>>
          %dma_start3A_334 = tpu.memref_squeeze %dma_start3A_333 : memref<1x1000001xf32, #tpu.memory_space<hbm>> -> memref<1000001xf32, #tpu.memory_space<hbm>>
          %dma_start3A_335 = tpu.memref_slice %dma_start3A_334[%multiple_of3A_316] : memref<1000001xf32, #tpu.memory_space<hbm>> -> memref<128xf32, #tpu.memory_space<hbm>>
          tpu.enqueue_dma source(%dma_start3A_335 : memref<128xf32, #tpu.memory_space<hbm>>) target(%dma_start3A_331 : memref<128xf32, #tpu.memory_space<vmem>>) target_semaphore(%arg10 : memref<!tpu.dma_semaphore, #tpu.memory_space<semaphore_mem>>)
          %slice3A_336 = vector.extract_strided_slice %and3A_184 {offsets = [7], sizes = [1], strides = [1]} : vector<16xi32> to vector<1xi32>
          %squeeze3A_337 = vector.extract %slice3A_336[0] : i32 from vector<1xi32>
          %multiple_of3A_338 = tpu.assume_multiple %squeeze3A_337, 128 : i32
          %mul3A_339 = arith.constant 16 : i32
          %mul3A_340 = arith.muli %scan3A_178, %mul3A_339 : i32
          %add3A_341 = arith.constant 7 : i32
          %add3A_342 = arith.addi %mul3A_340, %add3A_341 : i32
          %mul3A_343 = arith.constant 128 : i32
          %mul3A_344 = arith.muli %add3A_342, %mul3A_343 : i32
          %add3A_345 = arith.constant 32768 : i32
          %add3A_346 = arith.addi %add3A_345, %mul3A_344 : i32
          %multiple_of3A_347 = tpu.assume_multiple %add3A_346, 128 : i32
          %dma_start3A_348 = tpu.memref_slice %arg6[%multiple_of3A_347] : memref<65536xf32, #tpu.memory_space<vmem>> -> memref<128xf32, #tpu.memory_space<vmem>>
          %dma_start3A_349 = arith.constant 0 : i32
          %dma_start3A_350 = tpu.memref_slice %arg3[%add3A, %dma_start3A_349] : memref<32x1000001xf32, #tpu.memory_space<hbm>> -> memref<1x1000001xf32, #tpu.memory_space<hbm>>
          %dma_start3A_351 = tpu.memref_squeeze %dma_start3A_350 : memref<1x1000001xf32, #tpu.memory_space<hbm>> -> memref<1000001xf32, #tpu.memory_space<hbm>>
          %dma_start3A_352 = tpu.memref_slice %dma_start3A_351[%multiple_of3A_338] : memref<1000001xf32, #tpu.memory_space<hbm>> -> memref<128xf32, #tpu.memory_space<hbm>>
          %dma_start3A_353 = tpu.memref_slice %arg6[%multiple_of3A_347] : memref<65536xf32, #tpu.memory_space<vmem>> -> memref<128xf32, #tpu.memory_space<vmem>>
          %dma_start3A_354 = arith.constant 0 : i32
          %dma_start3A_355 = tpu.memref_slice %arg3[%add3A, %dma_start3A_354] : memref<32x1000001xf32, #tpu.memory_space<hbm>> -> memref<1x1000001xf32, #tpu.memory_space<hbm>>
          %dma_start3A_356 = tpu.memref_squeeze %dma_start3A_355 : memref<1x1000001xf32, #tpu.memory_space<hbm>> -> memref<1000001xf32, #tpu.memory_space<hbm>>
          %dma_start3A_357 = tpu.memref_slice %dma_start3A_356[%multiple_of3A_338] : memref<1000001xf32, #tpu.memory_space<hbm>> -> memref<128xf32, #tpu.memory_space<hbm>>
          tpu.enqueue_dma source(%dma_start3A_357 : memref<128xf32, #tpu.memory_space<hbm>>) target(%dma_start3A_353 : memref<128xf32, #tpu.memory_space<vmem>>) target_semaphore(%arg10 : memref<!tpu.dma_semaphore, #tpu.memory_space<semaphore_mem>>)
          %slice3A_358 = vector.extract_strided_slice %and3A_184 {offsets = [8], sizes = [1], strides = [1]} : vector<16xi32> to vector<1xi32>
          %squeeze3A_359 = vector.extract %slice3A_358[0] : i32 from vector<1xi32>
          %multiple_of3A_360 = tpu.assume_multiple %squeeze3A_359, 128 : i32
          %mul3A_361 = arith.constant 16 : i32
          %mul3A_362 = arith.muli %scan3A_178, %mul3A_361 : i32
          %add3A_363 = arith.constant 8 : i32
          %add3A_364 = arith.addi %mul3A_362, %add3A_363 : i32
          %mul3A_365 = arith.constant 128 : i32
          %mul3A_366 = arith.muli %add3A_364, %mul3A_365 : i32
          %add3A_367 = arith.constant 32768 : i32
          %add3A_368 = arith.addi %add3A_367, %mul3A_366 : i32
          %multiple_of3A_369 = tpu.assume_multiple %add3A_368, 128 : i32
          %dma_start3A_370 = tpu.memref_slice %arg6[%multiple_of3A_369] : memref<65536xf32, #tpu.memory_space<vmem>> -> memref<128xf32, #tpu.memory_space<vmem>>
          %dma_start3A_371 = arith.constant 0 : i32
          %dma_start3A_372 = tpu.memref_slice %arg3[%add3A, %dma_start3A_371] : memref<32x1000001xf32, #tpu.memory_space<hbm>> -> memref<1x1000001xf32, #tpu.memory_space<hbm>>
          %dma_start3A_373 = tpu.memref_squeeze %dma_start3A_372 : memref<1x1000001xf32, #tpu.memory_space<hbm>> -> memref<1000001xf32, #tpu.memory_space<hbm>>
          %dma_start3A_374 = tpu.memref_slice %dma_start3A_373[%multiple_of3A_360] : memref<1000001xf32, #tpu.memory_space<hbm>> -> memref<128xf32, #tpu.memory_space<hbm>>
          %dma_start3A_375 = tpu.memref_slice %arg6[%multiple_of3A_369] : memref<65536xf32, #tpu.memory_space<vmem>> -> memref<128xf32, #tpu.memory_space<vmem>>
          %dma_start3A_376 = arith.constant 0 : i32
          %dma_start3A_377 = tpu.memref_slice %arg3[%add3A, %dma_start3A_376] : memref<32x1000001xf32, #tpu.memory_space<hbm>> -> memref<1x1000001xf32, #tpu.memory_space<hbm>>
          %dma_start3A_378 = tpu.memref_squeeze %dma_start3A_377 : memref<1x1000001xf32, #tpu.memory_space<hbm>> -> memref<1000001xf32, #tpu.memory_space<hbm>>
          %dma_start3A_379 = tpu.memref_slice %dma_start3A_378[%multiple_of3A_360] : memref<1000001xf32, #tpu.memory_space<hbm>> -> memref<128xf32, #tpu.memory_space<hbm>>
          tpu.enqueue_dma source(%dma_start3A_379 : memref<128xf32, #tpu.memory_space<hbm>>) target(%dma_start3A_375 : memref<128xf32, #tpu.memory_space<vmem>>) target_semaphore(%arg10 : memref<!tpu.dma_semaphore, #tpu.memory_space<semaphore_mem>>)
          %slice3A_380 = vector.extract_strided_slice %and3A_184 {offsets = [9], sizes = [1], strides = [1]} : vector<16xi32> to vector<1xi32>
          %squeeze3A_381 = vector.extract %slice3A_380[0] : i32 from vector<1xi32>
          %multiple_of3A_382 = tpu.assume_multiple %squeeze3A_381, 128 : i32
          %mul3A_383 = arith.constant 16 : i32
          %mul3A_384 = arith.muli %scan3A_178, %mul3A_383 : i32
          %add3A_385 = arith.constant 9 : i32
          %add3A_386 = arith.addi %mul3A_384, %add3A_385 : i32
          %mul3A_387 = arith.constant 128 : i32
          %mul3A_388 = arith.muli %add3A_386, %mul3A_387 : i32
          %add3A_389 = arith.constant 32768 : i32
          %add3A_390 = arith.addi %add3A_389, %mul3A_388 : i32
          %multiple_of3A_391 = tpu.assume_multiple %add3A_390, 128 : i32
          %dma_start3A_392 = tpu.memref_slice %arg6[%multiple_of3A_391] : memref<65536xf32, #tpu.memory_space<vmem>> -> memref<128xf32, #tpu.memory_space<vmem>>
          %dma_start3A_393 = arith.constant 0 : i32
          %dma_start3A_394 = tpu.memref_slice %arg3[%add3A, %dma_start3A_393] : memref<32x1000001xf32, #tpu.memory_space<hbm>> -> memref<1x1000001xf32, #tpu.memory_space<hbm>>
          %dma_start3A_395 = tpu.memref_squeeze %dma_start3A_394 : memref<1x1000001xf32, #tpu.memory_space<hbm>> -> memref<1000001xf32, #tpu.memory_space<hbm>>
          %dma_start3A_396 = tpu.memref_slice %dma_start3A_395[%multiple_of3A_382] : memref<1000001xf32, #tpu.memory_space<hbm>> -> memref<128xf32, #tpu.memory_space<hbm>>
          %dma_start3A_397 = tpu.memref_slice %arg6[%multiple_of3A_391] : memref<65536xf32, #tpu.memory_space<vmem>> -> memref<128xf32, #tpu.memory_space<vmem>>
          %dma_start3A_398 = arith.constant 0 : i32
          %dma_start3A_399 = tpu.memref_slice %arg3[%add3A, %dma_start3A_398] : memref<32x1000001xf32, #tpu.memory_space<hbm>> -> memref<1x1000001xf32, #tpu.memory_space<hbm>>
          %dma_start3A_400 = tpu.memref_squeeze %dma_start3A_399 : memref<1x1000001xf32, #tpu.memory_space<hbm>> -> memref<1000001xf32, #tpu.memory_space<hbm>>
          %dma_start3A_401 = tpu.memref_slice %dma_start3A_400[%multiple_of3A_382] : memref<1000001xf32, #tpu.memory_space<hbm>> -> memref<128xf32, #tpu.memory_space<hbm>>
          tpu.enqueue_dma source(%dma_start3A_401 : memref<128xf32, #tpu.memory_space<hbm>>) target(%dma_start3A_397 : memref<128xf32, #tpu.memory_space<vmem>>) target_semaphore(%arg10 : memref<!tpu.dma_semaphore, #tpu.memory_space<semaphore_mem>>)
          %slice3A_402 = vector.extract_strided_slice %and3A_184 {offsets = [10], sizes = [1], strides = [1]} : vector<16xi32> to vector<1xi32>
          %squeeze3A_403 = vector.extract %slice3A_402[0] : i32 from vector<1xi32>
          %multiple_of3A_404 = tpu.assume_multiple %squeeze3A_403, 128 : i32
          %mul3A_405 = arith.constant 16 : i32
          %mul3A_406 = arith.muli %scan3A_178, %mul3A_405 : i32
          %add3A_407 = arith.constant 10 : i32
          %add3A_408 = arith.addi %mul3A_406, %add3A_407 : i32
          %mul3A_409 = arith.constant 128 : i32
          %mul3A_410 = arith.muli %add3A_408, %mul3A_409 : i32
          %add3A_411 = arith.constant 32768 : i32
          %add3A_412 = arith.addi %add3A_411, %mul3A_410 : i32
          %multiple_of3A_413 = tpu.assume_multiple %add3A_412, 128 : i32
          %dma_start3A_414 = tpu.memref_slice %arg6[%multiple_of3A_413] : memref<65536xf32, #tpu.memory_space<vmem>> -> memref<128xf32, #tpu.memory_space<vmem>>
          %dma_start3A_415 = arith.constant 0 : i32
          %dma_start3A_416 = tpu.memref_slice %arg3[%add3A, %dma_start3A_415] : memref<32x1000001xf32, #tpu.memory_space<hbm>> -> memref<1x1000001xf32, #tpu.memory_space<hbm>>
          %dma_start3A_417 = tpu.memref_squeeze %dma_start3A_416 : memref<1x1000001xf32, #tpu.memory_space<hbm>> -> memref<1000001xf32, #tpu.memory_space<hbm>>
          %dma_start3A_418 = tpu.memref_slice %dma_start3A_417[%multiple_of3A_404] : memref<1000001xf32, #tpu.memory_space<hbm>> -> memref<128xf32, #tpu.memory_space<hbm>>
          %dma_start3A_419 = tpu.memref_slice %arg6[%multiple_of3A_413] : memref<65536xf32, #tpu.memory_space<vmem>> -> memref<128xf32, #tpu.memory_space<vmem>>
          %dma_start3A_420 = arith.constant 0 : i32
          %dma_start3A_421 = tpu.memref_slice %arg3[%add3A, %dma_start3A_420] : memref<32x1000001xf32, #tpu.memory_space<hbm>> -> memref<1x1000001xf32, #tpu.memory_space<hbm>>
          %dma_start3A_422 = tpu.memref_squeeze %dma_start3A_421 : memref<1x1000001xf32, #tpu.memory_space<hbm>> -> memref<1000001xf32, #tpu.memory_space<hbm>>
          %dma_start3A_423 = tpu.memref_slice %dma_start3A_422[%multiple_of3A_404] : memref<1000001xf32, #tpu.memory_space<hbm>> -> memref<128xf32, #tpu.memory_space<hbm>>
          tpu.enqueue_dma source(%dma_start3A_423 : memref<128xf32, #tpu.memory_space<hbm>>) target(%dma_start3A_419 : memref<128xf32, #tpu.memory_space<vmem>>) target_semaphore(%arg10 : memref<!tpu.dma_semaphore, #tpu.memory_space<semaphore_mem>>)
          %slice3A_424 = vector.extract_strided_slice %and3A_184 {offsets = [11], sizes = [1], strides = [1]} : vector<16xi32> to vector<1xi32>
          %squeeze3A_425 = vector.extract %slice3A_424[0] : i32 from vector<1xi32>
          %multiple_of3A_426 = tpu.assume_multiple %squeeze3A_425, 128 : i32
          %mul3A_427 = arith.constant 16 : i32
          %mul3A_428 = arith.muli %scan3A_178, %mul3A_427 : i32
          %add3A_429 = arith.constant 11 : i32
          %add3A_430 = arith.addi %mul3A_428, %add3A_429 : i32
          %mul3A_431 = arith.constant 128 : i32
          %mul3A_432 = arith.muli %add3A_430, %mul3A_431 : i32
          %add3A_433 = arith.constant 32768 : i32
          %add3A_434 = arith.addi %add3A_433, %mul3A_432 : i32
          %multiple_of3A_435 = tpu.assume_multiple %add3A_434, 128 : i32
          %dma_start3A_436 = tpu.memref_slice %arg6[%multiple_of3A_435] : memref<65536xf32, #tpu.memory_space<vmem>> -> memref<128xf32, #tpu.memory_space<vmem>>
          %dma_start3A_437 = arith.constant 0 : i32
          %dma_start3A_438 = tpu.memref_slice %arg3[%add3A, %dma_start3A_437] : memref<32x1000001xf32, #tpu.memory_space<hbm>> -> memref<1x1000001xf32, #tpu.memory_space<hbm>>
          %dma_start3A_439 = tpu.memref_squeeze %dma_start3A_438 : memref<1x1000001xf32, #tpu.memory_space<hbm>> -> memref<1000001xf32, #tpu.memory_space<hbm>>
          %dma_start3A_440 = tpu.memref_slice %dma_start3A_439[%multiple_of3A_426] : memref<1000001xf32, #tpu.memory_space<hbm>> -> memref<128xf32, #tpu.memory_space<hbm>>
          %dma_start3A_441 = tpu.memref_slice %arg6[%multiple_of3A_435] : memref<65536xf32, #tpu.memory_space<vmem>> -> memref<128xf32, #tpu.memory_space<vmem>>
          %dma_start3A_442 = arith.constant 0 : i32
          %dma_start3A_443 = tpu.memref_slice %arg3[%add3A, %dma_start3A_442] : memref<32x1000001xf32, #tpu.memory_space<hbm>> -> memref<1x1000001xf32, #tpu.memory_space<hbm>>
          %dma_start3A_444 = tpu.memref_squeeze %dma_start3A_443 : memref<1x1000001xf32, #tpu.memory_space<hbm>> -> memref<1000001xf32, #tpu.memory_space<hbm>>
          %dma_start3A_445 = tpu.memref_slice %dma_start3A_444[%multiple_of3A_426] : memref<1000001xf32, #tpu.memory_space<hbm>> -> memref<128xf32, #tpu.memory_space<hbm>>
          tpu.enqueue_dma source(%dma_start3A_445 : memref<128xf32, #tpu.memory_space<hbm>>) target(%dma_start3A_441 : memref<128xf32, #tpu.memory_space<vmem>>) target_semaphore(%arg10 : memref<!tpu.dma_semaphore, #tpu.memory_space<semaphore_mem>>)
          %slice3A_446 = vector.extract_strided_slice %and3A_184 {offsets = [12], sizes = [1], strides = [1]} : vector<16xi32> to vector<1xi32>
          %squeeze3A_447 = vector.extract %slice3A_446[0] : i32 from vector<1xi32>
          %multiple_of3A_448 = tpu.assume_multiple %squeeze3A_447, 128 : i32
          %mul3A_449 = arith.constant 16 : i32
          %mul3A_450 = arith.muli %scan3A_178, %mul3A_449 : i32
          %add3A_451 = arith.constant 12 : i32
          %add3A_452 = arith.addi %mul3A_450, %add3A_451 : i32
          %mul3A_453 = arith.constant 128 : i32
          %mul3A_454 = arith.muli %add3A_452, %mul3A_453 : i32
          %add3A_455 = arith.constant 32768 : i32
          %add3A_456 = arith.addi %add3A_455, %mul3A_454 : i32
          %multiple_of3A_457 = tpu.assume_multiple %add3A_456, 128 : i32
          %dma_start3A_458 = tpu.memref_slice %arg6[%multiple_of3A_457] : memref<65536xf32, #tpu.memory_space<vmem>> -> memref<128xf32, #tpu.memory_space<vmem>>
          %dma_start3A_459 = arith.constant 0 : i32
          %dma_start3A_460 = tpu.memref_slice %arg3[%add3A, %dma_start3A_459] : memref<32x1000001xf32, #tpu.memory_space<hbm>> -> memref<1x1000001xf32, #tpu.memory_space<hbm>>
          %dma_start3A_461 = tpu.memref_squeeze %dma_start3A_460 : memref<1x1000001xf32, #tpu.memory_space<hbm>> -> memref<1000001xf32, #tpu.memory_space<hbm>>
          %dma_start3A_462 = tpu.memref_slice %dma_start3A_461[%multiple_of3A_448] : memref<1000001xf32, #tpu.memory_space<hbm>> -> memref<128xf32, #tpu.memory_space<hbm>>
          %dma_start3A_463 = tpu.memref_slice %arg6[%multiple_of3A_457] : memref<65536xf32, #tpu.memory_space<vmem>> -> memref<128xf32, #tpu.memory_space<vmem>>
          %dma_start3A_464 = arith.constant 0 : i32
          %dma_start3A_465 = tpu.memref_slice %arg3[%add3A, %dma_start3A_464] : memref<32x1000001xf32, #tpu.memory_space<hbm>> -> memref<1x1000001xf32, #tpu.memory_space<hbm>>
          %dma_start3A_466 = tpu.memref_squeeze %dma_start3A_465 : memref<1x1000001xf32, #tpu.memory_space<hbm>> -> memref<1000001xf32, #tpu.memory_space<hbm>>
          %dma_start3A_467 = tpu.memref_slice %dma_start3A_466[%multiple_of3A_448] : memref<1000001xf32, #tpu.memory_space<hbm>> -> memref<128xf32, #tpu.memory_space<hbm>>
          tpu.enqueue_dma source(%dma_start3A_467 : memref<128xf32, #tpu.memory_space<hbm>>) target(%dma_start3A_463 : memref<128xf32, #tpu.memory_space<vmem>>) target_semaphore(%arg10 : memref<!tpu.dma_semaphore, #tpu.memory_space<semaphore_mem>>)
          %slice3A_468 = vector.extract_strided_slice %and3A_184 {offsets = [13], sizes = [1], strides = [1]} : vector<16xi32> to vector<1xi32>
          %squeeze3A_469 = vector.extract %slice3A_468[0] : i32 from vector<1xi32>
          %multiple_of3A_470 = tpu.assume_multiple %squeeze3A_469, 128 : i32
          %mul3A_471 = arith.constant 16 : i32
          %mul3A_472 = arith.muli %scan3A_178, %mul3A_471 : i32
          %add3A_473 = arith.constant 13 : i32
          %add3A_474 = arith.addi %mul3A_472, %add3A_473 : i32
          %mul3A_475 = arith.constant 128 : i32
          %mul3A_476 = arith.muli %add3A_474, %mul3A_475 : i32
          %add3A_477 = arith.constant 32768 : i32
          %add3A_478 = arith.addi %add3A_477, %mul3A_476 : i32
          %multiple_of3A_479 = tpu.assume_multiple %add3A_478, 128 : i32
          %dma_start3A_480 = tpu.memref_slice %arg6[%multiple_of3A_479] : memref<65536xf32, #tpu.memory_space<vmem>> -> memref<128xf32, #tpu.memory_space<vmem>>
          %dma_start3A_481 = arith.constant 0 : i32
          %dma_start3A_482 = tpu.memref_slice %arg3[%add3A, %dma_start3A_481] : memref<32x1000001xf32, #tpu.memory_space<hbm>> -> memref<1x1000001xf32, #tpu.memory_space<hbm>>
          %dma_start3A_483 = tpu.memref_squeeze %dma_start3A_482 : memref<1x1000001xf32, #tpu.memory_space<hbm>> -> memref<1000001xf32, #tpu.memory_space<hbm>>
          %dma_start3A_484 = tpu.memref_slice %dma_start3A_483[%multiple_of3A_470] : memref<1000001xf32, #tpu.memory_space<hbm>> -> memref<128xf32, #tpu.memory_space<hbm>>
          %dma_start3A_485 = tpu.memref_slice %arg6[%multiple_of3A_479] : memref<65536xf32, #tpu.memory_space<vmem>> -> memref<128xf32, #tpu.memory_space<vmem>>
          %dma_start3A_486 = arith.constant 0 : i32
          %dma_start3A_487 = tpu.memref_slice %arg3[%add3A, %dma_start3A_486] : memref<32x1000001xf32, #tpu.memory_space<hbm>> -> memref<1x1000001xf32, #tpu.memory_space<hbm>>
          %dma_start3A_488 = tpu.memref_squeeze %dma_start3A_487 : memref<1x1000001xf32, #tpu.memory_space<hbm>> -> memref<1000001xf32, #tpu.memory_space<hbm>>
          %dma_start3A_489 = tpu.memref_slice %dma_start3A_488[%multiple_of3A_470] : memref<1000001xf32, #tpu.memory_space<hbm>> -> memref<128xf32, #tpu.memory_space<hbm>>
          tpu.enqueue_dma source(%dma_start3A_489 : memref<128xf32, #tpu.memory_space<hbm>>) target(%dma_start3A_485 : memref<128xf32, #tpu.memory_space<vmem>>) target_semaphore(%arg10 : memref<!tpu.dma_semaphore, #tpu.memory_space<semaphore_mem>>)
          %slice3A_490 = vector.extract_strided_slice %and3A_184 {offsets = [14], sizes = [1], strides = [1]} : vector<16xi32> to vector<1xi32>
          %squeeze3A_491 = vector.extract %slice3A_490[0] : i32 from vector<1xi32>
          %multiple_of3A_492 = tpu.assume_multiple %squeeze3A_491, 128 : i32
          %mul3A_493 = arith.constant 16 : i32
          %mul3A_494 = arith.muli %scan3A_178, %mul3A_493 : i32
          %add3A_495 = arith.constant 14 : i32
          %add3A_496 = arith.addi %mul3A_494, %add3A_495 : i32
          %mul3A_497 = arith.constant 128 : i32
          %mul3A_498 = arith.muli %add3A_496, %mul3A_497 : i32
          %add3A_499 = arith.constant 32768 : i32
          %add3A_500 = arith.addi %add3A_499, %mul3A_498 : i32
          %multiple_of3A_501 = tpu.assume_multiple %add3A_500, 128 : i32
          %dma_start3A_502 = tpu.memref_slice %arg6[%multiple_of3A_501] : memref<65536xf32, #tpu.memory_space<vmem>> -> memref<128xf32, #tpu.memory_space<vmem>>
          %dma_start3A_503 = arith.constant 0 : i32
          %dma_start3A_504 = tpu.memref_slice %arg3[%add3A, %dma_start3A_503] : memref<32x1000001xf32, #tpu.memory_space<hbm>> -> memref<1x1000001xf32, #tpu.memory_space<hbm>>
          %dma_start3A_505 = tpu.memref_squeeze %dma_start3A_504 : memref<1x1000001xf32, #tpu.memory_space<hbm>> -> memref<1000001xf32, #tpu.memory_space<hbm>>
          %dma_start3A_506 = tpu.memref_slice %dma_start3A_505[%multiple_of3A_492] : memref<1000001xf32, #tpu.memory_space<hbm>> -> memref<128xf32, #tpu.memory_space<hbm>>
          %dma_start3A_507 = tpu.memref_slice %arg6[%multiple_of3A_501] : memref<65536xf32, #tpu.memory_space<vmem>> -> memref<128xf32, #tpu.memory_space<vmem>>
          %dma_start3A_508 = arith.constant 0 : i32
          %dma_start3A_509 = tpu.memref_slice %arg3[%add3A, %dma_start3A_508] : memref<32x1000001xf32, #tpu.memory_space<hbm>> -> memref<1x1000001xf32, #tpu.memory_space<hbm>>
          %dma_start3A_510 = tpu.memref_squeeze %dma_start3A_509 : memref<1x1000001xf32, #tpu.memory_space<hbm>> -> memref<1000001xf32, #tpu.memory_space<hbm>>
          %dma_start3A_511 = tpu.memref_slice %dma_start3A_510[%multiple_of3A_492] : memref<1000001xf32, #tpu.memory_space<hbm>> -> memref<128xf32, #tpu.memory_space<hbm>>
          tpu.enqueue_dma source(%dma_start3A_511 : memref<128xf32, #tpu.memory_space<hbm>>) target(%dma_start3A_507 : memref<128xf32, #tpu.memory_space<vmem>>) target_semaphore(%arg10 : memref<!tpu.dma_semaphore, #tpu.memory_space<semaphore_mem>>)
          %slice3A_512 = vector.extract_strided_slice %and3A_184 {offsets = [15], sizes = [1], strides = [1]} : vector<16xi32> to vector<1xi32>
          %squeeze3A_513 = vector.extract %slice3A_512[0] : i32 from vector<1xi32>
          %multiple_of3A_514 = tpu.assume_multiple %squeeze3A_513, 128 : i32
          %mul3A_515 = arith.constant 16 : i32
          %mul3A_516 = arith.muli %scan3A_178, %mul3A_515 : i32
          %add3A_517 = arith.constant 15 : i32
          %add3A_518 = arith.addi %mul3A_516, %add3A_517 : i32
          %mul3A_519 = arith.constant 128 : i32
          %mul3A_520 = arith.muli %add3A_518, %mul3A_519 : i32
          %add3A_521 = arith.constant 32768 : i32
          %add3A_522 = arith.addi %add3A_521, %mul3A_520 : i32
          %multiple_of3A_523 = tpu.assume_multiple %add3A_522, 128 : i32
          %dma_start3A_524 = tpu.memref_slice %arg6[%multiple_of3A_523] : memref<65536xf32, #tpu.memory_space<vmem>> -> memref<128xf32, #tpu.memory_space<vmem>>
          %dma_start3A_525 = arith.constant 0 : i32
          %dma_start3A_526 = tpu.memref_slice %arg3[%add3A, %dma_start3A_525] : memref<32x1000001xf32, #tpu.memory_space<hbm>> -> memref<1x1000001xf32, #tpu.memory_space<hbm>>
          %dma_start3A_527 = tpu.memref_squeeze %dma_start3A_526 : memref<1x1000001xf32, #tpu.memory_space<hbm>> -> memref<1000001xf32, #tpu.memory_space<hbm>>
          %dma_start3A_528 = tpu.memref_slice %dma_start3A_527[%multiple_of3A_514] : memref<1000001xf32, #tpu.memory_space<hbm>> -> memref<128xf32, #tpu.memory_space<hbm>>
          %dma_start3A_529 = tpu.memref_slice %arg6[%multiple_of3A_523] : memref<65536xf32, #tpu.memory_space<vmem>> -> memref<128xf32, #tpu.memory_space<vmem>>
          %dma_start3A_530 = arith.constant 0 : i32
          %dma_start3A_531 = tpu.memref_slice %arg3[%add3A, %dma_start3A_530] : memref<32x1000001xf32, #tpu.memory_space<hbm>> -> memref<1x1000001xf32, #tpu.memory_space<hbm>>
          %dma_start3A_532 = tpu.memref_squeeze %dma_start3A_531 : memref<1x1000001xf32, #tpu.memory_space<hbm>> -> memref<1000001xf32, #tpu.memory_space<hbm>>
          %dma_start3A_533 = tpu.memref_slice %dma_start3A_532[%multiple_of3A_514] : memref<1000001xf32, #tpu.memory_space<hbm>> -> memref<128xf32, #tpu.memory_space<hbm>>
          tpu.enqueue_dma source(%dma_start3A_533 : memref<128xf32, #tpu.memory_space<hbm>>) target(%dma_start3A_529 : memref<128xf32, #tpu.memory_space<vmem>>) target_semaphore(%arg10 : memref<!tpu.dma_semaphore, #tpu.memory_space<semaphore_mem>>)
        }
        %scan3A_177 = arith.constant 8 : i32
      } else {
      }
      %dma_wait3A_143 = arith.constant 49152 : i32
      %dma_wait3A_144 = tpu.memref_slice %arg6[%dma_wait3A_143] : memref<65536xf32, #tpu.memory_space<vmem>> -> memref<16384xf32, #tpu.memory_space<vmem>>
      %dma_wait3A_145 = arith.constant 0 : i32
      %dma_wait3A_146 = tpu.memref_slice %arg3[%add3A, %dma_wait3A_145] : memref<32x1000001xf32, #tpu.memory_space<hbm>> -> memref<1x1000001xf32, #tpu.memory_space<hbm>>
      %dma_wait3A_147 = tpu.memref_squeeze %dma_wait3A_146 : memref<1x1000001xf32, #tpu.memory_space<hbm>> -> memref<1000001xf32, #tpu.memory_space<hbm>>
      %dma_wait3A_148 = arith.constant 0 : i32
      %dma_wait3A_149 = tpu.memref_slice %dma_wait3A_147[%dma_wait3A_148] : memref<1000001xf32, #tpu.memory_space<hbm>> -> memref<16384xf32, #tpu.memory_space<hbm>>
      %dma_wait3A_150 = arith.constant 49152 : i32
      %dma_wait3A_151 = tpu.memref_slice %arg6[%dma_wait3A_150] : memref<65536xf32, #tpu.memory_space<vmem>> -> memref<16384xf32, #tpu.memory_space<vmem>>
      %dma_wait3A_152 = arith.constant 0 : i32
      %dma_wait3A_153 = tpu.memref_slice %arg3[%add3A, %dma_wait3A_152] : memref<32x1000001xf32, #tpu.memory_space<hbm>> -> memref<1x1000001xf32, #tpu.memory_space<hbm>>
      %dma_wait3A_154 = tpu.memref_squeeze %dma_wait3A_153 : memref<1x1000001xf32, #tpu.memory_space<hbm>> -> memref<1000001xf32, #tpu.memory_space<hbm>>
      %dma_wait3A_155 = arith.constant 0 : i32
      %dma_wait3A_156 = tpu.memref_slice %dma_wait3A_154[%dma_wait3A_155] : memref<1000001xf32, #tpu.memory_space<hbm>> -> memref<16384xf32, #tpu.memory_space<hbm>>
      tpu.wait_dma2 semaphore(%arg11 : memref<!tpu.dma_semaphore, #tpu.memory_space<semaphore_mem>>) src(%dma_wait3A_156 : memref<16384xf32, #tpu.memory_space<hbm>>) dst(%dma_wait3A_151 : memref<16384xf32, #tpu.memory_space<vmem>>)
      %mul3A_157 = arith.constant 128 : i32
      %mul3A_158 = arith.muli %add3A_133, %mul3A_157 : i32
      %scan3A_159 = arith.constant 0 : i32
      %scan3A_160 = arith.constant 0 : i32
      %scan3A_161 = arith.constant 8 : i32
      %scan3A_162 = arith.addi %scan3A_160, %scan3A_161 : i32
      %scan3A_163 = arith.constant 1 : i32
      scf.for %scan3A_166 = %scan3A_160 to %scan3A_162 step %scan3A_163  : i32 {
        %mul3A_167 = arith.constant 16 : i32
        %mul3A_168 = arith.muli %scan3A_166, %mul3A_167 : i32
        %add3A_169 = arith.addi %mul3A_158, %mul3A_168 : i32
        %get3A = arith.index_cast %add3A_169 : i32 to index
        %get3A_170 = tpu.vector_load %arg5[%get3A] {strides = array<i32>} : memref<16384xi32, #tpu.memory_space<vmem>>, vector<16xi32>,
        %mul3A_171 = arith.constant 2048 : i32
        %mul3A_172 = arith.muli %scan3A_166, %mul3A_171 : i32
        %add3A_173 = arith.constant 49152 : i32
        %add3A_174 = arith.addi %add3A_173, %mul3A_172 : i32
        %add3A_175 = vector.broadcast %add3A_174 : i32 to vector<16xi32>
        %add3A_176 = arith.addi %add3A_175, %mul3A_3 : vector<16xi32>
        %and3A = arith.constant 127 : i32
        %and3A_177 = vector.broadcast %and3A : i32 to vector<16xi32>
        %and3A_178 = arith.andi %get3A_170, %and3A_177 : vector<16xi32>
        %add3A_179 = arith.addi %add3A_176, %and3A_178 : vector<16xi32>
        %gather3A = tpu.vector_load_idx %arg6[%add3A_179] : memref<65536xf32, #tpu.memory_space<vmem>>[vector<16xi32>], vector<16xf32>,
        %mul3A_180 = arith.constant 16 : i32
        %mul3A_181 = arith.muli %scan3A_166, %mul3A_180 : i32
        %swap3A = arith.index_cast %mul3A_181 : i32 to index
        %swap3A_182 = tpu.vector_load %arg7[%swap3A] {strides = array<i32>} : memref<128xf32, #tpu.memory_space<vmem>>, vector<16xf32>,
        tpu.vector_store %arg7[%swap3A], %gather3A {strides = array<i32>} : memref<128xf32, #tpu.memory_space<vmem>>, vector<16xf32>,
      }
      %scan3A_164 = arith.constant 8 : i32
      %multiple_of3A_165 = tpu.assume_multiple %mul3A_158, 128 : i32
      "tpu.region"() ({
        %run_scoped3A = tpu.sem_alloc : memref<!tpu.dma_semaphore, #tpu.memory_space<semaphore_mem>>
        %dma_start3A = arith.constant 0 : i32
        %dma_start3A_166 = tpu.memref_slice %arg4[%add3A, %dma_start3A] : memref<32x16384xf32, #tpu.memory_space<hbm>> -> memref<1x16384xf32, #tpu.memory_space<hbm>>
        %dma_start3A_167 = tpu.memref_squeeze %dma_start3A_166 : memref<1x16384xf32, #tpu.memory_space<hbm>> -> memref<16384xf32, #tpu.memory_space<hbm>>
        %dma_start3A_168 = tpu.memref_slice %dma_start3A_167[%multiple_of3A_165] : memref<16384xf32, #tpu.memory_space<hbm>> -> memref<128xf32, #tpu.memory_space<hbm>>
        %dma_start3A_169 = arith.constant 0 : i32
        %dma_start3A_170 = tpu.memref_slice %arg4[%add3A, %dma_start3A_169] : memref<32x16384xf32, #tpu.memory_space<hbm>> -> memref<1x16384xf32, #tpu.memory_space<hbm>>
        %dma_start3A_171 = tpu.memref_squeeze %dma_start3A_170 : memref<1x16384xf32, #tpu.memory_space<hbm>> -> memref<16384xf32, #tpu.memory_space<hbm>>
        %dma_start3A_172 = tpu.memref_slice %dma_start3A_171[%multiple_of3A_165] : memref<16384xf32, #tpu.memory_space<hbm>> -> memref<128xf32, #tpu.memory_space<hbm>>
        tpu.enqueue_dma source(%arg7 : memref<128xf32, #tpu.memory_space<vmem>>) target(%dma_start3A_172 : memref<128xf32, #tpu.memory_space<hbm>>) target_semaphore(%run_scoped3A : memref<!tpu.dma_semaphore, #tpu.memory_space<semaphore_mem>>)
        %dma_wait3A_173 = arith.constant 0 : i32
        %dma_wait3A_174 = tpu.memref_slice %arg4[%add3A, %dma_wait3A_173] : memref<32x16384xf32, #tpu.memory_space<hbm>> -> memref<1x16384xf32, #tpu.memory_space<hbm>>
        %dma_wait3A_175 = tpu.memref_squeeze %dma_wait3A_174 : memref<1x16384xf32, #tpu.memory_space<hbm>> -> memref<16384xf32, #tpu.memory_space<hbm>>
        %dma_wait3A_176 = tpu.memref_slice %dma_wait3A_175[%multiple_of3A_165] : memref<16384xf32, #tpu.memory_space<hbm>> -> memref<128xf32, #tpu.memory_space<hbm>>
        %dma_wait3A_177 = arith.constant 0 : i32
        %dma_wait3A_178 = tpu.memref_slice %arg4[%add3A, %dma_wait3A_177] : memref<32x16384xf32, #tpu.memory_space<hbm>> -> memref<1x16384xf32, #tpu.memory_space<hbm>>
        %dma_wait3A_179 = tpu.memref_squeeze %dma_wait3A_178 : memref<1x16384xf32, #tpu.memory_space<hbm>> -> memref<16384xf32, #tpu.memory_space<hbm>>
        %dma_wait3A_180 = tpu.memref_slice %dma_wait3A_179[%multiple_of3A_165] : memref<16384xf32, #tpu.memory_space<hbm>> -> memref<128xf32, #tpu.memory_space<hbm>>
        tpu.wait_dma2 semaphore(%run_scoped3A : memref<!tpu.dma_semaphore, #tpu.memory_space<semaphore_mem>>) src(%arg7 : memref<128xf32, #tpu.memory_space<vmem>>) dst(%dma_wait3A_180 : memref<128xf32, #tpu.memory_space<hbm>>)
        tpu.yield
      }) : () -> ()
    }
    %scan3A_26 = arith.constant 32 : i32
    return
  }
}

</mosaic_0001>

<sc_bundles>
// kernel: _sc_gather.3.cloned.1.call-start
scs
__scs_entry_jumppad:
0x0: {  	(pc) =	sbr.rel $0x88, $3  }
0x1: {  	(tag) =	ssettag $0x0;
	lr =	simm.s32 $0x1  }
0x2: {  	[smem:$0x3F9F] =	sst lr;
	_ =	strace $0xD0000000  }
0x3: {  	_ = 	snop  }
0x4: {  	_ = 	snop  }
0x5: {  	_ = 	snop  }
0x6: {  	_ = 	snop  }
0x7: {  	_ = 	snop  }
__scs_overlays_trampoline_lowered:
0x8: {  	[smem:$0x3FAE] =	sst s0  }
0x9: {  	[smem:$0x3FAF] =	sst s1  }
0xa: {  	[smem:$0x3FB0] =	sst s2  }
0xb: {  	[smem:$0x3FB1] =	sst s3  }
0xc: {  	[smem:$0x3FB2] =	sst s4  }
0xd: {  	[smem:$0x3FB3] =	sst s5  }
0xe: {  	[smem:$0x3FB4] =	sst s6  }
0xf: {  	[smem:$0x3FB5] =	sst s7  }
0x10: {  	[smem:$0x3FB6] =	sst s8  }
0x11: {  	[smem:$0x3FB7] =	sst s9;
	s0 =	simm.s32 @!p0 $0x0  }
0x12: {  	s1 =	sld [smem:$0x3F9D];
	s0 =	simm.s32 @p0 $0x1  }
0x13: {  	[smem:$0x3FB8] =	sst s0;
	s0 =	simm.s32 @!p1 $0x0  }
0x14: {  	s2 =	sld [smem:$0x3F9C];
	s0 =	simm.s32 @p1 $0x1  }
0x15: {  	[smem:$0x3FB9] =	sst s0;
	s0 =	simm.s32 @!p2 $0x0  }
0x16: {  	s3 =	sld [smem:$0x3FDB];
	s0 =	simm.s32 @p2 $0x1  }
0x17: {  	s4 =	simm.s32 $0x1BF5;
	[smem:$0x3FBB] =	sst s0  }
0x18: {  	s0 =	sld [smem:$0x3F9E];
	_ =	swait.ge [sflag:s4], $0x0  }
0x19: {  	s7 =	sld [smem:$0x3F9F]  }
0x1a: {  	s8 =	sadd.s32 $0xFFFFE003, lr  }
0x1b: {  	s9 =	sadd.s32 $0xFFFFFEF7, lr;
	s5 =	simm.s32 $0xFFFFFFFF;
	p2 =	slt.u32 s8, $0xFFFFF086  }
0x1c: {  	p1 =	slt.u32 s9, $0xF7A;
	s5 =	simm.s32 @!p2 $0x0  }
0x1d: {  	s5 =	simm.s32 @p1 $0x1;
	p0 =	seq.s32 s7, s2  }
0x1e: {  	s7 =	smul.u32 @!p0 $0xF7A, s2;
	p2 =	seq.s32 @!p0 s5, $0x0  }
0x1f: {  	s9 =	smul.u32 $0xF7A, s1;
	s8 =	simm.s32 @!p0 $0x1BF5;
	p2 =	por !p2, p0  }
0x20: {  	[sflag:s8] =	ssyncset.s32 @!p0 $0xFFFFF086;
	s6 =	sadd.s32 @!p0 s3, s7;
	s7 =	simm.s32 @!p0 $0x108  }
0x21: {  	s3 =	sadd.s32 s3, s9;
	s6 =	sadd.s32 @!p0 $0x88, s6;
	s7 =	simm.s32 @p2 $0x1082  }
0x22: {  	[simem:s7], [sflag:s8] =	dma.local @!p0 [hbm:s6], $0xF7A  }
0x23: {  	s9 =	sor.u32 $0xD0000000, s2;
	s6 =	simm.s32 $0x108;
	_ =	swait.ge @!p0 [sflag:s8], $0x0  }
0x24: {  	s3 =	sadd.s32 $0x88, s3;
	s6 =	simm.s32 @!p1 $0x1082;
	[sflag:s4] =	ssyncset.s32 $0xFFFFF086  }
0x25: {  	[simem:s6], [sflag:s4] =	dma.local [hbm:s3], $0xF7A  }
0x26: {  	[smem:$0x3F9F] =	sst s1;
	(tag) =	ssettag s2;
	_ =	strace s9  }
0x27: {  	s1 =	sld [smem:$0x3FAF]  }
0x28: {  	s2 =	sld [smem:$0x3FB0]  }
0x29: {  	s4 =	sld [smem:$0x3FB2]  }
0x2a: {  	p0 =	seq.s32 s5, $0x0;
	s5 =	sld [smem:$0x3FB3]  }
0x2b: {  	s6 =	sld [smem:$0x3FB4]  }
0x2c: {  	s7 =	sld [smem:$0x3FB5]  }
0x2d: {  	s3 =	simm.s32 $0x108;
	s8 =	sld [smem:$0x3FB6]  }
0x2e: {  	s3 =	simm.s32 @!p0 $0x1082;
	s9 =	sld [smem:$0x3FB7]  }
0x2f: {  	lr =	sadd.s32 s0, s3;
	s0 =	sld [smem:$0x3FAE]  }
0x30: {  	s3 =	sld [smem:$0x3FB1]  }
0x31: {  	[smem:$0x3FBA] =	sst s10  }
0x32: {  	s10 =	sld [smem:$0x3FB8];
	_ =	sdelay $0x3  }
0x33: {  	p0 =	seq.s32 s10, $0x1;
	s10 =	sld [smem:$0x3FBA];
	_ =	sdelay $0x3  }
0x34: {  	[smem:$0x3FBA] =	sst s10  }
0x35: {  	s10 =	sld [smem:$0x3FB9];
	_ =	sdelay $0x3  }
0x36: {  	p1 =	seq.s32 s10, $0x1;
	s10 =	sld [smem:$0x3FBA];
	_ =	sdelay $0x3  }
0x37: {  	[smem:$0x3FBA] =	sst s10  }
0x38: {  	s10 =	sld [smem:$0x3FBB]  }
0x39: {  	_ = 	snop;
	(pc) =	sbr.ind lr, $3  }
0x3a: {  	_ = 	snop  }
0x3b: {  	_ = 	snop  }
0x3c: {  	p2 =	seq.s32 s10, $0x1;
	s10 =	sld [smem:$0x3FBA]  }
0x3d: {  	_ =	shalt  }
0x3e: {  	_ =	shalt  }
0x3f: {  	_ =	shalt  }
0x40: {  	_ =	shalt  }
0x41: {  	_ =	shalt  }
0x42: {  	_ =	shalt  }
0x43: {  	_ =	shalt  }
0x44: {  	_ =	shalt  }
0x45: {  	_ =	shalt  }
0x46: {  	_ =	shalt  }
0x47: {  	_ =	shalt  }
0x48: {  	_ =	shalt  }
0x49: {  	_ =	shalt  }
0x4a: {  	_ =	shalt  }
0x4b: {  	_ =	shalt  }
0x4c: {  	_ =	shalt  }
0x4d: {  	_ =	shalt  }
0x4e: {  	_ =	shalt  }
0x4f: {  	_ =	shalt  }
0x50: {  	_ =	shalt  }
0x51: {  	_ =	shalt  }
0x52: {  	_ =	shalt  }
0x53: {  	_ =	shalt  }
0x54: {  	_ =	shalt  }
0x55: {  	_ =	shalt  }
0x56: {  	_ =	shalt  }
0x57: {  	_ =	shalt  }
0x58: {  	_ =	shalt  }
0x59: {  	_ =	shalt  }
0x5a: {  	_ =	shalt  }
0x5b: {  	_ =	shalt  }
0x5c: {  	_ =	shalt  }
0x5d: {  	_ =	shalt  }
0x5e: {  	_ =	shalt  }
0x5f: {  	_ =	shalt  }
0x60: {  	_ =	shalt  }
0x61: {  	_ =	shalt  }
0x62: {  	_ =	shalt  }
0x63: {  	_ =	shalt  }
0x64: {  	_ =	shalt  }
0x65: {  	_ =	shalt  }
0x66: {  	_ =	shalt  }
0x67: {  	_ =	shalt  }
0x68: {  	_ =	shalt  }
0x69: {  	_ =	shalt  }
0x6a: {  	_ =	shalt  }
0x6b: {  	_ =	shalt  }
0x6c: {  	_ =	shalt  }
0x6d: {  	_ =	shalt  }
0x6e: {  	_ =	shalt  }
0x6f: {  	_ =	shalt  }
0x70: {  	_ =	shalt  }
0x71: {  	_ =	shalt  }
0x72: {  	_ =	shalt  }
0x73: {  	_ =	shalt  }
0x74: {  	_ =	shalt  }
0x75: {  	_ =	shalt  }
0x76: {  	_ =	shalt  }
0x77: {  	_ =	shalt  }
0x78: {  	_ =	shalt  }
0x79: {  	_ =	shalt  }
0x7a: {  	_ =	shalt  }
0x7b: {  	_ =	shalt  }
0x7c: {  	_ =	shalt  }
0x7d: {  	_ =	shalt  }
0x7e: {  	_ =	shalt  }
0x7f: {  	_ =	shalt  }
0x80: {  	_ =	shalt  }
0x81: {  	_ =	shalt  }
0x82: {  	_ =	shalt  }
0x83: {  	_ =	shalt  }
0x84: {  	_ =	shalt  }
0x85: {  	_ =	shalt  }
0x86: {  	_ =	shalt  }
0x87: {  	_ =	shalt  }
.Lfunc_end0:
.L_simem_size_0:
called_computation_lowered:
.L_overlay_start_0:
0x88: {  	s2 =	sld [smem:$0x3FD9]  }
0x89: {  	s3 =	sld [smem:$0x3FFE];
	_ =	sdelay $0x1  }
0x8a: {  	s1 =	srdreg.scid  }
0x8b: {  	s0 =	sand.u32 $0x1, s1  }
0x8c: {  	s18 =	sshll.u32 s0, $0xA;
	s2 =	sadd.s32 s3, s2  }
0x8d: {  	s2 =	sadd.s32 s2, s18  }
0x8e: {  	[smem:$0x3FC6] =	sst s2  }
0x8f: {  	_ = 	snop  }
0x90: {  	s2 =	sld [smem:$0x3FC9]  }
0x91: {  	s19 =	sld [smem:$0x3FC8]  }
0x92: {  	s4 =	sld [smem:$0x3FD0];
	(tm) =	ssettm $0x1  }
0x93: {  	s5 =	sld [smem:$0x3FFB];
	_ =	sdelay $0x3  }
0x94: {  	_ =	strace s5  }
0x95: {  	s5 =	sld [smem:$0x3FFC];
	_ =	sdelay $0x3  }
0x96: {  	_ =	strace s5  }
0x97: {  	s5 =	sld [smem:$0x3FFD];
	_ =	sdelay $0x3  }
0x98: {  	_ =	strace s5  }
0x99: {  	_ =	strace $0x8FFFFFFF  }
0x9a: {  	s20 =	sld [smem:$0x3FDB];
	_ =	sdelay $0x1  }
0x9b: {  	s6 =	simm.s32 $_scs_section_size  }
0x9c: {  	s7 =	simm.s32 $_size__tile_overlayer_lowered;
	s8 =	simm.s32 $_tile_overlayer_lowered  }
0x9d: {  	s23 =	simm.s32 $0x1BFF;
	s22 =	sshll.u32 s8, $0x1;
	s5 =	sadd.s32 s6, s20  }
0x9e: {  	s9 =	simm.s32 $0x0;
	s21 =	sshll.u32 s7, $0x1;
	s7 =	sadd.s32 s22, s5  }
0x9f: {  	[timem:s9], [sflag:s23] =	dma.local [hbm:s7], s21  }
0xa0: {  	_ =	swait.ge [sflag:s23], s21  }
0xa1: {  	s6 =	ssub.s32 $0x0, s21;
	[sflag:s23] =	ssyncset.done $0x0  }
0xa2: {  	[sflag:s23] =	ssyncadd.s32 s6;
	_ =	sdelay $0x1  }
0xa3: {  	s24 =	simm.s32 $0x1B8B  }
0xa4: {  	_ =	swait.ge [sflag:s24], $0x1  }
0xa5: {  	[sflag:s24] =	ssyncset.done $0x0  }
0xa6: {  	s25 =	simm.s32 $0x1B8E;
	[sflag:s24] =	ssyncadd.s32 $0xFFFFFFFF  }
0xa7: {  	s26 =	simm.s32 $execute0_lowered;
	[smem:$0x3FD2] =	sst s25  }
0xa8: {  	s6 =	sshll.u32 s26, $0x1;
	_ =	strace $0x80000046;
	[dreg:$0x1] =	wrdreg $0xFFFFFFFF  }
0xa9: {  	s28 =	simm.s32 $_size_execute0_lowered;
	s5 =	sadd.s32 s5, s6;
	[dreg:$0x0] =	wrdreg $0x0  }
0xaa: {  	s6 =	sshll.u32 s28, $0x1;
	[dreg:$0x2] =	wrdreg s5  }
0xab: {  	[dreg:$0x3] =	wrdreg s6  }
0xac: {  	[dreg:$0x4] =	wrdreg $0xC0  }
0xad: {  	_ =	task [dreg:s9], $0x5FFFF  }
0xae: {  	[dreg:$0x1] =	wrdreg $0xFFFFFFFF  }
0xaf: {  	[dreg:$0x0] =	wrdreg $0x60  }
0xb0: {  	[dreg:$0x2] =	wrdreg s2  }
0xb1: {  	[dreg:$0x3] =	wrdreg s19  }
0xb2: {  	[dreg:$0x4] =	wrdreg s4  }
0xb3: {  	[dreg:$0x5] =	wrdreg $0x9  }
0xb4: {  	_ =	task.clear_ibuf [dreg:s9], $0x6FFFF;
	_ =	strace $0x90000046  }
0xb5: {  	s29 =	simm.s32 $0x9;
	_ =	strace $0x80000048  }
0xb6: {  	_ =	swait.ge [sflag:s29], $0x1  }
0xb7: {  	[sflag:s29] =	ssyncadd.s32 $0xFFFFFFFF  }
0xb8: {  	_ =	strace $0x90000048  }
0xb9: {  	_ =	sfence  }
0xba: {  	s30 =	sld [smem:$0x0];
	_ =	sdelay $0x2  }
0xbb: {  	s31 =	sshll.u32 s1, $0xD;
	s1 =	sshrl.u32 s1, $0x2  }
0xbc: {  	s3 =	sand.u32 $0x4000, s31;
	s1 =	sadd.s32 s1, s30  }
0xbd: {  	s0 =	sor.u32 s3, s0;
	s1 =	sshll.u32 s1, $0x11  }
0xbe: {  	s0 =	sor.u32 s1, s0  }
0xbf: {  	s0 =	sadd.s32 $0x8F2B, s0  }
0xc0: {  	[sflag:s0] =	ssyncadd.remote.s32 $0x1  }
0xc1: {  	_ =	sfence.sel $0xFFFF  }
0xc2: {  	[dreg:$0x0] =	wrdreg $0xFFFFFFFF;
	(pc) =	sbr.abs _section_cstart, $3  }
0xc3: {  	[dreg:$0x1] =	wrdreg $0xFFFFFFFF  }
0xc4: {  	_ =	task.clear_ibuf [dreg:s9], $0x2FFFF;
	_ =	strace $0x9FFFFFFF  }
0xc5: {  	(tm) =	ssettm $0x7FFFFFFF  }
tec
execute0_lowered:
.L_overlay_start_1:
0x0: {  	(tag) =	ssettag $0x1  }
0x1: {  	s1 =	rddreg [dreg:$0x0];
	v0 =	vlaneseq.u32  }
0x2: {  	s4 =	rddreg [dreg:$0x1];
	v0 =	vmul.u32 $0x80, v0  }
0x3: {  	s5 =	rddreg [dreg:$0x2]  }
0x4: {  	s0 =	rddreg [dreg:$0x3];
	s3 =	simm.s32 $0x0;
	s6 =	srdreg.scid;
	v1 =	vor.u32 $0x800, v0  }
0x5: {  	s2 =	stileid.u32;
	s11 =	simm.s32 $0x2;
	s12 =	simm.s32 $0x3;
	v2 =	vor.u32 $0x1000, v0;
	v3 =	vor.u32 $0x1800, v0;
	v4 =	vor.u32 $0x2000, v0  }
0x6: {  	s13 =	simm.s32 $0x4;
	s14 =	simm.s32 $0x0;
	[smem:$0x7FF] =	sst s3;
	v5 =	vor.u32 $0x2800, v0;
	v6 =	vor.u32 $0x3000, v0;
	v7 =	vor.u32 $0x3800, v0  }
0x7: {  	s6 =	sand.u32 $0x1, s6;
	s7 =	sshrl.u32 s2, $0x2;
	s8 =	sshll.u32 s2, $0x8;
	v8 =	vor.u32 $0x4000, v0;
	v9 =	vor.u32 $0x4800, v0;
	v10 =	vor.u32 $0x5000, v0  }
0x8: {  	s9 =	smul.u32 $0x7A1400, s7;
	s10 =	sshll.u32 s6, $0x7;
	s8 =	sand.u32 $0x300, s8;
	v11 =	vor.u32 $0x5800, v0;
	v12 =	vor.u32 $0x6000, v0;
	v13 =	vor.u32 $0x6800, v0  }
0x9: {  	_ =	strace $0x80000047;
	s7 =	sshll.u32 s7, $0x11;
	s6 =	ssub.s32 $0x2, s6;
	v14 =	vor.u32 $0x7000, v0;
	v15 =	vor.u32 $0x7800, v0;
	v16 =	vor.u32 $0x8000, v0  }
.Ltmp0:
0xa: {  	s8 =	sor.u32 s10, s8;
	s31 =	sshrl.u32 s6, $0x1;
	v17 =	vor.u32 $0x8800, v0;
	v18 =	vor.u32 $0x9000, v0;
	v19 =	vor.u32 $0x9800, v0;
	(pc) =	sbr.rel .LBB2_1-.Ltmp0, $4  }
0xb: {  	v20 =	vor.u32 $0xA000, v0;
	v21 =	vor.u32 $0xA800, v0;
	v22 =	vor.u32 $0xB000, v0;
	s10 =	simm.s32 $0x14000;
	s9 =	sor.u32 s9, s8;
	s7 =	sor.u32 s7, s8  }
0xc: {  	v23 =	vor.u32 $0xB800, v0;
	v24 =	vor.u32 $0xC000, v0;
	v25 =	vor.u32 $0xC800, v0;
	s6 =	ssub.s32 s6, s31;
	s8 =	simm.s32 $0x1;
	s9 =	sshrl.u32 s9, $0x3  }
0xd: {  	v26 =	vor.u32 $0xD000, v0;
	v27 =	vor.u32 $0xD800, v0;
	v28 =	vor.u32 $0xE000, v0;
	s7 =	sshrl.u32 s7, $0x3;
	s6 =	smax.u32 s6, $0x1;
	s4 =	sadd.s32 s4, s9  }
0xe: {  	v29 =	vor.u32 $0xE800, v0;
	v30 =	vor.u32 $0xF000, v0;
	v31 =	vor.u32 $0xF800, v0;
	s5 =	sadd.s32 s5, s7;
	s7 =	simm.s32 $0x5;
	s9 =	simm.s32 $0x4000  }
.LBB2_23:
0xf: {  	s14 =	sadd.s32 $0x1, s14  }
0x10: {  	p0 =	sne.s32 s14, s6  }
.Ltmp1:
0x11: {  	_ = 	snop;
	(pc) =	sbr.rel @!p0 .LBB2_24-.Ltmp1, $1  }
0x12: {  	_ =	sdelay $0x3  }
.LBB2_1:
0x13: {  	[tilespmem:s3], [sflag:$0x5] =	stream.linear.gather [hbm4b:s1+s3], $0x4000, $0x38;
	[tilespmem:$0x14080] =	vst v63  }
0x14: {  	_ =	swait.ge [sflag:s7], $0x4000  }
0x15: {  	[sflag:s7] =	ssyncset.done $0x0  }
0x16: {  	[sflag:s7] =	ssyncadd.s32 $0xFFFFC000  }
0x17: {  	v32 =	vld [tilespmem:s3+$0x0];
	_ =	sdelay $0x4  }
0x18: {  	v32 =	vand.u32 $0xFFFFFF80, v32  }
0x19: {  	v32 =	vadd.s32 s4, v32  }
0x1a: {  	(v2sf) =	vpush v32, $0x0;
	_ =	sdelay $0x1  }
0x1b: {  	(v2sf) =	vpush v32, $0x1;
	_ =	sdelay $0x1  }
0x1c: {  	(v2sf) =	vpush v32, $0x2;
	_ =	sdelay $0x1  }
0x1d: {  	(v2sf) =	vpush v32, $0x3;
	_ =	sdelay $0x1  }
0x1e: {  	(v2sf) =	vpush v32, $0x4;
	_ =	sdelay $0x1  }
0x1f: {  	(v2sf) =	vpush v32, $0x5;
	_ =	sdelay $0x1  }
0x20: {  	(v2sf) =	vpush v32, $0x6;
	_ =	sdelay $0x1  }
0x21: {  	(v2sf) =	vpush v32, $0x7  }
0x22: {  	s15 =	simm.s32 $0x4000;
	s16 =	spop (v2sf)  }
0x23: {  	(v2sf) =	vpush v32, $0x8;
	[tilespmem:s15], [sflag:$0x1] =	stream.linear.gather [hbm4b:s16+s3], $0x80, $0x38;
	[tilespmem:$0x14080] =	vst v63  }
0x24: {  	s17 =	simm.s32 $0x4080;
	s18 =	spop (v2sf);
	(v2sf) =	vpush v32, $0x9  }
0x25: {  	[tilespmem:s17], [sflag:$0x1] =	stream.linear.gather [hbm4b:s18+s3], $0x80, $0x38;
	[tilespmem:$0x14080] =	vst v63  }
0x26: {  	s19 =	simm.s32 $0x4100;
	s20 =	spop (v2sf);
	(v2sf) =	vpush v32, $0xA  }
0x27: {  	[tilespmem:s19], [sflag:$0x1] =	stream.linear.gather [hbm4b:s20+s3], $0x80, $0x38;
	[tilespmem:$0x14080] =	vst v63  }
0x28: {  	s21 =	simm.s32 $0x4180;
	s22 =	spop (v2sf);
	(v2sf) =	vpush v32, $0xB  }
0x29: {  	[tilespmem:s21], [sflag:$0x1] =	stream.linear.gather [hbm4b:s22+s3], $0x80, $0x38;
	[tilespmem:$0x14080] =	vst v63  }
0x2a: {  	s23 =	simm.s32 $0x4200;
	s24 =	spop (v2sf);
	(v2sf) =	vpush v32, $0xC  }
0x2b: {  	[tilespmem:s23], [sflag:$0x1] =	stream.linear.gather [hbm4b:s24+s3], $0x80, $0x38;
	[tilespmem:$0x14080] =	vst v63  }
0x2c: {  	s25 =	simm.s32 $0x4280;
	s26 =	spop (v2sf);
	(v2sf) =	vpush v32, $0xD  }
0x2d: {  	[tilespmem:s25], [sflag:$0x1] =	stream.linear.gather [hbm4b:s26+s3], $0x80, $0x38;
	[tilespmem:$0x14080] =	vst v63  }
0x2e: {  	s28 =	simm.s32 $0x4300;
	s29 =	spop (v2sf);
	(v2sf) =	vpush v32, $0xE  }
0x2f: {  	[tilespmem:s28], [sflag:$0x1] =	stream.linear.gather [hbm4b:s29+s3], $0x80, $0x38;
	[tilespmem:$0x14080] =	vst v63  }
0x30: {  	s30 =	simm.s32 $0x4380;
	s31 =	spop (v2sf);
	(v2sf) =	vpush v32, $0xF  }
0x31: {  	[tilespmem:s30], [sflag:$0x1] =	stream.linear.gather [hbm4b:s31+s3], $0x80, $0x38;
	[tilespmem:$0x14080] =	vst v63  }
0x32: {  	s18 =	spop (v2sf)  }
0x33: {  	s17 =	simm.s32 $0x4400;
	s20 =	spop (v2sf)  }
0x34: {  	[tilespmem:s17], [sflag:$0x1] =	stream.linear.gather [hbm4b:s18+s3], $0x80, $0x38;
	[tilespmem:$0x14080] =	vst v63  }
0x35: {  	s19 =	simm.s32 $0x4480;
	s22 =	spop (v2sf)  }
0x36: {  	[tilespmem:s19], [sflag:$0x1] =	stream.linear.gather [hbm4b:s20+s3], $0x80, $0x38;
	[tilespmem:$0x14080] =	vst v63  }
0x37: {  	s21 =	simm.s32 $0x4500;
	s24 =	spop (v2sf)  }
0x38: {  	[tilespmem:s21], [sflag:$0x1] =	stream.linear.gather [hbm4b:s22+s3], $0x80, $0x38;
	[tilespmem:$0x14080] =	vst v63  }
0x39: {  	s16 =	simm.s32 $0x2000;
	s23 =	simm.s32 $0x4580;
	s26 =	spop (v2sf)  }
0x3a: {  	[tilespmem:s23], [sflag:$0x1] =	stream.linear.gather [hbm4b:s24+s3], $0x80, $0x38;
	[tilespmem:$0x14080] =	vst v63  }
0x3b: {  	s15 =	simm.s32 $0x0;
	s25 =	simm.s32 $0x4600;
	s29 =	spop (v2sf)  }
0x3c: {  	[tilespmem:s25], [sflag:$0x1] =	stream.linear.gather [hbm4b:s26+s3], $0x80, $0x38;
	[tilespmem:$0x14080] =	vst v63  }
0x3d: {  	s28 =	simm.s32 $0x4680;
	s30 =	simm.s32 $0x4700;
	s31 =	spop (v2sf)  }
0x3e: {  	[tilespmem:s28], [sflag:$0x1] =	stream.linear.gather [hbm4b:s29+s3], $0x80, $0x38;
	[tilespmem:$0x14080] =	vst v63  }
0x3f: {  	s18 =	simm.s32 $0x4780;
	s17 =	simm.s32 $0x10;
	s19 =	spop (v2sf)  }
0x40: {  	[tilespmem:s30], [sflag:$0x1] =	stream.linear.gather [hbm4b:s31+s3], $0x80, $0x38;
	[tilespmem:$0x14080] =	vst v63  }
.LBB2_2:
0x41: {  	[tilespmem:s18], [sflag:$0x1] =	stream.linear.gather [hbm4b:s19+s15], $0x80, $0x38;
	[tilespmem:$0x14080] =	vst v63  }
0x42: {  	p0 =	sne.s32 s16, $0xE000;
	s15 =	smov.u32 s16;
	s16 =	sadd.s32 $0x2000, s16;
	v32 =	vld [tilespmem:s17+$0x0]  }
0x43: {  	_ =	sdelay $0x3  }
0x44: {  	v32 =	vand.u32 $0xFFFFFF80, v32  }
0x45: {  	v32 =	vadd.s32 s4, v32  }
0x46: {  	(v2sf) =	vpush v32, $0x0;
	_ =	sdelay $0x1  }
0x47: {  	(v2sf) =	vpush v32, $0x1;
	_ =	sdelay $0x1  }
0x48: {  	(v2sf) =	vpush v32, $0x2;
	_ =	sdelay $0x1  }
0x49: {  	(v2sf) =	vpush v32, $0x3;
	_ =	sdelay $0x1  }
0x4a: {  	(v2sf) =	vpush v32, $0x4;
	_ =	sdelay $0x1  }
0x4b: {  	(v2sf) =	vpush v32, $0x5;
	_ =	sdelay $0x1  }
0x4c: {  	(v2sf) =	vpush v32, $0x6;
	_ =	sdelay $0x1  }
0x4d: {  	s18 =	sshra.s32 s15, $0x2;
	(v2sf) =	vpush v32, $0x7  }
0x4e: {  	s15 =	simm.s32 $0x0;
	s19 =	sadd.s32 $0x4000, s18;
	s20 =	spop (v2sf)  }
0x4f: {  	[tilespmem:s19], [sflag:$0x1] =	stream.linear.gather [hbm4b:s20+s15], $0x80, $0x38;
	(v2sf) =	vpush v32, $0x8;
	[tilespmem:$0x14080] =	vst v63  }
0x50: {  	s19 =	sadd.s32 $0x4080, s18;
	s20 =	spop (v2sf)  }
0x51: {  	[tilespmem:s19], [sflag:$0x1] =	stream.linear.gather [hbm4b:s20+s15], $0x80, $0x38;
	(v2sf) =	vpush v32, $0x9;
	[tilespmem:$0x14080] =	vst v63  }
0x52: {  	s19 =	sadd.s32 $0x4100, s18;
	s20 =	spop (v2sf)  }
0x53: {  	[tilespmem:s19], [sflag:$0x1] =	stream.linear.gather [hbm4b:s20+s15], $0x80, $0x38;
	(v2sf) =	vpush v32, $0xA;
	[tilespmem:$0x14080] =	vst v63  }
0x54: {  	s19 =	sadd.s32 $0x4180, s18;
	s20 =	spop (v2sf)  }
0x55: {  	[tilespmem:s19], [sflag:$0x1] =	stream.linear.gather [hbm4b:s20+s15], $0x80, $0x38;
	(v2sf) =	vpush v32, $0xB;
	[tilespmem:$0x14080] =	vst v63  }
0x56: {  	s19 =	sadd.s32 $0x4200, s18;
	s20 =	spop (v2sf)  }
0x57: {  	[tilespmem:s19], [sflag:$0x1] =	stream.linear.gather [hbm4b:s20+s15], $0x80, $0x38;
	(v2sf) =	vpush v32, $0xC;
	[tilespmem:$0x14080] =	vst v63  }
0x58: {  	s19 =	sadd.s32 $0x4280, s18;
	s20 =	spop (v2sf)  }
0x59: {  	[tilespmem:s19], [sflag:$0x1] =	stream.linear.gather [hbm4b:s20+s15], $0x80, $0x38;
	(v2sf) =	vpush v32, $0xD;
	[tilespmem:$0x14080] =	vst v63  }
0x5a: {  	s19 =	sadd.s32 $0x4300, s18;
	s20 =	spop (v2sf)  }
0x5b: {  	[tilespmem:s19], [sflag:$0x1] =	stream.linear.gather [hbm4b:s20+s15], $0x80, $0x38;
	(v2sf) =	vpush v32, $0xE;
	[tilespmem:$0x14080] =	vst v63  }
0x5c: {  	s19 =	sadd.s32 $0x4380, s18;
	s20 =	spop (v2sf)  }
0x5d: {  	[tilespmem:s19], [sflag:$0x1] =	stream.linear.gather [hbm4b:s20+s15], $0x80, $0x38;
	(v2sf) =	vpush v32, $0xF;
	[tilespmem:$0x14080] =	vst v63  }
0x5e: {  	s19 =	sadd.s32 $0x4400, s18;
	s20 =	spop (v2sf)  }
0x5f: {  	[tilespmem:s19], [sflag:$0x1] =	stream.linear.gather [hbm4b:s20+s15], $0x80, $0x38;
	[tilespmem:$0x14080] =	vst v63  }
0x60: {  	s19 =	sadd.s32 $0x4480, s18;
	s20 =	spop (v2sf)  }
0x61: {  	[tilespmem:s19], [sflag:$0x1] =	stream.linear.gather [hbm4b:s20+s15], $0x80, $0x38;
	[tilespmem:$0x14080] =	vst v63  }
0x62: {  	s19 =	sadd.s32 $0x4500, s18;
	s20 =	spop (v2sf)  }
0x63: {  	[tilespmem:s19], [sflag:$0x1] =	stream.linear.gather [hbm4b:s20+s15], $0x80, $0x38;
	[tilespmem:$0x14080] =	vst v63  }
0x64: {  	s19 =	sadd.s32 $0x4580, s18;
	s20 =	spop (v2sf)  }
0x65: {  	[tilespmem:s19], [sflag:$0x1] =	stream.linear.gather [hbm4b:s20+s15], $0x80, $0x38;
	[tilespmem:$0x14080] =	vst v63  }
0x66: {  	s19 =	sadd.s32 $0x4600, s18;
	s20 =	spop (v2sf)  }
0x67: {  	[tilespmem:s19], [sflag:$0x1] =	stream.linear.gather [hbm4b:s20+s15], $0x80, $0x38;
	[tilespmem:$0x14080] =	vst v63  }
.Ltmp2:
0x68: {  	s19 =	sadd.s32 $0x4680, s18;
	s20 =	spop (v2sf);
	(pc) =	sbr.rel @p0 .LBB2_2-.Ltmp2, $4  }
0x69: {  	[tilespmem:s19], [sflag:$0x1] =	stream.linear.gather [hbm4b:s20+s15], $0x80, $0x38;
	[tilespmem:$0x14080] =	vst v63  }
0x6a: {  	s19 =	sadd.s32 $0x4700, s18;
	s20 =	spop (v2sf)  }
0x6b: {  	[tilespmem:s19], [sflag:$0x1] =	stream.linear.gather [hbm4b:s20+s15], $0x80, $0x38;
	[tilespmem:$0x14080] =	vst v63  }
0x6c: {  	s17 =	sadd.s32 $0x10, s17;
	s18 =	sadd.s32 $0x4780, s18;
	s19 =	spop (v2sf)  }
0x6d: {  	[tilespmem:s18], [sflag:$0x1] =	stream.linear.gather [hbm4b:s19+s15], $0x80, $0x38;
	[tilespmem:$0x14080] =	vst v63  }
0x6e: {  	s16 =	simm.s32 $0x80  }
0x6f: {  	v32 =	vld [tilespmem:s16+$0x0];
	_ =	sdelay $0x4  }
0x70: {  	v32 =	vand.u32 $0xFFFFFF80, v32  }
0x71: {  	v32 =	vadd.s32 s4, v32  }
0x72: {  	(v2sf) =	vpush v32, $0x0;
	_ =	sdelay $0x1  }
0x73: {  	(v2sf) =	vpush v32, $0x1;
	_ =	sdelay $0x1  }
0x74: {  	(v2sf) =	vpush v32, $0x2;
	_ =	sdelay $0x1  }
0x75: {  	(v2sf) =	vpush v32, $0x3;
	_ =	sdelay $0x1  }
0x76: {  	(v2sf) =	vpush v32, $0x4;
	_ =	sdelay $0x1  }
0x77: {  	(v2sf) =	vpush v32, $0x5;
	_ =	sdelay $0x1  }
0x78: {  	(v2sf) =	vpush v32, $0x6;
	_ =	sdelay $0x1  }
0x79: {  	(v2sf) =	vpush v32, $0x7  }
0x7a: {  	s31 =	simm.s32 $0x8000;
	s17 =	spop (v2sf)  }
0x7b: {  	(v2sf) =	vpush v32, $0x8;
	[tilespmem:s31], [sflag:$0x2] =	stream.linear.gather [hbm4b:s17+s15], $0x80, $0x38;
	[tilespmem:$0x14080] =	vst v63  }
0x7c: {  	s17 =	simm.s32 $0x8080;
	s18 =	spop (v2sf);
	(v2sf) =	vpush v32, $0x9  }
0x7d: {  	[tilespmem:s17], [sflag:$0x2] =	stream.linear.gather [hbm4b:s18+s15], $0x80, $0x38;
	[tilespmem:$0x14080] =	vst v63  }
0x7e: {  	s19 =	simm.s32 $0x8100;
	s20 =	spop (v2sf);
	(v2sf) =	vpush v32, $0xA  }
0x7f: {  	[tilespmem:s19], [sflag:$0x2] =	stream.linear.gather [hbm4b:s20+s15], $0x80, $0x38;
	[tilespmem:$0x14080] =	vst v63  }
0x80: {  	s21 =	simm.s32 $0x8180;
	s22 =	spop (v2sf);
	(v2sf) =	vpush v32, $0xB  }
0x81: {  	[tilespmem:s21], [sflag:$0x2] =	stream.linear.gather [hbm4b:s22+s15], $0x80, $0x38;
	[tilespmem:$0x14080] =	vst v63  }
0x82: {  	s23 =	simm.s32 $0x8200;
	s24 =	spop (v2sf);
	(v2sf) =	vpush v32, $0xC  }
0x83: {  	[tilespmem:s23], [sflag:$0x2] =	stream.linear.gather [hbm4b:s24+s15], $0x80, $0x38;
	[tilespmem:$0x14080] =	vst v63  }
0x84: {  	s25 =	simm.s32 $0x8280;
	s26 =	spop (v2sf);
	(v2sf) =	vpush v32, $0xD  }
0x85: {  	[tilespmem:s25], [sflag:$0x2] =	stream.linear.gather [hbm4b:s26+s15], $0x80, $0x38;
	[tilespmem:$0x14080] =	vst v63  }
0x86: {  	s28 =	simm.s32 $0x8300;
	s29 =	spop (v2sf);
	(v2sf) =	vpush v32, $0xE  }
0x87: {  	[tilespmem:s28], [sflag:$0x2] =	stream.linear.gather [hbm4b:s29+s15], $0x80, $0x38;
	[tilespmem:$0x14080] =	vst v63  }
0x88: {  	s30 =	simm.s32 $0x8380;
	s31 =	spop (v2sf);
	(v2sf) =	vpush v32, $0xF  }
0x89: {  	[tilespmem:s30], [sflag:$0x2] =	stream.linear.gather [hbm4b:s31+s15], $0x80, $0x38;
	[tilespmem:$0x14080] =	vst v63  }
0x8a: {  	s18 =	spop (v2sf)  }
0x8b: {  	s17 =	simm.s32 $0x8400;
	s20 =	spop (v2sf)  }
0x8c: {  	[tilespmem:s17], [sflag:$0x2] =	stream.linear.gather [hbm4b:s18+s15], $0x80, $0x38;
	[tilespmem:$0x14080] =	vst v63  }
0x8d: {  	s19 =	simm.s32 $0x8480;
	s22 =	spop (v2sf)  }
0x8e: {  	[tilespmem:s19], [sflag:$0x2] =	stream.linear.gather [hbm4b:s20+s15], $0x80, $0x38;
	[tilespmem:$0x14080] =	vst v63  }
0x8f: {  	s21 =	simm.s32 $0x8500;
	s24 =	spop (v2sf)  }
0x90: {  	[tilespmem:s21], [sflag:$0x2] =	stream.linear.gather [hbm4b:s22+s15], $0x80, $0x38;
	[tilespmem:$0x14080] =	vst v63  }
0x91: {  	s23 =	simm.s32 $0x8580;
	s26 =	spop (v2sf)  }
0x92: {  	[tilespmem:s23], [sflag:$0x2] =	stream.linear.gather [hbm4b:s24+s15], $0x80, $0x38;
	[tilespmem:$0x14080] =	vst v63  }
0x93: {  	s16 =	simm.s32 $0x2000;
	s25 =	simm.s32 $0x8600;
	s29 =	spop (v2sf)  }
0x94: {  	[tilespmem:s25], [sflag:$0x2] =	stream.linear.gather [hbm4b:s26+s15], $0x80, $0x38;
	[tilespmem:$0x14080] =	vst v63  }
0x95: {  	s28 =	simm.s32 $0x8680;
	s30 =	simm.s32 $0x8700;
	s31 =	spop (v2sf)  }
0x96: {  	[tilespmem:s28], [sflag:$0x2] =	stream.linear.gather [hbm4b:s29+s15], $0x80, $0x38;
	[tilespmem:$0x14080] =	vst v63  }
0x97: {  	s18 =	simm.s32 $0x8780;
	s17 =	simm.s32 $0x90;
	s19 =	spop (v2sf)  }
0x98: {  	[tilespmem:s30], [sflag:$0x2] =	stream.linear.gather [hbm4b:s31+s15], $0x80, $0x38;
	[tilespmem:$0x14080] =	vst v63  }
.LBB2_4:
0x99: {  	[tilespmem:s18], [sflag:$0x2] =	stream.linear.gather [hbm4b:s19+s15], $0x80, $0x38;
	[tilespmem:$0x14080] =	vst v63  }
0x9a: {  	p0 =	sne.s32 s16, $0xE000;
	s18 =	smov.u32 s16;
	s16 =	sadd.s32 $0x2000, s16;
	v32 =	vld [tilespmem:s17+$0x0]  }
0x9b: {  	_ =	sdelay $0x3  }
0x9c: {  	v32 =	vand.u32 $0xFFFFFF80, v32  }
0x9d: {  	v32 =	vadd.s32 s4, v32  }
0x9e: {  	(v2sf) =	vpush v32, $0x0;
	_ =	sdelay $0x1  }
0x9f: {  	(v2sf) =	vpush v32, $0x1;
	_ =	sdelay $0x1  }
0xa0: {  	(v2sf) =	vpush v32, $0x2;
	_ =	sdelay $0x1  }
0xa1: {  	(v2sf) =	vpush v32, $0x3;
	_ =	sdelay $0x1  }
0xa2: {  	(v2sf) =	vpush v32, $0x4;
	_ =	sdelay $0x1  }
0xa3: {  	(v2sf) =	vpush v32, $0x5;
	_ =	sdelay $0x1  }
0xa4: {  	(v2sf) =	vpush v32, $0x6;
	_ =	sdelay $0x1  }
0xa5: {  	s18 =	sshra.s32 s18, $0x2;
	(v2sf) =	vpush v32, $0x7  }
0xa6: {  	s19 =	sadd.s32 $0x8000, s18;
	s20 =	spop (v2sf)  }
0xa7: {  	[tilespmem:s19], [sflag:$0x2] =	stream.linear.gather [hbm4b:s20+s15], $0x80, $0x38;
	(v2sf) =	vpush v32, $0x8;
	[tilespmem:$0x14080] =	vst v63  }
0xa8: {  	s19 =	sadd.s32 $0x8080, s18;
	s20 =	spop (v2sf)  }
0xa9: {  	[tilespmem:s19], [sflag:$0x2] =	stream.linear.gather [hbm4b:s20+s15], $0x80, $0x38;
	(v2sf) =	vpush v32, $0x9;
	[tilespmem:$0x14080] =	vst v63  }
0xaa: {  	s19 =	sadd.s32 $0x8100, s18;
	s20 =	spop (v2sf)  }
0xab: {  	[tilespmem:s19], [sflag:$0x2] =	stream.linear.gather [hbm4b:s20+s15], $0x80, $0x38;
	(v2sf) =	vpush v32, $0xA;
	[tilespmem:$0x14080] =	vst v63  }
0xac: {  	s19 =	sadd.s32 $0x8180, s18;
	s20 =	spop (v2sf)  }
0xad: {  	[tilespmem:s19], [sflag:$0x2] =	stream.linear.gather [hbm4b:s20+s15], $0x80, $0x38;
	(v2sf) =	vpush v32, $0xB;
	[tilespmem:$0x14080] =	vst v63  }
0xae: {  	s19 =	sadd.s32 $0x8200, s18;
	s20 =	spop (v2sf)  }
0xaf: {  	[tilespmem:s19], [sflag:$0x2] =	stream.linear.gather [hbm4b:s20+s15], $0x80, $0x38;
	(v2sf) =	vpush v32, $0xC;
	[tilespmem:$0x14080] =	vst v63  }
0xb0: {  	s19 =	sadd.s32 $0x8280, s18;
	s20 =	spop (v2sf)  }
0xb1: {  	[tilespmem:s19], [sflag:$0x2] =	stream.linear.gather [hbm4b:s20+s15], $0x80, $0x38;
	(v2sf) =	vpush v32, $0xD;
	[tilespmem:$0x14080] =	vst v63  }
0xb2: {  	s19 =	sadd.s32 $0x8300, s18;
	s20 =	spop (v2sf)  }
0xb3: {  	[tilespmem:s19], [sflag:$0x2] =	stream.linear.gather [hbm4b:s20+s15], $0x80, $0x38;
	(v2sf) =	vpush v32, $0xE;
	[tilespmem:$0x14080] =	vst v63  }
0xb4: {  	s19 =	sadd.s32 $0x8380, s18;
	s20 =	spop (v2sf)  }
0xb5: {  	[tilespmem:s19], [sflag:$0x2] =	stream.linear.gather [hbm4b:s20+s15], $0x80, $0x38;
	(v2sf) =	vpush v32, $0xF;
	[tilespmem:$0x14080] =	vst v63  }
0xb6: {  	s19 =	sadd.s32 $0x8400, s18;
	s20 =	spop (v2sf)  }
0xb7: {  	[tilespmem:s19], [sflag:$0x2] =	stream.linear.gather [hbm4b:s20+s15], $0x80, $0x38;
	[tilespmem:$0x14080] =	vst v63  }
0xb8: {  	s19 =	sadd.s32 $0x8480, s18;
	s20 =	spop (v2sf)  }
0xb9: {  	[tilespmem:s19], [sflag:$0x2] =	stream.linear.gather [hbm4b:s20+s15], $0x80, $0x38;
	[tilespmem:$0x14080] =	vst v63  }
0xba: {  	s19 =	sadd.s32 $0x8500, s18;
	s20 =	spop (v2sf)  }
0xbb: {  	[tilespmem:s19], [sflag:$0x2] =	stream.linear.gather [hbm4b:s20+s15], $0x80, $0x38;
	[tilespmem:$0x14080] =	vst v63  }
0xbc: {  	s19 =	sadd.s32 $0x8580, s18;
	s20 =	spop (v2sf)  }
0xbd: {  	[tilespmem:s19], [sflag:$0x2] =	stream.linear.gather [hbm4b:s20+s15], $0x80, $0x38;
	[tilespmem:$0x14080] =	vst v63  }
0xbe: {  	s19 =	sadd.s32 $0x8600, s18;
	s20 =	spop (v2sf)  }
0xbf: {  	[tilespmem:s19], [sflag:$0x2] =	stream.linear.gather [hbm4b:s20+s15], $0x80, $0x38;
	[tilespmem:$0x14080] =	vst v63  }
.Ltmp3:
0xc0: {  	s19 =	sadd.s32 $0x8680, s18;
	s20 =	spop (v2sf);
	(pc) =	sbr.rel @p0 .LBB2_4-.Ltmp3, $4  }
0xc1: {  	[tilespmem:s19], [sflag:$0x2] =	stream.linear.gather [hbm4b:s20+s15], $0x80, $0x38;
	[tilespmem:$0x14080] =	vst v63  }
0xc2: {  	s19 =	sadd.s32 $0x8700, s18;
	s20 =	spop (v2sf)  }
0xc3: {  	[tilespmem:s19], [sflag:$0x2] =	stream.linear.gather [hbm4b:s20+s15], $0x80, $0x38;
	[tilespmem:$0x14080] =	vst v63  }
0xc4: {  	s17 =	sadd.s32 $0x10, s17;
	s18 =	sadd.s32 $0x8780, s18;
	s19 =	spop (v2sf)  }
0xc5: {  	[tilespmem:s18], [sflag:$0x2] =	stream.linear.gather [hbm4b:s19+s15], $0x80, $0x38;
	[tilespmem:$0x14080] =	vst v63  }
0xc6: {  	s16 =	simm.s32 $0x100  }
0xc7: {  	v32 =	vld [tilespmem:s16+$0x0];
	_ =	sdelay $0x4  }
0xc8: {  	v32 =	vand.u32 $0xFFFFFF80, v32  }
0xc9: {  	v32 =	vadd.s32 s4, v32  }
0xca: {  	(v2sf) =	vpush v32, $0x0;
	_ =	sdelay $0x1  }
0xcb: {  	(v2sf) =	vpush v32, $0x1;
	_ =	sdelay $0x1  }
0xcc: {  	(v2sf) =	vpush v32, $0x2;
	_ =	sdelay $0x1  }
0xcd: {  	(v2sf) =	vpush v32, $0x3;
	_ =	sdelay $0x1  }
0xce: {  	(v2sf) =	vpush v32, $0x4;
	_ =	sdelay $0x1  }
0xcf: {  	(v2sf) =	vpush v32, $0x5;
	_ =	sdelay $0x1  }
0xd0: {  	(v2sf) =	vpush v32, $0x6;
	_ =	sdelay $0x1  }
0xd1: {  	(v2sf) =	vpush v32, $0x7  }
0xd2: {  	s15 =	simm.s32 $0x0;
	s16 =	simm.s32 $0xC000;
	s17 =	spop (v2sf)  }
0xd3: {  	(v2sf) =	vpush v32, $0x8;
	[tilespmem:s16], [sflag:$0x3] =	stream.linear.gather [hbm4b:s17+s15], $0x80, $0x38;
	[tilespmem:$0x14080] =	vst v63  }
0xd4: {  	s17 =	simm.s32 $0xC080;
	s18 =	spop (v2sf);
	(v2sf) =	vpush v32, $0x9  }
0xd5: {  	[tilespmem:s17], [sflag:$0x3] =	stream.linear.gather [hbm4b:s18+s15], $0x80, $0x38;
	[tilespmem:$0x14080] =	vst v63  }
0xd6: {  	s19 =	simm.s32 $0xC100;
	s20 =	spop (v2sf);
	(v2sf) =	vpush v32, $0xA  }
0xd7: {  	[tilespmem:s19], [sflag:$0x3] =	stream.linear.gather [hbm4b:s20+s15], $0x80, $0x38;
	[tilespmem:$0x14080] =	vst v63  }
0xd8: {  	s21 =	simm.s32 $0xC180;
	s22 =	spop (v2sf);
	(v2sf) =	vpush v32, $0xB  }
0xd9: {  	[tilespmem:s21], [sflag:$0x3] =	stream.linear.gather [hbm4b:s22+s15], $0x80, $0x38;
	[tilespmem:$0x14080] =	vst v63  }
0xda: {  	s23 =	simm.s32 $0xC200;
	s24 =	spop (v2sf);
	(v2sf) =	vpush v32, $0xC  }
0xdb: {  	[tilespmem:s23], [sflag:$0x3] =	stream.linear.gather [hbm4b:s24+s15], $0x80, $0x38;
	[tilespmem:$0x14080] =	vst v63  }
0xdc: {  	s25 =	simm.s32 $0xC280;
	s26 =	spop (v2sf);
	(v2sf) =	vpush v32, $0xD  }
0xdd: {  	[tilespmem:s25], [sflag:$0x3] =	stream.linear.gather [hbm4b:s26+s15], $0x80, $0x38;
	[tilespmem:$0x14080] =	vst v63  }
0xde: {  	s28 =	simm.s32 $0xC300;
	s29 =	spop (v2sf);
	(v2sf) =	vpush v32, $0xE  }
0xdf: {  	[tilespmem:s28], [sflag:$0x3] =	stream.linear.gather [hbm4b:s29+s15], $0x80, $0x38;
	[tilespmem:$0x14080] =	vst v63  }
0xe0: {  	s30 =	simm.s32 $0xC380;
	s31 =	spop (v2sf);
	(v2sf) =	vpush v32, $0xF  }
0xe1: {  	[tilespmem:s30], [sflag:$0x3] =	stream.linear.gather [hbm4b:s31+s15], $0x80, $0x38;
	[tilespmem:$0x14080] =	vst v63  }
0xe2: {  	s18 =	spop (v2sf)  }
0xe3: {  	s17 =	simm.s32 $0xC400;
	s20 =	spop (v2sf)  }
0xe4: {  	[tilespmem:s17], [sflag:$0x3] =	stream.linear.gather [hbm4b:s18+s15], $0x80, $0x38;
	[tilespmem:$0x14080] =	vst v63  }
0xe5: {  	s19 =	simm.s32 $0xC480;
	s22 =	spop (v2sf)  }
0xe6: {  	[tilespmem:s19], [sflag:$0x3] =	stream.linear.gather [hbm4b:s20+s15], $0x80, $0x38;
	[tilespmem:$0x14080] =	vst v63  }
0xe7: {  	s21 =	simm.s32 $0xC500;
	s24 =	spop (v2sf)  }
0xe8: {  	[tilespmem:s21], [sflag:$0x3] =	stream.linear.gather [hbm4b:s22+s15], $0x80, $0x38;
	[tilespmem:$0x14080] =	vst v63  }
0xe9: {  	s23 =	simm.s32 $0xC580;
	s26 =	spop (v2sf)  }
0xea: {  	[tilespmem:s23], [sflag:$0x3] =	stream.linear.gather [hbm4b:s24+s15], $0x80, $0x38;
	[tilespmem:$0x14080] =	vst v63  }
0xeb: {  	s16 =	simm.s32 $0x2000;
	s25 =	simm.s32 $0xC600;
	s29 =	spop (v2sf)  }
0xec: {  	[tilespmem:s25], [sflag:$0x3] =	stream.linear.gather [hbm4b:s26+s15], $0x80, $0x38;
	[tilespmem:$0x14080] =	vst v63  }
0xed: {  	s28 =	simm.s32 $0xC680;
	s30 =	simm.s32 $0xC700;
	s31 =	spop (v2sf)  }
0xee: {  	[tilespmem:s28], [sflag:$0x3] =	stream.linear.gather [hbm4b:s29+s15], $0x80, $0x38;
	[tilespmem:$0x14080] =	vst v63  }
0xef: {  	s18 =	simm.s32 $0xC780;
	s17 =	simm.s32 $0x110;
	s19 =	spop (v2sf)  }
0xf0: {  	[tilespmem:s30], [sflag:$0x3] =	stream.linear.gather [hbm4b:s31+s15], $0x80, $0x38;
	[tilespmem:$0x14080] =	vst v63  }
.LBB2_6:
0xf1: {  	[tilespmem:s18], [sflag:$0x3] =	stream.linear.gather [hbm4b:s19+s15], $0x80, $0x38;
	[tilespmem:$0x14080] =	vst v63  }
0xf2: {  	p0 =	sne.s32 s16, $0xE000;
	s18 =	smov.u32 s16;
	s16 =	sadd.s32 $0x2000, s16;
	v32 =	vld [tilespmem:s17+$0x0]  }
0xf3: {  	_ =	sdelay $0x3  }
0xf4: {  	v32 =	vand.u32 $0xFFFFFF80, v32  }
0xf5: {  	v32 =	vadd.s32 s4, v32  }
0xf6: {  	(v2sf) =	vpush v32, $0x0;
	_ =	sdelay $0x1  }
0xf7: {  	(v2sf) =	vpush v32, $0x1;
	_ =	sdelay $0x1  }
0xf8: {  	(v2sf) =	vpush v32, $0x2;
	_ =	sdelay $0x1  }
0xf9: {  	(v2sf) =	vpush v32, $0x3;
	_ =	sdelay $0x1  }
0xfa: {  	(v2sf) =	vpush v32, $0x4;
	_ =	sdelay $0x1  }
0xfb: {  	(v2sf) =	vpush v32, $0x5;
	_ =	sdelay $0x1  }
0xfc: {  	(v2sf) =	vpush v32, $0x6;
	_ =	sdelay $0x1  }
0xfd: {  	s18 =	sshra.s32 s18, $0x2;
	(v2sf) =	vpush v32, $0x7  }
0xfe: {  	s19 =	sadd.s32 $0xC000, s18;
	s20 =	spop (v2sf)  }
0xff: {  	[tilespmem:s19], [sflag:$0x3] =	stream.linear.gather [hbm4b:s20+s15], $0x80, $0x38;
	(v2sf) =	vpush v32, $0x8;
	[tilespmem:$0x14080] =	vst v63  }
0x100: {  	s19 =	sadd.s32 $0xC080, s18;
	s20 =	spop (v2sf)  }
0x101: {  	[tilespmem:s19], [sflag:$0x3] =	stream.linear.gather [hbm4b:s20+s15], $0x80, $0x38;
	(v2sf) =	vpush v32, $0x9;
	[tilespmem:$0x14080] =	vst v63  }
0x102: {  	s19 =	sadd.s32 $0xC100, s18;
	s20 =	spop (v2sf)  }
0x103: {  	[tilespmem:s19], [sflag:$0x3] =	stream.linear.gather [hbm4b:s20+s15], $0x80, $0x38;
	(v2sf) =	vpush v32, $0xA;
	[tilespmem:$0x14080] =	vst v63  }
0x104: {  	s19 =	sadd.s32 $0xC180, s18;
	s20 =	spop (v2sf)  }
0x105: {  	[tilespmem:s19], [sflag:$0x3] =	stream.linear.gather [hbm4b:s20+s15], $0x80, $0x38;
	(v2sf) =	vpush v32, $0xB;
	[tilespmem:$0x14080] =	vst v63  }
0x106: {  	s19 =	sadd.s32 $0xC200, s18;
	s20 =	spop (v2sf)  }
0x107: {  	[tilespmem:s19], [sflag:$0x3] =	stream.linear.gather [hbm4b:s20+s15], $0x80, $0x38;
	(v2sf) =	vpush v32, $0xC;
	[tilespmem:$0x14080] =	vst v63  }
0x108: {  	s19 =	sadd.s32 $0xC280, s18;
	s20 =	spop (v2sf)  }
0x109: {  	[tilespmem:s19], [sflag:$0x3] =	stream.linear.gather [hbm4b:s20+s15], $0x80, $0x38;
	(v2sf) =	vpush v32, $0xD;
	[tilespmem:$0x14080] =	vst v63  }
0x10a: {  	s19 =	sadd.s32 $0xC300, s18;
	s20 =	spop (v2sf)  }
0x10b: {  	[tilespmem:s19], [sflag:$0x3] =	stream.linear.gather [hbm4b:s20+s15], $0x80, $0x38;
	(v2sf) =	vpush v32, $0xE;
	[tilespmem:$0x14080] =	vst v63  }
0x10c: {  	s19 =	sadd.s32 $0xC380, s18;
	s20 =	spop (v2sf)  }
0x10d: {  	[tilespmem:s19], [sflag:$0x3] =	stream.linear.gather [hbm4b:s20+s15], $0x80, $0x38;
	(v2sf) =	vpush v32, $0xF;
	[tilespmem:$0x14080] =	vst v63  }
0x10e: {  	s19 =	sadd.s32 $0xC400, s18;
	s20 =	spop (v2sf)  }
0x10f: {  	[tilespmem:s19], [sflag:$0x3] =	stream.linear.gather [hbm4b:s20+s15], $0x80, $0x38;
	[tilespmem:$0x14080] =	vst v63  }
0x110: {  	s19 =	sadd.s32 $0xC480, s18;
	s20 =	spop (v2sf)  }
0x111: {  	[tilespmem:s19], [sflag:$0x3] =	stream.linear.gather [hbm4b:s20+s15], $0x80, $0x38;
	[tilespmem:$0x14080] =	vst v63  }
0x112: {  	s19 =	sadd.s32 $0xC500, s18;
	s20 =	spop (v2sf)  }
0x113: {  	[tilespmem:s19], [sflag:$0x3] =	stream.linear.gather [hbm4b:s20+s15], $0x80, $0x38;
	[tilespmem:$0x14080] =	vst v63  }
0x114: {  	s19 =	sadd.s32 $0xC580, s18;
	s20 =	spop (v2sf)  }
0x115: {  	[tilespmem:s19], [sflag:$0x3] =	stream.linear.gather [hbm4b:s20+s15], $0x80, $0x38;
	[tilespmem:$0x14080] =	vst v63  }
0x116: {  	s19 =	sadd.s32 $0xC600, s18;
	s20 =	spop (v2sf)  }
0x117: {  	[tilespmem:s19], [sflag:$0x3] =	stream.linear.gather [hbm4b:s20+s15], $0x80, $0x38;
	[tilespmem:$0x14080] =	vst v63  }
.Ltmp4:
0x118: {  	s19 =	sadd.s32 $0xC680, s18;
	s20 =	spop (v2sf);
	(pc) =	sbr.rel @p0 .LBB2_6-.Ltmp4, $4  }
0x119: {  	[tilespmem:s19], [sflag:$0x3] =	stream.linear.gather [hbm4b:s20+s15], $0x80, $0x38;
	[tilespmem:$0x14080] =	vst v63  }
0x11a: {  	s19 =	sadd.s32 $0xC700, s18;
	s20 =	spop (v2sf)  }
0x11b: {  	[tilespmem:s19], [sflag:$0x3] =	stream.linear.gather [hbm4b:s20+s15], $0x80, $0x38;
	[tilespmem:$0x14080] =	vst v63  }
0x11c: {  	s17 =	sadd.s32 $0x10, s17;
	s18 =	sadd.s32 $0xC780, s18;
	s19 =	spop (v2sf)  }
.Ltmp5:
0x11d: {  	(pc) =	sbr.rel .LBB2_8-.Ltmp5, $4  }
0x11e: {  	_ = 	snop  }
0x11f: {  	[tilespmem:s18], [sflag:$0x3] =	stream.linear.gather [hbm4b:s19+s15], $0x80, $0x38;
	[tilespmem:$0x14080] =	vst v63  }
0x120: {  	s16 =	simm.s32 $0x180  }
0x121: {  	s17 =	simm.s32 $0x200;
	s18 =	simm.s32 $0x280;
	s19 =	simm.s32 $0x300  }
.LBB2_22:
0x122: {  	_ =	swait.ge [sflag:s13], $0x4000  }
0x123: {  	[sflag:s13] =	ssyncset.done $0x0  }
0x124: {  	[sflag:s13] =	ssyncadd.s32 $0xFFFFC000  }
0x125: {  	v32 =	vld [tilespmem:s21+$0x0];
	_ =	sdelay $0x4  }
0x126: {  	v32 =	vand.u32 $0x7F, v32  }
0x127: {  	v32 =	vor.u32 v24, v32;
	_ =	sdelay $0x4  }
0x128: {  	v32 =	vld.idx.msk [tilespmem:v32+s9+$0x0], $0xffff;
	_ =	sdelay $0x4  }
0x129: {  	[tilespmem:$0x14000] =	vst v32  }
0x12a: {  	v32 =	vld [tilespmem:s21+$0x10];
	_ =	sdelay $0x4  }
0x12b: {  	v32 =	vand.u32 $0x7F, v32  }
0x12c: {  	v32 =	vor.u32 v25, v32;
	_ =	sdelay $0x4  }
0x12d: {  	v32 =	vld.idx.msk [tilespmem:v32+s9+$0x0], $0xffff;
	_ =	sdelay $0x4  }
0x12e: {  	[tilespmem:$0x14010] =	vst v32  }
0x12f: {  	v32 =	vld [tilespmem:s21+$0x20];
	_ =	sdelay $0x4  }
0x130: {  	v32 =	vand.u32 $0x7F, v32  }
0x131: {  	v32 =	vor.u32 v26, v32;
	_ =	sdelay $0x4  }
0x132: {  	v32 =	vld.idx.msk [tilespmem:v32+s9+$0x0], $0xffff;
	_ =	sdelay $0x4  }
0x133: {  	[tilespmem:$0x14020] =	vst v32  }
0x134: {  	v32 =	vld [tilespmem:s21+$0x30];
	_ =	sdelay $0x4  }
0x135: {  	v32 =	vand.u32 $0x7F, v32  }
0x136: {  	v32 =	vor.u32 v27, v32;
	_ =	sdelay $0x4  }
0x137: {  	v32 =	vld.idx.msk [tilespmem:v32+s9+$0x0], $0xffff;
	_ =	sdelay $0x4  }
0x138: {  	[tilespmem:$0x14030] =	vst v32  }
0x139: {  	v32 =	vld [tilespmem:s21+$0x40];
	_ =	sdelay $0x4  }
0x13a: {  	v32 =	vand.u32 $0x7F, v32  }
0x13b: {  	v32 =	vor.u32 v28, v32;
	_ =	sdelay $0x4  }
0x13c: {  	v32 =	vld.idx.msk [tilespmem:v32+s9+$0x0], $0xffff;
	_ =	sdelay $0x4  }
0x13d: {  	[tilespmem:$0x14040] =	vst v32  }
0x13e: {  	v32 =	vld [tilespmem:s21+$0x50];
	_ =	sdelay $0x4  }
0x13f: {  	v32 =	vand.u32 $0x7F, v32  }
0x140: {  	v32 =	vor.u32 v29, v32;
	_ =	sdelay $0x4  }
0x141: {  	v32 =	vld.idx.msk [tilespmem:v32+s9+$0x0], $0xffff;
	_ =	sdelay $0x4  }
0x142: {  	[tilespmem:$0x14050] =	vst v32  }
0x143: {  	v32 =	vld [tilespmem:s21+$0x60];
	_ =	sdelay $0x4  }
0x144: {  	v32 =	vand.u32 $0x7F, v32  }
0x145: {  	v32 =	vor.u32 v30, v32;
	_ =	sdelay $0x4  }
0x146: {  	v32 =	vld.idx.msk [tilespmem:v32+s9+$0x0], $0xffff;
	_ =	sdelay $0x4  }
0x147: {  	[tilespmem:$0x14060] =	vst v32  }
0x148: {  	v32 =	vld [tilespmem:s21+$0x70];
	_ =	sdelay $0x4  }
0x149: {  	v32 =	vand.u32 $0x7F, v32  }
0x14a: {  	v32 =	vor.u32 v31, v32;
	_ =	sdelay $0x4  }
0x14b: {  	v32 =	vld.idx.msk [tilespmem:v32+s9+$0x0], $0xffff;
	_ =	sdelay $0x2  }
0x14c: {  	s15 =	sadd.s32 $0x1, s15  }
0x14d: {  	p0 =	sne.s32 s15, $0x20  }
.Ltmp6:
0x14e: {  	s20 =	sadd.s32 s20, s5;
	[tilespmem:$0x14070] =	vst v32;
	(pc) =	sbr.rel @!p0 .LBB2_23-.Ltmp6, $4  }
0x14f: {  	[hbm4b:s20+s3] =	stream.linear.scatter [tilespmem:s10], [sflag:$0x5], $0x80, $0x38;
	[tilespmem:$0x14080] =	vst v63  }
0x150: {  	_ =	swait.ge [sflag:s7], $0x80  }
0x151: {  	s16 =	sadd.s32 $0x200, s16;
	s17 =	sadd.s32 $0x200, s17;
	[sflag:s7] =	ssyncset.done $0x0  }
0x152: {  	s18 =	sadd.s32 $0x200, s18;
	s19 =	sadd.s32 $0x200, s19;
	[sflag:s7] =	ssyncadd.s32 $0xFFFFFF80  }
.LBB2_8:
0x153: {  	v32 =	vld [tilespmem:s16+$0x0];
	_ =	sdelay $0x4  }
0x154: {  	v32 =	vand.u32 $0xFFFFFF80, v32  }
0x155: {  	v32 =	vadd.s32 s4, v32  }
0x156: {  	(v2sf) =	vpush v32, $0x0;
	_ =	sdelay $0x1  }
0x157: {  	(v2sf) =	vpush v32, $0x1;
	_ =	sdelay $0x1  }
0x158: {  	(v2sf) =	vpush v32, $0x2;
	_ =	sdelay $0x1  }
0x159: {  	(v2sf) =	vpush v32, $0x3;
	_ =	sdelay $0x1  }
0x15a: {  	(v2sf) =	vpush v32, $0x4;
	_ =	sdelay $0x1  }
0x15b: {  	(v2sf) =	vpush v32, $0x5;
	_ =	sdelay $0x1  }
0x15c: {  	(v2sf) =	vpush v32, $0x6;
	_ =	sdelay $0x1  }
0x15d: {  	(v2sf) =	vpush v32, $0x7  }
0x15e: {  	s20 =	simm.s32 $0x10000;
	s21 =	spop (v2sf)  }
0x15f: {  	(v2sf) =	vpush v32, $0x8;
	[tilespmem:s20], [sflag:$0x4] =	stream.linear.gather [hbm4b:s21+s3], $0x80, $0x38;
	[tilespmem:$0x14080] =	vst v63  }
0x160: {  	s23 =	simm.s32 $0x10080;
	s24 =	spop (v2sf);
	(v2sf) =	vpush v32, $0x9  }
0x161: {  	[tilespmem:s23], [sflag:$0x4] =	stream.linear.gather [hbm4b:s24+s3], $0x80, $0x38;
	[tilespmem:$0x14080] =	vst v63  }
0x162: {  	s25 =	simm.s32 $0x10100;
	s26 =	spop (v2sf);
	(v2sf) =	vpush v32, $0xA  }
0x163: {  	[tilespmem:s25], [sflag:$0x4] =	stream.linear.gather [hbm4b:s26+s3], $0x80, $0x38;
	[tilespmem:$0x14080] =	vst v63  }
0x164: {  	s28 =	simm.s32 $0x10180;
	s29 =	spop (v2sf);
	(v2sf) =	vpush v32, $0xB  }
0x165: {  	[tilespmem:s28], [sflag:$0x4] =	stream.linear.gather [hbm4b:s29+s3], $0x80, $0x38;
	[tilespmem:$0x14080] =	vst v63  }
0x166: {  	s30 =	simm.s32 $0x10200;
	s31 =	spop (v2sf);
	(v2sf) =	vpush v32, $0xC  }
0x167: {  	[tilespmem:s30], [sflag:$0x4] =	stream.linear.gather [hbm4b:s31+s3], $0x80, $0x38;
	[tilespmem:$0x14080] =	vst v63  }
0x168: {  	s21 =	simm.s32 $0x10280;
	s22 =	spop (v2sf);
	(v2sf) =	vpush v32, $0xD  }
0x169: {  	[tilespmem:s21], [sflag:$0x4] =	stream.linear.gather [hbm4b:s22+s3], $0x80, $0x38;
	[tilespmem:$0x14080] =	vst v63  }
0x16a: {  	s23 =	simm.s32 $0x10300;
	s24 =	spop (v2sf);
	(v2sf) =	vpush v32, $0xE  }
0x16b: {  	[tilespmem:s23], [sflag:$0x4] =	stream.linear.gather [hbm4b:s24+s3], $0x80, $0x38;
	[tilespmem:$0x14080] =	vst v63  }
0x16c: {  	s25 =	simm.s32 $0x10380;
	s26 =	spop (v2sf);
	(v2sf) =	vpush v32, $0xF  }
0x16d: {  	[tilespmem:s25], [sflag:$0x4] =	stream.linear.gather [hbm4b:s26+s3], $0x80, $0x38;
	[tilespmem:$0x14080] =	vst v63  }
0x16e: {  	s29 =	spop (v2sf)  }
0x16f: {  	s28 =	simm.s32 $0x10400;
	s31 =	spop (v2sf)  }
0x170: {  	[tilespmem:s28], [sflag:$0x4] =	stream.linear.gather [hbm4b:s29+s3], $0x80, $0x38;
	[tilespmem:$0x14080] =	vst v63  }
0x171: {  	s30 =	simm.s32 $0x10480;
	s21 =	simm.s32 $0x10500;
	s22 =	spop (v2sf)  }
0x172: {  	[tilespmem:s30], [sflag:$0x4] =	stream.linear.gather [hbm4b:s31+s3], $0x80, $0x38;
	[tilespmem:$0x14080] =	vst v63  }
0x173: {  	s23 =	simm.s32 $0x10580;
	s25 =	simm.s32 $0x10600;
	s24 =	spop (v2sf)  }
0x174: {  	[tilespmem:s21], [sflag:$0x4] =	stream.linear.gather [hbm4b:s22+s3], $0x80, $0x38;
	[tilespmem:$0x14080] =	vst v63  }
0x175: {  	s28 =	sshllo.u32 s15, $0x2;
	s29 =	simm.s32 $0x10680;
	s26 =	spop (v2sf)  }
0x176: {  	[tilespmem:s23], [sflag:$0x4] =	stream.linear.gather [hbm4b:s24+s3], $0x80, $0x38;
	[tilespmem:$0x14080] =	vst v63  }
0x177: {  	s20 =	sshll.u32 s28, $0x7;
	s30 =	simm.s32 $0x10700;
	s22 =	spop (v2sf)  }
0x178: {  	[tilespmem:s25], [sflag:$0x4] =	stream.linear.gather [hbm4b:s26+s3], $0x80, $0x38;
	[tilespmem:$0x14080] =	vst v63  }
0x179: {  	s21 =	sand.u32 $0x3FFFFF80, s20;
	s31 =	spop (v2sf);
	s24 =	simm.s32 $0x10780  }
0x17a: {  	[tilespmem:s29], [sflag:$0x4] =	stream.linear.gather [hbm4b:s22+s3], $0x80, $0x38;
	[tilespmem:$0x14080] =	vst v63  }
0x17b: {  	s23 =	sadd.s32 $0x10, s16;
	s25 =	spop (v2sf);
	s22 =	simm.s32 $0x2000  }
0x17c: {  	[tilespmem:s30], [sflag:$0x4] =	stream.linear.gather [hbm4b:s31+s3], $0x80, $0x38;
	[tilespmem:$0x14080] =	vst v63  }
.LBB2_9:
0x17d: {  	[tilespmem:s24], [sflag:$0x4] =	stream.linear.gather [hbm4b:s25+s3], $0x80, $0x38;
	[tilespmem:$0x14080] =	vst v63  }
0x17e: {  	p0 =	sne.s32 s22, $0xE000;
	s24 =	smov.u32 s22;
	s22 =	sadd.s32 $0x2000, s22;
	v32 =	vld [tilespmem:s23+$0x0]  }
0x17f: {  	_ =	sdelay $0x3  }
0x180: {  	v32 =	vand.u32 $0xFFFFFF80, v32  }
0x181: {  	v32 =	vadd.s32 s4, v32  }
0x182: {  	(v2sf) =	vpush v32, $0x0;
	_ =	sdelay $0x1  }
0x183: {  	(v2sf) =	vpush v32, $0x1;
	_ =	sdelay $0x1  }
0x184: {  	(v2sf) =	vpush v32, $0x2;
	_ =	sdelay $0x1  }
0x185: {  	(v2sf) =	vpush v32, $0x3;
	_ =	sdelay $0x1  }
0x186: {  	(v2sf) =	vpush v32, $0x4;
	_ =	sdelay $0x1  }
0x187: {  	(v2sf) =	vpush v32, $0x5;
	_ =	sdelay $0x1  }
0x188: {  	(v2sf) =	vpush v32, $0x6;
	_ =	sdelay $0x1  }
0x189: {  	s24 =	sshra.s32 s24, $0x2;
	(v2sf) =	vpush v32, $0x7  }
0x18a: {  	s25 =	sadd.s32 $0x10000, s24;
	s26 =	spop (v2sf)  }
0x18b: {  	[tilespmem:s25], [sflag:$0x4] =	stream.linear.gather [hbm4b:s26+s3], $0x80, $0x38;
	(v2sf) =	vpush v32, $0x8;
	[tilespmem:$0x14080] =	vst v63  }
0x18c: {  	s25 =	sadd.s32 $0x10080, s24;
	s26 =	spop (v2sf)  }
0x18d: {  	[tilespmem:s25], [sflag:$0x4] =	stream.linear.gather [hbm4b:s26+s3], $0x80, $0x38;
	(v2sf) =	vpush v32, $0x9;
	[tilespmem:$0x14080] =	vst v63  }
0x18e: {  	s25 =	sadd.s32 $0x10100, s24;
	s26 =	spop (v2sf)  }
0x18f: {  	[tilespmem:s25], [sflag:$0x4] =	stream.linear.gather [hbm4b:s26+s3], $0x80, $0x38;
	(v2sf) =	vpush v32, $0xA;
	[tilespmem:$0x14080] =	vst v63  }
0x190: {  	s25 =	sadd.s32 $0x10180, s24;
	s26 =	spop (v2sf)  }
0x191: {  	[tilespmem:s25], [sflag:$0x4] =	stream.linear.gather [hbm4b:s26+s3], $0x80, $0x38;
	(v2sf) =	vpush v32, $0xB;
	[tilespmem:$0x14080] =	vst v63  }
0x192: {  	s25 =	sadd.s32 $0x10200, s24;
	s26 =	spop (v2sf)  }
0x193: {  	[tilespmem:s25], [sflag:$0x4] =	stream.linear.gather [hbm4b:s26+s3], $0x80, $0x38;
	(v2sf) =	vpush v32, $0xC;
	[tilespmem:$0x14080] =	vst v63  }
0x194: {  	s25 =	sadd.s32 $0x10280, s24;
	s26 =	spop (v2sf)  }
0x195: {  	[tilespmem:s25], [sflag:$0x4] =	stream.linear.gather [hbm4b:s26+s3], $0x80, $0x38;
	(v2sf) =	vpush v32, $0xD;
	[tilespmem:$0x14080] =	vst v63  }
0x196: {  	s25 =	sadd.s32 $0x10300, s24;
	s26 =	spop (v2sf)  }
0x197: {  	[tilespmem:s25], [sflag:$0x4] =	stream.linear.gather [hbm4b:s26+s3], $0x80, $0x38;
	(v2sf) =	vpush v32, $0xE;
	[tilespmem:$0x14080] =	vst v63  }
0x198: {  	s25 =	sadd.s32 $0x10380, s24;
	s26 =	spop (v2sf)  }
0x199: {  	[tilespmem:s25], [sflag:$0x4] =	stream.linear.gather [hbm4b:s26+s3], $0x80, $0x38;
	(v2sf) =	vpush v32, $0xF;
	[tilespmem:$0x14080] =	vst v63  }
0x19a: {  	s25 =	sadd.s32 $0x10400, s24;
	s26 =	spop (v2sf)  }
0x19b: {  	[tilespmem:s25], [sflag:$0x4] =	stream.linear.gather [hbm4b:s26+s3], $0x80, $0x38;
	[tilespmem:$0x14080] =	vst v63  }
0x19c: {  	s25 =	sadd.s32 $0x10480, s24;
	s26 =	spop (v2sf)  }
0x19d: {  	[tilespmem:s25], [sflag:$0x4] =	stream.linear.gather [hbm4b:s26+s3], $0x80, $0x38;
	[tilespmem:$0x14080] =	vst v63  }
0x19e: {  	s25 =	sadd.s32 $0x10500, s24;
	s26 =	spop (v2sf)  }
0x19f: {  	[tilespmem:s25], [sflag:$0x4] =	stream.linear.gather [hbm4b:s26+s3], $0x80, $0x38;
	[tilespmem:$0x14080] =	vst v63  }
0x1a0: {  	s25 =	sadd.s32 $0x10580, s24;
	s26 =	spop (v2sf)  }
0x1a1: {  	[tilespmem:s25], [sflag:$0x4] =	stream.linear.gather [hbm4b:s26+s3], $0x80, $0x38;
	[tilespmem:$0x14080] =	vst v63  }
0x1a2: {  	s25 =	sadd.s32 $0x10600, s24;
	s26 =	spop (v2sf)  }
0x1a3: {  	[tilespmem:s25], [sflag:$0x4] =	stream.linear.gather [hbm4b:s26+s3], $0x80, $0x38;
	[tilespmem:$0x14080] =	vst v63  }
.Ltmp7:
0x1a4: {  	s25 =	sadd.s32 $0x10680, s24;
	s26 =	spop (v2sf);
	(pc) =	sbr.rel @p0 .LBB2_9-.Ltmp7, $4  }
0x1a5: {  	[tilespmem:s25], [sflag:$0x4] =	stream.linear.gather [hbm4b:s26+s3], $0x80, $0x38;
	[tilespmem:$0x14080] =	vst v63  }
0x1a6: {  	s25 =	sadd.s32 $0x10700, s24;
	s26 =	spop (v2sf)  }
0x1a7: {  	[tilespmem:s25], [sflag:$0x4] =	stream.linear.gather [hbm4b:s26+s3], $0x80, $0x38;
	[tilespmem:$0x14080] =	vst v63  }
0x1a8: {  	s23 =	sadd.s32 $0x10, s23;
	s24 =	sadd.s32 $0x10780, s24;
	s25 =	spop (v2sf)  }
0x1a9: {  	[tilespmem:s24], [sflag:$0x4] =	stream.linear.gather [hbm4b:s25+s3], $0x80, $0x38;
	[tilespmem:$0x14080] =	vst v63  }
0x1aa: {  	_ =	swait.ge [sflag:s8], $0x4000  }
0x1ab: {  	s22 =	sshll.u32 s15, $0x9;
	[sflag:s8] =	ssyncset.done $0x0  }
0x1ac: {  	s23 =	sand.u32 $0x3FFFFE00, s22;
	[sflag:s8] =	ssyncadd.s32 $0xFFFFC000  }
0x1ad: {  	v32 =	vld [tilespmem:s23+$0x0];
	_ =	sdelay $0x4  }
0x1ae: {  	v32 =	vand.u32 $0x7F, v32  }
0x1af: {  	v32 =	vor.u32 v0, v32;
	_ =	sdelay $0x4  }
0x1b0: {  	v32 =	vld.idx.msk [tilespmem:v32+s9+$0x0], $0xffff;
	_ =	sdelay $0x4  }
0x1b1: {  	[tilespmem:$0x14000] =	vst v32  }
0x1b2: {  	v32 =	vld [tilespmem:s23+$0x10];
	_ =	sdelay $0x4  }
0x1b3: {  	v32 =	vand.u32 $0x7F, v32  }
0x1b4: {  	v32 =	vor.u32 v1, v32;
	_ =	sdelay $0x4  }
0x1b5: {  	v32 =	vld.idx.msk [tilespmem:v32+s9+$0x0], $0xffff;
	_ =	sdelay $0x4  }
0x1b6: {  	[tilespmem:$0x14010] =	vst v32  }
0x1b7: {  	v32 =	vld [tilespmem:s23+$0x20];
	_ =	sdelay $0x4  }
0x1b8: {  	v32 =	vand.u32 $0x7F, v32  }
0x1b9: {  	v32 =	vor.u32 v2, v32;
	_ =	sdelay $0x4  }
0x1ba: {  	v32 =	vld.idx.msk [tilespmem:v32+s9+$0x0], $0xffff;
	_ =	sdelay $0x4  }
0x1bb: {  	[tilespmem:$0x14020] =	vst v32  }
0x1bc: {  	v32 =	vld [tilespmem:s23+$0x30];
	_ =	sdelay $0x4  }
0x1bd: {  	v32 =	vand.u32 $0x7F, v32  }
0x1be: {  	v32 =	vor.u32 v3, v32;
	_ =	sdelay $0x4  }
0x1bf: {  	v32 =	vld.idx.msk [tilespmem:v32+s9+$0x0], $0xffff;
	_ =	sdelay $0x4  }
0x1c0: {  	[tilespmem:$0x14030] =	vst v32  }
0x1c1: {  	v32 =	vld [tilespmem:s23+$0x40];
	_ =	sdelay $0x4  }
0x1c2: {  	v32 =	vand.u32 $0x7F, v32  }
0x1c3: {  	v32 =	vor.u32 v4, v32;
	_ =	sdelay $0x4  }
0x1c4: {  	v32 =	vld.idx.msk [tilespmem:v32+s9+$0x0], $0xffff;
	_ =	sdelay $0x4  }
0x1c5: {  	[tilespmem:$0x14040] =	vst v32  }
0x1c6: {  	v32 =	vld [tilespmem:s23+$0x50];
	_ =	sdelay $0x4  }
0x1c7: {  	v32 =	vand.u32 $0x7F, v32  }
0x1c8: {  	v32 =	vor.u32 v5, v32;
	_ =	sdelay $0x4  }
0x1c9: {  	v32 =	vld.idx.msk [tilespmem:v32+s9+$0x0], $0xffff;
	_ =	sdelay $0x4  }
0x1ca: {  	[tilespmem:$0x14050] =	vst v32  }
0x1cb: {  	v32 =	vld [tilespmem:s23+$0x60];
	_ =	sdelay $0x4  }
0x1cc: {  	v32 =	vand.u32 $0x7F, v32  }
0x1cd: {  	v32 =	vor.u32 v6, v32;
	_ =	sdelay $0x4  }
0x1ce: {  	v32 =	vld.idx.msk [tilespmem:v32+s9+$0x0], $0xffff;
	_ =	sdelay $0x4  }
0x1cf: {  	[tilespmem:$0x14060] =	vst v32  }
0x1d0: {  	v32 =	vld [tilespmem:s23+$0x70];
	_ =	sdelay $0x4  }
0x1d1: {  	v32 =	vand.u32 $0x7F, v32  }
0x1d2: {  	v32 =	vor.u32 v7, v32;
	_ =	sdelay $0x4  }
0x1d3: {  	v32 =	vld.idx.msk [tilespmem:v32+s9+$0x0], $0xffff;
	_ =	sdelay $0x3  }
0x1d4: {  	p0 =	seq.s32 s15, $0x1F  }
.Ltmp8:
0x1d5: {  	s31 =	sadd.s32 s22, s5;
	s23 =	simm.s32 $0x0;
	[tilespmem:$0x14070] =	vst v32;
	(pc) =	sbr.rel @p0 .LBB2_14-.Ltmp8, $4  }
0x1d6: {  	[hbm4b:s31+s23] =	stream.linear.scatter [tilespmem:s10], [sflag:$0x5], $0x80, $0x38;
	[tilespmem:$0x14080] =	vst v63  }
0x1d7: {  	_ =	swait.ge [sflag:s7], $0x80  }
0x1d8: {  	[sflag:s7] =	ssyncset.done $0x0  }
0x1d9: {  	[sflag:s7] =	ssyncadd.s32 $0xFFFFFF80  }
0x1da: {  	v32 =	vld [tilespmem:s17+$0x0];
	_ =	sdelay $0x4  }
0x1db: {  	v32 =	vand.u32 $0xFFFFFF80, v32  }
0x1dc: {  	v32 =	vadd.s32 s4, v32  }
0x1dd: {  	(v2sf) =	vpush v32, $0x0;
	_ =	sdelay $0x1  }
0x1de: {  	(v2sf) =	vpush v32, $0x1;
	_ =	sdelay $0x1  }
0x1df: {  	(v2sf) =	vpush v32, $0x2;
	_ =	sdelay $0x1  }
0x1e0: {  	(v2sf) =	vpush v32, $0x3;
	_ =	sdelay $0x1  }
0x1e1: {  	(v2sf) =	vpush v32, $0x4;
	_ =	sdelay $0x1  }
0x1e2: {  	(v2sf) =	vpush v32, $0x5;
	_ =	sdelay $0x1  }
0x1e3: {  	(v2sf) =	vpush v32, $0x6;
	_ =	sdelay $0x1  }
0x1e4: {  	(v2sf) =	vpush v32, $0x7  }
0x1e5: {  	s24 =	simm.s32 $0x4000;
	s25 =	spop (v2sf)  }
0x1e6: {  	(v2sf) =	vpush v32, $0x8;
	[tilespmem:s24], [sflag:$0x1] =	stream.linear.gather [hbm4b:s25+s3], $0x80, $0x38;
	[tilespmem:$0x14080] =	vst v63  }
0x1e7: {  	s26 =	simm.s32 $0x4080;
	s29 =	spop (v2sf);
	(v2sf) =	vpush v32, $0x9  }
0x1e8: {  	[tilespmem:s26], [sflag:$0x1] =	stream.linear.gather [hbm4b:s29+s3], $0x80, $0x38;
	[tilespmem:$0x14080] =	vst v63  }
0x1e9: {  	s30 =	simm.s32 $0x4100;
	s31 =	spop (v2sf);
	(v2sf) =	vpush v32, $0xA  }
0x1ea: {  	[tilespmem:s30], [sflag:$0x1] =	stream.linear.gather [hbm4b:s31+s3], $0x80, $0x38;
	[tilespmem:$0x14080] =	vst v63  }
0x1eb: {  	s26 =	simm.s32 $0x4180;
	s29 =	spop (v2sf);
	(v2sf) =	vpush v32, $0xB  }
0x1ec: {  	[tilespmem:s26], [sflag:$0x1] =	stream.linear.gather [hbm4b:s29+s3], $0x80, $0x38;
	[tilespmem:$0x14080] =	vst v63  }
0x1ed: {  	s30 =	simm.s32 $0x4200;
	s31 =	spop (v2sf);
	(v2sf) =	vpush v32, $0xC  }
0x1ee: {  	[tilespmem:s30], [sflag:$0x1] =	stream.linear.gather [hbm4b:s31+s3], $0x80, $0x38;
	[tilespmem:$0x14080] =	vst v63  }
0x1ef: {  	s26 =	simm.s32 $0x4280;
	s29 =	spop (v2sf);
	(v2sf) =	vpush v32, $0xD  }
0x1f0: {  	[tilespmem:s26], [sflag:$0x1] =	stream.linear.gather [hbm4b:s29+s3], $0x80, $0x38;
	[tilespmem:$0x14080] =	vst v63  }
0x1f1: {  	s30 =	simm.s32 $0x4300;
	s31 =	spop (v2sf);
	(v2sf) =	vpush v32, $0xE  }
0x1f2: {  	[tilespmem:s30], [sflag:$0x1] =	stream.linear.gather [hbm4b:s31+s3], $0x80, $0x38;
	[tilespmem:$0x14080] =	vst v63  }
0x1f3: {  	s26 =	simm.s32 $0x4380;
	s29 =	spop (v2sf);
	(v2sf) =	vpush v32, $0xF  }
0x1f4: {  	[tilespmem:s26], [sflag:$0x1] =	stream.linear.gather [hbm4b:s29+s3], $0x80, $0x38;
	[tilespmem:$0x14080] =	vst v63  }
0x1f5: {  	s31 =	spop (v2sf)  }
0x1f6: {  	s30 =	simm.s32 $0x4400;
	s29 =	spop (v2sf)  }
0x1f7: {  	[tilespmem:s30], [sflag:$0x1] =	stream.linear.gather [hbm4b:s31+s3], $0x80, $0x38;
	[tilespmem:$0x14080] =	vst v63  }
0x1f8: {  	s26 =	simm.s32 $0x4480;
	s31 =	spop (v2sf)  }
0x1f9: {  	[tilespmem:s26], [sflag:$0x1] =	stream.linear.gather [hbm4b:s29+s3], $0x80, $0x38;
	[tilespmem:$0x14080] =	vst v63  }
0x1fa: {  	s30 =	simm.s32 $0x4500;
	s29 =	spop (v2sf)  }
0x1fb: {  	[tilespmem:s30], [sflag:$0x1] =	stream.linear.gather [hbm4b:s31+s3], $0x80, $0x38;
	[tilespmem:$0x14080] =	vst v63  }
0x1fc: {  	s26 =	simm.s32 $0x4580;
	s31 =	spop (v2sf)  }
0x1fd: {  	[tilespmem:s26], [sflag:$0x1] =	stream.linear.gather [hbm4b:s29+s3], $0x80, $0x38;
	[tilespmem:$0x14080] =	vst v63  }
0x1fe: {  	s24 =	simm.s32 $0x2000;
	s30 =	simm.s32 $0x4600;
	s29 =	spop (v2sf)  }
0x1ff: {  	[tilespmem:s30], [sflag:$0x1] =	stream.linear.gather [hbm4b:s31+s3], $0x80, $0x38;
	[tilespmem:$0x14080] =	vst v63  }
0x200: {  	s25 =	sadd.s32 $0x10, s17;
	s26 =	simm.s32 $0x4680;
	s31 =	spop (v2sf)  }
0x201: {  	[tilespmem:s26], [sflag:$0x1] =	stream.linear.gather [hbm4b:s29+s3], $0x80, $0x38;
	[tilespmem:$0x14080] =	vst v63  }
0x202: {  	s30 =	simm.s32 $0x4700;
	s28 =	spop (v2sf);
	s26 =	simm.s32 $0x4780  }
0x203: {  	[tilespmem:s30], [sflag:$0x1] =	stream.linear.gather [hbm4b:s31+s3], $0x80, $0x38;
	[tilespmem:$0x14080] =	vst v63  }
.LBB2_12:
0x204: {  	[tilespmem:s26], [sflag:$0x1] =	stream.linear.gather [hbm4b:s28+s3], $0x80, $0x38;
	[tilespmem:$0x14080] =	vst v63  }
0x205: {  	p1 =	sne.s32 s24, $0xE000;
	s26 =	smov.u32 s24;
	s24 =	sadd.s32 $0x2000, s24;
	v32 =	vld [tilespmem:s25+$0x0]  }
0x206: {  	_ =	sdelay $0x3  }
0x207: {  	v32 =	vand.u32 $0xFFFFFF80, v32  }
0x208: {  	v32 =	vadd.s32 s4, v32  }
0x209: {  	(v2sf) =	vpush v32, $0x0;
	_ =	sdelay $0x1  }
0x20a: {  	(v2sf) =	vpush v32, $0x1;
	_ =	sdelay $0x1  }
0x20b: {  	(v2sf) =	vpush v32, $0x2;
	_ =	sdelay $0x1  }
0x20c: {  	(v2sf) =	vpush v32, $0x3;
	_ =	sdelay $0x1  }
0x20d: {  	(v2sf) =	vpush v32, $0x4;
	_ =	sdelay $0x1  }
0x20e: {  	(v2sf) =	vpush v32, $0x5;
	_ =	sdelay $0x1  }
0x20f: {  	(v2sf) =	vpush v32, $0x6;
	_ =	sdelay $0x1  }
0x210: {  	s26 =	sshra.s32 s26, $0x2;
	(v2sf) =	vpush v32, $0x7  }
0x211: {  	s28 =	sadd.s32 $0x4000, s26;
	s29 =	spop (v2sf)  }
0x212: {  	[tilespmem:s28], [sflag:$0x1] =	stream.linear.gather [hbm4b:s29+s3], $0x80, $0x38;
	(v2sf) =	vpush v32, $0x8;
	[tilespmem:$0x14080] =	vst v63  }
0x213: {  	s28 =	sadd.s32 $0x4080, s26;
	s29 =	spop (v2sf)  }
0x214: {  	[tilespmem:s28], [sflag:$0x1] =	stream.linear.gather [hbm4b:s29+s3], $0x80, $0x38;
	(v2sf) =	vpush v32, $0x9;
	[tilespmem:$0x14080] =	vst v63  }
0x215: {  	s28 =	sadd.s32 $0x4100, s26;
	s29 =	spop (v2sf)  }
0x216: {  	[tilespmem:s28], [sflag:$0x1] =	stream.linear.gather [hbm4b:s29+s3], $0x80, $0x38;
	(v2sf) =	vpush v32, $0xA;
	[tilespmem:$0x14080] =	vst v63  }
0x217: {  	s28 =	sadd.s32 $0x4180, s26;
	s29 =	spop (v2sf)  }
0x218: {  	[tilespmem:s28], [sflag:$0x1] =	stream.linear.gather [hbm4b:s29+s3], $0x80, $0x38;
	(v2sf) =	vpush v32, $0xB;
	[tilespmem:$0x14080] =	vst v63  }
0x219: {  	s28 =	sadd.s32 $0x4200, s26;
	s29 =	spop (v2sf)  }
0x21a: {  	[tilespmem:s28], [sflag:$0x1] =	stream.linear.gather [hbm4b:s29+s3], $0x80, $0x38;
	(v2sf) =	vpush v32, $0xC;
	[tilespmem:$0x14080] =	vst v63  }
0x21b: {  	s28 =	sadd.s32 $0x4280, s26;
	s29 =	spop (v2sf)  }
0x21c: {  	[tilespmem:s28], [sflag:$0x1] =	stream.linear.gather [hbm4b:s29+s3], $0x80, $0x38;
	(v2sf) =	vpush v32, $0xD;
	[tilespmem:$0x14080] =	vst v63  }
0x21d: {  	s28 =	sadd.s32 $0x4300, s26;
	s29 =	spop (v2sf)  }
0x21e: {  	[tilespmem:s28], [sflag:$0x1] =	stream.linear.gather [hbm4b:s29+s3], $0x80, $0x38;
	(v2sf) =	vpush v32, $0xE;
	[tilespmem:$0x14080] =	vst v63  }
0x21f: {  	s28 =	sadd.s32 $0x4380, s26;
	s29 =	spop (v2sf)  }
0x220: {  	[tilespmem:s28], [sflag:$0x1] =	stream.linear.gather [hbm4b:s29+s3], $0x80, $0x38;
	(v2sf) =	vpush v32, $0xF;
	[tilespmem:$0x14080] =	vst v63  }
0x221: {  	s28 =	sadd.s32 $0x4400, s26;
	s29 =	spop (v2sf)  }
0x222: {  	[tilespmem:s28], [sflag:$0x1] =	stream.linear.gather [hbm4b:s29+s3], $0x80, $0x38;
	[tilespmem:$0x14080] =	vst v63  }
0x223: {  	s28 =	sadd.s32 $0x4480, s26;
	s29 =	spop (v2sf)  }
0x224: {  	[tilespmem:s28], [sflag:$0x1] =	stream.linear.gather [hbm4b:s29+s3], $0x80, $0x38;
	[tilespmem:$0x14080] =	vst v63  }
0x225: {  	s28 =	sadd.s32 $0x4500, s26;
	s29 =	spop (v2sf)  }
0x226: {  	[tilespmem:s28], [sflag:$0x1] =	stream.linear.gather [hbm4b:s29+s3], $0x80, $0x38;
	[tilespmem:$0x14080] =	vst v63  }
0x227: {  	s28 =	sadd.s32 $0x4580, s26;
	s29 =	spop (v2sf)  }
0x228: {  	[tilespmem:s28], [sflag:$0x1] =	stream.linear.gather [hbm4b:s29+s3], $0x80, $0x38;
	[tilespmem:$0x14080] =	vst v63  }
0x229: {  	s28 =	sadd.s32 $0x4600, s26;
	s29 =	spop (v2sf)  }
0x22a: {  	[tilespmem:s28], [sflag:$0x1] =	stream.linear.gather [hbm4b:s29+s3], $0x80, $0x38;
	[tilespmem:$0x14080] =	vst v63  }
.Ltmp9:
0x22b: {  	s28 =	sadd.s32 $0x4680, s26;
	s29 =	spop (v2sf);
	(pc) =	sbr.rel @p1 .LBB2_12-.Ltmp9, $4  }
0x22c: {  	[tilespmem:s28], [sflag:$0x1] =	stream.linear.gather [hbm4b:s29+s3], $0x80, $0x38;
	[tilespmem:$0x14080] =	vst v63  }
0x22d: {  	s28 =	sadd.s32 $0x4700, s26;
	s29 =	spop (v2sf)  }
0x22e: {  	[tilespmem:s28], [sflag:$0x1] =	stream.linear.gather [hbm4b:s29+s3], $0x80, $0x38;
	[tilespmem:$0x14080] =	vst v63  }
0x22f: {  	s25 =	sadd.s32 $0x10, s25;
	s26 =	sadd.s32 $0x4780, s26;
	s28 =	spop (v2sf)  }
0x230: {  	[tilespmem:s26], [sflag:$0x1] =	stream.linear.gather [hbm4b:s28+s3], $0x80, $0x38;
	[tilespmem:$0x14080] =	vst v63  }
.LBB2_14:
0x231: {  	_ =	swait.ge [sflag:s11], $0x4000  }
0x232: {  	[sflag:s11] =	ssyncset.done $0x0  }
0x233: {  	s24 =	sor.u32 $0x80, s22;
	[sflag:s11] =	ssyncadd.s32 $0xFFFFC000  }
0x234: {  	v32 =	vld [tilespmem:s24+$0x0];
	_ =	sdelay $0x4  }
0x235: {  	v32 =	vand.u32 $0x7F, v32  }
0x236: {  	v32 =	vor.u32 v8, v32;
	_ =	sdelay $0x4  }
0x237: {  	v32 =	vld.idx.msk [tilespmem:v32+s9+$0x0], $0xffff;
	_ =	sdelay $0x4  }
0x238: {  	[tilespmem:$0x14000] =	vst v32  }
0x239: {  	v32 =	vld [tilespmem:s22+$0x90];
	_ =	sdelay $0x4  }
0x23a: {  	v32 =	vand.u32 $0x7F, v32  }
0x23b: {  	v32 =	vor.u32 v9, v32;
	_ =	sdelay $0x4  }
0x23c: {  	v32 =	vld.idx.msk [tilespmem:v32+s9+$0x0], $0xffff;
	_ =	sdelay $0x4  }
0x23d: {  	[tilespmem:$0x14010] =	vst v32  }
0x23e: {  	v32 =	vld [tilespmem:s22+$0xA0];
	_ =	sdelay $0x4  }
0x23f: {  	v32 =	vand.u32 $0x7F, v32  }
0x240: {  	v32 =	vor.u32 v10, v32;
	_ =	sdelay $0x4  }
0x241: {  	v32 =	vld.idx.msk [tilespmem:v32+s9+$0x0], $0xffff;
	_ =	sdelay $0x4  }
0x242: {  	[tilespmem:$0x14020] =	vst v32  }
0x243: {  	v32 =	vld [tilespmem:s22+$0xB0];
	_ =	sdelay $0x4  }
0x244: {  	v32 =	vand.u32 $0x7F, v32  }
0x245: {  	v32 =	vor.u32 v11, v32;
	_ =	sdelay $0x4  }
0x246: {  	v32 =	vld.idx.msk [tilespmem:v32+s9+$0x0], $0xffff;
	_ =	sdelay $0x4  }
0x247: {  	[tilespmem:$0x14030] =	vst v32  }
0x248: {  	v32 =	vld [tilespmem:s22+$0xC0];
	_ =	sdelay $0x4  }
0x249: {  	v32 =	vand.u32 $0x7F, v32  }
0x24a: {  	v32 =	vor.u32 v12, v32;
	_ =	sdelay $0x4  }
0x24b: {  	v32 =	vld.idx.msk [tilespmem:v32+s9+$0x0], $0xffff;
	_ =	sdelay $0x4  }
0x24c: {  	[tilespmem:$0x14040] =	vst v32  }
0x24d: {  	v32 =	vld [tilespmem:s22+$0xD0];
	_ =	sdelay $0x4  }
0x24e: {  	v32 =	vand.u32 $0x7F, v32  }
0x24f: {  	v32 =	vor.u32 v13, v32;
	_ =	sdelay $0x4  }
0x250: {  	v32 =	vld.idx.msk [tilespmem:v32+s9+$0x0], $0xffff;
	_ =	sdelay $0x4  }
0x251: {  	[tilespmem:$0x14050] =	vst v32  }
0x252: {  	v32 =	vld [tilespmem:s22+$0xE0];
	_ =	sdelay $0x4  }
0x253: {  	v32 =	vand.u32 $0x7F, v32  }
0x254: {  	v32 =	vor.u32 v14, v32;
	_ =	sdelay $0x4  }
0x255: {  	v32 =	vld.idx.msk [tilespmem:v32+s9+$0x0], $0xffff;
	_ =	sdelay $0x4  }
0x256: {  	[tilespmem:$0x14060] =	vst v32  }
0x257: {  	v32 =	vld [tilespmem:s22+$0xF0];
	_ =	sdelay $0x4  }
0x258: {  	v32 =	vand.u32 $0x7F, v32  }
0x259: {  	v32 =	vor.u32 v15, v32;
	_ =	sdelay $0x4  }
0x25a: {  	v32 =	vld.idx.msk [tilespmem:v32+s9+$0x0], $0xffff;
	_ =	sdelay $0x4  }
.Ltmp10:
0x25b: {  	s24 =	sadd.s32 s24, s5;
	[tilespmem:$0x14070] =	vst v32;
	(pc) =	sbr.rel @p0 .LBB2_18-.Ltmp10, $4  }
0x25c: {  	[hbm4b:s24+s23] =	stream.linear.scatter [tilespmem:s10], [sflag:$0x5], $0x80, $0x38;
	[tilespmem:$0x14080] =	vst v63  }
0x25d: {  	_ =	swait.ge [sflag:s7], $0x80  }
0x25e: {  	[sflag:s7] =	ssyncset.done $0x0  }
0x25f: {  	[sflag:s7] =	ssyncadd.s32 $0xFFFFFF80  }
0x260: {  	v32 =	vld [tilespmem:s18+$0x0];
	_ =	sdelay $0x4  }
0x261: {  	v32 =	vand.u32 $0xFFFFFF80, v32  }
0x262: {  	v32 =	vadd.s32 s4, v32  }
0x263: {  	(v2sf) =	vpush v32, $0x0;
	_ =	sdelay $0x1  }
0x264: {  	(v2sf) =	vpush v32, $0x1;
	_ =	sdelay $0x1  }
0x265: {  	(v2sf) =	vpush v32, $0x2;
	_ =	sdelay $0x1  }
0x266: {  	(v2sf) =	vpush v32, $0x3;
	_ =	sdelay $0x1  }
0x267: {  	(v2sf) =	vpush v32, $0x4;
	_ =	sdelay $0x1  }
0x268: {  	(v2sf) =	vpush v32, $0x5;
	_ =	sdelay $0x1  }
0x269: {  	(v2sf) =	vpush v32, $0x6;
	_ =	sdelay $0x1  }
0x26a: {  	(v2sf) =	vpush v32, $0x7  }
0x26b: {  	s23 =	simm.s32 $0x8000;
	s24 =	spop (v2sf)  }
0x26c: {  	(v2sf) =	vpush v32, $0x8;
	[tilespmem:s23], [sflag:$0x2] =	stream.linear.gather [hbm4b:s24+s3], $0x80, $0x38;
	[tilespmem:$0x14080] =	vst v63  }
0x26d: {  	s28 =	simm.s32 $0x8080;
	s29 =	spop (v2sf);
	(v2sf) =	vpush v32, $0x9  }
0x26e: {  	[tilespmem:s28], [sflag:$0x2] =	stream.linear.gather [hbm4b:s29+s3], $0x80, $0x38;
	[tilespmem:$0x14080] =	vst v63  }
0x26f: {  	s30 =	simm.s32 $0x8100;
	s31 =	spop (v2sf);
	(v2sf) =	vpush v32, $0xA  }
0x270: {  	[tilespmem:s30], [sflag:$0x2] =	stream.linear.gather [hbm4b:s31+s3], $0x80, $0x38;
	[tilespmem:$0x14080] =	vst v63  }
0x271: {  	s25 =	simm.s32 $0x8180;
	s26 =	spop (v2sf);
	(v2sf) =	vpush v32, $0xB  }
0x272: {  	[tilespmem:s25], [sflag:$0x2] =	stream.linear.gather [hbm4b:s26+s3], $0x80, $0x38;
	[tilespmem:$0x14080] =	vst v63  }
0x273: {  	s28 =	simm.s32 $0x8200;
	s29 =	spop (v2sf);
	(v2sf) =	vpush v32, $0xC  }
0x274: {  	[tilespmem:s28], [sflag:$0x2] =	stream.linear.gather [hbm4b:s29+s3], $0x80, $0x38;
	[tilespmem:$0x14080] =	vst v63  }
0x275: {  	s30 =	simm.s32 $0x8280;
	s31 =	spop (v2sf);
	(v2sf) =	vpush v32, $0xD  }
0x276: {  	[tilespmem:s30], [sflag:$0x2] =	stream.linear.gather [hbm4b:s31+s3], $0x80, $0x38;
	[tilespmem:$0x14080] =	vst v63  }
0x277: {  	s25 =	simm.s32 $0x8300;
	s26 =	spop (v2sf);
	(v2sf) =	vpush v32, $0xE  }
0x278: {  	[tilespmem:s25], [sflag:$0x2] =	stream.linear.gather [hbm4b:s26+s3], $0x80, $0x38;
	[tilespmem:$0x14080] =	vst v63  }
0x279: {  	s28 =	simm.s32 $0x8380;
	s29 =	spop (v2sf);
	(v2sf) =	vpush v32, $0xF  }
0x27a: {  	[tilespmem:s28], [sflag:$0x2] =	stream.linear.gather [hbm4b:s29+s3], $0x80, $0x38;
	[tilespmem:$0x14080] =	vst v63  }
0x27b: {  	s31 =	spop (v2sf)  }
0x27c: {  	s30 =	simm.s32 $0x8400;
	s26 =	spop (v2sf)  }
0x27d: {  	[tilespmem:s30], [sflag:$0x2] =	stream.linear.gather [hbm4b:s31+s3], $0x80, $0x38;
	[tilespmem:$0x14080] =	vst v63  }
0x27e: {  	s25 =	simm.s32 $0x8480;
	s29 =	spop (v2sf)  }
0x27f: {  	[tilespmem:s25], [sflag:$0x2] =	stream.linear.gather [hbm4b:s26+s3], $0x80, $0x38;
	[tilespmem:$0x14080] =	vst v63  }
0x280: {  	s28 =	simm.s32 $0x8500;
	s31 =	spop (v2sf)  }
0x281: {  	[tilespmem:s28], [sflag:$0x2] =	stream.linear.gather [hbm4b:s29+s3], $0x80, $0x38;
	[tilespmem:$0x14080] =	vst v63  }
0x282: {  	s30 =	simm.s32 $0x8580;
	s26 =	spop (v2sf)  }
0x283: {  	[tilespmem:s30], [sflag:$0x2] =	stream.linear.gather [hbm4b:s31+s3], $0x80, $0x38;
	[tilespmem:$0x14080] =	vst v63  }
0x284: {  	s23 =	simm.s32 $0x2000;
	s25 =	simm.s32 $0x8600;
	s29 =	spop (v2sf)  }
0x285: {  	[tilespmem:s25], [sflag:$0x2] =	stream.linear.gather [hbm4b:s26+s3], $0x80, $0x38;
	[tilespmem:$0x14080] =	vst v63  }
0x286: {  	s24 =	sadd.s32 $0x10, s18;
	s28 =	simm.s32 $0x8680;
	s31 =	spop (v2sf)  }
0x287: {  	[tilespmem:s28], [sflag:$0x2] =	stream.linear.gather [hbm4b:s29+s3], $0x80, $0x38;
	[tilespmem:$0x14080] =	vst v63  }
0x288: {  	s30 =	simm.s32 $0x8700;
	s25 =	simm.s32 $0x8780;
	s26 =	spop (v2sf)  }
0x289: {  	[tilespmem:s30], [sflag:$0x2] =	stream.linear.gather [hbm4b:s31+s3], $0x80, $0x38;
	[tilespmem:$0x14080] =	vst v63  }
.LBB2_16:
0x28a: {  	[tilespmem:s25], [sflag:$0x2] =	stream.linear.gather [hbm4b:s26+s3], $0x80, $0x38;
	[tilespmem:$0x14080] =	vst v63  }
0x28b: {  	p1 =	sne.s32 s23, $0xE000;
	s25 =	smov.u32 s23;
	s23 =	sadd.s32 $0x2000, s23;
	v32 =	vld [tilespmem:s24+$0x0]  }
0x28c: {  	_ =	sdelay $0x3  }
0x28d: {  	v32 =	vand.u32 $0xFFFFFF80, v32  }
0x28e: {  	v32 =	vadd.s32 s4, v32  }
0x28f: {  	(v2sf) =	vpush v32, $0x0;
	_ =	sdelay $0x1  }
0x290: {  	(v2sf) =	vpush v32, $0x1;
	_ =	sdelay $0x1  }
0x291: {  	(v2sf) =	vpush v32, $0x2;
	_ =	sdelay $0x1  }
0x292: {  	(v2sf) =	vpush v32, $0x3;
	_ =	sdelay $0x1  }
0x293: {  	(v2sf) =	vpush v32, $0x4;
	_ =	sdelay $0x1  }
0x294: {  	(v2sf) =	vpush v32, $0x5;
	_ =	sdelay $0x1  }
0x295: {  	(v2sf) =	vpush v32, $0x6;
	_ =	sdelay $0x1  }
0x296: {  	s25 =	sshra.s32 s25, $0x2;
	(v2sf) =	vpush v32, $0x7  }
0x297: {  	s26 =	sadd.s32 $0x8000, s25;
	s28 =	spop (v2sf)  }
0x298: {  	[tilespmem:s26], [sflag:$0x2] =	stream.linear.gather [hbm4b:s28+s3], $0x80, $0x38;
	(v2sf) =	vpush v32, $0x8;
	[tilespmem:$0x14080] =	vst v63  }
0x299: {  	s26 =	sadd.s32 $0x8080, s25;
	s28 =	spop (v2sf)  }
0x29a: {  	[tilespmem:s26], [sflag:$0x2] =	stream.linear.gather [hbm4b:s28+s3], $0x80, $0x38;
	(v2sf) =	vpush v32, $0x9;
	[tilespmem:$0x14080] =	vst v63  }
0x29b: {  	s26 =	sadd.s32 $0x8100, s25;
	s28 =	spop (v2sf)  }
0x29c: {  	[tilespmem:s26], [sflag:$0x2] =	stream.linear.gather [hbm4b:s28+s3], $0x80, $0x38;
	(v2sf) =	vpush v32, $0xA;
	[tilespmem:$0x14080] =	vst v63  }
0x29d: {  	s26 =	sadd.s32 $0x8180, s25;
	s28 =	spop (v2sf)  }
0x29e: {  	[tilespmem:s26], [sflag:$0x2] =	stream.linear.gather [hbm4b:s28+s3], $0x80, $0x38;
	(v2sf) =	vpush v32, $0xB;
	[tilespmem:$0x14080] =	vst v63  }
0x29f: {  	s26 =	sadd.s32 $0x8200, s25;
	s28 =	spop (v2sf)  }
0x2a0: {  	[tilespmem:s26], [sflag:$0x2] =	stream.linear.gather [hbm4b:s28+s3], $0x80, $0x38;
	(v2sf) =	vpush v32, $0xC;
	[tilespmem:$0x14080] =	vst v63  }
0x2a1: {  	s26 =	sadd.s32 $0x8280, s25;
	s28 =	spop (v2sf)  }
0x2a2: {  	[tilespmem:s26], [sflag:$0x2] =	stream.linear.gather [hbm4b:s28+s3], $0x80, $0x38;
	(v2sf) =	vpush v32, $0xD;
	[tilespmem:$0x14080] =	vst v63  }
0x2a3: {  	s26 =	sadd.s32 $0x8300, s25;
	s28 =	spop (v2sf)  }
0x2a4: {  	[tilespmem:s26], [sflag:$0x2] =	stream.linear.gather [hbm4b:s28+s3], $0x80, $0x38;
	(v2sf) =	vpush v32, $0xE;
	[tilespmem:$0x14080] =	vst v63  }
0x2a5: {  	s26 =	sadd.s32 $0x8380, s25;
	s28 =	spop (v2sf)  }
0x2a6: {  	[tilespmem:s26], [sflag:$0x2] =	stream.linear.gather [hbm4b:s28+s3], $0x80, $0x38;
	(v2sf) =	vpush v32, $0xF;
	[tilespmem:$0x14080] =	vst v63  }
0x2a7: {  	s26 =	sadd.s32 $0x8400, s25;
	s28 =	spop (v2sf)  }
0x2a8: {  	[tilespmem:s26], [sflag:$0x2] =	stream.linear.gather [hbm4b:s28+s3], $0x80, $0x38;
	[tilespmem:$0x14080] =	vst v63  }
0x2a9: {  	s26 =	sadd.s32 $0x8480, s25;
	s28 =	spop (v2sf)  }
0x2aa: {  	[tilespmem:s26], [sflag:$0x2] =	stream.linear.gather [hbm4b:s28+s3], $0x80, $0x38;
	[tilespmem:$0x14080] =	vst v63  }
0x2ab: {  	s26 =	sadd.s32 $0x8500, s25;
	s28 =	spop (v2sf)  }
0x2ac: {  	[tilespmem:s26], [sflag:$0x2] =	stream.linear.gather [hbm4b:s28+s3], $0x80, $0x38;
	[tilespmem:$0x14080] =	vst v63  }
0x2ad: {  	s26 =	sadd.s32 $0x8580, s25;
	s28 =	spop (v2sf)  }
0x2ae: {  	[tilespmem:s26], [sflag:$0x2] =	stream.linear.gather [hbm4b:s28+s3], $0x80, $0x38;
	[tilespmem:$0x14080] =	vst v63  }
0x2af: {  	s26 =	sadd.s32 $0x8600, s25;
	s28 =	spop (v2sf)  }
0x2b0: {  	[tilespmem:s26], [sflag:$0x2] =	stream.linear.gather [hbm4b:s28+s3], $0x80, $0x38;
	[tilespmem:$0x14080] =	vst v63  }
.Ltmp11:
0x2b1: {  	s26 =	sadd.s32 $0x8680, s25;
	s28 =	spop (v2sf);
	(pc) =	sbr.rel @p1 .LBB2_16-.Ltmp11, $4  }
0x2b2: {  	[tilespmem:s26], [sflag:$0x2] =	stream.linear.gather [hbm4b:s28+s3], $0x80, $0x38;
	[tilespmem:$0x14080] =	vst v63  }
0x2b3: {  	s26 =	sadd.s32 $0x8700, s25;
	s28 =	spop (v2sf)  }
0x2b4: {  	[tilespmem:s26], [sflag:$0x2] =	stream.linear.gather [hbm4b:s28+s3], $0x80, $0x38;
	[tilespmem:$0x14080] =	vst v63  }
0x2b5: {  	s24 =	sadd.s32 $0x10, s24;
	s25 =	sadd.s32 $0x8780, s25;
	s26 =	spop (v2sf)  }
0x2b6: {  	[tilespmem:s25], [sflag:$0x2] =	stream.linear.gather [hbm4b:s26+s3], $0x80, $0x38;
	[tilespmem:$0x14080] =	vst v63  }
.LBB2_18:
0x2b7: {  	_ =	swait.ge [sflag:s12], $0x4000  }
0x2b8: {  	[sflag:s12] =	ssyncset.done $0x0  }
0x2b9: {  	s23 =	sor.u32 $0x100, s22;
	[sflag:s12] =	ssyncadd.s32 $0xFFFFC000  }
0x2ba: {  	v32 =	vld [tilespmem:s23+$0x0];
	_ =	sdelay $0x4  }
0x2bb: {  	v32 =	vand.u32 $0x7F, v32  }
0x2bc: {  	v32 =	vor.u32 v16, v32;
	_ =	sdelay $0x4  }
0x2bd: {  	v32 =	vld.idx.msk [tilespmem:v32+s9+$0x0], $0xffff;
	_ =	sdelay $0x4  }
0x2be: {  	[tilespmem:$0x14000] =	vst v32  }
0x2bf: {  	v32 =	vld [tilespmem:s22+$0x110];
	_ =	sdelay $0x4  }
0x2c0: {  	v32 =	vand.u32 $0x7F, v32  }
0x2c1: {  	v32 =	vor.u32 v17, v32;
	_ =	sdelay $0x4  }
0x2c2: {  	v32 =	vld.idx.msk [tilespmem:v32+s9+$0x0], $0xffff;
	_ =	sdelay $0x4  }
0x2c3: {  	[tilespmem:$0x14010] =	vst v32  }
0x2c4: {  	v32 =	vld [tilespmem:s22+$0x120];
	_ =	sdelay $0x4  }
0x2c5: {  	v32 =	vand.u32 $0x7F, v32  }
0x2c6: {  	v32 =	vor.u32 v18, v32;
	_ =	sdelay $0x4  }
0x2c7: {  	v32 =	vld.idx.msk [tilespmem:v32+s9+$0x0], $0xffff;
	_ =	sdelay $0x4  }
0x2c8: {  	[tilespmem:$0x14020] =	vst v32  }
0x2c9: {  	v32 =	vld [tilespmem:s22+$0x130];
	_ =	sdelay $0x4  }
0x2ca: {  	v32 =	vand.u32 $0x7F, v32  }
0x2cb: {  	v32 =	vor.u32 v19, v32;
	_ =	sdelay $0x4  }
0x2cc: {  	v32 =	vld.idx.msk [tilespmem:v32+s9+$0x0], $0xffff;
	_ =	sdelay $0x4  }
0x2cd: {  	[tilespmem:$0x14030] =	vst v32  }
0x2ce: {  	v32 =	vld [tilespmem:s22+$0x140];
	_ =	sdelay $0x4  }
0x2cf: {  	v32 =	vand.u32 $0x7F, v32  }
0x2d0: {  	v32 =	vor.u32 v20, v32;
	_ =	sdelay $0x4  }
0x2d1: {  	v32 =	vld.idx.msk [tilespmem:v32+s9+$0x0], $0xffff;
	_ =	sdelay $0x4  }
0x2d2: {  	[tilespmem:$0x14040] =	vst v32  }
0x2d3: {  	v32 =	vld [tilespmem:s22+$0x150];
	_ =	sdelay $0x4  }
0x2d4: {  	v32 =	vand.u32 $0x7F, v32  }
0x2d5: {  	v32 =	vor.u32 v21, v32;
	_ =	sdelay $0x4  }
0x2d6: {  	v32 =	vld.idx.msk [tilespmem:v32+s9+$0x0], $0xffff;
	_ =	sdelay $0x4  }
0x2d7: {  	[tilespmem:$0x14050] =	vst v32  }
0x2d8: {  	v32 =	vld [tilespmem:s22+$0x160];
	_ =	sdelay $0x4  }
0x2d9: {  	v32 =	vand.u32 $0x7F, v32  }
0x2da: {  	v32 =	vor.u32 v22, v32;
	_ =	sdelay $0x4  }
0x2db: {  	v32 =	vld.idx.msk [tilespmem:v32+s9+$0x0], $0xffff;
	_ =	sdelay $0x4  }
0x2dc: {  	[tilespmem:$0x14060] =	vst v32  }
0x2dd: {  	v32 =	vld [tilespmem:s22+$0x170];
	_ =	sdelay $0x4  }
0x2de: {  	v32 =	vand.u32 $0x7F, v32  }
0x2df: {  	v32 =	vor.u32 v23, v32;
	_ =	sdelay $0x4  }
0x2e0: {  	v32 =	vld.idx.msk [tilespmem:v32+s9+$0x0], $0xffff;
	_ =	sdelay $0x4  }
.Ltmp12:
0x2e1: {  	s31 =	simm.s32 $0x0;
	s30 =	sadd.s32 s23, s5;
	[tilespmem:$0x14070] =	vst v32;
	(pc) =	sbr.rel @p0 .LBB2_22-.Ltmp12, $4  }
0x2e2: {  	[hbm4b:s30+s31] =	stream.linear.scatter [tilespmem:s10], [sflag:$0x5], $0x80, $0x38;
	[tilespmem:$0x14080] =	vst v63  }
0x2e3: {  	_ =	swait.ge [sflag:s7], $0x80  }
0x2e4: {  	[sflag:s7] =	ssyncset.done $0x0  }
0x2e5: {  	[sflag:s7] =	ssyncadd.s32 $0xFFFFFF80  }
0x2e6: {  	v32 =	vld [tilespmem:s19+$0x0];
	_ =	sdelay $0x4  }
0x2e7: {  	v32 =	vand.u32 $0xFFFFFF80, v32  }
0x2e8: {  	v32 =	vadd.s32 s4, v32  }
0x2e9: {  	(v2sf) =	vpush v32, $0x0;
	_ =	sdelay $0x1  }
0x2ea: {  	(v2sf) =	vpush v32, $0x1;
	_ =	sdelay $0x1  }
0x2eb: {  	(v2sf) =	vpush v32, $0x2;
	_ =	sdelay $0x1  }
0x2ec: {  	(v2sf) =	vpush v32, $0x3;
	_ =	sdelay $0x1  }
0x2ed: {  	(v2sf) =	vpush v32, $0x4;
	_ =	sdelay $0x1  }
0x2ee: {  	(v2sf) =	vpush v32, $0x5;
	_ =	sdelay $0x1  }
0x2ef: {  	(v2sf) =	vpush v32, $0x6;
	_ =	sdelay $0x1  }
0x2f0: {  	(v2sf) =	vpush v32, $0x7  }
0x2f1: {  	s22 =	simm.s32 $0xC000;
	s23 =	spop (v2sf)  }
0x2f2: {  	(v2sf) =	vpush v32, $0x8;
	[tilespmem:s22], [sflag:$0x3] =	stream.linear.gather [hbm4b:s23+s3], $0x80, $0x38;
	[tilespmem:$0x14080] =	vst v63  }
0x2f3: {  	s28 =	simm.s32 $0xC080;
	s29 =	spop (v2sf);
	(v2sf) =	vpush v32, $0x9  }
0x2f4: {  	[tilespmem:s28], [sflag:$0x3] =	stream.linear.gather [hbm4b:s29+s3], $0x80, $0x38;
	[tilespmem:$0x14080] =	vst v63  }
0x2f5: {  	s30 =	simm.s32 $0xC100;
	s31 =	spop (v2sf);
	(v2sf) =	vpush v32, $0xA  }
0x2f6: {  	[tilespmem:s30], [sflag:$0x3] =	stream.linear.gather [hbm4b:s31+s3], $0x80, $0x38;
	[tilespmem:$0x14080] =	vst v63  }
0x2f7: {  	s23 =	simm.s32 $0xC180;
	s24 =	spop (v2sf);
	(v2sf) =	vpush v32, $0xB  }
0x2f8: {  	[tilespmem:s23], [sflag:$0x3] =	stream.linear.gather [hbm4b:s24+s3], $0x80, $0x38;
	[tilespmem:$0x14080] =	vst v63  }
0x2f9: {  	s25 =	simm.s32 $0xC200;
	s26 =	spop (v2sf);
	(v2sf) =	vpush v32, $0xC  }
0x2fa: {  	[tilespmem:s25], [sflag:$0x3] =	stream.linear.gather [hbm4b:s26+s3], $0x80, $0x38;
	[tilespmem:$0x14080] =	vst v63  }
0x2fb: {  	s28 =	simm.s32 $0xC280;
	s29 =	spop (v2sf);
	(v2sf) =	vpush v32, $0xD  }
0x2fc: {  	[tilespmem:s28], [sflag:$0x3] =	stream.linear.gather [hbm4b:s29+s3], $0x80, $0x38;
	[tilespmem:$0x14080] =	vst v63  }
0x2fd: {  	s30 =	simm.s32 $0xC300;
	s31 =	spop (v2sf);
	(v2sf) =	vpush v32, $0xE  }
0x2fe: {  	[tilespmem:s30], [sflag:$0x3] =	stream.linear.gather [hbm4b:s31+s3], $0x80, $0x38;
	[tilespmem:$0x14080] =	vst v63  }
0x2ff: {  	s23 =	simm.s32 $0xC380;
	s24 =	spop (v2sf);
	(v2sf) =	vpush v32, $0xF  }
0x300: {  	[tilespmem:s23], [sflag:$0x3] =	stream.linear.gather [hbm4b:s24+s3], $0x80, $0x38;
	[tilespmem:$0x14080] =	vst v63  }
0x301: {  	s26 =	spop (v2sf)  }
0x302: {  	s25 =	simm.s32 $0xC400;
	s29 =	spop (v2sf)  }
0x303: {  	[tilespmem:s25], [sflag:$0x3] =	stream.linear.gather [hbm4b:s26+s3], $0x80, $0x38;
	[tilespmem:$0x14080] =	vst v63  }
0x304: {  	s28 =	simm.s32 $0xC480;
	s31 =	spop (v2sf)  }
0x305: {  	[tilespmem:s28], [sflag:$0x3] =	stream.linear.gather [hbm4b:s29+s3], $0x80, $0x38;
	[tilespmem:$0x14080] =	vst v63  }
0x306: {  	s30 =	simm.s32 $0xC500;
	s24 =	spop (v2sf)  }
0x307: {  	[tilespmem:s30], [sflag:$0x3] =	stream.linear.gather [hbm4b:s31+s3], $0x80, $0x38;
	[tilespmem:$0x14080] =	vst v63  }
0x308: {  	s23 =	simm.s32 $0xC580;
	s26 =	spop (v2sf)  }
0x309: {  	[tilespmem:s23], [sflag:$0x3] =	stream.linear.gather [hbm4b:s24+s3], $0x80, $0x38;
	[tilespmem:$0x14080] =	vst v63  }
0x30a: {  	s22 =	simm.s32 $0x2000;
	s25 =	simm.s32 $0xC600;
	s29 =	spop (v2sf)  }
0x30b: {  	[tilespmem:s25], [sflag:$0x3] =	stream.linear.gather [hbm4b:s26+s3], $0x80, $0x38;
	[tilespmem:$0x14080] =	vst v63  }
0x30c: {  	s28 =	simm.s32 $0xC680;
	s30 =	simm.s32 $0xC700;
	s31 =	spop (v2sf)  }
0x30d: {  	[tilespmem:s28], [sflag:$0x3] =	stream.linear.gather [hbm4b:s29+s3], $0x80, $0x38;
	[tilespmem:$0x14080] =	vst v63  }
0x30e: {  	s24 =	simm.s32 $0xC780;
	s23 =	sadd.s32 $0x10, s19;
	s25 =	spop (v2sf)  }
0x30f: {  	[tilespmem:s30], [sflag:$0x3] =	stream.linear.gather [hbm4b:s31+s3], $0x80, $0x38;
	[tilespmem:$0x14080] =	vst v63  }
.LBB2_20:
0x310: {  	[tilespmem:s24], [sflag:$0x3] =	stream.linear.gather [hbm4b:s25+s3], $0x80, $0x38;
	[tilespmem:$0x14080] =	vst v63  }
0x311: {  	p0 =	sne.s32 s22, $0xE000;
	s24 =	smov.u32 s22;
	s22 =	sadd.s32 $0x2000, s22;
	v32 =	vld [tilespmem:s23+$0x0]  }
0x312: {  	_ =	sdelay $0x3  }
0x313: {  	v32 =	vand.u32 $0xFFFFFF80, v32  }
0x314: {  	v32 =	vadd.s32 s4, v32  }
0x315: {  	(v2sf) =	vpush v32, $0x0;
	_ =	sdelay $0x1  }
0x316: {  	(v2sf) =	vpush v32, $0x1;
	_ =	sdelay $0x1  }
0x317: {  	(v2sf) =	vpush v32, $0x2;
	_ =	sdelay $0x1  }
0x318: {  	(v2sf) =	vpush v32, $0x3;
	_ =	sdelay $0x1  }
0x319: {  	(v2sf) =	vpush v32, $0x4;
	_ =	sdelay $0x1  }
0x31a: {  	(v2sf) =	vpush v32, $0x5;
	_ =	sdelay $0x1  }
0x31b: {  	(v2sf) =	vpush v32, $0x6;
	_ =	sdelay $0x1  }
0x31c: {  	s24 =	sshra.s32 s24, $0x2;
	(v2sf) =	vpush v32, $0x7  }
0x31d: {  	s25 =	sadd.s32 $0xC000, s24;
	s26 =	spop (v2sf)  }
0x31e: {  	[tilespmem:s25], [sflag:$0x3] =	stream.linear.gather [hbm4b:s26+s3], $0x80, $0x38;
	(v2sf) =	vpush v32, $0x8;
	[tilespmem:$0x14080] =	vst v63  }
0x31f: {  	s25 =	sadd.s32 $0xC080, s24;
	s26 =	spop (v2sf)  }
0x320: {  	[tilespmem:s25], [sflag:$0x3] =	stream.linear.gather [hbm4b:s26+s3], $0x80, $0x38;
	(v2sf) =	vpush v32, $0x9;
	[tilespmem:$0x14080] =	vst v63  }
0x321: {  	s25 =	sadd.s32 $0xC100, s24;
	s26 =	spop (v2sf)  }
0x322: {  	[tilespmem:s25], [sflag:$0x3] =	stream.linear.gather [hbm4b:s26+s3], $0x80, $0x38;
	(v2sf) =	vpush v32, $0xA;
	[tilespmem:$0x14080] =	vst v63  }
0x323: {  	s25 =	sadd.s32 $0xC180, s24;
	s26 =	spop (v2sf)  }
0x324: {  	[tilespmem:s25], [sflag:$0x3] =	stream.linear.gather [hbm4b:s26+s3], $0x80, $0x38;
	(v2sf) =	vpush v32, $0xB;
	[tilespmem:$0x14080] =	vst v63  }
0x325: {  	s25 =	sadd.s32 $0xC200, s24;
	s26 =	spop (v2sf)  }
0x326: {  	[tilespmem:s25], [sflag:$0x3] =	stream.linear.gather [hbm4b:s26+s3], $0x80, $0x38;
	(v2sf) =	vpush v32, $0xC;
	[tilespmem:$0x14080] =	vst v63  }
0x327: {  	s25 =	sadd.s32 $0xC280, s24;
	s26 =	spop (v2sf)  }
0x328: {  	[tilespmem:s25], [sflag:$0x3] =	stream.linear.gather [hbm4b:s26+s3], $0x80, $0x38;
	(v2sf) =	vpush v32, $0xD;
	[tilespmem:$0x14080] =	vst v63  }
0x329: {  	s25 =	sadd.s32 $0xC300, s24;
	s26 =	spop (v2sf)  }
0x32a: {  	[tilespmem:s25], [sflag:$0x3] =	stream.linear.gather [hbm4b:s26+s3], $0x80, $0x38;
	(v2sf) =	vpush v32, $0xE;
	[tilespmem:$0x14080] =	vst v63  }
0x32b: {  	s25 =	sadd.s32 $0xC380, s24;
	s26 =	spop (v2sf)  }
0x32c: {  	[tilespmem:s25], [sflag:$0x3] =	stream.linear.gather [hbm4b:s26+s3], $0x80, $0x38;
	(v2sf) =	vpush v32, $0xF;
	[tilespmem:$0x14080] =	vst v63  }
0x32d: {  	s25 =	sadd.s32 $0xC400, s24;
	s26 =	spop (v2sf)  }
0x32e: {  	[tilespmem:s25], [sflag:$0x3] =	stream.linear.gather [hbm4b:s26+s3], $0x80, $0x38;
	[tilespmem:$0x14080] =	vst v63  }
0x32f: {  	s25 =	sadd.s32 $0xC480, s24;
	s26 =	spop (v2sf)  }
0x330: {  	[tilespmem:s25], [sflag:$0x3] =	stream.linear.gather [hbm4b:s26+s3], $0x80, $0x38;
	[tilespmem:$0x14080] =	vst v63  }
0x331: {  	s25 =	sadd.s32 $0xC500, s24;
	s26 =	spop (v2sf)  }
0x332: {  	[tilespmem:s25], [sflag:$0x3] =	stream.linear.gather [hbm4b:s26+s3], $0x80, $0x38;
	[tilespmem:$0x14080] =	vst v63  }
0x333: {  	s25 =	sadd.s32 $0xC580, s24;
	s26 =	spop (v2sf)  }
0x334: {  	[tilespmem:s25], [sflag:$0x3] =	stream.linear.gather [hbm4b:s26+s3], $0x80, $0x38;
	[tilespmem:$0x14080] =	vst v63  }
0x335: {  	s25 =	sadd.s32 $0xC600, s24;
	s26 =	spop (v2sf)  }
0x336: {  	[tilespmem:s25], [sflag:$0x3] =	stream.linear.gather [hbm4b:s26+s3], $0x80, $0x38;
	[tilespmem:$0x14080] =	vst v63  }
.Ltmp13:
0x337: {  	s25 =	sadd.s32 $0xC680, s24;
	s26 =	spop (v2sf);
	(pc) =	sbr.rel @p0 .LBB2_20-.Ltmp13, $4  }
0x338: {  	[tilespmem:s25], [sflag:$0x3] =	stream.linear.gather [hbm4b:s26+s3], $0x80, $0x38;
	[tilespmem:$0x14080] =	vst v63  }
0x339: {  	s25 =	sadd.s32 $0xC700, s24;
	s26 =	spop (v2sf)  }
0x33a: {  	[tilespmem:s25], [sflag:$0x3] =	stream.linear.gather [hbm4b:s26+s3], $0x80, $0x38;
	[tilespmem:$0x14080] =	vst v63  }
0x33b: {  	s23 =	sadd.s32 $0x10, s23;
	s24 =	sadd.s32 $0xC780, s24;
	s25 =	spop (v2sf)  }
.Ltmp14:
0x33c: {  	(pc) =	sbr.rel .LBB2_22-.Ltmp14, $2  }
0x33d: {  	_ =	sdelay $0x2  }
0x33e: {  	[tilespmem:s24], [sflag:$0x3] =	stream.linear.gather [hbm4b:s25+s3], $0x80, $0x38;
	[tilespmem:$0x14080] =	vst v63  }
.LBB2_24:
0x33f: {  	_ =	sfence.sel $0x180000  }
0x340: {  	[bflag:$0x0] =	sbarrier.arrive $0xFFFF  }
0x341: {  	p0 =	sne.s32 s2, $0x0;
	_ =	strace $0x90000047  }
0x342: {  	s0 =	sadd.s32 @!p0 $0x100000, s0;
	[bflag:$0x2] =	sbarrier.arrive $0xFFFF  }
0x343: {  	[sflag:s0] =	ssyncadd.tile.s32 @!p0 $0x1;
	_ =	shalt  }
.Lfunc_end2:
_tile_overlayer_lowered:
.L_overlay_start_2:
0x344: {  	(tag) =	ssettag $0x2  }
0x345: {  	s0 =	rddreg [dreg:$0x0];
	s2 =	stileid.u32  }
0x346: {  	s1 =	rddreg [dreg:$0x1];
	p0 =	sne.s32 s2, $0x0  }
0x347: {  	s3 =	rddreg [dreg:$0x2];
	[bflag:$0x3] =	sbarrier.arrive $0xFFFF;
	s2 =	simm.s32 @!p0 $0x1C05  }
0x348: {  	[timem:s3], [sflag:s2] =	dma.local @!p0 [hbm:s0], s1  }
0x349: {  	s0 =	simm.s32 @!p0 $0x5  }
0x34a: {  	_ =	swait.ge @!p0 [sflag:s0], s1  }
0x34b: {  	s1 =	ssub.s32 @!p0 $0x0, s1;
	[sflag:s0] =	ssyncset.done @!p0 $0x0  }
0x34c: {  	[sflag:s0] =	ssyncadd.s32 @!p0 s1  }
0x34d: {  	[bflag:$0x3] =	sbarrier.arrive $0xFFFF  }
0x34e: {  	_ =	shalt  }

</sc_bundles>
